<compile_context>
chip_gen: v7x
topology: tpu7x:2x2x1
jax: 0.10.2.dev20260603
libtpu: 0.0.44.dev20260713+nightly
codegen_flags: <defaults>
</compile_context>

<pallas_src>
import functools

import jax
import jax.numpy as jnp
from jax import lax
from jax.experimental import pallas as pl
from jax.experimental.pallas import tpu as pltpu
from jax.experimental.pallas import tpu_sc as plsc

B = 32
N_SNPS = 50000
N_GENES = 10000
N_NODES = 160000
N_FILTERS = 8

R_BLK = 2000
N_SNPS_PAD = 52000

CHUNK = 128
TOT_CHUNKS = 1280
NODES_PAD = TOT_CHUNKS * CHUNK
K_GRP = 8
C0 = 56
C1 = 24
G0 = C0 // K_GRP
G1 = C1 // K_GRP
N_GENES_PAD = 10240
GENES_PER_TILE = N_GENES_PAD // 16

KB = 1000
N_KSTEPS = N_GENES // KB
H1, H2 = 1024, 256
EPS = 1e-5


def _prep_body(snp_ref, filt_ref, out_ref):
    fmean = jnp.mean(filt_ref[...], axis=0, keepdims=True)
    out_ref[pl.ds(0, N_SNPS), :] = jnp.transpose(snp_ref[...] * fmean)
    out_ref[pl.ds(N_SNPS, N_SNPS_PAD - N_SNPS), :] = jnp.zeros(
        (N_SNPS_PAD - N_SNPS, B), jnp.float32)


def _make_prep():
    return pl.pallas_call(
        _prep_body,
        out_shape=jax.ShapeDtypeStruct((N_SNPS_PAD, B), jnp.float32),
    )


ZROWS = 80


def _sc_body(table_hbm, ids_hbm, genes_hbm, out_hbm,
             ids_v, genes_v, rows_v, zbuf, acc_sh, gsems, ssems, isems):
    c = lax.axis_index("c")
    s = lax.axis_index("s")
    is0 = c == 0

    @pl.when(is0)
    def _core0_work():
        _sc_worker(table_hbm, ids_hbm, genes_hbm, out_hbm,
                   ids_v, genes_v, rows_v, zbuf, acc_sh, gsems, ssems, isems,
                   s, s * C0, 0, C0, G0)

    @pl.when(~is0)
    def _core1_work():
        _sc_worker(table_hbm, ids_hbm, genes_hbm, out_hbm,
                   ids_v, genes_v, rows_v, zbuf, acc_sh, gsems, ssems, isems,
                   s, 16 * C0 + s * C1, N_GENES_PAD, C1, G1)


def _sc_worker(table_hbm, ids_hbm, genes_hbm, out_hbm,
               ids_v, genes_v, rows_v, zbuf, acc_sh, gsems, ssems, isems,
               s, chunk0, out_base, C, G):
    pltpu.async_copy(ids_hbm.at[pl.ds(chunk0, C)],
                     ids_v.at[pl.ds(0, C)], isems.at[0])
    pltpu.async_copy(genes_hbm.at[pl.ds(chunk0, C)],
                     genes_v.at[pl.ds(0, C)], isems.at[1])
    pltpu.make_async_copy(ids_hbm.at[pl.ds(chunk0, C)],
                          ids_v.at[pl.ds(0, C)], isems.at[0]).wait()
    pltpu.make_async_copy(genes_hbm.at[pl.ds(chunk0, C)],
                          genes_v.at[pl.ds(0, C)], isems.at[1]).wait()

    def g_desc(t, p, b):
        return pltpu.make_async_copy(
            table_hbm.at[ids_v.at[t * K_GRP + b]],
            rows_v.at[p * K_GRP + b], gsems.at[p])

    def s_start(t, p, b):
        pltpu.async_copy(rows_v.at[p * K_GRP + b],
                         acc_sh.at[genes_v.at[t * K_GRP + b]],
                         ssems.at[p], add=True)

    def s_wait(t, p, b):
        pltpu.make_async_copy(rows_v.at[p * K_GRP + b],
                              acc_sh.at[genes_v.at[t * K_GRP + b]],
                              ssems.at[p]).wait()

    for b in range(K_GRP):
        g_desc(0, 0, b).start()

    zvec = jnp.zeros((16,), jnp.float32)

    def memset_row(i, carry):
        zbuf[i, pl.ds(0, 16)] = zvec
        zbuf[i, pl.ds(16, 16)] = zvec
        return carry

    lax.fori_loop(0, ZROWS, memset_row, 0)
    z0 = s * GENES_PER_TILE
    for q in range(GENES_PER_TILE // ZROWS):
        pltpu.sync_copy(zbuf, acc_sh.at[pl.ds(z0 + q * ZROWS, ZROWS)])
    plsc.subcore_barrier()

    def group_step(t, carry):
        p = t % 2
        for b in range(K_GRP):
            g_desc(t, p, b).wait()
        for b in range(K_GRP):
            s_start(t, p, b)

        @pl.when(t >= 1)
        def _drain_prev():
            for b in range(K_GRP):
                s_wait(t - 1, 1 - p, b)

        @pl.when(t + 1 < G)
        def _fire_next():
            for b in range(K_GRP):
                g_desc(t + 1, 1 - p, b).start()

        return carry

    lax.fori_loop(0, G, group_step, 0)
    for b in range(K_GRP):
        s_wait(G - 1, (G - 1) % 2, b)
    plsc.subcore_barrier()

    pltpu.sync_copy(acc_sh.at[pl.ds(z0, GENES_PER_TILE)],
                    out_hbm.at[pl.ds(out_base + z0, GENES_PER_TILE)])


def _make_sc():
    mesh = plsc.VectorSubcoreMesh(core_axis_name="c", subcore_axis_name="s")
    return functools.partial(
        pl.kernel,
        out_type=jax.ShapeDtypeStruct((2 * N_GENES_PAD, B), jnp.float32),
        mesh=mesh,
        compiler_params=pltpu.CompilerParams(use_tc_tiling_on_sc=False),
        scratch_types=[
            pltpu.VMEM((C0, CHUNK), jnp.int32),
            pltpu.VMEM((C0, CHUNK), jnp.int32),
            pltpu.VMEM((2 * K_GRP, CHUNK, B), jnp.float32),
            pltpu.VMEM((ZROWS, B), jnp.float32),
            pltpu.VMEM_SHARED((N_GENES_PAD, B), jnp.float32),
            pltpu.SemaphoreType.DMA((2,)),
            pltpu.SemaphoreType.DMA((2,)),
            pltpu.SemaphoreType.DMA((3,)),
        ],
    )(_sc_body)


def _mlp_body(parts_ref, w1_ref, b1_ref, g1_ref, be1_ref,
              w2_ref, b2_ref, g2_ref, be2_ref, w3r_ref, b3_ref,
              out_ref, acc_ref):
    k = pl.program_id(0)

    @pl.when(k == 0)
    def _init():
        acc_ref[...] = jnp.zeros_like(acc_ref)

    x = parts_ref[0] + parts_ref[1]
    acc_ref[...] += lax.dot_general(
        x, w1_ref[...], (((0,), (0,)), ((), ())),
        preferred_element_type=jnp.float32)

    @pl.when(k == N_KSTEPS - 1)
    def _finish():
        h1 = acc_ref[...] + b1_ref[...]
        m1 = jnp.mean(h1, axis=0, keepdims=True)
        v1 = jnp.mean((h1 - m1) ** 2, axis=0, keepdims=True)
        h1 = g1_ref[...] * (h1 - m1) * lax.rsqrt(v1 + EPS) + be1_ref[...]
        h1 = jnp.maximum(h1, 0.0)
        h2 = jnp.dot(h1, w2_ref[...], preferred_element_type=jnp.float32) + b2_ref[...]
        m2 = jnp.mean(h2, axis=0, keepdims=True)
        v2 = jnp.mean((h2 - m2) ** 2, axis=0, keepdims=True)
        h2 = g2_ref[...] * (h2 - m2) * lax.rsqrt(v2 + EPS) + be2_ref[...]
        h2 = jnp.maximum(h2, 0.0)
        p = jnp.sum(h2 * w3r_ref[...], axis=1, keepdims=True)
        out_ref[...] = p + b3_ref[...]


def _make_mlp():
    full = lambda i: (0, 0)
    return pl.pallas_call(
        _mlp_body,
        grid=(N_KSTEPS,),
        in_specs=[
            pl.BlockSpec((2, KB, B), lambda i: (0, i, 0)),
            pl.BlockSpec((KB, H1), lambda i: (i, 0)),
            pl.BlockSpec((1, H1), full),
            pl.BlockSpec((1, H1), full),
            pl.BlockSpec((1, H1), full),
            pl.BlockSpec((H1, H2), full),
            pl.BlockSpec((1, H2), full),
            pl.BlockSpec((1, H2), full),
            pl.BlockSpec((1, H2), full),
            pl.BlockSpec((1, H2), full),
            pl.BlockSpec((1, 128), full),
        ],
        out_specs=pl.BlockSpec((B, 128), full),
        out_shape=jax.ShapeDtypeStruct((B, 128), jnp.float32),
        scratch_shapes=[pltpu.VMEM((B, H1), jnp.float32)],
    )


def kernel(snp, snp_ids, node_graph_ids, filters, W1, b1, gamma1, beta1,
           W2, b2, gamma2, beta2, W3, b3):
    f32 = jnp.float32

    table = _make_prep()(snp, filters)

    pad = NODES_PAD - N_NODES
    ids_p = jnp.concatenate(
        [snp_ids, jnp.full((pad,), N_SNPS, jnp.int32)]).reshape(
            TOT_CHUNKS, CHUNK)
    genes_p = jnp.concatenate(
        [node_graph_ids, jnp.full((pad,), N_GENES - 1, jnp.int32)]).reshape(
            TOT_CHUNKS, CHUNK)
    parts = _make_sc()(table, ids_p, genes_p)
    parts = parts.reshape(2, N_GENES_PAD, B)

    out = _make_mlp()(
        parts, W1,
        b1.reshape(1, H1), gamma1.reshape(1, H1), beta1.reshape(1, H1),
        W2, b2.reshape(1, H2), gamma2.reshape(1, H2), beta2.reshape(1, H2),
        W3.reshape(1, H2), jnp.broadcast_to(b3.reshape(1, 1), (1, 128)),
    )
    preds = out[:, :1]
    return (preds, filters)

# --- scband reference (transcript-rebuilt; emitter-appended) ---
"""Pipeline reference for scband-ugp-v1-18081812316996 (READ-ONLY COPY).

The authoritative reference and input builder live on the scoring server;
editing this copy changes nothing except your own understanding.
"""

import jax, jax.numpy as jnp
import numpy as np

B, N_SNPS, N_GENES, N_NODES, N_FILTERS = 32, 50000, 10000, 160000, 8


def setup_inputs(seed: int = 0) -> dict:
    key = jax.random.key(seed)
    ks = jax.random.split(key, 12)
    snp = jax.random.uniform(ks[0], (B, N_SNPS), dtype=jnp.float32)
    snp_ids = jax.random.randint(ks[1], (N_NODES,), 0, N_SNPS, dtype=jnp.int32)
    node_graph_ids = jnp.sort(jax.random.randint(ks[2], (N_NODES,), 0, N_GENES, dtype=jnp.int32))
    filters = jax.random.normal(ks[3], (N_FILTERS, N_SNPS), dtype=jnp.float32) * 0.001
    W1 = jax.random.normal(ks[4], (N_GENES, 1024), dtype=jnp.float32) * 0.02
    b1 = jnp.zeros((1024,), dtype=jnp.float32)
    gamma1 = 1.0 + jax.random.normal(ks[5], (1024,), dtype=jnp.float32) * 0.02
    beta1 = jnp.zeros((1024,), dtype=jnp.float32)
    W2 = jax.random.normal(ks[6], (1024, 256), dtype=jnp.float32) * 0.02
    b2 = jnp.zeros((256,), dtype=jnp.float32)
    gamma2 = 1.0 + jax.random.normal(ks[7], (256,), dtype=jnp.float32) * 0.02
    beta2 = jnp.zeros((256,), dtype=jnp.float32)
    W3 = jax.random.normal(ks[8], (256, 1), dtype=jnp.float32) * 0.02
    b3 = jnp.zeros((1,), dtype=jnp.float32)
    return {"snp": snp, "snp_ids": snp_ids, "node_graph_ids": node_graph_ids,
            "filters": filters, "W1": W1, "b1": b1, "gamma1": gamma1, "beta1": beta1,
            "W2": W2, "b2": b2, "gamma2": gamma2, "beta2": beta2, "W3": W3, "b3": b3}


def _batchnorm(x, gamma, beta, eps=1e-5):
    m = jnp.mean(x, axis=0, keepdims=True)
    v = jnp.var(x, axis=0, keepdims=True)
    return gamma * (x - m) / jnp.sqrt(v + eps) + beta


def reference(snp, snp_ids, node_graph_ids, filters, W1, b1, gamma1, beta1, W2, b2, gamma2, beta2, W3, b3):
    # snp: [B, n_snps]; einsum('bnd,n->bnd') per filter then concat along d
    # == snp[:, :, None] * filters.T broadcast -> [B, n_snps, n_filters]
    snp_h = snp[:, :, None] * jnp.transpose(filters)[None, :, :]
    # per-node gather: torch.index_select(snp_h[i], 0, snp_ids) vectorized over batch
    gathered = jnp.take(snp_h, snp_ids, axis=1)  # [B, n_nodes, n_filters]
    # dgl.readout_nodes(g, 'h', op='sum') over the batched graph == segment_sum by graph id
    seg = jax.vmap(lambda h: jax.ops.segment_sum(h, node_graph_ids, num_segments=N_GENES))(gathered)  # [B, n_genes, n_filters]
    sample_h = jnp.mean(seg, axis=-1)  # [B, n_genes]
    # predictor MLP (dropouts are identity; BatchNorm1d uses batch statistics)
    h = sample_h @ W1 + b1
    h = jax.nn.relu(_batchnorm(h, gamma1, beta1))
    h = h @ W2 + b2
    h = jax.nn.relu(_batchnorm(h, gamma2, beta2))
    preds = h @ W3 + b3
    return (preds, filters)

if __name__ == "__main__":
    import jax
    _d = setup_inputs()
    print(jax.jit(kernel)(*tuple(_d.values())))

</pallas_src>

<mosaic_0001>
#map = affine_map<(d0, d1) -> (0, 0)>
module attributes {stable_mosaic.version = 14 : i64} {
  func.func @_sc_body(%arg0: i32, %arg1: i32, %arg2: memref<52000x32xf32, #tpu.memory_space<hbm>>, %arg3: memref<1280x128xi32, #tpu.memory_space<hbm>>, %arg4: memref<1280x128xi32, #tpu.memory_space<hbm>>, %arg5: memref<20480x32xf32, #tpu.memory_space<hbm>>, %arg6: memref<56x128xi32, #tpu.memory_space<vmem>>, %arg7: memref<56x128xi32, #tpu.memory_space<vmem>>, %arg8: memref<16x128x32xf32, #tpu.memory_space<vmem>>, %arg9: memref<80x32xf32, #tpu.memory_space<vmem>>, %arg10: memref<10240x32xf32, #tpu.memory_space<vmem_shared>>, %arg11: memref<2x!tpu.dma_semaphore, #tpu.memory_space<semaphore_mem>>, %arg12: memref<2x!tpu.dma_semaphore, #tpu.memory_space<semaphore_mem>>, %arg13: memref<3x!tpu.dma_semaphore, #tpu.memory_space<semaphore_mem>>) attributes {dimension_semantics = [#tpu.dimension_semantics<core_parallel>, #tpu.dimension_semantics<subcore_parallel>], iteration_bounds = array<i64: 2, 16>, scalar_prefetch = 0 : i64, scratch_operands = 8 : i64, tpu.core_type = #tpu.core_type<sc_vector_subcore>, window_params = [{transform_indices = #map}, {transform_indices = #map}, {transform_indices = #map}, {transform_indices = #map}]} {
    %eq3A = arith.constant 0 : i32
    %eq3A_0 = arith.cmpi eq, %arg0, %eq3A : i32
    %convert_element_type3A = arith.extui %eq3A_0 : i1 to i32
    %cond3A = arith.constant 0 : i32
    %cond3A_1 = arith.cmpi ne, %convert_element_type3A, %cond3A : i32
    scf.if %cond3A_1 {
      %mul3A = arith.constant 56 : i32
      %mul3A_6 = arith.muli %arg1, %mul3A : i32
      %dma_start3A = arith.constant 0 : i32
      %dma_start3A_7 = arith.constant 0 : i32
      %dma_start3A_8 = arith.constant 0 : i32
      %dma_start3A_9 = tpu.memref_slice %arg6[%dma_start3A_7, %dma_start3A_8] : memref<56x128xi32, #tpu.memory_space<vmem>> -> memref<56x128xi32, #tpu.memory_space<vmem>>
      %dma_start3A_10 = arith.constant 0 : i32
      %dma_start3A_11 = tpu.memref_slice %arg3[%mul3A_6, %dma_start3A_10] : memref<1280x128xi32, #tpu.memory_space<hbm>> -> memref<56x128xi32, #tpu.memory_space<hbm>>
      %dma_start3A_12 = tpu.memref_slice %arg13[%dma_start3A] : memref<3x!tpu.dma_semaphore, #tpu.memory_space<semaphore_mem>> -> memref<1x!tpu.dma_semaphore, #tpu.memory_space<semaphore_mem>>
      %dma_start3A_13 = tpu.memref_squeeze %dma_start3A_12 : memref<1x!tpu.dma_semaphore, #tpu.memory_space<semaphore_mem>> -> memref<!tpu.dma_semaphore, #tpu.memory_space<semaphore_mem>>
      %dma_start3A_14 = arith.constant 0 : i32
      %dma_start3A_15 = arith.constant 0 : i32
      %dma_start3A_16 = tpu.memref_slice %arg6[%dma_start3A_14, %dma_start3A_15] : memref<56x128xi32, #tpu.memory_space<vmem>> -> memref<56x128xi32, #tpu.memory_space<vmem>>
      %dma_start3A_17 = arith.constant 0 : i32
      %dma_start3A_18 = tpu.memref_slice %arg3[%mul3A_6, %dma_start3A_17] : memref<1280x128xi32, #tpu.memory_space<hbm>> -> memref<56x128xi32, #tpu.memory_space<hbm>>
      tpu.enqueue_dma source(%dma_start3A_18 : memref<56x128xi32, #tpu.memory_space<hbm>>) target(%dma_start3A_16 : memref<56x128xi32, #tpu.memory_space<vmem>>) target_semaphore(%dma_start3A_13 : memref<!tpu.dma_semaphore, #tpu.memory_space<semaphore_mem>>)
      %dma_start3A_19 = arith.constant 1 : i32
      %dma_start3A_20 = arith.constant 0 : i32
      %dma_start3A_21 = arith.constant 0 : i32
      %dma_start3A_22 = tpu.memref_slice %arg7[%dma_start3A_20, %dma_start3A_21] : memref<56x128xi32, #tpu.memory_space<vmem>> -> memref<56x128xi32, #tpu.memory_space<vmem>>
      %dma_start3A_23 = arith.constant 0 : i32
      %dma_start3A_24 = tpu.memref_slice %arg4[%mul3A_6, %dma_start3A_23] : memref<1280x128xi32, #tpu.memory_space<hbm>> -> memref<56x128xi32, #tpu.memory_space<hbm>>
      %dma_start3A_25 = tpu.memref_slice %arg13[%dma_start3A_19] : memref<3x!tpu.dma_semaphore, #tpu.memory_space<semaphore_mem>> -> memref<1x!tpu.dma_semaphore, #tpu.memory_space<semaphore_mem>>
      %dma_start3A_26 = tpu.memref_squeeze %dma_start3A_25 : memref<1x!tpu.dma_semaphore, #tpu.memory_space<semaphore_mem>> -> memref<!tpu.dma_semaphore, #tpu.memory_space<semaphore_mem>>
      %dma_start3A_27 = arith.constant 0 : i32
      %dma_start3A_28 = arith.constant 0 : i32
      %dma_start3A_29 = tpu.memref_slice %arg7[%dma_start3A_27, %dma_start3A_28] : memref<56x128xi32, #tpu.memory_space<vmem>> -> memref<56x128xi32, #tpu.memory_space<vmem>>
      %dma_start3A_30 = arith.constant 0 : i32
      %dma_start3A_31 = tpu.memref_slice %arg4[%mul3A_6, %dma_start3A_30] : memref<1280x128xi32, #tpu.memory_space<hbm>> -> memref<56x128xi32, #tpu.memory_space<hbm>>
      tpu.enqueue_dma source(%dma_start3A_31 : memref<56x128xi32, #tpu.memory_space<hbm>>) target(%dma_start3A_29 : memref<56x128xi32, #tpu.memory_space<vmem>>) target_semaphore(%dma_start3A_26 : memref<!tpu.dma_semaphore, #tpu.memory_space<semaphore_mem>>)
      %dma_wait3A = arith.constant 0 : i32
      %dma_wait3A_32 = arith.constant 0 : i32
      %dma_wait3A_33 = arith.constant 0 : i32
      %dma_wait3A_34 = tpu.memref_slice %arg6[%dma_wait3A_32, %dma_wait3A_33] : memref<56x128xi32, #tpu.memory_space<vmem>> -> memref<56x128xi32, #tpu.memory_space<vmem>>
      %dma_wait3A_35 = arith.constant 0 : i32
      %dma_wait3A_36 = tpu.memref_slice %arg3[%mul3A_6, %dma_wait3A_35] : memref<1280x128xi32, #tpu.memory_space<hbm>> -> memref<56x128xi32, #tpu.memory_space<hbm>>
      %dma_wait3A_37 = tpu.memref_slice %arg13[%dma_wait3A] : memref<3x!tpu.dma_semaphore, #tpu.memory_space<semaphore_mem>> -> memref<1x!tpu.dma_semaphore, #tpu.memory_space<semaphore_mem>>
      %dma_wait3A_38 = tpu.memref_squeeze %dma_wait3A_37 : memref<1x!tpu.dma_semaphore, #tpu.memory_space<semaphore_mem>> -> memref<!tpu.dma_semaphore, #tpu.memory_space<semaphore_mem>>
      %dma_wait3A_39 = arith.constant 0 : i32
      %dma_wait3A_40 = arith.constant 0 : i32
      %dma_wait3A_41 = tpu.memref_slice %arg6[%dma_wait3A_39, %dma_wait3A_40] : memref<56x128xi32, #tpu.memory_space<vmem>> -> memref<56x128xi32, #tpu.memory_space<vmem>>
      %dma_wait3A_42 = arith.constant 0 : i32
      %dma_wait3A_43 = tpu.memref_slice %arg3[%mul3A_6, %dma_wait3A_42] : memref<1280x128xi32, #tpu.memory_space<hbm>> -> memref<56x128xi32, #tpu.memory_space<hbm>>
      tpu.wait_dma2 semaphore(%dma_wait3A_38 : memref<!tpu.dma_semaphore, #tpu.memory_space<semaphore_mem>>) src(%dma_wait3A_43 : memref<56x128xi32, #tpu.memory_space<hbm>>) dst(%dma_wait3A_41 : memref<56x128xi32, #tpu.memory_space<vmem>>)
      %dma_wait3A_44 = arith.constant 1 : i32
      %dma_wait3A_45 = arith.constant 0 : i32
      %dma_wait3A_46 = arith.constant 0 : i32
      %dma_wait3A_47 = tpu.memref_slice %arg7[%dma_wait3A_45, %dma_wait3A_46] : memref<56x128xi32, #tpu.memory_space<vmem>> -> memref<56x128xi32, #tpu.memory_space<vmem>>
      %dma_wait3A_48 = arith.constant 0 : i32
      %dma_wait3A_49 = tpu.memref_slice %arg4[%mul3A_6, %dma_wait3A_48] : memref<1280x128xi32, #tpu.memory_space<hbm>> -> memref<56x128xi32, #tpu.memory_space<hbm>>
      %dma_wait3A_50 = tpu.memref_slice %arg13[%dma_wait3A_44] : memref<3x!tpu.dma_semaphore, #tpu.memory_space<semaphore_mem>> -> memref<1x!tpu.dma_semaphore, #tpu.memory_space<semaphore_mem>>
      %dma_wait3A_51 = tpu.memref_squeeze %dma_wait3A_50 : memref<1x!tpu.dma_semaphore, #tpu.memory_space<semaphore_mem>> -> memref<!tpu.dma_semaphore, #tpu.memory_space<semaphore_mem>>
      %dma_wait3A_52 = arith.constant 0 : i32
      %dma_wait3A_53 = arith.constant 0 : i32
      %dma_wait3A_54 = tpu.memref_slice %arg7[%dma_wait3A_52, %dma_wait3A_53] : memref<56x128xi32, #tpu.memory_space<vmem>> -> memref<56x128xi32, #tpu.memory_space<vmem>>
      %dma_wait3A_55 = arith.constant 0 : i32
      %dma_wait3A_56 = tpu.memref_slice %arg4[%mul3A_6, %dma_wait3A_55] : memref<1280x128xi32, #tpu.memory_space<hbm>> -> memref<56x128xi32, #tpu.memory_space<hbm>>
      tpu.wait_dma2 semaphore(%dma_wait3A_51 : memref<!tpu.dma_semaphore, #tpu.memory_space<semaphore_mem>>) src(%dma_wait3A_56 : memref<56x128xi32, #tpu.memory_space<hbm>>) dst(%dma_wait3A_54 : memref<56x128xi32, #tpu.memory_space<vmem>>)
      %dma_start3A_57 = arith.constant 0 : i32
      %dma_start3A_58 = arith.constant 0 : i32
      %dma_start3A_59 = arith.constant 0 : i32
      %dma_start3A_60 = arith.constant 0 : i32
      %dma_start3A_61 = arith.constant 0 : i32
      %dma_start3A_62 = tpu.memref_slice %arg8[%dma_start3A_58, %dma_start3A_60, %dma_start3A_61] : memref<16x128x32xf32, #tpu.memory_space<vmem>> -> memref<1x128x32xf32, #tpu.memory_space<vmem>>
      %dma_start3A_63 = tpu.memref_squeeze %dma_start3A_62 : memref<1x128x32xf32, #tpu.memory_space<vmem>> -> memref<128x32xf32, #tpu.memory_space<vmem>>
      %dma_start3A_64 = arith.constant 0 : i32
      %dma_start3A_65 = tpu.memref_slice %arg6[%dma_start3A_57, %dma_start3A_64] : memref<56x128xi32, #tpu.memory_space<vmem>> -> memref<1x128xi32, #tpu.memory_space<vmem>>
      %dma_start3A_66 = tpu.memref_squeeze %dma_start3A_65 : memref<1x128xi32, #tpu.memory_space<vmem>> -> memref<128xi32, #tpu.memory_space<vmem>>
      %dma_start3A_67 = arith.constant 0 : i32
      %dma_start3A_68 = arith.constant 0 : i32
      %dma_start3A_69 = tpu.memref_slice %arg2[%dma_start3A_67, %dma_start3A_68] : memref<52000x32xf32, #tpu.memory_space<hbm>> -> memref<52000x32xf32, #tpu.memory_space<hbm>>
      %dma_start3A_70 = tpu.memref_slice %arg11[%dma_start3A_59] : memref<2x!tpu.dma_semaphore, #tpu.memory_space<semaphore_mem>> -> memref<1x!tpu.dma_semaphore, #tpu.memory_space<semaphore_mem>>
      %dma_start3A_71 = tpu.memref_squeeze %dma_start3A_70 : memref<1x!tpu.dma_semaphore, #tpu.memory_space<semaphore_mem>> -> memref<!tpu.dma_semaphore, #tpu.memory_space<semaphore_mem>>
      tpu.enqueue_indirect_dma source(%dma_start3A_69 : memref<52000x32xf32, #tpu.memory_space<hbm>>) target(%dma_start3A_63 : memref<128x32xf32, #tpu.memory_space<vmem>>) offsets(%dma_start3A_66 : memref<128xi32, #tpu.memory_space<vmem>>) semaphore(%dma_start3A_71 : memref<!tpu.dma_semaphore, #tpu.memory_space<semaphore_mem>>)
      %dma_start3A_72 = arith.constant 1 : i32
      %dma_start3A_73 = arith.constant 1 : i32
      %dma_start3A_74 = arith.constant 0 : i32
      %dma_start3A_75 = arith.constant 0 : i32
      %dma_start3A_76 = arith.constant 0 : i32
      %dma_start3A_77 = tpu.memref_slice %arg8[%dma_start3A_73, %dma_start3A_75, %dma_start3A_76] : memref<16x128x32xf32, #tpu.memory_space<vmem>> -> memref<1x128x32xf32, #tpu.memory_space<vmem>>
      %dma_start3A_78 = tpu.memref_squeeze %dma_start3A_77 : memref<1x128x32xf32, #tpu.memory_space<vmem>> -> memref<128x32xf32, #tpu.memory_space<vmem>>
      %dma_start3A_79 = arith.constant 0 : i32
      %dma_start3A_80 = tpu.memref_slice %arg6[%dma_start3A_72, %dma_start3A_79] : memref<56x128xi32, #tpu.memory_space<vmem>> -> memref<1x128xi32, #tpu.memory_space<vmem>>
      %dma_start3A_81 = tpu.memref_squeeze %dma_start3A_80 : memref<1x128xi32, #tpu.memory_space<vmem>> -> memref<128xi32, #tpu.memory_space<vmem>>
      %dma_start3A_82 = arith.constant 0 : i32
      %dma_start3A_83 = arith.constant 0 : i32
      %dma_start3A_84 = tpu.memref_slice %arg2[%dma_start3A_82, %dma_start3A_83] : memref<52000x32xf32, #tpu.memory_space<hbm>> -> memref<52000x32xf32, #tpu.memory_space<hbm>>
      %dma_start3A_85 = tpu.memref_slice %arg11[%dma_start3A_74] : memref<2x!tpu.dma_semaphore, #tpu.memory_space<semaphore_mem>> -> memref<1x!tpu.dma_semaphore, #tpu.memory_space<semaphore_mem>>
      %dma_start3A_86 = tpu.memref_squeeze %dma_start3A_85 : memref<1x!tpu.dma_semaphore, #tpu.memory_space<semaphore_mem>> -> memref<!tpu.dma_semaphore, #tpu.memory_space<semaphore_mem>>
      tpu.enqueue_indirect_dma source(%dma_start3A_84 : memref<52000x32xf32, #tpu.memory_space<hbm>>) target(%dma_start3A_78 : memref<128x32xf32, #tpu.memory_space<vmem>>) offsets(%dma_start3A_81 : memref<128xi32, #tpu.memory_space<vmem>>) semaphore(%dma_start3A_86 : memref<!tpu.dma_semaphore, #tpu.memory_space<semaphore_mem>>)
      %dma_start3A_87 = arith.constant 2 : i32
      %dma_start3A_88 = arith.constant 2 : i32
      %dma_start3A_89 = arith.constant 0 : i32
      %dma_start3A_90 = arith.constant 0 : i32
      %dma_start3A_91 = arith.constant 0 : i32
      %dma_start3A_92 = tpu.memref_slice %arg8[%dma_start3A_88, %dma_start3A_90, %dma_start3A_91] : memref<16x128x32xf32, #tpu.memory_space<vmem>> -> memref<1x128x32xf32, #tpu.memory_space<vmem>>
      %dma_start3A_93 = tpu.memref_squeeze %dma_start3A_92 : memref<1x128x32xf32, #tpu.memory_space<vmem>> -> memref<128x32xf32, #tpu.memory_space<vmem>>
      %dma_start3A_94 = arith.constant 0 : i32
      %dma_start3A_95 = tpu.memref_slice %arg6[%dma_start3A_87, %dma_start3A_94] : memref<56x128xi32, #tpu.memory_space<vmem>> -> memref<1x128xi32, #tpu.memory_space<vmem>>
      %dma_start3A_96 = tpu.memref_squeeze %dma_start3A_95 : memref<1x128xi32, #tpu.memory_space<vmem>> -> memref<128xi32, #tpu.memory_space<vmem>>
      %dma_start3A_97 = arith.constant 0 : i32
      %dma_start3A_98 = arith.constant 0 : i32
      %dma_start3A_99 = tpu.memref_slice %arg2[%dma_start3A_97, %dma_start3A_98] : memref<52000x32xf32, #tpu.memory_space<hbm>> -> memref<52000x32xf32, #tpu.memory_space<hbm>>
      %dma_start3A_100 = tpu.memref_slice %arg11[%dma_start3A_89] : memref<2x!tpu.dma_semaphore, #tpu.memory_space<semaphore_mem>> -> memref<1x!tpu.dma_semaphore, #tpu.memory_space<semaphore_mem>>
      %dma_start3A_101 = tpu.memref_squeeze %dma_start3A_100 : memref<1x!tpu.dma_semaphore, #tpu.memory_space<semaphore_mem>> -> memref<!tpu.dma_semaphore, #tpu.memory_space<semaphore_mem>>
      tpu.enqueue_indirect_dma source(%dma_start3A_99 : memref<52000x32xf32, #tpu.memory_space<hbm>>) target(%dma_start3A_93 : memref<128x32xf32, #tpu.memory_space<vmem>>) offsets(%dma_start3A_96 : memref<128xi32, #tpu.memory_space<vmem>>) semaphore(%dma_start3A_101 : memref<!tpu.dma_semaphore, #tpu.memory_space<semaphore_mem>>)
      %dma_start3A_102 = arith.constant 3 : i32
      %dma_start3A_103 = arith.constant 3 : i32
      %dma_start3A_104 = arith.constant 0 : i32
      %dma_start3A_105 = arith.constant 0 : i32
      %dma_start3A_106 = arith.constant 0 : i32
      %dma_start3A_107 = tpu.memref_slice %arg8[%dma_start3A_103, %dma_start3A_105, %dma_start3A_106] : memref<16x128x32xf32, #tpu.memory_space<vmem>> -> memref<1x128x32xf32, #tpu.memory_space<vmem>>
      %dma_start3A_108 = tpu.memref_squeeze %dma_start3A_107 : memref<1x128x32xf32, #tpu.memory_space<vmem>> -> memref<128x32xf32, #tpu.memory_space<vmem>>
      %dma_start3A_109 = arith.constant 0 : i32
      %dma_start3A_110 = tpu.memref_slice %arg6[%dma_start3A_102, %dma_start3A_109] : memref<56x128xi32, #tpu.memory_space<vmem>> -> memref<1x128xi32, #tpu.memory_space<vmem>>
      %dma_start3A_111 = tpu.memref_squeeze %dma_start3A_110 : memref<1x128xi32, #tpu.memory_space<vmem>> -> memref<128xi32, #tpu.memory_space<vmem>>
      %dma_start3A_112 = arith.constant 0 : i32
      %dma_start3A_113 = arith.constant 0 : i32
      %dma_start3A_114 = tpu.memref_slice %arg2[%dma_start3A_112, %dma_start3A_113] : memref<52000x32xf32, #tpu.memory_space<hbm>> -> memref<52000x32xf32, #tpu.memory_space<hbm>>
      %dma_start3A_115 = tpu.memref_slice %arg11[%dma_start3A_104] : memref<2x!tpu.dma_semaphore, #tpu.memory_space<semaphore_mem>> -> memref<1x!tpu.dma_semaphore, #tpu.memory_space<semaphore_mem>>
      %dma_start3A_116 = tpu.memref_squeeze %dma_start3A_115 : memref<1x!tpu.dma_semaphore, #tpu.memory_space<semaphore_mem>> -> memref<!tpu.dma_semaphore, #tpu.memory_space<semaphore_mem>>
      tpu.enqueue_indirect_dma source(%dma_start3A_114 : memref<52000x32xf32, #tpu.memory_space<hbm>>) target(%dma_start3A_108 : memref<128x32xf32, #tpu.memory_space<vmem>>) offsets(%dma_start3A_111 : memref<128xi32, #tpu.memory_space<vmem>>) semaphore(%dma_start3A_116 : memref<!tpu.dma_semaphore, #tpu.memory_space<semaphore_mem>>)
      %dma_start3A_117 = arith.constant 4 : i32
      %dma_start3A_118 = arith.constant 4 : i32
      %dma_start3A_119 = arith.constant 0 : i32
      %dma_start3A_120 = arith.constant 0 : i32
      %dma_start3A_121 = arith.constant 0 : i32
      %dma_start3A_122 = tpu.memref_slice %arg8[%dma_start3A_118, %dma_start3A_120, %dma_start3A_121] : memref<16x128x32xf32, #tpu.memory_space<vmem>> -> memref<1x128x32xf32, #tpu.memory_space<vmem>>
      %dma_start3A_123 = tpu.memref_squeeze %dma_start3A_122 : memref<1x128x32xf32, #tpu.memory_space<vmem>> -> memref<128x32xf32, #tpu.memory_space<vmem>>
      %dma_start3A_124 = arith.constant 0 : i32
      %dma_start3A_125 = tpu.memref_slice %arg6[%dma_start3A_117, %dma_start3A_124] : memref<56x128xi32, #tpu.memory_space<vmem>> -> memref<1x128xi32, #tpu.memory_space<vmem>>
      %dma_start3A_126 = tpu.memref_squeeze %dma_start3A_125 : memref<1x128xi32, #tpu.memory_space<vmem>> -> memref<128xi32, #tpu.memory_space<vmem>>
      %dma_start3A_127 = arith.constant 0 : i32
      %dma_start3A_128 = arith.constant 0 : i32
      %dma_start3A_129 = tpu.memref_slice %arg2[%dma_start3A_127, %dma_start3A_128] : memref<52000x32xf32, #tpu.memory_space<hbm>> -> memref<52000x32xf32, #tpu.memory_space<hbm>>
      %dma_start3A_130 = tpu.memref_slice %arg11[%dma_start3A_119] : memref<2x!tpu.dma_semaphore, #tpu.memory_space<semaphore_mem>> -> memref<1x!tpu.dma_semaphore, #tpu.memory_space<semaphore_mem>>
      %dma_start3A_131 = tpu.memref_squeeze %dma_start3A_130 : memref<1x!tpu.dma_semaphore, #tpu.memory_space<semaphore_mem>> -> memref<!tpu.dma_semaphore, #tpu.memory_space<semaphore_mem>>
      tpu.enqueue_indirect_dma source(%dma_start3A_129 : memref<52000x32xf32, #tpu.memory_space<hbm>>) target(%dma_start3A_123 : memref<128x32xf32, #tpu.memory_space<vmem>>) offsets(%dma_start3A_126 : memref<128xi32, #tpu.memory_space<vmem>>) semaphore(%dma_start3A_131 : memref<!tpu.dma_semaphore, #tpu.memory_space<semaphore_mem>>)
      %dma_start3A_132 = arith.constant 5 : i32
      %dma_start3A_133 = arith.constant 5 : i32
      %dma_start3A_134 = arith.constant 0 : i32
      %dma_start3A_135 = arith.constant 0 : i32
      %dma_start3A_136 = arith.constant 0 : i32
      %dma_start3A_137 = tpu.memref_slice %arg8[%dma_start3A_133, %dma_start3A_135, %dma_start3A_136] : memref<16x128x32xf32, #tpu.memory_space<vmem>> -> memref<1x128x32xf32, #tpu.memory_space<vmem>>
      %dma_start3A_138 = tpu.memref_squeeze %dma_start3A_137 : memref<1x128x32xf32, #tpu.memory_space<vmem>> -> memref<128x32xf32, #tpu.memory_space<vmem>>
      %dma_start3A_139 = arith.constant 0 : i32
      %dma_start3A_140 = tpu.memref_slice %arg6[%dma_start3A_132, %dma_start3A_139] : memref<56x128xi32, #tpu.memory_space<vmem>> -> memref<1x128xi32, #tpu.memory_space<vmem>>
      %dma_start3A_141 = tpu.memref_squeeze %dma_start3A_140 : memref<1x128xi32, #tpu.memory_space<vmem>> -> memref<128xi32, #tpu.memory_space<vmem>>
      %dma_start3A_142 = arith.constant 0 : i32
      %dma_start3A_143 = arith.constant 0 : i32
      %dma_start3A_144 = tpu.memref_slice %arg2[%dma_start3A_142, %dma_start3A_143] : memref<52000x32xf32, #tpu.memory_space<hbm>> -> memref<52000x32xf32, #tpu.memory_space<hbm>>
      %dma_start3A_145 = tpu.memref_slice %arg11[%dma_start3A_134] : memref<2x!tpu.dma_semaphore, #tpu.memory_space<semaphore_mem>> -> memref<1x!tpu.dma_semaphore, #tpu.memory_space<semaphore_mem>>
      %dma_start3A_146 = tpu.memref_squeeze %dma_start3A_145 : memref<1x!tpu.dma_semaphore, #tpu.memory_space<semaphore_mem>> -> memref<!tpu.dma_semaphore, #tpu.memory_space<semaphore_mem>>
      tpu.enqueue_indirect_dma source(%dma_start3A_144 : memref<52000x32xf32, #tpu.memory_space<hbm>>) target(%dma_start3A_138 : memref<128x32xf32, #tpu.memory_space<vmem>>) offsets(%dma_start3A_141 : memref<128xi32, #tpu.memory_space<vmem>>) semaphore(%dma_start3A_146 : memref<!tpu.dma_semaphore, #tpu.memory_space<semaphore_mem>>)
      %dma_start3A_147 = arith.constant 6 : i32
      %dma_start3A_148 = arith.constant 6 : i32
      %dma_start3A_149 = arith.constant 0 : i32
      %dma_start3A_150 = arith.constant 0 : i32
      %dma_start3A_151 = arith.constant 0 : i32
      %dma_start3A_152 = tpu.memref_slice %arg8[%dma_start3A_148, %dma_start3A_150, %dma_start3A_151] : memref<16x128x32xf32, #tpu.memory_space<vmem>> -> memref<1x128x32xf32, #tpu.memory_space<vmem>>
      %dma_start3A_153 = tpu.memref_squeeze %dma_start3A_152 : memref<1x128x32xf32, #tpu.memory_space<vmem>> -> memref<128x32xf32, #tpu.memory_space<vmem>>
      %dma_start3A_154 = arith.constant 0 : i32
      %dma_start3A_155 = tpu.memref_slice %arg6[%dma_start3A_147, %dma_start3A_154] : memref<56x128xi32, #tpu.memory_space<vmem>> -> memref<1x128xi32, #tpu.memory_space<vmem>>
      %dma_start3A_156 = tpu.memref_squeeze %dma_start3A_155 : memref<1x128xi32, #tpu.memory_space<vmem>> -> memref<128xi32, #tpu.memory_space<vmem>>
      %dma_start3A_157 = arith.constant 0 : i32
      %dma_start3A_158 = arith.constant 0 : i32
      %dma_start3A_159 = tpu.memref_slice %arg2[%dma_start3A_157, %dma_start3A_158] : memref<52000x32xf32, #tpu.memory_space<hbm>> -> memref<52000x32xf32, #tpu.memory_space<hbm>>
      %dma_start3A_160 = tpu.memref_slice %arg11[%dma_start3A_149] : memref<2x!tpu.dma_semaphore, #tpu.memory_space<semaphore_mem>> -> memref<1x!tpu.dma_semaphore, #tpu.memory_space<semaphore_mem>>
      %dma_start3A_161 = tpu.memref_squeeze %dma_start3A_160 : memref<1x!tpu.dma_semaphore, #tpu.memory_space<semaphore_mem>> -> memref<!tpu.dma_semaphore, #tpu.memory_space<semaphore_mem>>
      tpu.enqueue_indirect_dma source(%dma_start3A_159 : memref<52000x32xf32, #tpu.memory_space<hbm>>) target(%dma_start3A_153 : memref<128x32xf32, #tpu.memory_space<vmem>>) offsets(%dma_start3A_156 : memref<128xi32, #tpu.memory_space<vmem>>) semaphore(%dma_start3A_161 : memref<!tpu.dma_semaphore, #tpu.memory_space<semaphore_mem>>)
      %dma_start3A_162 = arith.constant 7 : i32
      %dma_start3A_163 = arith.constant 7 : i32
      %dma_start3A_164 = arith.constant 0 : i32
      %dma_start3A_165 = arith.constant 0 : i32
      %dma_start3A_166 = arith.constant 0 : i32
      %dma_start3A_167 = tpu.memref_slice %arg8[%dma_start3A_163, %dma_start3A_165, %dma_start3A_166] : memref<16x128x32xf32, #tpu.memory_space<vmem>> -> memref<1x128x32xf32, #tpu.memory_space<vmem>>
      %dma_start3A_168 = tpu.memref_squeeze %dma_start3A_167 : memref<1x128x32xf32, #tpu.memory_space<vmem>> -> memref<128x32xf32, #tpu.memory_space<vmem>>
      %dma_start3A_169 = arith.constant 0 : i32
      %dma_start3A_170 = tpu.memref_slice %arg6[%dma_start3A_162, %dma_start3A_169] : memref<56x128xi32, #tpu.memory_space<vmem>> -> memref<1x128xi32, #tpu.memory_space<vmem>>
      %dma_start3A_171 = tpu.memref_squeeze %dma_start3A_170 : memref<1x128xi32, #tpu.memory_space<vmem>> -> memref<128xi32, #tpu.memory_space<vmem>>
      %dma_start3A_172 = arith.constant 0 : i32
      %dma_start3A_173 = arith.constant 0 : i32
      %dma_start3A_174 = tpu.memref_slice %arg2[%dma_start3A_172, %dma_start3A_173] : memref<52000x32xf32, #tpu.memory_space<hbm>> -> memref<52000x32xf32, #tpu.memory_space<hbm>>
      %dma_start3A_175 = tpu.memref_slice %arg11[%dma_start3A_164] : memref<2x!tpu.dma_semaphore, #tpu.memory_space<semaphore_mem>> -> memref<1x!tpu.dma_semaphore, #tpu.memory_space<semaphore_mem>>
      %dma_start3A_176 = tpu.memref_squeeze %dma_start3A_175 : memref<1x!tpu.dma_semaphore, #tpu.memory_space<semaphore_mem>> -> memref<!tpu.dma_semaphore, #tpu.memory_space<semaphore_mem>>
      tpu.enqueue_indirect_dma source(%dma_start3A_174 : memref<52000x32xf32, #tpu.memory_space<hbm>>) target(%dma_start3A_168 : memref<128x32xf32, #tpu.memory_space<vmem>>) offsets(%dma_start3A_171 : memref<128xi32, #tpu.memory_space<vmem>>) semaphore(%dma_start3A_176 : memref<!tpu.dma_semaphore, #tpu.memory_space<semaphore_mem>>)
      %broadcast_in_dim3A = arith.constant 0.000000e+00 : f32
      %broadcast_in_dim3A_177 = vector.broadcast %broadcast_in_dim3A : f32 to vector<16xf32>
      %scan3A = arith.constant 0 : i32
      %scan3A_178 = arith.constant 0 : i32
      %scan3A_179 = arith.constant 80 : i32
      %scan3A_180 = arith.addi %scan3A_178, %scan3A_179 : i32
      %scan3A_181 = arith.constant 1 : i32
      scf.for %scan3A_329 = %scan3A_178 to %scan3A_180 step %scan3A_181  : i32 {
        %swap3A = arith.index_cast %scan3A_329 : i32 to index
        %swap3A_330 = arith.constant 0 : index
        %swap3A_331 = tpu.vector_load %arg9[%swap3A, %swap3A_330] {strides = array<i32>} : memref<80x32xf32, #tpu.memory_space<vmem>>, vector<1x16xf32>,
        %swap3A_332 = vector.shape_cast %swap3A_331 : vector<1x16xf32> to vector<16xf32>
        %swap3A_333 = vector.shape_cast %broadcast_in_dim3A_177 : vector<16xf32> to vector<1x16xf32>
        tpu.vector_store %arg9[%swap3A, %swap3A_330], %swap3A_333 {strides = array<i32>} : memref<80x32xf32, #tpu.memory_space<vmem>>, vector<1x16xf32>,
        %swap3A_334 = arith.index_cast %scan3A_329 : i32 to index
        %swap3A_335 = arith.constant 16 : index
        %swap3A_336 = tpu.vector_load %arg9[%swap3A_334, %swap3A_335] {strides = array<i32>} : memref<80x32xf32, #tpu.memory_space<vmem>>, vector<1x16xf32>,
        %swap3A_337 = vector.shape_cast %swap3A_336 : vector<1x16xf32> to vector<16xf32>
        %swap3A_338 = vector.shape_cast %broadcast_in_dim3A_177 : vector<16xf32> to vector<1x16xf32>
        tpu.vector_store %arg9[%swap3A_334, %swap3A_335], %swap3A_338 {strides = array<i32>} : memref<80x32xf32, #tpu.memory_space<vmem>>, vector<1x16xf32>,
      }
      %scan3A_182 = arith.constant 80 : i32
      %mul3A_183 = arith.constant 640 : i32
      %mul3A_184 = arith.muli %arg1, %mul3A_183 : i32
      %add3A = arith.constant 0 : i32
      %add3A_185 = arith.addi %mul3A_184, %add3A : i32
      "tpu.region"() ({
        %run_scoped3A = tpu.sem_alloc : memref<!tpu.dma_semaphore, #tpu.memory_space<semaphore_mem>>
        %dma_start3A_329 = arith.constant 0 : i32
        %dma_start3A_330 = tpu.memref_slice %arg10[%add3A_185, %dma_start3A_329] : memref<10240x32xf32, #tpu.memory_space<vmem_shared>> -> memref<80x32xf32, #tpu.memory_space<vmem_shared>>
        %dma_start3A_331 = arith.constant 0 : i32
        %dma_start3A_332 = tpu.memref_slice %arg10[%add3A_185, %dma_start3A_331] : memref<10240x32xf32, #tpu.memory_space<vmem_shared>> -> memref<80x32xf32, #tpu.memory_space<vmem_shared>>
        tpu.enqueue_dma source(%arg9 : memref<80x32xf32, #tpu.memory_space<vmem>>) target(%dma_start3A_332 : memref<80x32xf32, #tpu.memory_space<vmem_shared>>) target_semaphore(%run_scoped3A : memref<!tpu.dma_semaphore, #tpu.memory_space<semaphore_mem>>)
        %dma_wait3A_333 = arith.constant 0 : i32
        %dma_wait3A_334 = tpu.memref_slice %arg10[%add3A_185, %dma_wait3A_333] : memref<10240x32xf32, #tpu.memory_space<vmem_shared>> -> memref<80x32xf32, #tpu.memory_space<vmem_shared>>
        %dma_wait3A_335 = arith.constant 0 : i32
        %dma_wait3A_336 = tpu.memref_slice %arg10[%add3A_185, %dma_wait3A_335] : memref<10240x32xf32, #tpu.memory_space<vmem_shared>> -> memref<80x32xf32, #tpu.memory_space<vmem_shared>>
        tpu.wait_dma2 semaphore(%run_scoped3A : memref<!tpu.dma_semaphore, #tpu.memory_space<semaphore_mem>>) src(%arg9 : memref<80x32xf32, #tpu.memory_space<vmem>>) dst(%dma_wait3A_336 : memref<80x32xf32, #tpu.memory_space<vmem_shared>>)
        tpu.yield
      }) : () -> ()
      %add3A_186 = arith.constant 80 : i32
      %add3A_187 = arith.addi %mul3A_184, %add3A_186 : i32
      "tpu.region"() ({
        %run_scoped3A = tpu.sem_alloc : memref<!tpu.dma_semaphore, #tpu.memory_space<semaphore_mem>>
        %dma_start3A_329 = arith.constant 0 : i32
        %dma_start3A_330 = tpu.memref_slice %arg10[%add3A_187, %dma_start3A_329] : memref<10240x32xf32, #tpu.memory_space<vmem_shared>> -> memref<80x32xf32, #tpu.memory_space<vmem_shared>>
        %dma_start3A_331 = arith.constant 0 : i32
        %dma_start3A_332 = tpu.memref_slice %arg10[%add3A_187, %dma_start3A_331] : memref<10240x32xf32, #tpu.memory_space<vmem_shared>> -> memref<80x32xf32, #tpu.memory_space<vmem_shared>>
        tpu.enqueue_dma source(%arg9 : memref<80x32xf32, #tpu.memory_space<vmem>>) target(%dma_start3A_332 : memref<80x32xf32, #tpu.memory_space<vmem_shared>>) target_semaphore(%run_scoped3A : memref<!tpu.dma_semaphore, #tpu.memory_space<semaphore_mem>>)
        %dma_wait3A_333 = arith.constant 0 : i32
        %dma_wait3A_334 = tpu.memref_slice %arg10[%add3A_187, %dma_wait3A_333] : memref<10240x32xf32, #tpu.memory_space<vmem_shared>> -> memref<80x32xf32, #tpu.memory_space<vmem_shared>>
        %dma_wait3A_335 = arith.constant 0 : i32
        %dma_wait3A_336 = tpu.memref_slice %arg10[%add3A_187, %dma_wait3A_335] : memref<10240x32xf32, #tpu.memory_space<vmem_shared>> -> memref<80x32xf32, #tpu.memory_space<vmem_shared>>
        tpu.wait_dma2 semaphore(%run_scoped3A : memref<!tpu.dma_semaphore, #tpu.memory_space<semaphore_mem>>) src(%arg9 : memref<80x32xf32, #tpu.memory_space<vmem>>) dst(%dma_wait3A_336 : memref<80x32xf32, #tpu.memory_space<vmem_shared>>)
        tpu.yield
      }) : () -> ()
      %add3A_188 = arith.constant 160 : i32
      %add3A_189 = arith.addi %mul3A_184, %add3A_188 : i32
      "tpu.region"() ({
        %run_scoped3A = tpu.sem_alloc : memref<!tpu.dma_semaphore, #tpu.memory_space<semaphore_mem>>
        %dma_start3A_329 = arith.constant 0 : i32
        %dma_start3A_330 = tpu.memref_slice %arg10[%add3A_189, %dma_start3A_329] : memref<10240x32xf32, #tpu.memory_space<vmem_shared>> -> memref<80x32xf32, #tpu.memory_space<vmem_shared>>
        %dma_start3A_331 = arith.constant 0 : i32
        %dma_start3A_332 = tpu.memref_slice %arg10[%add3A_189, %dma_start3A_331] : memref<10240x32xf32, #tpu.memory_space<vmem_shared>> -> memref<80x32xf32, #tpu.memory_space<vmem_shared>>
        tpu.enqueue_dma source(%arg9 : memref<80x32xf32, #tpu.memory_space<vmem>>) target(%dma_start3A_332 : memref<80x32xf32, #tpu.memory_space<vmem_shared>>) target_semaphore(%run_scoped3A : memref<!tpu.dma_semaphore, #tpu.memory_space<semaphore_mem>>)
        %dma_wait3A_333 = arith.constant 0 : i32
        %dma_wait3A_334 = tpu.memref_slice %arg10[%add3A_189, %dma_wait3A_333] : memref<10240x32xf32, #tpu.memory_space<vmem_shared>> -> memref<80x32xf32, #tpu.memory_space<vmem_shared>>
        %dma_wait3A_335 = arith.constant 0 : i32
        %dma_wait3A_336 = tpu.memref_slice %arg10[%add3A_189, %dma_wait3A_335] : memref<10240x32xf32, #tpu.memory_space<vmem_shared>> -> memref<80x32xf32, #tpu.memory_space<vmem_shared>>
        tpu.wait_dma2 semaphore(%run_scoped3A : memref<!tpu.dma_semaphore, #tpu.memory_space<semaphore_mem>>) src(%arg9 : memref<80x32xf32, #tpu.memory_space<vmem>>) dst(%dma_wait3A_336 : memref<80x32xf32, #tpu.memory_space<vmem_shared>>)
        tpu.yield
      }) : () -> ()
      %add3A_190 = arith.constant 240 : i32
      %add3A_191 = arith.addi %mul3A_184, %add3A_190 : i32
      "tpu.region"() ({
        %run_scoped3A = tpu.sem_alloc : memref<!tpu.dma_semaphore, #tpu.memory_space<semaphore_mem>>
        %dma_start3A_329 = arith.constant 0 : i32
        %dma_start3A_330 = tpu.memref_slice %arg10[%add3A_191, %dma_start3A_329] : memref<10240x32xf32, #tpu.memory_space<vmem_shared>> -> memref<80x32xf32, #tpu.memory_space<vmem_shared>>
        %dma_start3A_331 = arith.constant 0 : i32
        %dma_start3A_332 = tpu.memref_slice %arg10[%add3A_191, %dma_start3A_331] : memref<10240x32xf32, #tpu.memory_space<vmem_shared>> -> memref<80x32xf32, #tpu.memory_space<vmem_shared>>
        tpu.enqueue_dma source(%arg9 : memref<80x32xf32, #tpu.memory_space<vmem>>) target(%dma_start3A_332 : memref<80x32xf32, #tpu.memory_space<vmem_shared>>) target_semaphore(%run_scoped3A : memref<!tpu.dma_semaphore, #tpu.memory_space<semaphore_mem>>)
        %dma_wait3A_333 = arith.constant 0 : i32
        %dma_wait3A_334 = tpu.memref_slice %arg10[%add3A_191, %dma_wait3A_333] : memref<10240x32xf32, #tpu.memory_space<vmem_shared>> -> memref<80x32xf32, #tpu.memory_space<vmem_shared>>
        %dma_wait3A_335 = arith.constant 0 : i32
        %dma_wait3A_336 = tpu.memref_slice %arg10[%add3A_191, %dma_wait3A_335] : memref<10240x32xf32, #tpu.memory_space<vmem_shared>> -> memref<80x32xf32, #tpu.memory_space<vmem_shared>>
        tpu.wait_dma2 semaphore(%run_scoped3A : memref<!tpu.dma_semaphore, #tpu.memory_space<semaphore_mem>>) src(%arg9 : memref<80x32xf32, #tpu.memory_space<vmem>>) dst(%dma_wait3A_336 : memref<80x32xf32, #tpu.memory_space<vmem_shared>>)
        tpu.yield
      }) : () -> ()
      %add3A_192 = arith.constant 320 : i32
      %add3A_193 = arith.addi %mul3A_184, %add3A_192 : i32
      "tpu.region"() ({
        %run_scoped3A = tpu.sem_alloc : memref<!tpu.dma_semaphore, #tpu.memory_space<semaphore_mem>>
        %dma_start3A_329 = arith.constant 0 : i32
        %dma_start3A_330 = tpu.memref_slice %arg10[%add3A_193, %dma_start3A_329] : memref<10240x32xf32, #tpu.memory_space<vmem_shared>> -> memref<80x32xf32, #tpu.memory_space<vmem_shared>>
        %dma_start3A_331 = arith.constant 0 : i32
        %dma_start3A_332 = tpu.memref_slice %arg10[%add3A_193, %dma_start3A_331] : memref<10240x32xf32, #tpu.memory_space<vmem_shared>> -> memref<80x32xf32, #tpu.memory_space<vmem_shared>>
        tpu.enqueue_dma source(%arg9 : memref<80x32xf32, #tpu.memory_space<vmem>>) target(%dma_start3A_332 : memref<80x32xf32, #tpu.memory_space<vmem_shared>>) target_semaphore(%run_scoped3A : memref<!tpu.dma_semaphore, #tpu.memory_space<semaphore_mem>>)
        %dma_wait3A_333 = arith.constant 0 : i32
        %dma_wait3A_334 = tpu.memref_slice %arg10[%add3A_193, %dma_wait3A_333] : memref<10240x32xf32, #tpu.memory_space<vmem_shared>> -> memref<80x32xf32, #tpu.memory_space<vmem_shared>>
        %dma_wait3A_335 = arith.constant 0 : i32
        %dma_wait3A_336 = tpu.memref_slice %arg10[%add3A_193, %dma_wait3A_335] : memref<10240x32xf32, #tpu.memory_space<vmem_shared>> -> memref<80x32xf32, #tpu.memory_space<vmem_shared>>
        tpu.wait_dma2 semaphore(%run_scoped3A : memref<!tpu.dma_semaphore, #tpu.memory_space<semaphore_mem>>) src(%arg9 : memref<80x32xf32, #tpu.memory_space<vmem>>) dst(%dma_wait3A_336 : memref<80x32xf32, #tpu.memory_space<vmem_shared>>)
        tpu.yield
      }) : () -> ()
      %add3A_194 = arith.constant 400 : i32
      %add3A_195 = arith.addi %mul3A_184, %add3A_194 : i32
      "tpu.region"() ({
        %run_scoped3A = tpu.sem_alloc : memref<!tpu.dma_semaphore, #tpu.memory_space<semaphore_mem>>
        %dma_start3A_329 = arith.constant 0 : i32
        %dma_start3A_330 = tpu.memref_slice %arg10[%add3A_195, %dma_start3A_329] : memref<10240x32xf32, #tpu.memory_space<vmem_shared>> -> memref<80x32xf32, #tpu.memory_space<vmem_shared>>
        %dma_start3A_331 = arith.constant 0 : i32
        %dma_start3A_332 = tpu.memref_slice %arg10[%add3A_195, %dma_start3A_331] : memref<10240x32xf32, #tpu.memory_space<vmem_shared>> -> memref<80x32xf32, #tpu.memory_space<vmem_shared>>
        tpu.enqueue_dma source(%arg9 : memref<80x32xf32, #tpu.memory_space<vmem>>) target(%dma_start3A_332 : memref<80x32xf32, #tpu.memory_space<vmem_shared>>) target_semaphore(%run_scoped3A : memref<!tpu.dma_semaphore, #tpu.memory_space<semaphore_mem>>)
        %dma_wait3A_333 = arith.constant 0 : i32
        %dma_wait3A_334 = tpu.memref_slice %arg10[%add3A_195, %dma_wait3A_333] : memref<10240x32xf32, #tpu.memory_space<vmem_shared>> -> memref<80x32xf32, #tpu.memory_space<vmem_shared>>
        %dma_wait3A_335 = arith.constant 0 : i32
        %dma_wait3A_336 = tpu.memref_slice %arg10[%add3A_195, %dma_wait3A_335] : memref<10240x32xf32, #tpu.memory_space<vmem_shared>> -> memref<80x32xf32, #tpu.memory_space<vmem_shared>>
        tpu.wait_dma2 semaphore(%run_scoped3A : memref<!tpu.dma_semaphore, #tpu.memory_space<semaphore_mem>>) src(%arg9 : memref<80x32xf32, #tpu.memory_space<vmem>>) dst(%dma_wait3A_336 : memref<80x32xf32, #tpu.memory_space<vmem_shared>>)
        tpu.yield
      }) : () -> ()
      %add3A_196 = arith.constant 480 : i32
      %add3A_197 = arith.addi %mul3A_184, %add3A_196 : i32
      "tpu.region"() ({
        %run_scoped3A = tpu.sem_alloc : memref<!tpu.dma_semaphore, #tpu.memory_space<semaphore_mem>>
        %dma_start3A_329 = arith.constant 0 : i32
        %dma_start3A_330 = tpu.memref_slice %arg10[%add3A_197, %dma_start3A_329] : memref<10240x32xf32, #tpu.memory_space<vmem_shared>> -> memref<80x32xf32, #tpu.memory_space<vmem_shared>>
        %dma_start3A_331 = arith.constant 0 : i32
        %dma_start3A_332 = tpu.memref_slice %arg10[%add3A_197, %dma_start3A_331] : memref<10240x32xf32, #tpu.memory_space<vmem_shared>> -> memref<80x32xf32, #tpu.memory_space<vmem_shared>>
        tpu.enqueue_dma source(%arg9 : memref<80x32xf32, #tpu.memory_space<vmem>>) target(%dma_start3A_332 : memref<80x32xf32, #tpu.memory_space<vmem_shared>>) target_semaphore(%run_scoped3A : memref<!tpu.dma_semaphore, #tpu.memory_space<semaphore_mem>>)
        %dma_wait3A_333 = arith.constant 0 : i32
        %dma_wait3A_334 = tpu.memref_slice %arg10[%add3A_197, %dma_wait3A_333] : memref<10240x32xf32, #tpu.memory_space<vmem_shared>> -> memref<80x32xf32, #tpu.memory_space<vmem_shared>>
        %dma_wait3A_335 = arith.constant 0 : i32
        %dma_wait3A_336 = tpu.memref_slice %arg10[%add3A_197, %dma_wait3A_335] : memref<10240x32xf32, #tpu.memory_space<vmem_shared>> -> memref<80x32xf32, #tpu.memory_space<vmem_shared>>
        tpu.wait_dma2 semaphore(%run_scoped3A : memref<!tpu.dma_semaphore, #tpu.memory_space<semaphore_mem>>) src(%arg9 : memref<80x32xf32, #tpu.memory_space<vmem>>) dst(%dma_wait3A_336 : memref<80x32xf32, #tpu.memory_space<vmem_shared>>)
        tpu.yield
      }) : () -> ()
      %add3A_198 = arith.constant 560 : i32
      %add3A_199 = arith.addi %mul3A_184, %add3A_198 : i32
      "tpu.region"() ({
        %run_scoped3A = tpu.sem_alloc : memref<!tpu.dma_semaphore, #tpu.memory_space<semaphore_mem>>
        %dma_start3A_329 = arith.constant 0 : i32
        %dma_start3A_330 = tpu.memref_slice %arg10[%add3A_199, %dma_start3A_329] : memref<10240x32xf32, #tpu.memory_space<vmem_shared>> -> memref<80x32xf32, #tpu.memory_space<vmem_shared>>
        %dma_start3A_331 = arith.constant 0 : i32
        %dma_start3A_332 = tpu.memref_slice %arg10[%add3A_199, %dma_start3A_331] : memref<10240x32xf32, #tpu.memory_space<vmem_shared>> -> memref<80x32xf32, #tpu.memory_space<vmem_shared>>
        tpu.enqueue_dma source(%arg9 : memref<80x32xf32, #tpu.memory_space<vmem>>) target(%dma_start3A_332 : memref<80x32xf32, #tpu.memory_space<vmem_shared>>) target_semaphore(%run_scoped3A : memref<!tpu.dma_semaphore, #tpu.memory_space<semaphore_mem>>)
        %dma_wait3A_333 = arith.constant 0 : i32
        %dma_wait3A_334 = tpu.memref_slice %arg10[%add3A_199, %dma_wait3A_333] : memref<10240x32xf32, #tpu.memory_space<vmem_shared>> -> memref<80x32xf32, #tpu.memory_space<vmem_shared>>
        %dma_wait3A_335 = arith.constant 0 : i32
        %dma_wait3A_336 = tpu.memref_slice %arg10[%add3A_199, %dma_wait3A_335] : memref<10240x32xf32, #tpu.memory_space<vmem_shared>> -> memref<80x32xf32, #tpu.memory_space<vmem_shared>>
        tpu.wait_dma2 semaphore(%run_scoped3A : memref<!tpu.dma_semaphore, #tpu.memory_space<semaphore_mem>>) src(%arg9 : memref<80x32xf32, #tpu.memory_space<vmem>>) dst(%dma_wait3A_336 : memref<80x32xf32, #tpu.memory_space<vmem_shared>>)
        tpu.yield
      }) : () -> ()
      %barrier3A = arith.constant 0 : index
      tpu.barrier barrier_id(%barrier3A)
      %scan3A_200 = arith.constant 0 : i32
      %scan3A_201 = arith.constant 0 : i32
      %scan3A_202 = arith.constant 7 : i32
      %scan3A_203 = arith.addi %scan3A_201, %scan3A_202 : i32
      %scan3A_204 = arith.constant 1 : i32
      scf.for %scan3A_329 = %scan3A_201 to %scan3A_203 step %scan3A_204  : i32 {
        %jit3A = arith.constant 2 : i32
        %eq3A_330 = arith.constant 0 : i32
        %eq3A_331 = arith.cmpi eq, %jit3A, %eq3A_330 : i32
        %jit3A_332 = arith.constant 1 : i32
        %select_n3A = arith.select %eq3A_331, %jit3A_332, %jit3A : i32
        %rem3A = arith.remsi %scan3A_329, %select_n3A : i32
        %ne3A = arith.constant 0 : i32
        %ne3A_333 = arith.cmpi ne, %rem3A, %ne3A : i32
        %lt3A = arith.constant 0 : i32
        %lt3A_334 = arith.cmpi slt, %rem3A, %lt3A : i32
        %lt3A_335 = arith.constant 0 : i32
        %lt3A_336 = arith.cmpi slt, %select_n3A, %lt3A_335 : i32
        %ne3A_337 = arith.xori %lt3A_334, %lt3A_336 : i1
        %and3A = arith.andi %ne3A_337, %ne3A_333 : i1
        %add3A_338 = arith.addi %rem3A, %select_n3A : i32
        %select_n3A_339 = arith.select %and3A, %add3A_338, %rem3A : i32
        %mul3A_340 = arith.constant 8 : i32
        %mul3A_341 = arith.muli %scan3A_329, %mul3A_340 : i32
        %add3A_342 = arith.constant 0 : i32
        %add3A_343 = arith.addi %mul3A_341, %add3A_342 : i32
        %mul3A_344 = arith.constant 8 : i32
        %mul3A_345 = arith.muli %select_n3A_339, %mul3A_344 : i32
        %add3A_346 = arith.constant 0 : i32
        %add3A_347 = arith.addi %mul3A_345, %add3A_346 : i32
        %dma_wait3A_348 = arith.constant 0 : i32
        %dma_wait3A_349 = arith.constant 0 : i32
        %dma_wait3A_350 = tpu.memref_slice %arg8[%add3A_347, %dma_wait3A_348, %dma_wait3A_349] : memref<16x128x32xf32, #tpu.memory_space<vmem>> -> memref<1x128x32xf32, #tpu.memory_space<vmem>>
        %dma_wait3A_351 = tpu.memref_squeeze %dma_wait3A_350 : memref<1x128x32xf32, #tpu.memory_space<vmem>> -> memref<128x32xf32, #tpu.memory_space<vmem>>
        %dma_wait3A_352 = arith.constant 0 : i32
        %dma_wait3A_353 = tpu.memref_slice %arg6[%add3A_343, %dma_wait3A_352] : memref<56x128xi32, #tpu.memory_space<vmem>> -> memref<1x128xi32, #tpu.memory_space<vmem>>
        %dma_wait3A_354 = tpu.memref_squeeze %dma_wait3A_353 : memref<1x128xi32, #tpu.memory_space<vmem>> -> memref<128xi32, #tpu.memory_space<vmem>>
        %dma_wait3A_355 = arith.constant 0 : i32
        %dma_wait3A_356 = arith.constant 0 : i32
        %dma_wait3A_357 = tpu.memref_slice %arg2[%dma_wait3A_355, %dma_wait3A_356] : memref<52000x32xf32, #tpu.memory_space<hbm>> -> memref<52000x32xf32, #tpu.memory_space<hbm>>
        %dma_wait3A_358 = tpu.memref_slice %arg11[%select_n3A_339] : memref<2x!tpu.dma_semaphore, #tpu.memory_space<semaphore_mem>> -> memref<1x!tpu.dma_semaphore, #tpu.memory_space<semaphore_mem>>
        %dma_wait3A_359 = tpu.memref_squeeze %dma_wait3A_358 : memref<1x!tpu.dma_semaphore, #tpu.memory_space<semaphore_mem>> -> memref<!tpu.dma_semaphore, #tpu.memory_space<semaphore_mem>>
        tpu.wait_indirect_dma semaphore(%dma_wait3A_359 : memref<!tpu.dma_semaphore, #tpu.memory_space<semaphore_mem>>) src(%dma_wait3A_357 : memref<52000x32xf32, #tpu.memory_space<hbm>>) dst(%dma_wait3A_351 : memref<128x32xf32, #tpu.memory_space<vmem>>)
        %mul3A_360 = arith.constant 8 : i32
        %mul3A_361 = arith.muli %scan3A_329, %mul3A_360 : i32
        %add3A_362 = arith.constant 1 : i32
        %add3A_363 = arith.addi %mul3A_361, %add3A_362 : i32
        %mul3A_364 = arith.constant 8 : i32
        %mul3A_365 = arith.muli %select_n3A_339, %mul3A_364 : i32
        %add3A_366 = arith.constant 1 : i32
        %add3A_367 = arith.addi %mul3A_365, %add3A_366 : i32
        %dma_wait3A_368 = arith.constant 0 : i32
        %dma_wait3A_369 = arith.constant 0 : i32
        %dma_wait3A_370 = tpu.memref_slice %arg8[%add3A_367, %dma_wait3A_368, %dma_wait3A_369] : memref<16x128x32xf32, #tpu.memory_space<vmem>> -> memref<1x128x32xf32, #tpu.memory_space<vmem>>
        %dma_wait3A_371 = tpu.memref_squeeze %dma_wait3A_370 : memref<1x128x32xf32, #tpu.memory_space<vmem>> -> memref<128x32xf32, #tpu.memory_space<vmem>>
        %dma_wait3A_372 = arith.constant 0 : i32
        %dma_wait3A_373 = tpu.memref_slice %arg6[%add3A_363, %dma_wait3A_372] : memref<56x128xi32, #tpu.memory_space<vmem>> -> memref<1x128xi32, #tpu.memory_space<vmem>>
        %dma_wait3A_374 = tpu.memref_squeeze %dma_wait3A_373 : memref<1x128xi32, #tpu.memory_space<vmem>> -> memref<128xi32, #tpu.memory_space<vmem>>
        %dma_wait3A_375 = arith.constant 0 : i32
        %dma_wait3A_376 = arith.constant 0 : i32
        %dma_wait3A_377 = tpu.memref_slice %arg2[%dma_wait3A_375, %dma_wait3A_376] : memref<52000x32xf32, #tpu.memory_space<hbm>> -> memref<52000x32xf32, #tpu.memory_space<hbm>>
        %dma_wait3A_378 = tpu.memref_slice %arg11[%select_n3A_339] : memref<2x!tpu.dma_semaphore, #tpu.memory_space<semaphore_mem>> -> memref<1x!tpu.dma_semaphore, #tpu.memory_space<semaphore_mem>>
        %dma_wait3A_379 = tpu.memref_squeeze %dma_wait3A_378 : memref<1x!tpu.dma_semaphore, #tpu.memory_space<semaphore_mem>> -> memref<!tpu.dma_semaphore, #tpu.memory_space<semaphore_mem>>
        tpu.wait_indirect_dma semaphore(%dma_wait3A_379 : memref<!tpu.dma_semaphore, #tpu.memory_space<semaphore_mem>>) src(%dma_wait3A_377 : memref<52000x32xf32, #tpu.memory_space<hbm>>) dst(%dma_wait3A_371 : memref<128x32xf32, #tpu.memory_space<vmem>>)
        %mul3A_380 = arith.constant 8 : i32
        %mul3A_381 = arith.muli %scan3A_329, %mul3A_380 : i32
        %add3A_382 = arith.constant 2 : i32
        %add3A_383 = arith.addi %mul3A_381, %add3A_382 : i32
        %mul3A_384 = arith.constant 8 : i32
        %mul3A_385 = arith.muli %select_n3A_339, %mul3A_384 : i32
        %add3A_386 = arith.constant 2 : i32
        %add3A_387 = arith.addi %mul3A_385, %add3A_386 : i32
        %dma_wait3A_388 = arith.constant 0 : i32
        %dma_wait3A_389 = arith.constant 0 : i32
        %dma_wait3A_390 = tpu.memref_slice %arg8[%add3A_387, %dma_wait3A_388, %dma_wait3A_389] : memref<16x128x32xf32, #tpu.memory_space<vmem>> -> memref<1x128x32xf32, #tpu.memory_space<vmem>>
        %dma_wait3A_391 = tpu.memref_squeeze %dma_wait3A_390 : memref<1x128x32xf32, #tpu.memory_space<vmem>> -> memref<128x32xf32, #tpu.memory_space<vmem>>
        %dma_wait3A_392 = arith.constant 0 : i32
        %dma_wait3A_393 = tpu.memref_slice %arg6[%add3A_383, %dma_wait3A_392] : memref<56x128xi32, #tpu.memory_space<vmem>> -> memref<1x128xi32, #tpu.memory_space<vmem>>
        %dma_wait3A_394 = tpu.memref_squeeze %dma_wait3A_393 : memref<1x128xi32, #tpu.memory_space<vmem>> -> memref<128xi32, #tpu.memory_space<vmem>>
        %dma_wait3A_395 = arith.constant 0 : i32
        %dma_wait3A_396 = arith.constant 0 : i32
        %dma_wait3A_397 = tpu.memref_slice %arg2[%dma_wait3A_395, %dma_wait3A_396] : memref<52000x32xf32, #tpu.memory_space<hbm>> -> memref<52000x32xf32, #tpu.memory_space<hbm>>
        %dma_wait3A_398 = tpu.memref_slice %arg11[%select_n3A_339] : memref<2x!tpu.dma_semaphore, #tpu.memory_space<semaphore_mem>> -> memref<1x!tpu.dma_semaphore, #tpu.memory_space<semaphore_mem>>
        %dma_wait3A_399 = tpu.memref_squeeze %dma_wait3A_398 : memref<1x!tpu.dma_semaphore, #tpu.memory_space<semaphore_mem>> -> memref<!tpu.dma_semaphore, #tpu.memory_space<semaphore_mem>>
        tpu.wait_indirect_dma semaphore(%dma_wait3A_399 : memref<!tpu.dma_semaphore, #tpu.memory_space<semaphore_mem>>) src(%dma_wait3A_397 : memref<52000x32xf32, #tpu.memory_space<hbm>>) dst(%dma_wait3A_391 : memref<128x32xf32, #tpu.memory_space<vmem>>)
        %mul3A_400 = arith.constant 8 : i32
        %mul3A_401 = arith.muli %scan3A_329, %mul3A_400 : i32
        %add3A_402 = arith.constant 3 : i32
        %add3A_403 = arith.addi %mul3A_401, %add3A_402 : i32
        %mul3A_404 = arith.constant 8 : i32
        %mul3A_405 = arith.muli %select_n3A_339, %mul3A_404 : i32
        %add3A_406 = arith.constant 3 : i32
        %add3A_407 = arith.addi %mul3A_405, %add3A_406 : i32
        %dma_wait3A_408 = arith.constant 0 : i32
        %dma_wait3A_409 = arith.constant 0 : i32
        %dma_wait3A_410 = tpu.memref_slice %arg8[%add3A_407, %dma_wait3A_408, %dma_wait3A_409] : memref<16x128x32xf32, #tpu.memory_space<vmem>> -> memref<1x128x32xf32, #tpu.memory_space<vmem>>
        %dma_wait3A_411 = tpu.memref_squeeze %dma_wait3A_410 : memref<1x128x32xf32, #tpu.memory_space<vmem>> -> memref<128x32xf32, #tpu.memory_space<vmem>>
        %dma_wait3A_412 = arith.constant 0 : i32
        %dma_wait3A_413 = tpu.memref_slice %arg6[%add3A_403, %dma_wait3A_412] : memref<56x128xi32, #tpu.memory_space<vmem>> -> memref<1x128xi32, #tpu.memory_space<vmem>>
        %dma_wait3A_414 = tpu.memref_squeeze %dma_wait3A_413 : memref<1x128xi32, #tpu.memory_space<vmem>> -> memref<128xi32, #tpu.memory_space<vmem>>
        %dma_wait3A_415 = arith.constant 0 : i32
        %dma_wait3A_416 = arith.constant 0 : i32
        %dma_wait3A_417 = tpu.memref_slice %arg2[%dma_wait3A_415, %dma_wait3A_416] : memref<52000x32xf32, #tpu.memory_space<hbm>> -> memref<52000x32xf32, #tpu.memory_space<hbm>>
        %dma_wait3A_418 = tpu.memref_slice %arg11[%select_n3A_339] : memref<2x!tpu.dma_semaphore, #tpu.memory_space<semaphore_mem>> -> memref<1x!tpu.dma_semaphore, #tpu.memory_space<semaphore_mem>>
        %dma_wait3A_419 = tpu.memref_squeeze %dma_wait3A_418 : memref<1x!tpu.dma_semaphore, #tpu.memory_space<semaphore_mem>> -> memref<!tpu.dma_semaphore, #tpu.memory_space<semaphore_mem>>
        tpu.wait_indirect_dma semaphore(%dma_wait3A_419 : memref<!tpu.dma_semaphore, #tpu.memory_space<semaphore_mem>>) src(%dma_wait3A_417 : memref<52000x32xf32, #tpu.memory_space<hbm>>) dst(%dma_wait3A_411 : memref<128x32xf32, #tpu.memory_space<vmem>>)
        %mul3A_420 = arith.constant 8 : i32
        %mul3A_421 = arith.muli %scan3A_329, %mul3A_420 : i32
        %add3A_422 = arith.constant 4 : i32
        %add3A_423 = arith.addi %mul3A_421, %add3A_422 : i32
        %mul3A_424 = arith.constant 8 : i32
        %mul3A_425 = arith.muli %select_n3A_339, %mul3A_424 : i32
        %add3A_426 = arith.constant 4 : i32
        %add3A_427 = arith.addi %mul3A_425, %add3A_426 : i32
        %dma_wait3A_428 = arith.constant 0 : i32
        %dma_wait3A_429 = arith.constant 0 : i32
        %dma_wait3A_430 = tpu.memref_slice %arg8[%add3A_427, %dma_wait3A_428, %dma_wait3A_429] : memref<16x128x32xf32, #tpu.memory_space<vmem>> -> memref<1x128x32xf32, #tpu.memory_space<vmem>>
        %dma_wait3A_431 = tpu.memref_squeeze %dma_wait3A_430 : memref<1x128x32xf32, #tpu.memory_space<vmem>> -> memref<128x32xf32, #tpu.memory_space<vmem>>
        %dma_wait3A_432 = arith.constant 0 : i32
        %dma_wait3A_433 = tpu.memref_slice %arg6[%add3A_423, %dma_wait3A_432] : memref<56x128xi32, #tpu.memory_space<vmem>> -> memref<1x128xi32, #tpu.memory_space<vmem>>
        %dma_wait3A_434 = tpu.memref_squeeze %dma_wait3A_433 : memref<1x128xi32, #tpu.memory_space<vmem>> -> memref<128xi32, #tpu.memory_space<vmem>>
        %dma_wait3A_435 = arith.constant 0 : i32
        %dma_wait3A_436 = arith.constant 0 : i32
        %dma_wait3A_437 = tpu.memref_slice %arg2[%dma_wait3A_435, %dma_wait3A_436] : memref<52000x32xf32, #tpu.memory_space<hbm>> -> memref<52000x32xf32, #tpu.memory_space<hbm>>
        %dma_wait3A_438 = tpu.memref_slice %arg11[%select_n3A_339] : memref<2x!tpu.dma_semaphore, #tpu.memory_space<semaphore_mem>> -> memref<1x!tpu.dma_semaphore, #tpu.memory_space<semaphore_mem>>
        %dma_wait3A_439 = tpu.memref_squeeze %dma_wait3A_438 : memref<1x!tpu.dma_semaphore, #tpu.memory_space<semaphore_mem>> -> memref<!tpu.dma_semaphore, #tpu.memory_space<semaphore_mem>>
        tpu.wait_indirect_dma semaphore(%dma_wait3A_439 : memref<!tpu.dma_semaphore, #tpu.memory_space<semaphore_mem>>) src(%dma_wait3A_437 : memref<52000x32xf32, #tpu.memory_space<hbm>>) dst(%dma_wait3A_431 : memref<128x32xf32, #tpu.memory_space<vmem>>)
        %mul3A_440 = arith.constant 8 : i32
        %mul3A_441 = arith.muli %scan3A_329, %mul3A_440 : i32
        %add3A_442 = arith.constant 5 : i32
        %add3A_443 = arith.addi %mul3A_441, %add3A_442 : i32
        %mul3A_444 = arith.constant 8 : i32
        %mul3A_445 = arith.muli %select_n3A_339, %mul3A_444 : i32
        %add3A_446 = arith.constant 5 : i32
        %add3A_447 = arith.addi %mul3A_445, %add3A_446 : i32
        %dma_wait3A_448 = arith.constant 0 : i32
        %dma_wait3A_449 = arith.constant 0 : i32
        %dma_wait3A_450 = tpu.memref_slice %arg8[%add3A_447, %dma_wait3A_448, %dma_wait3A_449] : memref<16x128x32xf32, #tpu.memory_space<vmem>> -> memref<1x128x32xf32, #tpu.memory_space<vmem>>
        %dma_wait3A_451 = tpu.memref_squeeze %dma_wait3A_450 : memref<1x128x32xf32, #tpu.memory_space<vmem>> -> memref<128x32xf32, #tpu.memory_space<vmem>>
        %dma_wait3A_452 = arith.constant 0 : i32
        %dma_wait3A_453 = tpu.memref_slice %arg6[%add3A_443, %dma_wait3A_452] : memref<56x128xi32, #tpu.memory_space<vmem>> -> memref<1x128xi32, #tpu.memory_space<vmem>>
        %dma_wait3A_454 = tpu.memref_squeeze %dma_wait3A_453 : memref<1x128xi32, #tpu.memory_space<vmem>> -> memref<128xi32, #tpu.memory_space<vmem>>
        %dma_wait3A_455 = arith.constant 0 : i32
        %dma_wait3A_456 = arith.constant 0 : i32
        %dma_wait3A_457 = tpu.memref_slice %arg2[%dma_wait3A_455, %dma_wait3A_456] : memref<52000x32xf32, #tpu.memory_space<hbm>> -> memref<52000x32xf32, #tpu.memory_space<hbm>>
        %dma_wait3A_458 = tpu.memref_slice %arg11[%select_n3A_339] : memref<2x!tpu.dma_semaphore, #tpu.memory_space<semaphore_mem>> -> memref<1x!tpu.dma_semaphore, #tpu.memory_space<semaphore_mem>>
        %dma_wait3A_459 = tpu.memref_squeeze %dma_wait3A_458 : memref<1x!tpu.dma_semaphore, #tpu.memory_space<semaphore_mem>> -> memref<!tpu.dma_semaphore, #tpu.memory_space<semaphore_mem>>
        tpu.wait_indirect_dma semaphore(%dma_wait3A_459 : memref<!tpu.dma_semaphore, #tpu.memory_space<semaphore_mem>>) src(%dma_wait3A_457 : memref<52000x32xf32, #tpu.memory_space<hbm>>) dst(%dma_wait3A_451 : memref<128x32xf32, #tpu.memory_space<vmem>>)
        %mul3A_460 = arith.constant 8 : i32
        %mul3A_461 = arith.muli %scan3A_329, %mul3A_460 : i32
        %add3A_462 = arith.constant 6 : i32
        %add3A_463 = arith.addi %mul3A_461, %add3A_462 : i32
        %mul3A_464 = arith.constant 8 : i32
        %mul3A_465 = arith.muli %select_n3A_339, %mul3A_464 : i32
        %add3A_466 = arith.constant 6 : i32
        %add3A_467 = arith.addi %mul3A_465, %add3A_466 : i32
        %dma_wait3A_468 = arith.constant 0 : i32
        %dma_wait3A_469 = arith.constant 0 : i32
        %dma_wait3A_470 = tpu.memref_slice %arg8[%add3A_467, %dma_wait3A_468, %dma_wait3A_469] : memref<16x128x32xf32, #tpu.memory_space<vmem>> -> memref<1x128x32xf32, #tpu.memory_space<vmem>>
        %dma_wait3A_471 = tpu.memref_squeeze %dma_wait3A_470 : memref<1x128x32xf32, #tpu.memory_space<vmem>> -> memref<128x32xf32, #tpu.memory_space<vmem>>
        %dma_wait3A_472 = arith.constant 0 : i32
        %dma_wait3A_473 = tpu.memref_slice %arg6[%add3A_463, %dma_wait3A_472] : memref<56x128xi32, #tpu.memory_space<vmem>> -> memref<1x128xi32, #tpu.memory_space<vmem>>
        %dma_wait3A_474 = tpu.memref_squeeze %dma_wait3A_473 : memref<1x128xi32, #tpu.memory_space<vmem>> -> memref<128xi32, #tpu.memory_space<vmem>>
        %dma_wait3A_475 = arith.constant 0 : i32
        %dma_wait3A_476 = arith.constant 0 : i32
        %dma_wait3A_477 = tpu.memref_slice %arg2[%dma_wait3A_475, %dma_wait3A_476] : memref<52000x32xf32, #tpu.memory_space<hbm>> -> memref<52000x32xf32, #tpu.memory_space<hbm>>
        %dma_wait3A_478 = tpu.memref_slice %arg11[%select_n3A_339] : memref<2x!tpu.dma_semaphore, #tpu.memory_space<semaphore_mem>> -> memref<1x!tpu.dma_semaphore, #tpu.memory_space<semaphore_mem>>
        %dma_wait3A_479 = tpu.memref_squeeze %dma_wait3A_478 : memref<1x!tpu.dma_semaphore, #tpu.memory_space<semaphore_mem>> -> memref<!tpu.dma_semaphore, #tpu.memory_space<semaphore_mem>>
        tpu.wait_indirect_dma semaphore(%dma_wait3A_479 : memref<!tpu.dma_semaphore, #tpu.memory_space<semaphore_mem>>) src(%dma_wait3A_477 : memref<52000x32xf32, #tpu.memory_space<hbm>>) dst(%dma_wait3A_471 : memref<128x32xf32, #tpu.memory_space<vmem>>)
        %mul3A_480 = arith.constant 8 : i32
        %mul3A_481 = arith.muli %scan3A_329, %mul3A_480 : i32
        %add3A_482 = arith.constant 7 : i32
        %add3A_483 = arith.addi %mul3A_481, %add3A_482 : i32
        %mul3A_484 = arith.constant 8 : i32
        %mul3A_485 = arith.muli %select_n3A_339, %mul3A_484 : i32
        %add3A_486 = arith.constant 7 : i32
        %add3A_487 = arith.addi %mul3A_485, %add3A_486 : i32
        %dma_wait3A_488 = arith.constant 0 : i32
        %dma_wait3A_489 = arith.constant 0 : i32
        %dma_wait3A_490 = tpu.memref_slice %arg8[%add3A_487, %dma_wait3A_488, %dma_wait3A_489] : memref<16x128x32xf32, #tpu.memory_space<vmem>> -> memref<1x128x32xf32, #tpu.memory_space<vmem>>
        %dma_wait3A_491 = tpu.memref_squeeze %dma_wait3A_490 : memref<1x128x32xf32, #tpu.memory_space<vmem>> -> memref<128x32xf32, #tpu.memory_space<vmem>>
        %dma_wait3A_492 = arith.constant 0 : i32
        %dma_wait3A_493 = tpu.memref_slice %arg6[%add3A_483, %dma_wait3A_492] : memref<56x128xi32, #tpu.memory_space<vmem>> -> memref<1x128xi32, #tpu.memory_space<vmem>>
        %dma_wait3A_494 = tpu.memref_squeeze %dma_wait3A_493 : memref<1x128xi32, #tpu.memory_space<vmem>> -> memref<128xi32, #tpu.memory_space<vmem>>
        %dma_wait3A_495 = arith.constant 0 : i32
        %dma_wait3A_496 = arith.constant 0 : i32
        %dma_wait3A_497 = tpu.memref_slice %arg2[%dma_wait3A_495, %dma_wait3A_496] : memref<52000x32xf32, #tpu.memory_space<hbm>> -> memref<52000x32xf32, #tpu.memory_space<hbm>>
        %dma_wait3A_498 = tpu.memref_slice %arg11[%select_n3A_339] : memref<2x!tpu.dma_semaphore, #tpu.memory_space<semaphore_mem>> -> memref<1x!tpu.dma_semaphore, #tpu.memory_space<semaphore_mem>>
        %dma_wait3A_499 = tpu.memref_squeeze %dma_wait3A_498 : memref<1x!tpu.dma_semaphore, #tpu.memory_space<semaphore_mem>> -> memref<!tpu.dma_semaphore, #tpu.memory_space<semaphore_mem>>
        tpu.wait_indirect_dma semaphore(%dma_wait3A_499 : memref<!tpu.dma_semaphore, #tpu.memory_space<semaphore_mem>>) src(%dma_wait3A_497 : memref<52000x32xf32, #tpu.memory_space<hbm>>) dst(%dma_wait3A_491 : memref<128x32xf32, #tpu.memory_space<vmem>>)
        %mul3A_500 = arith.constant 8 : i32
        %mul3A_501 = arith.muli %select_n3A_339, %mul3A_500 : i32
        %add3A_502 = arith.constant 0 : i32
        %add3A_503 = arith.addi %mul3A_501, %add3A_502 : i32
        %mul3A_504 = arith.constant 8 : i32
        %mul3A_505 = arith.muli %scan3A_329, %mul3A_504 : i32
        %add3A_506 = arith.constant 0 : i32
        %add3A_507 = arith.addi %mul3A_505, %add3A_506 : i32
        %dma_start3A_508 = arith.constant 0 : i32
        %dma_start3A_509 = arith.constant 0 : i32
        %dma_start3A_510 = tpu.memref_slice %arg8[%add3A_503, %dma_start3A_508, %dma_start3A_509] : memref<16x128x32xf32, #tpu.memory_space<vmem>> -> memref<1x128x32xf32, #tpu.memory_space<vmem>>
        %dma_start3A_511 = tpu.memref_squeeze %dma_start3A_510 : memref<1x128x32xf32, #tpu.memory_space<vmem>> -> memref<128x32xf32, #tpu.memory_space<vmem>>
        %dma_start3A_512 = arith.constant 0 : i32
        %dma_start3A_513 = tpu.memref_slice %arg7[%add3A_507, %dma_start3A_512] : memref<56x128xi32, #tpu.memory_space<vmem>> -> memref<1x128xi32, #tpu.memory_space<vmem>>
        %dma_start3A_514 = tpu.memref_squeeze %dma_start3A_513 : memref<1x128xi32, #tpu.memory_space<vmem>> -> memref<128xi32, #tpu.memory_space<vmem>>
        %dma_start3A_515 = arith.constant 0 : i32
        %dma_start3A_516 = arith.constant 0 : i32
        %dma_start3A_517 = tpu.memref_slice %arg10[%dma_start3A_515, %dma_start3A_516] : memref<10240x32xf32, #tpu.memory_space<vmem_shared>> -> memref<10240x32xf32, #tpu.memory_space<vmem_shared>>
        %dma_start3A_518 = tpu.memref_slice %arg12[%select_n3A_339] : memref<2x!tpu.dma_semaphore, #tpu.memory_space<semaphore_mem>> -> memref<1x!tpu.dma_semaphore, #tpu.memory_space<semaphore_mem>>
        %dma_start3A_519 = tpu.memref_squeeze %dma_start3A_518 : memref<1x!tpu.dma_semaphore, #tpu.memory_space<semaphore_mem>> -> memref<!tpu.dma_semaphore, #tpu.memory_space<semaphore_mem>>
        tpu.enqueue_indirect_dma source(%dma_start3A_511 : memref<128x32xf32, #tpu.memory_space<vmem>>) target(%dma_start3A_517 : memref<10240x32xf32, #tpu.memory_space<vmem_shared>>) offsets(%dma_start3A_514 : memref<128xi32, #tpu.memory_space<vmem>>) semaphore(%dma_start3A_519 : memref<!tpu.dma_semaphore, #tpu.memory_space<semaphore_mem>>) {add = true}
        %mul3A_520 = arith.constant 8 : i32
        %mul3A_521 = arith.muli %select_n3A_339, %mul3A_520 : i32
        %add3A_522 = arith.constant 1 : i32
        %add3A_523 = arith.addi %mul3A_521, %add3A_522 : i32
        %mul3A_524 = arith.constant 8 : i32
        %mul3A_525 = arith.muli %scan3A_329, %mul3A_524 : i32
        %add3A_526 = arith.constant 1 : i32
        %add3A_527 = arith.addi %mul3A_525, %add3A_526 : i32
        %dma_start3A_528 = arith.constant 0 : i32
        %dma_start3A_529 = arith.constant 0 : i32
        %dma_start3A_530 = tpu.memref_slice %arg8[%add3A_523, %dma_start3A_528, %dma_start3A_529] : memref<16x128x32xf32, #tpu.memory_space<vmem>> -> memref<1x128x32xf32, #tpu.memory_space<vmem>>
        %dma_start3A_531 = tpu.memref_squeeze %dma_start3A_530 : memref<1x128x32xf32, #tpu.memory_space<vmem>> -> memref<128x32xf32, #tpu.memory_space<vmem>>
        %dma_start3A_532 = arith.constant 0 : i32
        %dma_start3A_533 = tpu.memref_slice %arg7[%add3A_527, %dma_start3A_532] : memref<56x128xi32, #tpu.memory_space<vmem>> -> memref<1x128xi32, #tpu.memory_space<vmem>>
        %dma_start3A_534 = tpu.memref_squeeze %dma_start3A_533 : memref<1x128xi32, #tpu.memory_space<vmem>> -> memref<128xi32, #tpu.memory_space<vmem>>
        %dma_start3A_535 = arith.constant 0 : i32
        %dma_start3A_536 = arith.constant 0 : i32
        %dma_start3A_537 = tpu.memref_slice %arg10[%dma_start3A_535, %dma_start3A_536] : memref<10240x32xf32, #tpu.memory_space<vmem_shared>> -> memref<10240x32xf32, #tpu.memory_space<vmem_shared>>
        %dma_start3A_538 = tpu.memref_slice %arg12[%select_n3A_339] : memref<2x!tpu.dma_semaphore, #tpu.memory_space<semaphore_mem>> -> memref<1x!tpu.dma_semaphore, #tpu.memory_space<semaphore_mem>>
        %dma_start3A_539 = tpu.memref_squeeze %dma_start3A_538 : memref<1x!tpu.dma_semaphore, #tpu.memory_space<semaphore_mem>> -> memref<!tpu.dma_semaphore, #tpu.memory_space<semaphore_mem>>
        tpu.enqueue_indirect_dma source(%dma_start3A_531 : memref<128x32xf32, #tpu.memory_space<vmem>>) target(%dma_start3A_537 : memref<10240x32xf32, #tpu.memory_space<vmem_shared>>) offsets(%dma_start3A_534 : memref<128xi32, #tpu.memory_space<vmem>>) semaphore(%dma_start3A_539 : memref<!tpu.dma_semaphore, #tpu.memory_space<semaphore_mem>>) {add = true}
        %mul3A_540 = arith.constant 8 : i32
        %mul3A_541 = arith.muli %select_n3A_339, %mul3A_540 : i32
        %add3A_542 = arith.constant 2 : i32
        %add3A_543 = arith.addi %mul3A_541, %add3A_542 : i32
        %mul3A_544 = arith.constant 8 : i32
        %mul3A_545 = arith.muli %scan3A_329, %mul3A_544 : i32
        %add3A_546 = arith.constant 2 : i32
        %add3A_547 = arith.addi %mul3A_545, %add3A_546 : i32
        %dma_start3A_548 = arith.constant 0 : i32
        %dma_start3A_549 = arith.constant 0 : i32
        %dma_start3A_550 = tpu.memref_slice %arg8[%add3A_543, %dma_start3A_548, %dma_start3A_549] : memref<16x128x32xf32, #tpu.memory_space<vmem>> -> memref<1x128x32xf32, #tpu.memory_space<vmem>>
        %dma_start3A_551 = tpu.memref_squeeze %dma_start3A_550 : memref<1x128x32xf32, #tpu.memory_space<vmem>> -> memref<128x32xf32, #tpu.memory_space<vmem>>
        %dma_start3A_552 = arith.constant 0 : i32
        %dma_start3A_553 = tpu.memref_slice %arg7[%add3A_547, %dma_start3A_552] : memref<56x128xi32, #tpu.memory_space<vmem>> -> memref<1x128xi32, #tpu.memory_space<vmem>>
        %dma_start3A_554 = tpu.memref_squeeze %dma_start3A_553 : memref<1x128xi32, #tpu.memory_space<vmem>> -> memref<128xi32, #tpu.memory_space<vmem>>
        %dma_start3A_555 = arith.constant 0 : i32
        %dma_start3A_556 = arith.constant 0 : i32
        %dma_start3A_557 = tpu.memref_slice %arg10[%dma_start3A_555, %dma_start3A_556] : memref<10240x32xf32, #tpu.memory_space<vmem_shared>> -> memref<10240x32xf32, #tpu.memory_space<vmem_shared>>
        %dma_start3A_558 = tpu.memref_slice %arg12[%select_n3A_339] : memref<2x!tpu.dma_semaphore, #tpu.memory_space<semaphore_mem>> -> memref<1x!tpu.dma_semaphore, #tpu.memory_space<semaphore_mem>>
        %dma_start3A_559 = tpu.memref_squeeze %dma_start3A_558 : memref<1x!tpu.dma_semaphore, #tpu.memory_space<semaphore_mem>> -> memref<!tpu.dma_semaphore, #tpu.memory_space<semaphore_mem>>
        tpu.enqueue_indirect_dma source(%dma_start3A_551 : memref<128x32xf32, #tpu.memory_space<vmem>>) target(%dma_start3A_557 : memref<10240x32xf32, #tpu.memory_space<vmem_shared>>) offsets(%dma_start3A_554 : memref<128xi32, #tpu.memory_space<vmem>>) semaphore(%dma_start3A_559 : memref<!tpu.dma_semaphore, #tpu.memory_space<semaphore_mem>>) {add = true}
        %mul3A_560 = arith.constant 8 : i32
        %mul3A_561 = arith.muli %select_n3A_339, %mul3A_560 : i32
        %add3A_562 = arith.constant 3 : i32
        %add3A_563 = arith.addi %mul3A_561, %add3A_562 : i32
        %mul3A_564 = arith.constant 8 : i32
        %mul3A_565 = arith.muli %scan3A_329, %mul3A_564 : i32
        %add3A_566 = arith.constant 3 : i32
        %add3A_567 = arith.addi %mul3A_565, %add3A_566 : i32
        %dma_start3A_568 = arith.constant 0 : i32
        %dma_start3A_569 = arith.constant 0 : i32
        %dma_start3A_570 = tpu.memref_slice %arg8[%add3A_563, %dma_start3A_568, %dma_start3A_569] : memref<16x128x32xf32, #tpu.memory_space<vmem>> -> memref<1x128x32xf32, #tpu.memory_space<vmem>>
        %dma_start3A_571 = tpu.memref_squeeze %dma_start3A_570 : memref<1x128x32xf32, #tpu.memory_space<vmem>> -> memref<128x32xf32, #tpu.memory_space<vmem>>
        %dma_start3A_572 = arith.constant 0 : i32
        %dma_start3A_573 = tpu.memref_slice %arg7[%add3A_567, %dma_start3A_572] : memref<56x128xi32, #tpu.memory_space<vmem>> -> memref<1x128xi32, #tpu.memory_space<vmem>>
        %dma_start3A_574 = tpu.memref_squeeze %dma_start3A_573 : memref<1x128xi32, #tpu.memory_space<vmem>> -> memref<128xi32, #tpu.memory_space<vmem>>
        %dma_start3A_575 = arith.constant 0 : i32
        %dma_start3A_576 = arith.constant 0 : i32
        %dma_start3A_577 = tpu.memref_slice %arg10[%dma_start3A_575, %dma_start3A_576] : memref<10240x32xf32, #tpu.memory_space<vmem_shared>> -> memref<10240x32xf32, #tpu.memory_space<vmem_shared>>
        %dma_start3A_578 = tpu.memref_slice %arg12[%select_n3A_339] : memref<2x!tpu.dma_semaphore, #tpu.memory_space<semaphore_mem>> -> memref<1x!tpu.dma_semaphore, #tpu.memory_space<semaphore_mem>>
        %dma_start3A_579 = tpu.memref_squeeze %dma_start3A_578 : memref<1x!tpu.dma_semaphore, #tpu.memory_space<semaphore_mem>> -> memref<!tpu.dma_semaphore, #tpu.memory_space<semaphore_mem>>
        tpu.enqueue_indirect_dma source(%dma_start3A_571 : memref<128x32xf32, #tpu.memory_space<vmem>>) target(%dma_start3A_577 : memref<10240x32xf32, #tpu.memory_space<vmem_shared>>) offsets(%dma_start3A_574 : memref<128xi32, #tpu.memory_space<vmem>>) semaphore(%dma_start3A_579 : memref<!tpu.dma_semaphore, #tpu.memory_space<semaphore_mem>>) {add = true}
        %mul3A_580 = arith.constant 8 : i32
        %mul3A_581 = arith.muli %select_n3A_339, %mul3A_580 : i32
        %add3A_582 = arith.constant 4 : i32
        %add3A_583 = arith.addi %mul3A_581, %add3A_582 : i32
        %mul3A_584 = arith.constant 8 : i32
        %mul3A_585 = arith.muli %scan3A_329, %mul3A_584 : i32
        %add3A_586 = arith.constant 4 : i32
        %add3A_587 = arith.addi %mul3A_585, %add3A_586 : i32
        %dma_start3A_588 = arith.constant 0 : i32
        %dma_start3A_589 = arith.constant 0 : i32
        %dma_start3A_590 = tpu.memref_slice %arg8[%add3A_583, %dma_start3A_588, %dma_start3A_589] : memref<16x128x32xf32, #tpu.memory_space<vmem>> -> memref<1x128x32xf32, #tpu.memory_space<vmem>>
        %dma_start3A_591 = tpu.memref_squeeze %dma_start3A_590 : memref<1x128x32xf32, #tpu.memory_space<vmem>> -> memref<128x32xf32, #tpu.memory_space<vmem>>
        %dma_start3A_592 = arith.constant 0 : i32
        %dma_start3A_593 = tpu.memref_slice %arg7[%add3A_587, %dma_start3A_592] : memref<56x128xi32, #tpu.memory_space<vmem>> -> memref<1x128xi32, #tpu.memory_space<vmem>>
        %dma_start3A_594 = tpu.memref_squeeze %dma_start3A_593 : memref<1x128xi32, #tpu.memory_space<vmem>> -> memref<128xi32, #tpu.memory_space<vmem>>
        %dma_start3A_595 = arith.constant 0 : i32
        %dma_start3A_596 = arith.constant 0 : i32
        %dma_start3A_597 = tpu.memref_slice %arg10[%dma_start3A_595, %dma_start3A_596] : memref<10240x32xf32, #tpu.memory_space<vmem_shared>> -> memref<10240x32xf32, #tpu.memory_space<vmem_shared>>
        %dma_start3A_598 = tpu.memref_slice %arg12[%select_n3A_339] : memref<2x!tpu.dma_semaphore, #tpu.memory_space<semaphore_mem>> -> memref<1x!tpu.dma_semaphore, #tpu.memory_space<semaphore_mem>>
        %dma_start3A_599 = tpu.memref_squeeze %dma_start3A_598 : memref<1x!tpu.dma_semaphore, #tpu.memory_space<semaphore_mem>> -> memref<!tpu.dma_semaphore, #tpu.memory_space<semaphore_mem>>
        tpu.enqueue_indirect_dma source(%dma_start3A_591 : memref<128x32xf32, #tpu.memory_space<vmem>>) target(%dma_start3A_597 : memref<10240x32xf32, #tpu.memory_space<vmem_shared>>) offsets(%dma_start3A_594 : memref<128xi32, #tpu.memory_space<vmem>>) semaphore(%dma_start3A_599 : memref<!tpu.dma_semaphore, #tpu.memory_space<semaphore_mem>>) {add = true}
        %mul3A_600 = arith.constant 8 : i32
        %mul3A_601 = arith.muli %select_n3A_339, %mul3A_600 : i32
        %add3A_602 = arith.constant 5 : i32
        %add3A_603 = arith.addi %mul3A_601, %add3A_602 : i32
        %mul3A_604 = arith.constant 8 : i32
        %mul3A_605 = arith.muli %scan3A_329, %mul3A_604 : i32
        %add3A_606 = arith.constant 5 : i32
        %add3A_607 = arith.addi %mul3A_605, %add3A_606 : i32
        %dma_start3A_608 = arith.constant 0 : i32
        %dma_start3A_609 = arith.constant 0 : i32
        %dma_start3A_610 = tpu.memref_slice %arg8[%add3A_603, %dma_start3A_608, %dma_start3A_609] : memref<16x128x32xf32, #tpu.memory_space<vmem>> -> memref<1x128x32xf32, #tpu.memory_space<vmem>>
        %dma_start3A_611 = tpu.memref_squeeze %dma_start3A_610 : memref<1x128x32xf32, #tpu.memory_space<vmem>> -> memref<128x32xf32, #tpu.memory_space<vmem>>
        %dma_start3A_612 = arith.constant 0 : i32
        %dma_start3A_613 = tpu.memref_slice %arg7[%add3A_607, %dma_start3A_612] : memref<56x128xi32, #tpu.memory_space<vmem>> -> memref<1x128xi32, #tpu.memory_space<vmem>>
        %dma_start3A_614 = tpu.memref_squeeze %dma_start3A_613 : memref<1x128xi32, #tpu.memory_space<vmem>> -> memref<128xi32, #tpu.memory_space<vmem>>
        %dma_start3A_615 = arith.constant 0 : i32
        %dma_start3A_616 = arith.constant 0 : i32
        %dma_start3A_617 = tpu.memref_slice %arg10[%dma_start3A_615, %dma_start3A_616] : memref<10240x32xf32, #tpu.memory_space<vmem_shared>> -> memref<10240x32xf32, #tpu.memory_space<vmem_shared>>
        %dma_start3A_618 = tpu.memref_slice %arg12[%select_n3A_339] : memref<2x!tpu.dma_semaphore, #tpu.memory_space<semaphore_mem>> -> memref<1x!tpu.dma_semaphore, #tpu.memory_space<semaphore_mem>>
        %dma_start3A_619 = tpu.memref_squeeze %dma_start3A_618 : memref<1x!tpu.dma_semaphore, #tpu.memory_space<semaphore_mem>> -> memref<!tpu.dma_semaphore, #tpu.memory_space<semaphore_mem>>
        tpu.enqueue_indirect_dma source(%dma_start3A_611 : memref<128x32xf32, #tpu.memory_space<vmem>>) target(%dma_start3A_617 : memref<10240x32xf32, #tpu.memory_space<vmem_shared>>) offsets(%dma_start3A_614 : memref<128xi32, #tpu.memory_space<vmem>>) semaphore(%dma_start3A_619 : memref<!tpu.dma_semaphore, #tpu.memory_space<semaphore_mem>>) {add = true}
        %mul3A_620 = arith.constant 8 : i32
        %mul3A_621 = arith.muli %select_n3A_339, %mul3A_620 : i32
        %add3A_622 = arith.constant 6 : i32
        %add3A_623 = arith.addi %mul3A_621, %add3A_622 : i32
        %mul3A_624 = arith.constant 8 : i32
        %mul3A_625 = arith.muli %scan3A_329, %mul3A_624 : i32
        %add3A_626 = arith.constant 6 : i32
        %add3A_627 = arith.addi %mul3A_625, %add3A_626 : i32
        %dma_start3A_628 = arith.constant 0 : i32
        %dma_start3A_629 = arith.constant 0 : i32
        %dma_start3A_630 = tpu.memref_slice %arg8[%add3A_623, %dma_start3A_628, %dma_start3A_629] : memref<16x128x32xf32, #tpu.memory_space<vmem>> -> memref<1x128x32xf32, #tpu.memory_space<vmem>>
        %dma_start3A_631 = tpu.memref_squeeze %dma_start3A_630 : memref<1x128x32xf32, #tpu.memory_space<vmem>> -> memref<128x32xf32, #tpu.memory_space<vmem>>
        %dma_start3A_632 = arith.constant 0 : i32
        %dma_start3A_633 = tpu.memref_slice %arg7[%add3A_627, %dma_start3A_632] : memref<56x128xi32, #tpu.memory_space<vmem>> -> memref<1x128xi32, #tpu.memory_space<vmem>>
        %dma_start3A_634 = tpu.memref_squeeze %dma_start3A_633 : memref<1x128xi32, #tpu.memory_space<vmem>> -> memref<128xi32, #tpu.memory_space<vmem>>
        %dma_start3A_635 = arith.constant 0 : i32
        %dma_start3A_636 = arith.constant 0 : i32
        %dma_start3A_637 = tpu.memref_slice %arg10[%dma_start3A_635, %dma_start3A_636] : memref<10240x32xf32, #tpu.memory_space<vmem_shared>> -> memref<10240x32xf32, #tpu.memory_space<vmem_shared>>
        %dma_start3A_638 = tpu.memref_slice %arg12[%select_n3A_339] : memref<2x!tpu.dma_semaphore, #tpu.memory_space<semaphore_mem>> -> memref<1x!tpu.dma_semaphore, #tpu.memory_space<semaphore_mem>>
        %dma_start3A_639 = tpu.memref_squeeze %dma_start3A_638 : memref<1x!tpu.dma_semaphore, #tpu.memory_space<semaphore_mem>> -> memref<!tpu.dma_semaphore, #tpu.memory_space<semaphore_mem>>
        tpu.enqueue_indirect_dma source(%dma_start3A_631 : memref<128x32xf32, #tpu.memory_space<vmem>>) target(%dma_start3A_637 : memref<10240x32xf32, #tpu.memory_space<vmem_shared>>) offsets(%dma_start3A_634 : memref<128xi32, #tpu.memory_space<vmem>>) semaphore(%dma_start3A_639 : memref<!tpu.dma_semaphore, #tpu.memory_space<semaphore_mem>>) {add = true}
        %mul3A_640 = arith.constant 8 : i32
        %mul3A_641 = arith.muli %select_n3A_339, %mul3A_640 : i32
        %add3A_642 = arith.constant 7 : i32
        %add3A_643 = arith.addi %mul3A_641, %add3A_642 : i32
        %mul3A_644 = arith.constant 8 : i32
        %mul3A_645 = arith.muli %scan3A_329, %mul3A_644 : i32
        %add3A_646 = arith.constant 7 : i32
        %add3A_647 = arith.addi %mul3A_645, %add3A_646 : i32
        %dma_start3A_648 = arith.constant 0 : i32
        %dma_start3A_649 = arith.constant 0 : i32
        %dma_start3A_650 = tpu.memref_slice %arg8[%add3A_643, %dma_start3A_648, %dma_start3A_649] : memref<16x128x32xf32, #tpu.memory_space<vmem>> -> memref<1x128x32xf32, #tpu.memory_space<vmem>>
        %dma_start3A_651 = tpu.memref_squeeze %dma_start3A_650 : memref<1x128x32xf32, #tpu.memory_space<vmem>> -> memref<128x32xf32, #tpu.memory_space<vmem>>
        %dma_start3A_652 = arith.constant 0 : i32
        %dma_start3A_653 = tpu.memref_slice %arg7[%add3A_647, %dma_start3A_652] : memref<56x128xi32, #tpu.memory_space<vmem>> -> memref<1x128xi32, #tpu.memory_space<vmem>>
        %dma_start3A_654 = tpu.memref_squeeze %dma_start3A_653 : memref<1x128xi32, #tpu.memory_space<vmem>> -> memref<128xi32, #tpu.memory_space<vmem>>
        %dma_start3A_655 = arith.constant 0 : i32
        %dma_start3A_656 = arith.constant 0 : i32
        %dma_start3A_657 = tpu.memref_slice %arg10[%dma_start3A_655, %dma_start3A_656] : memref<10240x32xf32, #tpu.memory_space<vmem_shared>> -> memref<10240x32xf32, #tpu.memory_space<vmem_shared>>
        %dma_start3A_658 = tpu.memref_slice %arg12[%select_n3A_339] : memref<2x!tpu.dma_semaphore, #tpu.memory_space<semaphore_mem>> -> memref<1x!tpu.dma_semaphore, #tpu.memory_space<semaphore_mem>>
        %dma_start3A_659 = tpu.memref_squeeze %dma_start3A_658 : memref<1x!tpu.dma_semaphore, #tpu.memory_space<semaphore_mem>> -> memref<!tpu.dma_semaphore, #tpu.memory_space<semaphore_mem>>
        tpu.enqueue_indirect_dma source(%dma_start3A_651 : memref<128x32xf32, #tpu.memory_space<vmem>>) target(%dma_start3A_657 : memref<10240x32xf32, #tpu.memory_space<vmem_shared>>) offsets(%dma_start3A_654 : memref<128xi32, #tpu.memory_space<vmem>>) semaphore(%dma_start3A_659 : memref<!tpu.dma_semaphore, #tpu.memory_space<semaphore_mem>>) {add = true}
        %ge3A = arith.constant 1 : i32
        %ge3A_660 = arith.cmpi sge, %scan3A_329, %ge3A : i32
        %convert_element_type3A_661 = arith.extui %ge3A_660 : i1 to i32
        %cond3A_662 = arith.constant 0 : i32
        %cond3A_663 = arith.cmpi ne, %convert_element_type3A_661, %cond3A_662 : i32
        scf.if %cond3A_663 {
          %sub3A = arith.constant 1 : i32
          %sub3A_671 = arith.subi %scan3A_329, %sub3A : i32
          %sub3A_672 = arith.constant 1 : i32
          %sub3A_673 = arith.subi %sub3A_672, %select_n3A_339 : i32
          %mul3A_674 = arith.constant 8 : i32
          %mul3A_675 = arith.muli %sub3A_673, %mul3A_674 : i32
          %add3A_676 = arith.constant 0 : i32
          %add3A_677 = arith.addi %mul3A_675, %add3A_676 : i32
          %mul3A_678 = arith.constant 8 : i32
          %mul3A_679 = arith.muli %sub3A_671, %mul3A_678 : i32
          %add3A_680 = arith.constant 0 : i32
          %add3A_681 = arith.addi %mul3A_679, %add3A_680 : i32
          %dma_wait3A_682 = arith.constant 0 : i32
          %dma_wait3A_683 = arith.constant 0 : i32
          %dma_wait3A_684 = tpu.memref_slice %arg8[%add3A_677, %dma_wait3A_682, %dma_wait3A_683] : memref<16x128x32xf32, #tpu.memory_space<vmem>> -> memref<1x128x32xf32, #tpu.memory_space<vmem>>
          %dma_wait3A_685 = tpu.memref_squeeze %dma_wait3A_684 : memref<1x128x32xf32, #tpu.memory_space<vmem>> -> memref<128x32xf32, #tpu.memory_space<vmem>>
          %dma_wait3A_686 = arith.constant 0 : i32
          %dma_wait3A_687 = tpu.memref_slice %arg7[%add3A_681, %dma_wait3A_686] : memref<56x128xi32, #tpu.memory_space<vmem>> -> memref<1x128xi32, #tpu.memory_space<vmem>>
          %dma_wait3A_688 = tpu.memref_squeeze %dma_wait3A_687 : memref<1x128xi32, #tpu.memory_space<vmem>> -> memref<128xi32, #tpu.memory_space<vmem>>
          %dma_wait3A_689 = arith.constant 0 : i32
          %dma_wait3A_690 = arith.constant 0 : i32
          %dma_wait3A_691 = tpu.memref_slice %arg10[%dma_wait3A_689, %dma_wait3A_690] : memref<10240x32xf32, #tpu.memory_space<vmem_shared>> -> memref<10240x32xf32, #tpu.memory_space<vmem_shared>>
          %dma_wait3A_692 = tpu.memref_slice %arg12[%sub3A_673] : memref<2x!tpu.dma_semaphore, #tpu.memory_space<semaphore_mem>> -> memref<1x!tpu.dma_semaphore, #tpu.memory_space<semaphore_mem>>
          %dma_wait3A_693 = tpu.memref_squeeze %dma_wait3A_692 : memref<1x!tpu.dma_semaphore, #tpu.memory_space<semaphore_mem>> -> memref<!tpu.dma_semaphore, #tpu.memory_space<semaphore_mem>>
          tpu.wait_indirect_dma semaphore(%dma_wait3A_693 : memref<!tpu.dma_semaphore, #tpu.memory_space<semaphore_mem>>) src(%dma_wait3A_685 : memref<128x32xf32, #tpu.memory_space<vmem>>) dst(%dma_wait3A_691 : memref<10240x32xf32, #tpu.memory_space<vmem_shared>>)
          %sub3A_694 = arith.constant 1 : i32
          %sub3A_695 = arith.subi %scan3A_329, %sub3A_694 : i32
          %sub3A_696 = arith.constant 1 : i32
          %sub3A_697 = arith.subi %sub3A_696, %select_n3A_339 : i32
          %mul3A_698 = arith.constant 8 : i32
          %mul3A_699 = arith.muli %sub3A_697, %mul3A_698 : i32
          %add3A_700 = arith.constant 1 : i32
          %add3A_701 = arith.addi %mul3A_699, %add3A_700 : i32
          %mul3A_702 = arith.constant 8 : i32
          %mul3A_703 = arith.muli %sub3A_695, %mul3A_702 : i32
          %add3A_704 = arith.constant 1 : i32
          %add3A_705 = arith.addi %mul3A_703, %add3A_704 : i32
          %dma_wait3A_706 = arith.constant 0 : i32
          %dma_wait3A_707 = arith.constant 0 : i32
          %dma_wait3A_708 = tpu.memref_slice %arg8[%add3A_701, %dma_wait3A_706, %dma_wait3A_707] : memref<16x128x32xf32, #tpu.memory_space<vmem>> -> memref<1x128x32xf32, #tpu.memory_space<vmem>>
          %dma_wait3A_709 = tpu.memref_squeeze %dma_wait3A_708 : memref<1x128x32xf32, #tpu.memory_space<vmem>> -> memref<128x32xf32, #tpu.memory_space<vmem>>
          %dma_wait3A_710 = arith.constant 0 : i32
          %dma_wait3A_711 = tpu.memref_slice %arg7[%add3A_705, %dma_wait3A_710] : memref<56x128xi32, #tpu.memory_space<vmem>> -> memref<1x128xi32, #tpu.memory_space<vmem>>
          %dma_wait3A_712 = tpu.memref_squeeze %dma_wait3A_711 : memref<1x128xi32, #tpu.memory_space<vmem>> -> memref<128xi32, #tpu.memory_space<vmem>>
          %dma_wait3A_713 = arith.constant 0 : i32
          %dma_wait3A_714 = arith.constant 0 : i32
          %dma_wait3A_715 = tpu.memref_slice %arg10[%dma_wait3A_713, %dma_wait3A_714] : memref<10240x32xf32, #tpu.memory_space<vmem_shared>> -> memref<10240x32xf32, #tpu.memory_space<vmem_shared>>
          %dma_wait3A_716 = tpu.memref_slice %arg12[%sub3A_697] : memref<2x!tpu.dma_semaphore, #tpu.memory_space<semaphore_mem>> -> memref<1x!tpu.dma_semaphore, #tpu.memory_space<semaphore_mem>>
          %dma_wait3A_717 = tpu.memref_squeeze %dma_wait3A_716 : memref<1x!tpu.dma_semaphore, #tpu.memory_space<semaphore_mem>> -> memref<!tpu.dma_semaphore, #tpu.memory_space<semaphore_mem>>
          tpu.wait_indirect_dma semaphore(%dma_wait3A_717 : memref<!tpu.dma_semaphore, #tpu.memory_space<semaphore_mem>>) src(%dma_wait3A_709 : memref<128x32xf32, #tpu.memory_space<vmem>>) dst(%dma_wait3A_715 : memref<10240x32xf32, #tpu.memory_space<vmem_shared>>)
          %sub3A_718 = arith.constant 1 : i32
          %sub3A_719 = arith.subi %scan3A_329, %sub3A_718 : i32
          %sub3A_720 = arith.constant 1 : i32
          %sub3A_721 = arith.subi %sub3A_720, %select_n3A_339 : i32
          %mul3A_722 = arith.constant 8 : i32
          %mul3A_723 = arith.muli %sub3A_721, %mul3A_722 : i32
          %add3A_724 = arith.constant 2 : i32
          %add3A_725 = arith.addi %mul3A_723, %add3A_724 : i32
          %mul3A_726 = arith.constant 8 : i32
          %mul3A_727 = arith.muli %sub3A_719, %mul3A_726 : i32
          %add3A_728 = arith.constant 2 : i32
          %add3A_729 = arith.addi %mul3A_727, %add3A_728 : i32
          %dma_wait3A_730 = arith.constant 0 : i32
          %dma_wait3A_731 = arith.constant 0 : i32
          %dma_wait3A_732 = tpu.memref_slice %arg8[%add3A_725, %dma_wait3A_730, %dma_wait3A_731] : memref<16x128x32xf32, #tpu.memory_space<vmem>> -> memref<1x128x32xf32, #tpu.memory_space<vmem>>
          %dma_wait3A_733 = tpu.memref_squeeze %dma_wait3A_732 : memref<1x128x32xf32, #tpu.memory_space<vmem>> -> memref<128x32xf32, #tpu.memory_space<vmem>>
          %dma_wait3A_734 = arith.constant 0 : i32
          %dma_wait3A_735 = tpu.memref_slice %arg7[%add3A_729, %dma_wait3A_734] : memref<56x128xi32, #tpu.memory_space<vmem>> -> memref<1x128xi32, #tpu.memory_space<vmem>>
          %dma_wait3A_736 = tpu.memref_squeeze %dma_wait3A_735 : memref<1x128xi32, #tpu.memory_space<vmem>> -> memref<128xi32, #tpu.memory_space<vmem>>
          %dma_wait3A_737 = arith.constant 0 : i32
          %dma_wait3A_738 = arith.constant 0 : i32
          %dma_wait3A_739 = tpu.memref_slice %arg10[%dma_wait3A_737, %dma_wait3A_738] : memref<10240x32xf32, #tpu.memory_space<vmem_shared>> -> memref<10240x32xf32, #tpu.memory_space<vmem_shared>>
          %dma_wait3A_740 = tpu.memref_slice %arg12[%sub3A_721] : memref<2x!tpu.dma_semaphore, #tpu.memory_space<semaphore_mem>> -> memref<1x!tpu.dma_semaphore, #tpu.memory_space<semaphore_mem>>
          %dma_wait3A_741 = tpu.memref_squeeze %dma_wait3A_740 : memref<1x!tpu.dma_semaphore, #tpu.memory_space<semaphore_mem>> -> memref<!tpu.dma_semaphore, #tpu.memory_space<semaphore_mem>>
          tpu.wait_indirect_dma semaphore(%dma_wait3A_741 : memref<!tpu.dma_semaphore, #tpu.memory_space<semaphore_mem>>) src(%dma_wait3A_733 : memref<128x32xf32, #tpu.memory_space<vmem>>) dst(%dma_wait3A_739 : memref<10240x32xf32, #tpu.memory_space<vmem_shared>>)
          %sub3A_742 = arith.constant 1 : i32
          %sub3A_743 = arith.subi %scan3A_329, %sub3A_742 : i32
          %sub3A_744 = arith.constant 1 : i32
          %sub3A_745 = arith.subi %sub3A_744, %select_n3A_339 : i32
          %mul3A_746 = arith.constant 8 : i32
          %mul3A_747 = arith.muli %sub3A_745, %mul3A_746 : i32
          %add3A_748 = arith.constant 3 : i32
          %add3A_749 = arith.addi %mul3A_747, %add3A_748 : i32
          %mul3A_750 = arith.constant 8 : i32
          %mul3A_751 = arith.muli %sub3A_743, %mul3A_750 : i32
          %add3A_752 = arith.constant 3 : i32
          %add3A_753 = arith.addi %mul3A_751, %add3A_752 : i32
          %dma_wait3A_754 = arith.constant 0 : i32
          %dma_wait3A_755 = arith.constant 0 : i32
          %dma_wait3A_756 = tpu.memref_slice %arg8[%add3A_749, %dma_wait3A_754, %dma_wait3A_755] : memref<16x128x32xf32, #tpu.memory_space<vmem>> -> memref<1x128x32xf32, #tpu.memory_space<vmem>>
          %dma_wait3A_757 = tpu.memref_squeeze %dma_wait3A_756 : memref<1x128x32xf32, #tpu.memory_space<vmem>> -> memref<128x32xf32, #tpu.memory_space<vmem>>
          %dma_wait3A_758 = arith.constant 0 : i32
          %dma_wait3A_759 = tpu.memref_slice %arg7[%add3A_753, %dma_wait3A_758] : memref<56x128xi32, #tpu.memory_space<vmem>> -> memref<1x128xi32, #tpu.memory_space<vmem>>
          %dma_wait3A_760 = tpu.memref_squeeze %dma_wait3A_759 : memref<1x128xi32, #tpu.memory_space<vmem>> -> memref<128xi32, #tpu.memory_space<vmem>>
          %dma_wait3A_761 = arith.constant 0 : i32
          %dma_wait3A_762 = arith.constant 0 : i32
          %dma_wait3A_763 = tpu.memref_slice %arg10[%dma_wait3A_761, %dma_wait3A_762] : memref<10240x32xf32, #tpu.memory_space<vmem_shared>> -> memref<10240x32xf32, #tpu.memory_space<vmem_shared>>
          %dma_wait3A_764 = tpu.memref_slice %arg12[%sub3A_745] : memref<2x!tpu.dma_semaphore, #tpu.memory_space<semaphore_mem>> -> memref<1x!tpu.dma_semaphore, #tpu.memory_space<semaphore_mem>>
          %dma_wait3A_765 = tpu.memref_squeeze %dma_wait3A_764 : memref<1x!tpu.dma_semaphore, #tpu.memory_space<semaphore_mem>> -> memref<!tpu.dma_semaphore, #tpu.memory_space<semaphore_mem>>
          tpu.wait_indirect_dma semaphore(%dma_wait3A_765 : memref<!tpu.dma_semaphore, #tpu.memory_space<semaphore_mem>>) src(%dma_wait3A_757 : memref<128x32xf32, #tpu.memory_space<vmem>>) dst(%dma_wait3A_763 : memref<10240x32xf32, #tpu.memory_space<vmem_shared>>)
          %sub3A_766 = arith.constant 1 : i32
          %sub3A_767 = arith.subi %scan3A_329, %sub3A_766 : i32
          %sub3A_768 = arith.constant 1 : i32
          %sub3A_769 = arith.subi %sub3A_768, %select_n3A_339 : i32
          %mul3A_770 = arith.constant 8 : i32
          %mul3A_771 = arith.muli %sub3A_769, %mul3A_770 : i32
          %add3A_772 = arith.constant 4 : i32
          %add3A_773 = arith.addi %mul3A_771, %add3A_772 : i32
          %mul3A_774 = arith.constant 8 : i32
          %mul3A_775 = arith.muli %sub3A_767, %mul3A_774 : i32
          %add3A_776 = arith.constant 4 : i32
          %add3A_777 = arith.addi %mul3A_775, %add3A_776 : i32
          %dma_wait3A_778 = arith.constant 0 : i32
          %dma_wait3A_779 = arith.constant 0 : i32
          %dma_wait3A_780 = tpu.memref_slice %arg8[%add3A_773, %dma_wait3A_778, %dma_wait3A_779] : memref<16x128x32xf32, #tpu.memory_space<vmem>> -> memref<1x128x32xf32, #tpu.memory_space<vmem>>
          %dma_wait3A_781 = tpu.memref_squeeze %dma_wait3A_780 : memref<1x128x32xf32, #tpu.memory_space<vmem>> -> memref<128x32xf32, #tpu.memory_space<vmem>>
          %dma_wait3A_782 = arith.constant 0 : i32
          %dma_wait3A_783 = tpu.memref_slice %arg7[%add3A_777, %dma_wait3A_782] : memref<56x128xi32, #tpu.memory_space<vmem>> -> memref<1x128xi32, #tpu.memory_space<vmem>>
          %dma_wait3A_784 = tpu.memref_squeeze %dma_wait3A_783 : memref<1x128xi32, #tpu.memory_space<vmem>> -> memref<128xi32, #tpu.memory_space<vmem>>
          %dma_wait3A_785 = arith.constant 0 : i32
          %dma_wait3A_786 = arith.constant 0 : i32
          %dma_wait3A_787 = tpu.memref_slice %arg10[%dma_wait3A_785, %dma_wait3A_786] : memref<10240x32xf32, #tpu.memory_space<vmem_shared>> -> memref<10240x32xf32, #tpu.memory_space<vmem_shared>>
          %dma_wait3A_788 = tpu.memref_slice %arg12[%sub3A_769] : memref<2x!tpu.dma_semaphore, #tpu.memory_space<semaphore_mem>> -> memref<1x!tpu.dma_semaphore, #tpu.memory_space<semaphore_mem>>
          %dma_wait3A_789 = tpu.memref_squeeze %dma_wait3A_788 : memref<1x!tpu.dma_semaphore, #tpu.memory_space<semaphore_mem>> -> memref<!tpu.dma_semaphore, #tpu.memory_space<semaphore_mem>>
          tpu.wait_indirect_dma semaphore(%dma_wait3A_789 : memref<!tpu.dma_semaphore, #tpu.memory_space<semaphore_mem>>) src(%dma_wait3A_781 : memref<128x32xf32, #tpu.memory_space<vmem>>) dst(%dma_wait3A_787 : memref<10240x32xf32, #tpu.memory_space<vmem_shared>>)
          %sub3A_790 = arith.constant 1 : i32
          %sub3A_791 = arith.subi %scan3A_329, %sub3A_790 : i32
          %sub3A_792 = arith.constant 1 : i32
          %sub3A_793 = arith.subi %sub3A_792, %select_n3A_339 : i32
          %mul3A_794 = arith.constant 8 : i32
          %mul3A_795 = arith.muli %sub3A_793, %mul3A_794 : i32
          %add3A_796 = arith.constant 5 : i32
          %add3A_797 = arith.addi %mul3A_795, %add3A_796 : i32
          %mul3A_798 = arith.constant 8 : i32
          %mul3A_799 = arith.muli %sub3A_791, %mul3A_798 : i32
          %add3A_800 = arith.constant 5 : i32
          %add3A_801 = arith.addi %mul3A_799, %add3A_800 : i32
          %dma_wait3A_802 = arith.constant 0 : i32
          %dma_wait3A_803 = arith.constant 0 : i32
          %dma_wait3A_804 = tpu.memref_slice %arg8[%add3A_797, %dma_wait3A_802, %dma_wait3A_803] : memref<16x128x32xf32, #tpu.memory_space<vmem>> -> memref<1x128x32xf32, #tpu.memory_space<vmem>>
          %dma_wait3A_805 = tpu.memref_squeeze %dma_wait3A_804 : memref<1x128x32xf32, #tpu.memory_space<vmem>> -> memref<128x32xf32, #tpu.memory_space<vmem>>
          %dma_wait3A_806 = arith.constant 0 : i32
          %dma_wait3A_807 = tpu.memref_slice %arg7[%add3A_801, %dma_wait3A_806] : memref<56x128xi32, #tpu.memory_space<vmem>> -> memref<1x128xi32, #tpu.memory_space<vmem>>
          %dma_wait3A_808 = tpu.memref_squeeze %dma_wait3A_807 : memref<1x128xi32, #tpu.memory_space<vmem>> -> memref<128xi32, #tpu.memory_space<vmem>>
          %dma_wait3A_809 = arith.constant 0 : i32
          %dma_wait3A_810 = arith.constant 0 : i32
          %dma_wait3A_811 = tpu.memref_slice %arg10[%dma_wait3A_809, %dma_wait3A_810] : memref<10240x32xf32, #tpu.memory_space<vmem_shared>> -> memref<10240x32xf32, #tpu.memory_space<vmem_shared>>
          %dma_wait3A_812 = tpu.memref_slice %arg12[%sub3A_793] : memref<2x!tpu.dma_semaphore, #tpu.memory_space<semaphore_mem>> -> memref<1x!tpu.dma_semaphore, #tpu.memory_space<semaphore_mem>>
          %dma_wait3A_813 = tpu.memref_squeeze %dma_wait3A_812 : memref<1x!tpu.dma_semaphore, #tpu.memory_space<semaphore_mem>> -> memref<!tpu.dma_semaphore, #tpu.memory_space<semaphore_mem>>
          tpu.wait_indirect_dma semaphore(%dma_wait3A_813 : memref<!tpu.dma_semaphore, #tpu.memory_space<semaphore_mem>>) src(%dma_wait3A_805 : memref<128x32xf32, #tpu.memory_space<vmem>>) dst(%dma_wait3A_811 : memref<10240x32xf32, #tpu.memory_space<vmem_shared>>)
          %sub3A_814 = arith.constant 1 : i32
          %sub3A_815 = arith.subi %scan3A_329, %sub3A_814 : i32
          %sub3A_816 = arith.constant 1 : i32
          %sub3A_817 = arith.subi %sub3A_816, %select_n3A_339 : i32
          %mul3A_818 = arith.constant 8 : i32
          %mul3A_819 = arith.muli %sub3A_817, %mul3A_818 : i32
          %add3A_820 = arith.constant 6 : i32
          %add3A_821 = arith.addi %mul3A_819, %add3A_820 : i32
          %mul3A_822 = arith.constant 8 : i32
          %mul3A_823 = arith.muli %sub3A_815, %mul3A_822 : i32
          %add3A_824 = arith.constant 6 : i32
          %add3A_825 = arith.addi %mul3A_823, %add3A_824 : i32
          %dma_wait3A_826 = arith.constant 0 : i32
          %dma_wait3A_827 = arith.constant 0 : i32
          %dma_wait3A_828 = tpu.memref_slice %arg8[%add3A_821, %dma_wait3A_826, %dma_wait3A_827] : memref<16x128x32xf32, #tpu.memory_space<vmem>> -> memref<1x128x32xf32, #tpu.memory_space<vmem>>
          %dma_wait3A_829 = tpu.memref_squeeze %dma_wait3A_828 : memref<1x128x32xf32, #tpu.memory_space<vmem>> -> memref<128x32xf32, #tpu.memory_space<vmem>>
          %dma_wait3A_830 = arith.constant 0 : i32
          %dma_wait3A_831 = tpu.memref_slice %arg7[%add3A_825, %dma_wait3A_830] : memref<56x128xi32, #tpu.memory_space<vmem>> -> memref<1x128xi32, #tpu.memory_space<vmem>>
          %dma_wait3A_832 = tpu.memref_squeeze %dma_wait3A_831 : memref<1x128xi32, #tpu.memory_space<vmem>> -> memref<128xi32, #tpu.memory_space<vmem>>
          %dma_wait3A_833 = arith.constant 0 : i32
          %dma_wait3A_834 = arith.constant 0 : i32
          %dma_wait3A_835 = tpu.memref_slice %arg10[%dma_wait3A_833, %dma_wait3A_834] : memref<10240x32xf32, #tpu.memory_space<vmem_shared>> -> memref<10240x32xf32, #tpu.memory_space<vmem_shared>>
          %dma_wait3A_836 = tpu.memref_slice %arg12[%sub3A_817] : memref<2x!tpu.dma_semaphore, #tpu.memory_space<semaphore_mem>> -> memref<1x!tpu.dma_semaphore, #tpu.memory_space<semaphore_mem>>
          %dma_wait3A_837 = tpu.memref_squeeze %dma_wait3A_836 : memref<1x!tpu.dma_semaphore, #tpu.memory_space<semaphore_mem>> -> memref<!tpu.dma_semaphore, #tpu.memory_space<semaphore_mem>>
          tpu.wait_indirect_dma semaphore(%dma_wait3A_837 : memref<!tpu.dma_semaphore, #tpu.memory_space<semaphore_mem>>) src(%dma_wait3A_829 : memref<128x32xf32, #tpu.memory_space<vmem>>) dst(%dma_wait3A_835 : memref<10240x32xf32, #tpu.memory_space<vmem_shared>>)
          %sub3A_838 = arith.constant 1 : i32
          %sub3A_839 = arith.subi %scan3A_329, %sub3A_838 : i32
          %sub3A_840 = arith.constant 1 : i32
          %sub3A_841 = arith.subi %sub3A_840, %select_n3A_339 : i32
          %mul3A_842 = arith.constant 8 : i32
          %mul3A_843 = arith.muli %sub3A_841, %mul3A_842 : i32
          %add3A_844 = arith.constant 7 : i32
          %add3A_845 = arith.addi %mul3A_843, %add3A_844 : i32
          %mul3A_846 = arith.constant 8 : i32
          %mul3A_847 = arith.muli %sub3A_839, %mul3A_846 : i32
          %add3A_848 = arith.constant 7 : i32
          %add3A_849 = arith.addi %mul3A_847, %add3A_848 : i32
          %dma_wait3A_850 = arith.constant 0 : i32
          %dma_wait3A_851 = arith.constant 0 : i32
          %dma_wait3A_852 = tpu.memref_slice %arg8[%add3A_845, %dma_wait3A_850, %dma_wait3A_851] : memref<16x128x32xf32, #tpu.memory_space<vmem>> -> memref<1x128x32xf32, #tpu.memory_space<vmem>>
          %dma_wait3A_853 = tpu.memref_squeeze %dma_wait3A_852 : memref<1x128x32xf32, #tpu.memory_space<vmem>> -> memref<128x32xf32, #tpu.memory_space<vmem>>
          %dma_wait3A_854 = arith.constant 0 : i32
          %dma_wait3A_855 = tpu.memref_slice %arg7[%add3A_849, %dma_wait3A_854] : memref<56x128xi32, #tpu.memory_space<vmem>> -> memref<1x128xi32, #tpu.memory_space<vmem>>
          %dma_wait3A_856 = tpu.memref_squeeze %dma_wait3A_855 : memref<1x128xi32, #tpu.memory_space<vmem>> -> memref<128xi32, #tpu.memory_space<vmem>>
          %dma_wait3A_857 = arith.constant 0 : i32
          %dma_wait3A_858 = arith.constant 0 : i32
          %dma_wait3A_859 = tpu.memref_slice %arg10[%dma_wait3A_857, %dma_wait3A_858] : memref<10240x32xf32, #tpu.memory_space<vmem_shared>> -> memref<10240x32xf32, #tpu.memory_space<vmem_shared>>
          %dma_wait3A_860 = tpu.memref_slice %arg12[%sub3A_841] : memref<2x!tpu.dma_semaphore, #tpu.memory_space<semaphore_mem>> -> memref<1x!tpu.dma_semaphore, #tpu.memory_space<semaphore_mem>>
          %dma_wait3A_861 = tpu.memref_squeeze %dma_wait3A_860 : memref<1x!tpu.dma_semaphore, #tpu.memory_space<semaphore_mem>> -> memref<!tpu.dma_semaphore, #tpu.memory_space<semaphore_mem>>
          tpu.wait_indirect_dma semaphore(%dma_wait3A_861 : memref<!tpu.dma_semaphore, #tpu.memory_space<semaphore_mem>>) src(%dma_wait3A_853 : memref<128x32xf32, #tpu.memory_space<vmem>>) dst(%dma_wait3A_859 : memref<10240x32xf32, #tpu.memory_space<vmem_shared>>)
        } else {
        }
        %add3A_664 = arith.constant 1 : i32
        %add3A_665 = arith.addi %scan3A_329, %add3A_664 : i32
        %lt3A_666 = arith.constant 7 : i32
        %lt3A_667 = arith.cmpi slt, %add3A_665, %lt3A_666 : i32
        %convert_element_type3A_668 = arith.extui %lt3A_667 : i1 to i32
        %cond3A_669 = arith.constant 0 : i32
        %cond3A_670 = arith.cmpi ne, %convert_element_type3A_668, %cond3A_669 : i32
        scf.if %cond3A_670 {
          %add3A_671 = arith.constant 1 : i32
          %add3A_672 = arith.addi %scan3A_329, %add3A_671 : i32
          %sub3A = arith.constant 1 : i32
          %sub3A_673 = arith.subi %sub3A, %select_n3A_339 : i32
          %mul3A_674 = arith.constant 8 : i32
          %mul3A_675 = arith.muli %add3A_672, %mul3A_674 : i32
          %add3A_676 = arith.constant 0 : i32
          %add3A_677 = arith.addi %mul3A_675, %add3A_676 : i32
          %mul3A_678 = arith.constant 8 : i32
          %mul3A_679 = arith.muli %sub3A_673, %mul3A_678 : i32
          %add3A_680 = arith.constant 0 : i32
          %add3A_681 = arith.addi %mul3A_679, %add3A_680 : i32
          %dma_start3A_682 = arith.constant 0 : i32
          %dma_start3A_683 = arith.constant 0 : i32
          %dma_start3A_684 = tpu.memref_slice %arg8[%add3A_681, %dma_start3A_682, %dma_start3A_683] : memref<16x128x32xf32, #tpu.memory_space<vmem>> -> memref<1x128x32xf32, #tpu.memory_space<vmem>>
          %dma_start3A_685 = tpu.memref_squeeze %dma_start3A_684 : memref<1x128x32xf32, #tpu.memory_space<vmem>> -> memref<128x32xf32, #tpu.memory_space<vmem>>
          %dma_start3A_686 = arith.constant 0 : i32
          %dma_start3A_687 = tpu.memref_slice %arg6[%add3A_677, %dma_start3A_686] : memref<56x128xi32, #tpu.memory_space<vmem>> -> memref<1x128xi32, #tpu.memory_space<vmem>>
          %dma_start3A_688 = tpu.memref_squeeze %dma_start3A_687 : memref<1x128xi32, #tpu.memory_space<vmem>> -> memref<128xi32, #tpu.memory_space<vmem>>
          %dma_start3A_689 = arith.constant 0 : i32
          %dma_start3A_690 = arith.constant 0 : i32
          %dma_start3A_691 = tpu.memref_slice %arg2[%dma_start3A_689, %dma_start3A_690] : memref<52000x32xf32, #tpu.memory_space<hbm>> -> memref<52000x32xf32, #tpu.memory_space<hbm>>
          %dma_start3A_692 = tpu.memref_slice %arg11[%sub3A_673] : memref<2x!tpu.dma_semaphore, #tpu.memory_space<semaphore_mem>> -> memref<1x!tpu.dma_semaphore, #tpu.memory_space<semaphore_mem>>
          %dma_start3A_693 = tpu.memref_squeeze %dma_start3A_692 : memref<1x!tpu.dma_semaphore, #tpu.memory_space<semaphore_mem>> -> memref<!tpu.dma_semaphore, #tpu.memory_space<semaphore_mem>>
          tpu.enqueue_indirect_dma source(%dma_start3A_691 : memref<52000x32xf32, #tpu.memory_space<hbm>>) target(%dma_start3A_685 : memref<128x32xf32, #tpu.memory_space<vmem>>) offsets(%dma_start3A_688 : memref<128xi32, #tpu.memory_space<vmem>>) semaphore(%dma_start3A_693 : memref<!tpu.dma_semaphore, #tpu.memory_space<semaphore_mem>>)
          %add3A_694 = arith.constant 1 : i32
          %add3A_695 = arith.addi %scan3A_329, %add3A_694 : i32
          %sub3A_696 = arith.constant 1 : i32
          %sub3A_697 = arith.subi %sub3A_696, %select_n3A_339 : i32
          %mul3A_698 = arith.constant 8 : i32
          %mul3A_699 = arith.muli %add3A_695, %mul3A_698 : i32
          %add3A_700 = arith.constant 1 : i32
          %add3A_701 = arith.addi %mul3A_699, %add3A_700 : i32
          %mul3A_702 = arith.constant 8 : i32
          %mul3A_703 = arith.muli %sub3A_697, %mul3A_702 : i32
          %add3A_704 = arith.constant 1 : i32
          %add3A_705 = arith.addi %mul3A_703, %add3A_704 : i32
          %dma_start3A_706 = arith.constant 0 : i32
          %dma_start3A_707 = arith.constant 0 : i32
          %dma_start3A_708 = tpu.memref_slice %arg8[%add3A_705, %dma_start3A_706, %dma_start3A_707] : memref<16x128x32xf32, #tpu.memory_space<vmem>> -> memref<1x128x32xf32, #tpu.memory_space<vmem>>
          %dma_start3A_709 = tpu.memref_squeeze %dma_start3A_708 : memref<1x128x32xf32, #tpu.memory_space<vmem>> -> memref<128x32xf32, #tpu.memory_space<vmem>>
          %dma_start3A_710 = arith.constant 0 : i32
          %dma_start3A_711 = tpu.memref_slice %arg6[%add3A_701, %dma_start3A_710] : memref<56x128xi32, #tpu.memory_space<vmem>> -> memref<1x128xi32, #tpu.memory_space<vmem>>
          %dma_start3A_712 = tpu.memref_squeeze %dma_start3A_711 : memref<1x128xi32, #tpu.memory_space<vmem>> -> memref<128xi32, #tpu.memory_space<vmem>>
          %dma_start3A_713 = arith.constant 0 : i32
          %dma_start3A_714 = arith.constant 0 : i32
          %dma_start3A_715 = tpu.memref_slice %arg2[%dma_start3A_713, %dma_start3A_714] : memref<52000x32xf32, #tpu.memory_space<hbm>> -> memref<52000x32xf32, #tpu.memory_space<hbm>>
          %dma_start3A_716 = tpu.memref_slice %arg11[%sub3A_697] : memref<2x!tpu.dma_semaphore, #tpu.memory_space<semaphore_mem>> -> memref<1x!tpu.dma_semaphore, #tpu.memory_space<semaphore_mem>>
          %dma_start3A_717 = tpu.memref_squeeze %dma_start3A_716 : memref<1x!tpu.dma_semaphore, #tpu.memory_space<semaphore_mem>> -> memref<!tpu.dma_semaphore, #tpu.memory_space<semaphore_mem>>
          tpu.enqueue_indirect_dma source(%dma_start3A_715 : memref<52000x32xf32, #tpu.memory_space<hbm>>) target(%dma_start3A_709 : memref<128x32xf32, #tpu.memory_space<vmem>>) offsets(%dma_start3A_712 : memref<128xi32, #tpu.memory_space<vmem>>) semaphore(%dma_start3A_717 : memref<!tpu.dma_semaphore, #tpu.memory_space<semaphore_mem>>)
          %add3A_718 = arith.constant 1 : i32
          %add3A_719 = arith.addi %scan3A_329, %add3A_718 : i32
          %sub3A_720 = arith.constant 1 : i32
          %sub3A_721 = arith.subi %sub3A_720, %select_n3A_339 : i32
          %mul3A_722 = arith.constant 8 : i32
          %mul3A_723 = arith.muli %add3A_719, %mul3A_722 : i32
          %add3A_724 = arith.constant 2 : i32
          %add3A_725 = arith.addi %mul3A_723, %add3A_724 : i32
          %mul3A_726 = arith.constant 8 : i32
          %mul3A_727 = arith.muli %sub3A_721, %mul3A_726 : i32
          %add3A_728 = arith.constant 2 : i32
          %add3A_729 = arith.addi %mul3A_727, %add3A_728 : i32
          %dma_start3A_730 = arith.constant 0 : i32
          %dma_start3A_731 = arith.constant 0 : i32
          %dma_start3A_732 = tpu.memref_slice %arg8[%add3A_729, %dma_start3A_730, %dma_start3A_731] : memref<16x128x32xf32, #tpu.memory_space<vmem>> -> memref<1x128x32xf32, #tpu.memory_space<vmem>>
          %dma_start3A_733 = tpu.memref_squeeze %dma_start3A_732 : memref<1x128x32xf32, #tpu.memory_space<vmem>> -> memref<128x32xf32, #tpu.memory_space<vmem>>
          %dma_start3A_734 = arith.constant 0 : i32
          %dma_start3A_735 = tpu.memref_slice %arg6[%add3A_725, %dma_start3A_734] : memref<56x128xi32, #tpu.memory_space<vmem>> -> memref<1x128xi32, #tpu.memory_space<vmem>>
          %dma_start3A_736 = tpu.memref_squeeze %dma_start3A_735 : memref<1x128xi32, #tpu.memory_space<vmem>> -> memref<128xi32, #tpu.memory_space<vmem>>
          %dma_start3A_737 = arith.constant 0 : i32
          %dma_start3A_738 = arith.constant 0 : i32
          %dma_start3A_739 = tpu.memref_slice %arg2[%dma_start3A_737, %dma_start3A_738] : memref<52000x32xf32, #tpu.memory_space<hbm>> -> memref<52000x32xf32, #tpu.memory_space<hbm>>
          %dma_start3A_740 = tpu.memref_slice %arg11[%sub3A_721] : memref<2x!tpu.dma_semaphore, #tpu.memory_space<semaphore_mem>> -> memref<1x!tpu.dma_semaphore, #tpu.memory_space<semaphore_mem>>
          %dma_start3A_741 = tpu.memref_squeeze %dma_start3A_740 : memref<1x!tpu.dma_semaphore, #tpu.memory_space<semaphore_mem>> -> memref<!tpu.dma_semaphore, #tpu.memory_space<semaphore_mem>>
          tpu.enqueue_indirect_dma source(%dma_start3A_739 : memref<52000x32xf32, #tpu.memory_space<hbm>>) target(%dma_start3A_733 : memref<128x32xf32, #tpu.memory_space<vmem>>) offsets(%dma_start3A_736 : memref<128xi32, #tpu.memory_space<vmem>>) semaphore(%dma_start3A_741 : memref<!tpu.dma_semaphore, #tpu.memory_space<semaphore_mem>>)
          %add3A_742 = arith.constant 1 : i32
          %add3A_743 = arith.addi %scan3A_329, %add3A_742 : i32
          %sub3A_744 = arith.constant 1 : i32
          %sub3A_745 = arith.subi %sub3A_744, %select_n3A_339 : i32
          %mul3A_746 = arith.constant 8 : i32
          %mul3A_747 = arith.muli %add3A_743, %mul3A_746 : i32
          %add3A_748 = arith.constant 3 : i32
          %add3A_749 = arith.addi %mul3A_747, %add3A_748 : i32
          %mul3A_750 = arith.constant 8 : i32
          %mul3A_751 = arith.muli %sub3A_745, %mul3A_750 : i32
          %add3A_752 = arith.constant 3 : i32
          %add3A_753 = arith.addi %mul3A_751, %add3A_752 : i32
          %dma_start3A_754 = arith.constant 0 : i32
          %dma_start3A_755 = arith.constant 0 : i32
          %dma_start3A_756 = tpu.memref_slice %arg8[%add3A_753, %dma_start3A_754, %dma_start3A_755] : memref<16x128x32xf32, #tpu.memory_space<vmem>> -> memref<1x128x32xf32, #tpu.memory_space<vmem>>
          %dma_start3A_757 = tpu.memref_squeeze %dma_start3A_756 : memref<1x128x32xf32, #tpu.memory_space<vmem>> -> memref<128x32xf32, #tpu.memory_space<vmem>>
          %dma_start3A_758 = arith.constant 0 : i32
          %dma_start3A_759 = tpu.memref_slice %arg6[%add3A_749, %dma_start3A_758] : memref<56x128xi32, #tpu.memory_space<vmem>> -> memref<1x128xi32, #tpu.memory_space<vmem>>
          %dma_start3A_760 = tpu.memref_squeeze %dma_start3A_759 : memref<1x128xi32, #tpu.memory_space<vmem>> -> memref<128xi32, #tpu.memory_space<vmem>>
          %dma_start3A_761 = arith.constant 0 : i32
          %dma_start3A_762 = arith.constant 0 : i32
          %dma_start3A_763 = tpu.memref_slice %arg2[%dma_start3A_761, %dma_start3A_762] : memref<52000x32xf32, #tpu.memory_space<hbm>> -> memref<52000x32xf32, #tpu.memory_space<hbm>>
          %dma_start3A_764 = tpu.memref_slice %arg11[%sub3A_745] : memref<2x!tpu.dma_semaphore, #tpu.memory_space<semaphore_mem>> -> memref<1x!tpu.dma_semaphore, #tpu.memory_space<semaphore_mem>>
          %dma_start3A_765 = tpu.memref_squeeze %dma_start3A_764 : memref<1x!tpu.dma_semaphore, #tpu.memory_space<semaphore_mem>> -> memref<!tpu.dma_semaphore, #tpu.memory_space<semaphore_mem>>
          tpu.enqueue_indirect_dma source(%dma_start3A_763 : memref<52000x32xf32, #tpu.memory_space<hbm>>) target(%dma_start3A_757 : memref<128x32xf32, #tpu.memory_space<vmem>>) offsets(%dma_start3A_760 : memref<128xi32, #tpu.memory_space<vmem>>) semaphore(%dma_start3A_765 : memref<!tpu.dma_semaphore, #tpu.memory_space<semaphore_mem>>)
          %add3A_766 = arith.constant 1 : i32
          %add3A_767 = arith.addi %scan3A_329, %add3A_766 : i32
          %sub3A_768 = arith.constant 1 : i32
          %sub3A_769 = arith.subi %sub3A_768, %select_n3A_339 : i32
          %mul3A_770 = arith.constant 8 : i32
          %mul3A_771 = arith.muli %add3A_767, %mul3A_770 : i32
          %add3A_772 = arith.constant 4 : i32
          %add3A_773 = arith.addi %mul3A_771, %add3A_772 : i32
          %mul3A_774 = arith.constant 8 : i32
          %mul3A_775 = arith.muli %sub3A_769, %mul3A_774 : i32
          %add3A_776 = arith.constant 4 : i32
          %add3A_777 = arith.addi %mul3A_775, %add3A_776 : i32
          %dma_start3A_778 = arith.constant 0 : i32
          %dma_start3A_779 = arith.constant 0 : i32
          %dma_start3A_780 = tpu.memref_slice %arg8[%add3A_777, %dma_start3A_778, %dma_start3A_779] : memref<16x128x32xf32, #tpu.memory_space<vmem>> -> memref<1x128x32xf32, #tpu.memory_space<vmem>>
          %dma_start3A_781 = tpu.memref_squeeze %dma_start3A_780 : memref<1x128x32xf32, #tpu.memory_space<vmem>> -> memref<128x32xf32, #tpu.memory_space<vmem>>
          %dma_start3A_782 = arith.constant 0 : i32
          %dma_start3A_783 = tpu.memref_slice %arg6[%add3A_773, %dma_start3A_782] : memref<56x128xi32, #tpu.memory_space<vmem>> -> memref<1x128xi32, #tpu.memory_space<vmem>>
          %dma_start3A_784 = tpu.memref_squeeze %dma_start3A_783 : memref<1x128xi32, #tpu.memory_space<vmem>> -> memref<128xi32, #tpu.memory_space<vmem>>
          %dma_start3A_785 = arith.constant 0 : i32
          %dma_start3A_786 = arith.constant 0 : i32
          %dma_start3A_787 = tpu.memref_slice %arg2[%dma_start3A_785, %dma_start3A_786] : memref<52000x32xf32, #tpu.memory_space<hbm>> -> memref<52000x32xf32, #tpu.memory_space<hbm>>
          %dma_start3A_788 = tpu.memref_slice %arg11[%sub3A_769] : memref<2x!tpu.dma_semaphore, #tpu.memory_space<semaphore_mem>> -> memref<1x!tpu.dma_semaphore, #tpu.memory_space<semaphore_mem>>
          %dma_start3A_789 = tpu.memref_squeeze %dma_start3A_788 : memref<1x!tpu.dma_semaphore, #tpu.memory_space<semaphore_mem>> -> memref<!tpu.dma_semaphore, #tpu.memory_space<semaphore_mem>>
          tpu.enqueue_indirect_dma source(%dma_start3A_787 : memref<52000x32xf32, #tpu.memory_space<hbm>>) target(%dma_start3A_781 : memref<128x32xf32, #tpu.memory_space<vmem>>) offsets(%dma_start3A_784 : memref<128xi32, #tpu.memory_space<vmem>>) semaphore(%dma_start3A_789 : memref<!tpu.dma_semaphore, #tpu.memory_space<semaphore_mem>>)
          %add3A_790 = arith.constant 1 : i32
          %add3A_791 = arith.addi %scan3A_329, %add3A_790 : i32
          %sub3A_792 = arith.constant 1 : i32
          %sub3A_793 = arith.subi %sub3A_792, %select_n3A_339 : i32
          %mul3A_794 = arith.constant 8 : i32
          %mul3A_795 = arith.muli %add3A_791, %mul3A_794 : i32
          %add3A_796 = arith.constant 5 : i32
          %add3A_797 = arith.addi %mul3A_795, %add3A_796 : i32
          %mul3A_798 = arith.constant 8 : i32
          %mul3A_799 = arith.muli %sub3A_793, %mul3A_798 : i32
          %add3A_800 = arith.constant 5 : i32
          %add3A_801 = arith.addi %mul3A_799, %add3A_800 : i32
          %dma_start3A_802 = arith.constant 0 : i32
          %dma_start3A_803 = arith.constant 0 : i32
          %dma_start3A_804 = tpu.memref_slice %arg8[%add3A_801, %dma_start3A_802, %dma_start3A_803] : memref<16x128x32xf32, #tpu.memory_space<vmem>> -> memref<1x128x32xf32, #tpu.memory_space<vmem>>
          %dma_start3A_805 = tpu.memref_squeeze %dma_start3A_804 : memref<1x128x32xf32, #tpu.memory_space<vmem>> -> memref<128x32xf32, #tpu.memory_space<vmem>>
          %dma_start3A_806 = arith.constant 0 : i32
          %dma_start3A_807 = tpu.memref_slice %arg6[%add3A_797, %dma_start3A_806] : memref<56x128xi32, #tpu.memory_space<vmem>> -> memref<1x128xi32, #tpu.memory_space<vmem>>
          %dma_start3A_808 = tpu.memref_squeeze %dma_start3A_807 : memref<1x128xi32, #tpu.memory_space<vmem>> -> memref<128xi32, #tpu.memory_space<vmem>>
          %dma_start3A_809 = arith.constant 0 : i32
          %dma_start3A_810 = arith.constant 0 : i32
          %dma_start3A_811 = tpu.memref_slice %arg2[%dma_start3A_809, %dma_start3A_810] : memref<52000x32xf32, #tpu.memory_space<hbm>> -> memref<52000x32xf32, #tpu.memory_space<hbm>>
          %dma_start3A_812 = tpu.memref_slice %arg11[%sub3A_793] : memref<2x!tpu.dma_semaphore, #tpu.memory_space<semaphore_mem>> -> memref<1x!tpu.dma_semaphore, #tpu.memory_space<semaphore_mem>>
          %dma_start3A_813 = tpu.memref_squeeze %dma_start3A_812 : memref<1x!tpu.dma_semaphore, #tpu.memory_space<semaphore_mem>> -> memref<!tpu.dma_semaphore, #tpu.memory_space<semaphore_mem>>
          tpu.enqueue_indirect_dma source(%dma_start3A_811 : memref<52000x32xf32, #tpu.memory_space<hbm>>) target(%dma_start3A_805 : memref<128x32xf32, #tpu.memory_space<vmem>>) offsets(%dma_start3A_808 : memref<128xi32, #tpu.memory_space<vmem>>) semaphore(%dma_start3A_813 : memref<!tpu.dma_semaphore, #tpu.memory_space<semaphore_mem>>)
          %add3A_814 = arith.constant 1 : i32
          %add3A_815 = arith.addi %scan3A_329, %add3A_814 : i32
          %sub3A_816 = arith.constant 1 : i32
          %sub3A_817 = arith.subi %sub3A_816, %select_n3A_339 : i32
          %mul3A_818 = arith.constant 8 : i32
          %mul3A_819 = arith.muli %add3A_815, %mul3A_818 : i32
          %add3A_820 = arith.constant 6 : i32
          %add3A_821 = arith.addi %mul3A_819, %add3A_820 : i32
          %mul3A_822 = arith.constant 8 : i32
          %mul3A_823 = arith.muli %sub3A_817, %mul3A_822 : i32
          %add3A_824 = arith.constant 6 : i32
          %add3A_825 = arith.addi %mul3A_823, %add3A_824 : i32
          %dma_start3A_826 = arith.constant 0 : i32
          %dma_start3A_827 = arith.constant 0 : i32
          %dma_start3A_828 = tpu.memref_slice %arg8[%add3A_825, %dma_start3A_826, %dma_start3A_827] : memref<16x128x32xf32, #tpu.memory_space<vmem>> -> memref<1x128x32xf32, #tpu.memory_space<vmem>>
          %dma_start3A_829 = tpu.memref_squeeze %dma_start3A_828 : memref<1x128x32xf32, #tpu.memory_space<vmem>> -> memref<128x32xf32, #tpu.memory_space<vmem>>
          %dma_start3A_830 = arith.constant 0 : i32
          %dma_start3A_831 = tpu.memref_slice %arg6[%add3A_821, %dma_start3A_830] : memref<56x128xi32, #tpu.memory_space<vmem>> -> memref<1x128xi32, #tpu.memory_space<vmem>>
          %dma_start3A_832 = tpu.memref_squeeze %dma_start3A_831 : memref<1x128xi32, #tpu.memory_space<vmem>> -> memref<128xi32, #tpu.memory_space<vmem>>
          %dma_start3A_833 = arith.constant 0 : i32
          %dma_start3A_834 = arith.constant 0 : i32
          %dma_start3A_835 = tpu.memref_slice %arg2[%dma_start3A_833, %dma_start3A_834] : memref<52000x32xf32, #tpu.memory_space<hbm>> -> memref<52000x32xf32, #tpu.memory_space<hbm>>
          %dma_start3A_836 = tpu.memref_slice %arg11[%sub3A_817] : memref<2x!tpu.dma_semaphore, #tpu.memory_space<semaphore_mem>> -> memref<1x!tpu.dma_semaphore, #tpu.memory_space<semaphore_mem>>
          %dma_start3A_837 = tpu.memref_squeeze %dma_start3A_836 : memref<1x!tpu.dma_semaphore, #tpu.memory_space<semaphore_mem>> -> memref<!tpu.dma_semaphore, #tpu.memory_space<semaphore_mem>>
          tpu.enqueue_indirect_dma source(%dma_start3A_835 : memref<52000x32xf32, #tpu.memory_space<hbm>>) target(%dma_start3A_829 : memref<128x32xf32, #tpu.memory_space<vmem>>) offsets(%dma_start3A_832 : memref<128xi32, #tpu.memory_space<vmem>>) semaphore(%dma_start3A_837 : memref<!tpu.dma_semaphore, #tpu.memory_space<semaphore_mem>>)
          %add3A_838 = arith.constant 1 : i32
          %add3A_839 = arith.addi %scan3A_329, %add3A_838 : i32
          %sub3A_840 = arith.constant 1 : i32
          %sub3A_841 = arith.subi %sub3A_840, %select_n3A_339 : i32
          %mul3A_842 = arith.constant 8 : i32
          %mul3A_843 = arith.muli %add3A_839, %mul3A_842 : i32
          %add3A_844 = arith.constant 7 : i32
          %add3A_845 = arith.addi %mul3A_843, %add3A_844 : i32
          %mul3A_846 = arith.constant 8 : i32
          %mul3A_847 = arith.muli %sub3A_841, %mul3A_846 : i32
          %add3A_848 = arith.constant 7 : i32
          %add3A_849 = arith.addi %mul3A_847, %add3A_848 : i32
          %dma_start3A_850 = arith.constant 0 : i32
          %dma_start3A_851 = arith.constant 0 : i32
          %dma_start3A_852 = tpu.memref_slice %arg8[%add3A_849, %dma_start3A_850, %dma_start3A_851] : memref<16x128x32xf32, #tpu.memory_space<vmem>> -> memref<1x128x32xf32, #tpu.memory_space<vmem>>
          %dma_start3A_853 = tpu.memref_squeeze %dma_start3A_852 : memref<1x128x32xf32, #tpu.memory_space<vmem>> -> memref<128x32xf32, #tpu.memory_space<vmem>>
          %dma_start3A_854 = arith.constant 0 : i32
          %dma_start3A_855 = tpu.memref_slice %arg6[%add3A_845, %dma_start3A_854] : memref<56x128xi32, #tpu.memory_space<vmem>> -> memref<1x128xi32, #tpu.memory_space<vmem>>
          %dma_start3A_856 = tpu.memref_squeeze %dma_start3A_855 : memref<1x128xi32, #tpu.memory_space<vmem>> -> memref<128xi32, #tpu.memory_space<vmem>>
          %dma_start3A_857 = arith.constant 0 : i32
          %dma_start3A_858 = arith.constant 0 : i32
          %dma_start3A_859 = tpu.memref_slice %arg2[%dma_start3A_857, %dma_start3A_858] : memref<52000x32xf32, #tpu.memory_space<hbm>> -> memref<52000x32xf32, #tpu.memory_space<hbm>>
          %dma_start3A_860 = tpu.memref_slice %arg11[%sub3A_841] : memref<2x!tpu.dma_semaphore, #tpu.memory_space<semaphore_mem>> -> memref<1x!tpu.dma_semaphore, #tpu.memory_space<semaphore_mem>>
          %dma_start3A_861 = tpu.memref_squeeze %dma_start3A_860 : memref<1x!tpu.dma_semaphore, #tpu.memory_space<semaphore_mem>> -> memref<!tpu.dma_semaphore, #tpu.memory_space<semaphore_mem>>
          tpu.enqueue_indirect_dma source(%dma_start3A_859 : memref<52000x32xf32, #tpu.memory_space<hbm>>) target(%dma_start3A_853 : memref<128x32xf32, #tpu.memory_space<vmem>>) offsets(%dma_start3A_856 : memref<128xi32, #tpu.memory_space<vmem>>) semaphore(%dma_start3A_861 : memref<!tpu.dma_semaphore, #tpu.memory_space<semaphore_mem>>)
        } else {
        }
      }
      %scan3A_205 = arith.constant 7 : i32
      %dma_wait3A_206 = arith.constant 0 : i32
      %dma_wait3A_207 = arith.constant 48 : i32
      %dma_wait3A_208 = arith.constant 0 : i32
      %dma_wait3A_209 = arith.constant 0 : i32
      %dma_wait3A_210 = arith.constant 0 : i32
      %dma_wait3A_211 = tpu.memref_slice %arg8[%dma_wait3A_206, %dma_wait3A_209, %dma_wait3A_210] : memref<16x128x32xf32, #tpu.memory_space<vmem>> -> memref<1x128x32xf32, #tpu.memory_space<vmem>>
      %dma_wait3A_212 = tpu.memref_squeeze %dma_wait3A_211 : memref<1x128x32xf32, #tpu.memory_space<vmem>> -> memref<128x32xf32, #tpu.memory_space<vmem>>
      %dma_wait3A_213 = arith.constant 0 : i32
      %dma_wait3A_214 = tpu.memref_slice %arg7[%dma_wait3A_207, %dma_wait3A_213] : memref<56x128xi32, #tpu.memory_space<vmem>> -> memref<1x128xi32, #tpu.memory_space<vmem>>
      %dma_wait3A_215 = tpu.memref_squeeze %dma_wait3A_214 : memref<1x128xi32, #tpu.memory_space<vmem>> -> memref<128xi32, #tpu.memory_space<vmem>>
      %dma_wait3A_216 = arith.constant 0 : i32
      %dma_wait3A_217 = arith.constant 0 : i32
      %dma_wait3A_218 = tpu.memref_slice %arg10[%dma_wait3A_216, %dma_wait3A_217] : memref<10240x32xf32, #tpu.memory_space<vmem_shared>> -> memref<10240x32xf32, #tpu.memory_space<vmem_shared>>
      %dma_wait3A_219 = tpu.memref_slice %arg12[%dma_wait3A_208] : memref<2x!tpu.dma_semaphore, #tpu.memory_space<semaphore_mem>> -> memref<1x!tpu.dma_semaphore, #tpu.memory_space<semaphore_mem>>
      %dma_wait3A_220 = tpu.memref_squeeze %dma_wait3A_219 : memref<1x!tpu.dma_semaphore, #tpu.memory_space<semaphore_mem>> -> memref<!tpu.dma_semaphore, #tpu.memory_space<semaphore_mem>>
      tpu.wait_indirect_dma semaphore(%dma_wait3A_220 : memref<!tpu.dma_semaphore, #tpu.memory_space<semaphore_mem>>) src(%dma_wait3A_212 : memref<128x32xf32, #tpu.memory_space<vmem>>) dst(%dma_wait3A_218 : memref<10240x32xf32, #tpu.memory_space<vmem_shared>>)
      %dma_wait3A_221 = arith.constant 1 : i32
      %dma_wait3A_222 = arith.constant 49 : i32
      %dma_wait3A_223 = arith.constant 0 : i32
      %dma_wait3A_224 = arith.constant 0 : i32
      %dma_wait3A_225 = arith.constant 0 : i32
      %dma_wait3A_226 = tpu.memref_slice %arg8[%dma_wait3A_221, %dma_wait3A_224, %dma_wait3A_225] : memref<16x128x32xf32, #tpu.memory_space<vmem>> -> memref<1x128x32xf32, #tpu.memory_space<vmem>>
      %dma_wait3A_227 = tpu.memref_squeeze %dma_wait3A_226 : memref<1x128x32xf32, #tpu.memory_space<vmem>> -> memref<128x32xf32, #tpu.memory_space<vmem>>
      %dma_wait3A_228 = arith.constant 0 : i32
      %dma_wait3A_229 = tpu.memref_slice %arg7[%dma_wait3A_222, %dma_wait3A_228] : memref<56x128xi32, #tpu.memory_space<vmem>> -> memref<1x128xi32, #tpu.memory_space<vmem>>
      %dma_wait3A_230 = tpu.memref_squeeze %dma_wait3A_229 : memref<1x128xi32, #tpu.memory_space<vmem>> -> memref<128xi32, #tpu.memory_space<vmem>>
      %dma_wait3A_231 = arith.constant 0 : i32
      %dma_wait3A_232 = arith.constant 0 : i32
      %dma_wait3A_233 = tpu.memref_slice %arg10[%dma_wait3A_231, %dma_wait3A_232] : memref<10240x32xf32, #tpu.memory_space<vmem_shared>> -> memref<10240x32xf32, #tpu.memory_space<vmem_shared>>
      %dma_wait3A_234 = tpu.memref_slice %arg12[%dma_wait3A_223] : memref<2x!tpu.dma_semaphore, #tpu.memory_space<semaphore_mem>> -> memref<1x!tpu.dma_semaphore, #tpu.memory_space<semaphore_mem>>
      %dma_wait3A_235 = tpu.memref_squeeze %dma_wait3A_234 : memref<1x!tpu.dma_semaphore, #tpu.memory_space<semaphore_mem>> -> memref<!tpu.dma_semaphore, #tpu.memory_space<semaphore_mem>>
      tpu.wait_indirect_dma semaphore(%dma_wait3A_235 : memref<!tpu.dma_semaphore, #tpu.memory_space<semaphore_mem>>) src(%dma_wait3A_227 : memref<128x32xf32, #tpu.memory_space<vmem>>) dst(%dma_wait3A_233 : memref<10240x32xf32, #tpu.memory_space<vmem_shared>>)
      %dma_wait3A_236 = arith.constant 2 : i32
      %dma_wait3A_237 = arith.constant 50 : i32
      %dma_wait3A_238 = arith.constant 0 : i32
      %dma_wait3A_239 = arith.constant 0 : i32
      %dma_wait3A_240 = arith.constant 0 : i32
      %dma_wait3A_241 = tpu.memref_slice %arg8[%dma_wait3A_236, %dma_wait3A_239, %dma_wait3A_240] : memref<16x128x32xf32, #tpu.memory_space<vmem>> -> memref<1x128x32xf32, #tpu.memory_space<vmem>>
      %dma_wait3A_242 = tpu.memref_squeeze %dma_wait3A_241 : memref<1x128x32xf32, #tpu.memory_space<vmem>> -> memref<128x32xf32, #tpu.memory_space<vmem>>
      %dma_wait3A_243 = arith.constant 0 : i32
      %dma_wait3A_244 = tpu.memref_slice %arg7[%dma_wait3A_237, %dma_wait3A_243] : memref<56x128xi32, #tpu.memory_space<vmem>> -> memref<1x128xi32, #tpu.memory_space<vmem>>
      %dma_wait3A_245 = tpu.memref_squeeze %dma_wait3A_244 : memref<1x128xi32, #tpu.memory_space<vmem>> -> memref<128xi32, #tpu.memory_space<vmem>>
      %dma_wait3A_246 = arith.constant 0 : i32
      %dma_wait3A_247 = arith.constant 0 : i32
      %dma_wait3A_248 = tpu.memref_slice %arg10[%dma_wait3A_246, %dma_wait3A_247] : memref<10240x32xf32, #tpu.memory_space<vmem_shared>> -> memref<10240x32xf32, #tpu.memory_space<vmem_shared>>
      %dma_wait3A_249 = tpu.memref_slice %arg12[%dma_wait3A_238] : memref<2x!tpu.dma_semaphore, #tpu.memory_space<semaphore_mem>> -> memref<1x!tpu.dma_semaphore, #tpu.memory_space<semaphore_mem>>
      %dma_wait3A_250 = tpu.memref_squeeze %dma_wait3A_249 : memref<1x!tpu.dma_semaphore, #tpu.memory_space<semaphore_mem>> -> memref<!tpu.dma_semaphore, #tpu.memory_space<semaphore_mem>>
      tpu.wait_indirect_dma semaphore(%dma_wait3A_250 : memref<!tpu.dma_semaphore, #tpu.memory_space<semaphore_mem>>) src(%dma_wait3A_242 : memref<128x32xf32, #tpu.memory_space<vmem>>) dst(%dma_wait3A_248 : memref<10240x32xf32, #tpu.memory_space<vmem_shared>>)
      %dma_wait3A_251 = arith.constant 3 : i32
      %dma_wait3A_252 = arith.constant 51 : i32
      %dma_wait3A_253 = arith.constant 0 : i32
      %dma_wait3A_254 = arith.constant 0 : i32
      %dma_wait3A_255 = arith.constant 0 : i32
      %dma_wait3A_256 = tpu.memref_slice %arg8[%dma_wait3A_251, %dma_wait3A_254, %dma_wait3A_255] : memref<16x128x32xf32, #tpu.memory_space<vmem>> -> memref<1x128x32xf32, #tpu.memory_space<vmem>>
      %dma_wait3A_257 = tpu.memref_squeeze %dma_wait3A_256 : memref<1x128x32xf32, #tpu.memory_space<vmem>> -> memref<128x32xf32, #tpu.memory_space<vmem>>
      %dma_wait3A_258 = arith.constant 0 : i32
      %dma_wait3A_259 = tpu.memref_slice %arg7[%dma_wait3A_252, %dma_wait3A_258] : memref<56x128xi32, #tpu.memory_space<vmem>> -> memref<1x128xi32, #tpu.memory_space<vmem>>
      %dma_wait3A_260 = tpu.memref_squeeze %dma_wait3A_259 : memref<1x128xi32, #tpu.memory_space<vmem>> -> memref<128xi32, #tpu.memory_space<vmem>>
      %dma_wait3A_261 = arith.constant 0 : i32
      %dma_wait3A_262 = arith.constant 0 : i32
      %dma_wait3A_263 = tpu.memref_slice %arg10[%dma_wait3A_261, %dma_wait3A_262] : memref<10240x32xf32, #tpu.memory_space<vmem_shared>> -> memref<10240x32xf32, #tpu.memory_space<vmem_shared>>
      %dma_wait3A_264 = tpu.memref_slice %arg12[%dma_wait3A_253] : memref<2x!tpu.dma_semaphore, #tpu.memory_space<semaphore_mem>> -> memref<1x!tpu.dma_semaphore, #tpu.memory_space<semaphore_mem>>
      %dma_wait3A_265 = tpu.memref_squeeze %dma_wait3A_264 : memref<1x!tpu.dma_semaphore, #tpu.memory_space<semaphore_mem>> -> memref<!tpu.dma_semaphore, #tpu.memory_space<semaphore_mem>>
      tpu.wait_indirect_dma semaphore(%dma_wait3A_265 : memref<!tpu.dma_semaphore, #tpu.memory_space<semaphore_mem>>) src(%dma_wait3A_257 : memref<128x32xf32, #tpu.memory_space<vmem>>) dst(%dma_wait3A_263 : memref<10240x32xf32, #tpu.memory_space<vmem_shared>>)
      %dma_wait3A_266 = arith.constant 4 : i32
      %dma_wait3A_267 = arith.constant 52 : i32
      %dma_wait3A_268 = arith.constant 0 : i32
      %dma_wait3A_269 = arith.constant 0 : i32
      %dma_wait3A_270 = arith.constant 0 : i32
      %dma_wait3A_271 = tpu.memref_slice %arg8[%dma_wait3A_266, %dma_wait3A_269, %dma_wait3A_270] : memref<16x128x32xf32, #tpu.memory_space<vmem>> -> memref<1x128x32xf32, #tpu.memory_space<vmem>>
      %dma_wait3A_272 = tpu.memref_squeeze %dma_wait3A_271 : memref<1x128x32xf32, #tpu.memory_space<vmem>> -> memref<128x32xf32, #tpu.memory_space<vmem>>
      %dma_wait3A_273 = arith.constant 0 : i32
      %dma_wait3A_274 = tpu.memref_slice %arg7[%dma_wait3A_267, %dma_wait3A_273] : memref<56x128xi32, #tpu.memory_space<vmem>> -> memref<1x128xi32, #tpu.memory_space<vmem>>
      %dma_wait3A_275 = tpu.memref_squeeze %dma_wait3A_274 : memref<1x128xi32, #tpu.memory_space<vmem>> -> memref<128xi32, #tpu.memory_space<vmem>>
      %dma_wait3A_276 = arith.constant 0 : i32
      %dma_wait3A_277 = arith.constant 0 : i32
      %dma_wait3A_278 = tpu.memref_slice %arg10[%dma_wait3A_276, %dma_wait3A_277] : memref<10240x32xf32, #tpu.memory_space<vmem_shared>> -> memref<10240x32xf32, #tpu.memory_space<vmem_shared>>
      %dma_wait3A_279 = tpu.memref_slice %arg12[%dma_wait3A_268] : memref<2x!tpu.dma_semaphore, #tpu.memory_space<semaphore_mem>> -> memref<1x!tpu.dma_semaphore, #tpu.memory_space<semaphore_mem>>
      %dma_wait3A_280 = tpu.memref_squeeze %dma_wait3A_279 : memref<1x!tpu.dma_semaphore, #tpu.memory_space<semaphore_mem>> -> memref<!tpu.dma_semaphore, #tpu.memory_space<semaphore_mem>>
      tpu.wait_indirect_dma semaphore(%dma_wait3A_280 : memref<!tpu.dma_semaphore, #tpu.memory_space<semaphore_mem>>) src(%dma_wait3A_272 : memref<128x32xf32, #tpu.memory_space<vmem>>) dst(%dma_wait3A_278 : memref<10240x32xf32, #tpu.memory_space<vmem_shared>>)
      %dma_wait3A_281 = arith.constant 5 : i32
      %dma_wait3A_282 = arith.constant 53 : i32
      %dma_wait3A_283 = arith.constant 0 : i32
      %dma_wait3A_284 = arith.constant 0 : i32
      %dma_wait3A_285 = arith.constant 0 : i32
      %dma_wait3A_286 = tpu.memref_slice %arg8[%dma_wait3A_281, %dma_wait3A_284, %dma_wait3A_285] : memref<16x128x32xf32, #tpu.memory_space<vmem>> -> memref<1x128x32xf32, #tpu.memory_space<vmem>>
      %dma_wait3A_287 = tpu.memref_squeeze %dma_wait3A_286 : memref<1x128x32xf32, #tpu.memory_space<vmem>> -> memref<128x32xf32, #tpu.memory_space<vmem>>
      %dma_wait3A_288 = arith.constant 0 : i32
      %dma_wait3A_289 = tpu.memref_slice %arg7[%dma_wait3A_282, %dma_wait3A_288] : memref<56x128xi32, #tpu.memory_space<vmem>> -> memref<1x128xi32, #tpu.memory_space<vmem>>
      %dma_wait3A_290 = tpu.memref_squeeze %dma_wait3A_289 : memref<1x128xi32, #tpu.memory_space<vmem>> -> memref<128xi32, #tpu.memory_space<vmem>>
      %dma_wait3A_291 = arith.constant 0 : i32
      %dma_wait3A_292 = arith.constant 0 : i32
      %dma_wait3A_293 = tpu.memref_slice %arg10[%dma_wait3A_291, %dma_wait3A_292] : memref<10240x32xf32, #tpu.memory_space<vmem_shared>> -> memref<10240x32xf32, #tpu.memory_space<vmem_shared>>
      %dma_wait3A_294 = tpu.memref_slice %arg12[%dma_wait3A_283] : memref<2x!tpu.dma_semaphore, #tpu.memory_space<semaphore_mem>> -> memref<1x!tpu.dma_semaphore, #tpu.memory_space<semaphore_mem>>
      %dma_wait3A_295 = tpu.memref_squeeze %dma_wait3A_294 : memref<1x!tpu.dma_semaphore, #tpu.memory_space<semaphore_mem>> -> memref<!tpu.dma_semaphore, #tpu.memory_space<semaphore_mem>>
      tpu.wait_indirect_dma semaphore(%dma_wait3A_295 : memref<!tpu.dma_semaphore, #tpu.memory_space<semaphore_mem>>) src(%dma_wait3A_287 : memref<128x32xf32, #tpu.memory_space<vmem>>) dst(%dma_wait3A_293 : memref<10240x32xf32, #tpu.memory_space<vmem_shared>>)
      %dma_wait3A_296 = arith.constant 6 : i32
      %dma_wait3A_297 = arith.constant 54 : i32
      %dma_wait3A_298 = arith.constant 0 : i32
      %dma_wait3A_299 = arith.constant 0 : i32
      %dma_wait3A_300 = arith.constant 0 : i32
      %dma_wait3A_301 = tpu.memref_slice %arg8[%dma_wait3A_296, %dma_wait3A_299, %dma_wait3A_300] : memref<16x128x32xf32, #tpu.memory_space<vmem>> -> memref<1x128x32xf32, #tpu.memory_space<vmem>>
      %dma_wait3A_302 = tpu.memref_squeeze %dma_wait3A_301 : memref<1x128x32xf32, #tpu.memory_space<vmem>> -> memref<128x32xf32, #tpu.memory_space<vmem>>
      %dma_wait3A_303 = arith.constant 0 : i32
      %dma_wait3A_304 = tpu.memref_slice %arg7[%dma_wait3A_297, %dma_wait3A_303] : memref<56x128xi32, #tpu.memory_space<vmem>> -> memref<1x128xi32, #tpu.memory_space<vmem>>
      %dma_wait3A_305 = tpu.memref_squeeze %dma_wait3A_304 : memref<1x128xi32, #tpu.memory_space<vmem>> -> memref<128xi32, #tpu.memory_space<vmem>>
      %dma_wait3A_306 = arith.constant 0 : i32
      %dma_wait3A_307 = arith.constant 0 : i32
      %dma_wait3A_308 = tpu.memref_slice %arg10[%dma_wait3A_306, %dma_wait3A_307] : memref<10240x32xf32, #tpu.memory_space<vmem_shared>> -> memref<10240x32xf32, #tpu.memory_space<vmem_shared>>
      %dma_wait3A_309 = tpu.memref_slice %arg12[%dma_wait3A_298] : memref<2x!tpu.dma_semaphore, #tpu.memory_space<semaphore_mem>> -> memref<1x!tpu.dma_semaphore, #tpu.memory_space<semaphore_mem>>
      %dma_wait3A_310 = tpu.memref_squeeze %dma_wait3A_309 : memref<1x!tpu.dma_semaphore, #tpu.memory_space<semaphore_mem>> -> memref<!tpu.dma_semaphore, #tpu.memory_space<semaphore_mem>>
      tpu.wait_indirect_dma semaphore(%dma_wait3A_310 : memref<!tpu.dma_semaphore, #tpu.memory_space<semaphore_mem>>) src(%dma_wait3A_302 : memref<128x32xf32, #tpu.memory_space<vmem>>) dst(%dma_wait3A_308 : memref<10240x32xf32, #tpu.memory_space<vmem_shared>>)
      %dma_wait3A_311 = arith.constant 7 : i32
      %dma_wait3A_312 = arith.constant 55 : i32
      %dma_wait3A_313 = arith.constant 0 : i32
      %dma_wait3A_314 = arith.constant 0 : i32
      %dma_wait3A_315 = arith.constant 0 : i32
      %dma_wait3A_316 = tpu.memref_slice %arg8[%dma_wait3A_311, %dma_wait3A_314, %dma_wait3A_315] : memref<16x128x32xf32, #tpu.memory_space<vmem>> -> memref<1x128x32xf32, #tpu.memory_space<vmem>>
      %dma_wait3A_317 = tpu.memref_squeeze %dma_wait3A_316 : memref<1x128x32xf32, #tpu.memory_space<vmem>> -> memref<128x32xf32, #tpu.memory_space<vmem>>
      %dma_wait3A_318 = arith.constant 0 : i32
      %dma_wait3A_319 = tpu.memref_slice %arg7[%dma_wait3A_312, %dma_wait3A_318] : memref<56x128xi32, #tpu.memory_space<vmem>> -> memref<1x128xi32, #tpu.memory_space<vmem>>
      %dma_wait3A_320 = tpu.memref_squeeze %dma_wait3A_319 : memref<1x128xi32, #tpu.memory_space<vmem>> -> memref<128xi32, #tpu.memory_space<vmem>>
      %dma_wait3A_321 = arith.constant 0 : i32
      %dma_wait3A_322 = arith.constant 0 : i32
      %dma_wait3A_323 = tpu.memref_slice %arg10[%dma_wait3A_321, %dma_wait3A_322] : memref<10240x32xf32, #tpu.memory_space<vmem_shared>> -> memref<10240x32xf32, #tpu.memory_space<vmem_shared>>
      %dma_wait3A_324 = tpu.memref_slice %arg12[%dma_wait3A_313] : memref<2x!tpu.dma_semaphore, #tpu.memory_space<semaphore_mem>> -> memref<1x!tpu.dma_semaphore, #tpu.memory_space<semaphore_mem>>
      %dma_wait3A_325 = tpu.memref_squeeze %dma_wait3A_324 : memref<1x!tpu.dma_semaphore, #tpu.memory_space<semaphore_mem>> -> memref<!tpu.dma_semaphore, #tpu.memory_space<semaphore_mem>>
      tpu.wait_indirect_dma semaphore(%dma_wait3A_325 : memref<!tpu.dma_semaphore, #tpu.memory_space<semaphore_mem>>) src(%dma_wait3A_317 : memref<128x32xf32, #tpu.memory_space<vmem>>) dst(%dma_wait3A_323 : memref<10240x32xf32, #tpu.memory_space<vmem_shared>>)
      %barrier3A_326 = arith.constant 0 : index
      tpu.barrier barrier_id(%barrier3A_326)
      %add3A_327 = arith.constant 0 : i32
      %add3A_328 = arith.addi %add3A_327, %mul3A_184 : i32
      "tpu.region"() ({
        %run_scoped3A = tpu.sem_alloc : memref<!tpu.dma_semaphore, #tpu.memory_space<semaphore_mem>>
        %dma_start3A_329 = arith.constant 0 : i32
        %dma_start3A_330 = tpu.memref_slice %arg5[%add3A_328, %dma_start3A_329] : memref<20480x32xf32, #tpu.memory_space<hbm>> -> memref<640x32xf32, #tpu.memory_space<hbm>>
        %dma_start3A_331 = arith.constant 0 : i32
        %dma_start3A_332 = tpu.memref_slice %arg10[%mul3A_184, %dma_start3A_331] : memref<10240x32xf32, #tpu.memory_space<vmem_shared>> -> memref<640x32xf32, #tpu.memory_space<vmem_shared>>
        tpu.enqueue_dma source(%dma_start3A_332 : memref<640x32xf32, #tpu.memory_space<vmem_shared>>) target(%dma_start3A_330 : memref<640x32xf32, #tpu.memory_space<hbm>>) target_semaphore(%run_scoped3A : memref<!tpu.dma_semaphore, #tpu.memory_space<semaphore_mem>>)
        %dma_wait3A_333 = arith.constant 0 : i32
        %dma_wait3A_334 = tpu.memref_slice %arg5[%add3A_328, %dma_wait3A_333] : memref<20480x32xf32, #tpu.memory_space<hbm>> -> memref<640x32xf32, #tpu.memory_space<hbm>>
        %dma_wait3A_335 = arith.constant 0 : i32
        %dma_wait3A_336 = tpu.memref_slice %arg10[%mul3A_184, %dma_wait3A_335] : memref<10240x32xf32, #tpu.memory_space<vmem_shared>> -> memref<640x32xf32, #tpu.memory_space<vmem_shared>>
        tpu.wait_dma2 semaphore(%run_scoped3A : memref<!tpu.dma_semaphore, #tpu.memory_space<semaphore_mem>>) src(%dma_wait3A_336 : memref<640x32xf32, #tpu.memory_space<vmem_shared>>) dst(%dma_wait3A_334 : memref<640x32xf32, #tpu.memory_space<hbm>>)
        tpu.yield
      }) : () -> ()
    } else {
    }
    %not3A = arith.constant true
    %not3A_2 = arith.xori %eq3A_0, %not3A : i1
    %convert_element_type3A_3 = arith.extui %not3A_2 : i1 to i32
    %cond3A_4 = arith.constant 0 : i32
    %cond3A_5 = arith.cmpi ne, %convert_element_type3A_3, %cond3A_4 : i32
    scf.if %cond3A_5 {
      %mul3A = arith.constant 24 : i32
      %mul3A_6 = arith.muli %arg1, %mul3A : i32
      %add3A = arith.constant 896 : i32
      %add3A_7 = arith.addi %add3A, %mul3A_6 : i32
      %dma_start3A = arith.constant 0 : i32
      %dma_start3A_8 = arith.constant 0 : i32
      %dma_start3A_9 = arith.constant 0 : i32
      %dma_start3A_10 = tpu.memref_slice %arg6[%dma_start3A_8, %dma_start3A_9] : memref<56x128xi32, #tpu.memory_space<vmem>> -> memref<24x128xi32, #tpu.memory_space<vmem>>
      %dma_start3A_11 = arith.constant 0 : i32
      %dma_start3A_12 = tpu.memref_slice %arg3[%add3A_7, %dma_start3A_11] : memref<1280x128xi32, #tpu.memory_space<hbm>> -> memref<24x128xi32, #tpu.memory_space<hbm>>
      %dma_start3A_13 = tpu.memref_slice %arg13[%dma_start3A] : memref<3x!tpu.dma_semaphore, #tpu.memory_space<semaphore_mem>> -> memref<1x!tpu.dma_semaphore, #tpu.memory_space<semaphore_mem>>
      %dma_start3A_14 = tpu.memref_squeeze %dma_start3A_13 : memref<1x!tpu.dma_semaphore, #tpu.memory_space<semaphore_mem>> -> memref<!tpu.dma_semaphore, #tpu.memory_space<semaphore_mem>>
      %dma_start3A_15 = arith.constant 0 : i32
      %dma_start3A_16 = arith.constant 0 : i32
      %dma_start3A_17 = tpu.memref_slice %arg6[%dma_start3A_15, %dma_start3A_16] : memref<56x128xi32, #tpu.memory_space<vmem>> -> memref<24x128xi32, #tpu.memory_space<vmem>>
      %dma_start3A_18 = arith.constant 0 : i32
      %dma_start3A_19 = tpu.memref_slice %arg3[%add3A_7, %dma_start3A_18] : memref<1280x128xi32, #tpu.memory_space<hbm>> -> memref<24x128xi32, #tpu.memory_space<hbm>>
      tpu.enqueue_dma source(%dma_start3A_19 : memref<24x128xi32, #tpu.memory_space<hbm>>) target(%dma_start3A_17 : memref<24x128xi32, #tpu.memory_space<vmem>>) target_semaphore(%dma_start3A_14 : memref<!tpu.dma_semaphore, #tpu.memory_space<semaphore_mem>>)
      %dma_start3A_20 = arith.constant 1 : i32
      %dma_start3A_21 = arith.constant 0 : i32
      %dma_start3A_22 = arith.constant 0 : i32
      %dma_start3A_23 = tpu.memref_slice %arg7[%dma_start3A_21, %dma_start3A_22] : memref<56x128xi32, #tpu.memory_space<vmem>> -> memref<24x128xi32, #tpu.memory_space<vmem>>
      %dma_start3A_24 = arith.constant 0 : i32
      %dma_start3A_25 = tpu.memref_slice %arg4[%add3A_7, %dma_start3A_24] : memref<1280x128xi32, #tpu.memory_space<hbm>> -> memref<24x128xi32, #tpu.memory_space<hbm>>
      %dma_start3A_26 = tpu.memref_slice %arg13[%dma_start3A_20] : memref<3x!tpu.dma_semaphore, #tpu.memory_space<semaphore_mem>> -> memref<1x!tpu.dma_semaphore, #tpu.memory_space<semaphore_mem>>
      %dma_start3A_27 = tpu.memref_squeeze %dma_start3A_26 : memref<1x!tpu.dma_semaphore, #tpu.memory_space<semaphore_mem>> -> memref<!tpu.dma_semaphore, #tpu.memory_space<semaphore_mem>>
      %dma_start3A_28 = arith.constant 0 : i32
      %dma_start3A_29 = arith.constant 0 : i32
      %dma_start3A_30 = tpu.memref_slice %arg7[%dma_start3A_28, %dma_start3A_29] : memref<56x128xi32, #tpu.memory_space<vmem>> -> memref<24x128xi32, #tpu.memory_space<vmem>>
      %dma_start3A_31 = arith.constant 0 : i32
      %dma_start3A_32 = tpu.memref_slice %arg4[%add3A_7, %dma_start3A_31] : memref<1280x128xi32, #tpu.memory_space<hbm>> -> memref<24x128xi32, #tpu.memory_space<hbm>>
      tpu.enqueue_dma source(%dma_start3A_32 : memref<24x128xi32, #tpu.memory_space<hbm>>) target(%dma_start3A_30 : memref<24x128xi32, #tpu.memory_space<vmem>>) target_semaphore(%dma_start3A_27 : memref<!tpu.dma_semaphore, #tpu.memory_space<semaphore_mem>>)
      %dma_wait3A = arith.constant 0 : i32
      %dma_wait3A_33 = arith.constant 0 : i32
      %dma_wait3A_34 = arith.constant 0 : i32
      %dma_wait3A_35 = tpu.memref_slice %arg6[%dma_wait3A_33, %dma_wait3A_34] : memref<56x128xi32, #tpu.memory_space<vmem>> -> memref<24x128xi32, #tpu.memory_space<vmem>>
      %dma_wait3A_36 = arith.constant 0 : i32
      %dma_wait3A_37 = tpu.memref_slice %arg3[%add3A_7, %dma_wait3A_36] : memref<1280x128xi32, #tpu.memory_space<hbm>> -> memref<24x128xi32, #tpu.memory_space<hbm>>
      %dma_wait3A_38 = tpu.memref_slice %arg13[%dma_wait3A] : memref<3x!tpu.dma_semaphore, #tpu.memory_space<semaphore_mem>> -> memref<1x!tpu.dma_semaphore, #tpu.memory_space<semaphore_mem>>
      %dma_wait3A_39 = tpu.memref_squeeze %dma_wait3A_38 : memref<1x!tpu.dma_semaphore, #tpu.memory_space<semaphore_mem>> -> memref<!tpu.dma_semaphore, #tpu.memory_space<semaphore_mem>>
      %dma_wait3A_40 = arith.constant 0 : i32
      %dma_wait3A_41 = arith.constant 0 : i32
      %dma_wait3A_42 = tpu.memref_slice %arg6[%dma_wait3A_40, %dma_wait3A_41] : memref<56x128xi32, #tpu.memory_space<vmem>> -> memref<24x128xi32, #tpu.memory_space<vmem>>
      %dma_wait3A_43 = arith.constant 0 : i32
      %dma_wait3A_44 = tpu.memref_slice %arg3[%add3A_7, %dma_wait3A_43] : memref<1280x128xi32, #tpu.memory_space<hbm>> -> memref<24x128xi32, #tpu.memory_space<hbm>>
      tpu.wait_dma2 semaphore(%dma_wait3A_39 : memref<!tpu.dma_semaphore, #tpu.memory_space<semaphore_mem>>) src(%dma_wait3A_44 : memref<24x128xi32, #tpu.memory_space<hbm>>) dst(%dma_wait3A_42 : memref<24x128xi32, #tpu.memory_space<vmem>>)
      %dma_wait3A_45 = arith.constant 1 : i32
      %dma_wait3A_46 = arith.constant 0 : i32
      %dma_wait3A_47 = arith.constant 0 : i32
      %dma_wait3A_48 = tpu.memref_slice %arg7[%dma_wait3A_46, %dma_wait3A_47] : memref<56x128xi32, #tpu.memory_space<vmem>> -> memref<24x128xi32, #tpu.memory_space<vmem>>
      %dma_wait3A_49 = arith.constant 0 : i32
      %dma_wait3A_50 = tpu.memref_slice %arg4[%add3A_7, %dma_wait3A_49] : memref<1280x128xi32, #tpu.memory_space<hbm>> -> memref<24x128xi32, #tpu.memory_space<hbm>>
      %dma_wait3A_51 = tpu.memref_slice %arg13[%dma_wait3A_45] : memref<3x!tpu.dma_semaphore, #tpu.memory_space<semaphore_mem>> -> memref<1x!tpu.dma_semaphore, #tpu.memory_space<semaphore_mem>>
      %dma_wait3A_52 = tpu.memref_squeeze %dma_wait3A_51 : memref<1x!tpu.dma_semaphore, #tpu.memory_space<semaphore_mem>> -> memref<!tpu.dma_semaphore, #tpu.memory_space<semaphore_mem>>
      %dma_wait3A_53 = arith.constant 0 : i32
      %dma_wait3A_54 = arith.constant 0 : i32
      %dma_wait3A_55 = tpu.memref_slice %arg7[%dma_wait3A_53, %dma_wait3A_54] : memref<56x128xi32, #tpu.memory_space<vmem>> -> memref<24x128xi32, #tpu.memory_space<vmem>>
      %dma_wait3A_56 = arith.constant 0 : i32
      %dma_wait3A_57 = tpu.memref_slice %arg4[%add3A_7, %dma_wait3A_56] : memref<1280x128xi32, #tpu.memory_space<hbm>> -> memref<24x128xi32, #tpu.memory_space<hbm>>
      tpu.wait_dma2 semaphore(%dma_wait3A_52 : memref<!tpu.dma_semaphore, #tpu.memory_space<semaphore_mem>>) src(%dma_wait3A_57 : memref<24x128xi32, #tpu.memory_space<hbm>>) dst(%dma_wait3A_55 : memref<24x128xi32, #tpu.memory_space<vmem>>)
      %dma_start3A_58 = arith.constant 0 : i32
      %dma_start3A_59 = arith.constant 0 : i32
      %dma_start3A_60 = arith.constant 0 : i32
      %dma_start3A_61 = arith.constant 0 : i32
      %dma_start3A_62 = arith.constant 0 : i32
      %dma_start3A_63 = tpu.memref_slice %arg8[%dma_start3A_59, %dma_start3A_61, %dma_start3A_62] : memref<16x128x32xf32, #tpu.memory_space<vmem>> -> memref<1x128x32xf32, #tpu.memory_space<vmem>>
      %dma_start3A_64 = tpu.memref_squeeze %dma_start3A_63 : memref<1x128x32xf32, #tpu.memory_space<vmem>> -> memref<128x32xf32, #tpu.memory_space<vmem>>
      %dma_start3A_65 = arith.constant 0 : i32
      %dma_start3A_66 = tpu.memref_slice %arg6[%dma_start3A_58, %dma_start3A_65] : memref<56x128xi32, #tpu.memory_space<vmem>> -> memref<1x128xi32, #tpu.memory_space<vmem>>
      %dma_start3A_67 = tpu.memref_squeeze %dma_start3A_66 : memref<1x128xi32, #tpu.memory_space<vmem>> -> memref<128xi32, #tpu.memory_space<vmem>>
      %dma_start3A_68 = arith.constant 0 : i32
      %dma_start3A_69 = arith.constant 0 : i32
      %dma_start3A_70 = tpu.memref_slice %arg2[%dma_start3A_68, %dma_start3A_69] : memref<52000x32xf32, #tpu.memory_space<hbm>> -> memref<52000x32xf32, #tpu.memory_space<hbm>>
      %dma_start3A_71 = tpu.memref_slice %arg11[%dma_start3A_60] : memref<2x!tpu.dma_semaphore, #tpu.memory_space<semaphore_mem>> -> memref<1x!tpu.dma_semaphore, #tpu.memory_space<semaphore_mem>>
      %dma_start3A_72 = tpu.memref_squeeze %dma_start3A_71 : memref<1x!tpu.dma_semaphore, #tpu.memory_space<semaphore_mem>> -> memref<!tpu.dma_semaphore, #tpu.memory_space<semaphore_mem>>
      tpu.enqueue_indirect_dma source(%dma_start3A_70 : memref<52000x32xf32, #tpu.memory_space<hbm>>) target(%dma_start3A_64 : memref<128x32xf32, #tpu.memory_space<vmem>>) offsets(%dma_start3A_67 : memref<128xi32, #tpu.memory_space<vmem>>) semaphore(%dma_start3A_72 : memref<!tpu.dma_semaphore, #tpu.memory_space<semaphore_mem>>)
      %dma_start3A_73 = arith.constant 1 : i32
      %dma_start3A_74 = arith.constant 1 : i32
      %dma_start3A_75 = arith.constant 0 : i32
      %dma_start3A_76 = arith.constant 0 : i32
      %dma_start3A_77 = arith.constant 0 : i32
      %dma_start3A_78 = tpu.memref_slice %arg8[%dma_start3A_74, %dma_start3A_76, %dma_start3A_77] : memref<16x128x32xf32, #tpu.memory_space<vmem>> -> memref<1x128x32xf32, #tpu.memory_space<vmem>>
      %dma_start3A_79 = tpu.memref_squeeze %dma_start3A_78 : memref<1x128x32xf32, #tpu.memory_space<vmem>> -> memref<128x32xf32, #tpu.memory_space<vmem>>
      %dma_start3A_80 = arith.constant 0 : i32
      %dma_start3A_81 = tpu.memref_slice %arg6[%dma_start3A_73, %dma_start3A_80] : memref<56x128xi32, #tpu.memory_space<vmem>> -> memref<1x128xi32, #tpu.memory_space<vmem>>
      %dma_start3A_82 = tpu.memref_squeeze %dma_start3A_81 : memref<1x128xi32, #tpu.memory_space<vmem>> -> memref<128xi32, #tpu.memory_space<vmem>>
      %dma_start3A_83 = arith.constant 0 : i32
      %dma_start3A_84 = arith.constant 0 : i32
      %dma_start3A_85 = tpu.memref_slice %arg2[%dma_start3A_83, %dma_start3A_84] : memref<52000x32xf32, #tpu.memory_space<hbm>> -> memref<52000x32xf32, #tpu.memory_space<hbm>>
      %dma_start3A_86 = tpu.memref_slice %arg11[%dma_start3A_75] : memref<2x!tpu.dma_semaphore, #tpu.memory_space<semaphore_mem>> -> memref<1x!tpu.dma_semaphore, #tpu.memory_space<semaphore_mem>>
      %dma_start3A_87 = tpu.memref_squeeze %dma_start3A_86 : memref<1x!tpu.dma_semaphore, #tpu.memory_space<semaphore_mem>> -> memref<!tpu.dma_semaphore, #tpu.memory_space<semaphore_mem>>
      tpu.enqueue_indirect_dma source(%dma_start3A_85 : memref<52000x32xf32, #tpu.memory_space<hbm>>) target(%dma_start3A_79 : memref<128x32xf32, #tpu.memory_space<vmem>>) offsets(%dma_start3A_82 : memref<128xi32, #tpu.memory_space<vmem>>) semaphore(%dma_start3A_87 : memref<!tpu.dma_semaphore, #tpu.memory_space<semaphore_mem>>)
      %dma_start3A_88 = arith.constant 2 : i32
      %dma_start3A_89 = arith.constant 2 : i32
      %dma_start3A_90 = arith.constant 0 : i32
      %dma_start3A_91 = arith.constant 0 : i32
      %dma_start3A_92 = arith.constant 0 : i32
      %dma_start3A_93 = tpu.memref_slice %arg8[%dma_start3A_89, %dma_start3A_91, %dma_start3A_92] : memref<16x128x32xf32, #tpu.memory_space<vmem>> -> memref<1x128x32xf32, #tpu.memory_space<vmem>>
      %dma_start3A_94 = tpu.memref_squeeze %dma_start3A_93 : memref<1x128x32xf32, #tpu.memory_space<vmem>> -> memref<128x32xf32, #tpu.memory_space<vmem>>
      %dma_start3A_95 = arith.constant 0 : i32
      %dma_start3A_96 = tpu.memref_slice %arg6[%dma_start3A_88, %dma_start3A_95] : memref<56x128xi32, #tpu.memory_space<vmem>> -> memref<1x128xi32, #tpu.memory_space<vmem>>
      %dma_start3A_97 = tpu.memref_squeeze %dma_start3A_96 : memref<1x128xi32, #tpu.memory_space<vmem>> -> memref<128xi32, #tpu.memory_space<vmem>>
      %dma_start3A_98 = arith.constant 0 : i32
      %dma_start3A_99 = arith.constant 0 : i32
      %dma_start3A_100 = tpu.memref_slice %arg2[%dma_start3A_98, %dma_start3A_99] : memref<52000x32xf32, #tpu.memory_space<hbm>> -> memref<52000x32xf32, #tpu.memory_space<hbm>>
      %dma_start3A_101 = tpu.memref_slice %arg11[%dma_start3A_90] : memref<2x!tpu.dma_semaphore, #tpu.memory_space<semaphore_mem>> -> memref<1x!tpu.dma_semaphore, #tpu.memory_space<semaphore_mem>>
      %dma_start3A_102 = tpu.memref_squeeze %dma_start3A_101 : memref<1x!tpu.dma_semaphore, #tpu.memory_space<semaphore_mem>> -> memref<!tpu.dma_semaphore, #tpu.memory_space<semaphore_mem>>
      tpu.enqueue_indirect_dma source(%dma_start3A_100 : memref<52000x32xf32, #tpu.memory_space<hbm>>) target(%dma_start3A_94 : memref<128x32xf32, #tpu.memory_space<vmem>>) offsets(%dma_start3A_97 : memref<128xi32, #tpu.memory_space<vmem>>) semaphore(%dma_start3A_102 : memref<!tpu.dma_semaphore, #tpu.memory_space<semaphore_mem>>)
      %dma_start3A_103 = arith.constant 3 : i32
      %dma_start3A_104 = arith.constant 3 : i32
      %dma_start3A_105 = arith.constant 0 : i32
      %dma_start3A_106 = arith.constant 0 : i32
      %dma_start3A_107 = arith.constant 0 : i32
      %dma_start3A_108 = tpu.memref_slice %arg8[%dma_start3A_104, %dma_start3A_106, %dma_start3A_107] : memref<16x128x32xf32, #tpu.memory_space<vmem>> -> memref<1x128x32xf32, #tpu.memory_space<vmem>>
      %dma_start3A_109 = tpu.memref_squeeze %dma_start3A_108 : memref<1x128x32xf32, #tpu.memory_space<vmem>> -> memref<128x32xf32, #tpu.memory_space<vmem>>
      %dma_start3A_110 = arith.constant 0 : i32
      %dma_start3A_111 = tpu.memref_slice %arg6[%dma_start3A_103, %dma_start3A_110] : memref<56x128xi32, #tpu.memory_space<vmem>> -> memref<1x128xi32, #tpu.memory_space<vmem>>
      %dma_start3A_112 = tpu.memref_squeeze %dma_start3A_111 : memref<1x128xi32, #tpu.memory_space<vmem>> -> memref<128xi32, #tpu.memory_space<vmem>>
      %dma_start3A_113 = arith.constant 0 : i32
      %dma_start3A_114 = arith.constant 0 : i32
      %dma_start3A_115 = tpu.memref_slice %arg2[%dma_start3A_113, %dma_start3A_114] : memref<52000x32xf32, #tpu.memory_space<hbm>> -> memref<52000x32xf32, #tpu.memory_space<hbm>>
      %dma_start3A_116 = tpu.memref_slice %arg11[%dma_start3A_105] : memref<2x!tpu.dma_semaphore, #tpu.memory_space<semaphore_mem>> -> memref<1x!tpu.dma_semaphore, #tpu.memory_space<semaphore_mem>>
      %dma_start3A_117 = tpu.memref_squeeze %dma_start3A_116 : memref<1x!tpu.dma_semaphore, #tpu.memory_space<semaphore_mem>> -> memref<!tpu.dma_semaphore, #tpu.memory_space<semaphore_mem>>
      tpu.enqueue_indirect_dma source(%dma_start3A_115 : memref<52000x32xf32, #tpu.memory_space<hbm>>) target(%dma_start3A_109 : memref<128x32xf32, #tpu.memory_space<vmem>>) offsets(%dma_start3A_112 : memref<128xi32, #tpu.memory_space<vmem>>) semaphore(%dma_start3A_117 : memref<!tpu.dma_semaphore, #tpu.memory_space<semaphore_mem>>)
      %dma_start3A_118 = arith.constant 4 : i32
      %dma_start3A_119 = arith.constant 4 : i32
      %dma_start3A_120 = arith.constant 0 : i32
      %dma_start3A_121 = arith.constant 0 : i32
      %dma_start3A_122 = arith.constant 0 : i32
      %dma_start3A_123 = tpu.memref_slice %arg8[%dma_start3A_119, %dma_start3A_121, %dma_start3A_122] : memref<16x128x32xf32, #tpu.memory_space<vmem>> -> memref<1x128x32xf32, #tpu.memory_space<vmem>>
      %dma_start3A_124 = tpu.memref_squeeze %dma_start3A_123 : memref<1x128x32xf32, #tpu.memory_space<vmem>> -> memref<128x32xf32, #tpu.memory_space<vmem>>
      %dma_start3A_125 = arith.constant 0 : i32
      %dma_start3A_126 = tpu.memref_slice %arg6[%dma_start3A_118, %dma_start3A_125] : memref<56x128xi32, #tpu.memory_space<vmem>> -> memref<1x128xi32, #tpu.memory_space<vmem>>
      %dma_start3A_127 = tpu.memref_squeeze %dma_start3A_126 : memref<1x128xi32, #tpu.memory_space<vmem>> -> memref<128xi32, #tpu.memory_space<vmem>>
      %dma_start3A_128 = arith.constant 0 : i32
      %dma_start3A_129 = arith.constant 0 : i32
      %dma_start3A_130 = tpu.memref_slice %arg2[%dma_start3A_128, %dma_start3A_129] : memref<52000x32xf32, #tpu.memory_space<hbm>> -> memref<52000x32xf32, #tpu.memory_space<hbm>>
      %dma_start3A_131 = tpu.memref_slice %arg11[%dma_start3A_120] : memref<2x!tpu.dma_semaphore, #tpu.memory_space<semaphore_mem>> -> memref<1x!tpu.dma_semaphore, #tpu.memory_space<semaphore_mem>>
      %dma_start3A_132 = tpu.memref_squeeze %dma_start3A_131 : memref<1x!tpu.dma_semaphore, #tpu.memory_space<semaphore_mem>> -> memref<!tpu.dma_semaphore, #tpu.memory_space<semaphore_mem>>
      tpu.enqueue_indirect_dma source(%dma_start3A_130 : memref<52000x32xf32, #tpu.memory_space<hbm>>) target(%dma_start3A_124 : memref<128x32xf32, #tpu.memory_space<vmem>>) offsets(%dma_start3A_127 : memref<128xi32, #tpu.memory_space<vmem>>) semaphore(%dma_start3A_132 : memref<!tpu.dma_semaphore, #tpu.memory_space<semaphore_mem>>)
      %dma_start3A_133 = arith.constant 5 : i32
      %dma_start3A_134 = arith.constant 5 : i32
      %dma_start3A_135 = arith.constant 0 : i32
      %dma_start3A_136 = arith.constant 0 : i32
      %dma_start3A_137 = arith.constant 0 : i32
      %dma_start3A_138 = tpu.memref_slice %arg8[%dma_start3A_134, %dma_start3A_136, %dma_start3A_137] : memref<16x128x32xf32, #tpu.memory_space<vmem>> -> memref<1x128x32xf32, #tpu.memory_space<vmem>>
      %dma_start3A_139 = tpu.memref_squeeze %dma_start3A_138 : memref<1x128x32xf32, #tpu.memory_space<vmem>> -> memref<128x32xf32, #tpu.memory_space<vmem>>
      %dma_start3A_140 = arith.constant 0 : i32
      %dma_start3A_141 = tpu.memref_slice %arg6[%dma_start3A_133, %dma_start3A_140] : memref<56x128xi32, #tpu.memory_space<vmem>> -> memref<1x128xi32, #tpu.memory_space<vmem>>
      %dma_start3A_142 = tpu.memref_squeeze %dma_start3A_141 : memref<1x128xi32, #tpu.memory_space<vmem>> -> memref<128xi32, #tpu.memory_space<vmem>>
      %dma_start3A_143 = arith.constant 0 : i32
      %dma_start3A_144 = arith.constant 0 : i32
      %dma_start3A_145 = tpu.memref_slice %arg2[%dma_start3A_143, %dma_start3A_144] : memref<52000x32xf32, #tpu.memory_space<hbm>> -> memref<52000x32xf32, #tpu.memory_space<hbm>>
      %dma_start3A_146 = tpu.memref_slice %arg11[%dma_start3A_135] : memref<2x!tpu.dma_semaphore, #tpu.memory_space<semaphore_mem>> -> memref<1x!tpu.dma_semaphore, #tpu.memory_space<semaphore_mem>>
      %dma_start3A_147 = tpu.memref_squeeze %dma_start3A_146 : memref<1x!tpu.dma_semaphore, #tpu.memory_space<semaphore_mem>> -> memref<!tpu.dma_semaphore, #tpu.memory_space<semaphore_mem>>
      tpu.enqueue_indirect_dma source(%dma_start3A_145 : memref<52000x32xf32, #tpu.memory_space<hbm>>) target(%dma_start3A_139 : memref<128x32xf32, #tpu.memory_space<vmem>>) offsets(%dma_start3A_142 : memref<128xi32, #tpu.memory_space<vmem>>) semaphore(%dma_start3A_147 : memref<!tpu.dma_semaphore, #tpu.memory_space<semaphore_mem>>)
      %dma_start3A_148 = arith.constant 6 : i32
      %dma_start3A_149 = arith.constant 6 : i32
      %dma_start3A_150 = arith.constant 0 : i32
      %dma_start3A_151 = arith.constant 0 : i32
      %dma_start3A_152 = arith.constant 0 : i32
      %dma_start3A_153 = tpu.memref_slice %arg8[%dma_start3A_149, %dma_start3A_151, %dma_start3A_152] : memref<16x128x32xf32, #tpu.memory_space<vmem>> -> memref<1x128x32xf32, #tpu.memory_space<vmem>>
      %dma_start3A_154 = tpu.memref_squeeze %dma_start3A_153 : memref<1x128x32xf32, #tpu.memory_space<vmem>> -> memref<128x32xf32, #tpu.memory_space<vmem>>
      %dma_start3A_155 = arith.constant 0 : i32
      %dma_start3A_156 = tpu.memref_slice %arg6[%dma_start3A_148, %dma_start3A_155] : memref<56x128xi32, #tpu.memory_space<vmem>> -> memref<1x128xi32, #tpu.memory_space<vmem>>
      %dma_start3A_157 = tpu.memref_squeeze %dma_start3A_156 : memref<1x128xi32, #tpu.memory_space<vmem>> -> memref<128xi32, #tpu.memory_space<vmem>>
      %dma_start3A_158 = arith.constant 0 : i32
      %dma_start3A_159 = arith.constant 0 : i32
      %dma_start3A_160 = tpu.memref_slice %arg2[%dma_start3A_158, %dma_start3A_159] : memref<52000x32xf32, #tpu.memory_space<hbm>> -> memref<52000x32xf32, #tpu.memory_space<hbm>>
      %dma_start3A_161 = tpu.memref_slice %arg11[%dma_start3A_150] : memref<2x!tpu.dma_semaphore, #tpu.memory_space<semaphore_mem>> -> memref<1x!tpu.dma_semaphore, #tpu.memory_space<semaphore_mem>>
      %dma_start3A_162 = tpu.memref_squeeze %dma_start3A_161 : memref<1x!tpu.dma_semaphore, #tpu.memory_space<semaphore_mem>> -> memref<!tpu.dma_semaphore, #tpu.memory_space<semaphore_mem>>
      tpu.enqueue_indirect_dma source(%dma_start3A_160 : memref<52000x32xf32, #tpu.memory_space<hbm>>) target(%dma_start3A_154 : memref<128x32xf32, #tpu.memory_space<vmem>>) offsets(%dma_start3A_157 : memref<128xi32, #tpu.memory_space<vmem>>) semaphore(%dma_start3A_162 : memref<!tpu.dma_semaphore, #tpu.memory_space<semaphore_mem>>)
      %dma_start3A_163 = arith.constant 7 : i32
      %dma_start3A_164 = arith.constant 7 : i32
      %dma_start3A_165 = arith.constant 0 : i32
      %dma_start3A_166 = arith.constant 0 : i32
      %dma_start3A_167 = arith.constant 0 : i32
      %dma_start3A_168 = tpu.memref_slice %arg8[%dma_start3A_164, %dma_start3A_166, %dma_start3A_167] : memref<16x128x32xf32, #tpu.memory_space<vmem>> -> memref<1x128x32xf32, #tpu.memory_space<vmem>>
      %dma_start3A_169 = tpu.memref_squeeze %dma_start3A_168 : memref<1x128x32xf32, #tpu.memory_space<vmem>> -> memref<128x32xf32, #tpu.memory_space<vmem>>
      %dma_start3A_170 = arith.constant 0 : i32
      %dma_start3A_171 = tpu.memref_slice %arg6[%dma_start3A_163, %dma_start3A_170] : memref<56x128xi32, #tpu.memory_space<vmem>> -> memref<1x128xi32, #tpu.memory_space<vmem>>
      %dma_start3A_172 = tpu.memref_squeeze %dma_start3A_171 : memref<1x128xi32, #tpu.memory_space<vmem>> -> memref<128xi32, #tpu.memory_space<vmem>>
      %dma_start3A_173 = arith.constant 0 : i32
      %dma_start3A_174 = arith.constant 0 : i32
      %dma_start3A_175 = tpu.memref_slice %arg2[%dma_start3A_173, %dma_start3A_174] : memref<52000x32xf32, #tpu.memory_space<hbm>> -> memref<52000x32xf32, #tpu.memory_space<hbm>>
      %dma_start3A_176 = tpu.memref_slice %arg11[%dma_start3A_165] : memref<2x!tpu.dma_semaphore, #tpu.memory_space<semaphore_mem>> -> memref<1x!tpu.dma_semaphore, #tpu.memory_space<semaphore_mem>>
      %dma_start3A_177 = tpu.memref_squeeze %dma_start3A_176 : memref<1x!tpu.dma_semaphore, #tpu.memory_space<semaphore_mem>> -> memref<!tpu.dma_semaphore, #tpu.memory_space<semaphore_mem>>
      tpu.enqueue_indirect_dma source(%dma_start3A_175 : memref<52000x32xf32, #tpu.memory_space<hbm>>) target(%dma_start3A_169 : memref<128x32xf32, #tpu.memory_space<vmem>>) offsets(%dma_start3A_172 : memref<128xi32, #tpu.memory_space<vmem>>) semaphore(%dma_start3A_177 : memref<!tpu.dma_semaphore, #tpu.memory_space<semaphore_mem>>)
      %broadcast_in_dim3A = arith.constant 0.000000e+00 : f32
      %broadcast_in_dim3A_178 = vector.broadcast %broadcast_in_dim3A : f32 to vector<16xf32>
      %scan3A = arith.constant 0 : i32
      %scan3A_179 = arith.constant 0 : i32
      %scan3A_180 = arith.constant 80 : i32
      %scan3A_181 = arith.addi %scan3A_179, %scan3A_180 : i32
      %scan3A_182 = arith.constant 1 : i32
      scf.for %scan3A_331 = %scan3A_179 to %scan3A_181 step %scan3A_182  : i32 {
        %swap3A = arith.index_cast %scan3A_331 : i32 to index
        %swap3A_332 = arith.constant 0 : index
        %swap3A_333 = tpu.vector_load %arg9[%swap3A, %swap3A_332] {strides = array<i32>} : memref<80x32xf32, #tpu.memory_space<vmem>>, vector<1x16xf32>,
        %swap3A_334 = vector.shape_cast %swap3A_333 : vector<1x16xf32> to vector<16xf32>
        %swap3A_335 = vector.shape_cast %broadcast_in_dim3A_178 : vector<16xf32> to vector<1x16xf32>
        tpu.vector_store %arg9[%swap3A, %swap3A_332], %swap3A_335 {strides = array<i32>} : memref<80x32xf32, #tpu.memory_space<vmem>>, vector<1x16xf32>,
        %swap3A_336 = arith.index_cast %scan3A_331 : i32 to index
        %swap3A_337 = arith.constant 16 : index
        %swap3A_338 = tpu.vector_load %arg9[%swap3A_336, %swap3A_337] {strides = array<i32>} : memref<80x32xf32, #tpu.memory_space<vmem>>, vector<1x16xf32>,
        %swap3A_339 = vector.shape_cast %swap3A_338 : vector<1x16xf32> to vector<16xf32>
        %swap3A_340 = vector.shape_cast %broadcast_in_dim3A_178 : vector<16xf32> to vector<1x16xf32>
        tpu.vector_store %arg9[%swap3A_336, %swap3A_337], %swap3A_340 {strides = array<i32>} : memref<80x32xf32, #tpu.memory_space<vmem>>, vector<1x16xf32>,
      }
      %scan3A_183 = arith.constant 80 : i32
      %mul3A_184 = arith.constant 640 : i32
      %mul3A_185 = arith.muli %arg1, %mul3A_184 : i32
      %add3A_186 = arith.constant 0 : i32
      %add3A_187 = arith.addi %mul3A_185, %add3A_186 : i32
      "tpu.region"() ({
        %run_scoped3A = tpu.sem_alloc : memref<!tpu.dma_semaphore, #tpu.memory_space<semaphore_mem>>
        %dma_start3A_331 = arith.constant 0 : i32
        %dma_start3A_332 = tpu.memref_slice %arg10[%add3A_187, %dma_start3A_331] : memref<10240x32xf32, #tpu.memory_space<vmem_shared>> -> memref<80x32xf32, #tpu.memory_space<vmem_shared>>
        %dma_start3A_333 = arith.constant 0 : i32
        %dma_start3A_334 = tpu.memref_slice %arg10[%add3A_187, %dma_start3A_333] : memref<10240x32xf32, #tpu.memory_space<vmem_shared>> -> memref<80x32xf32, #tpu.memory_space<vmem_shared>>
        tpu.enqueue_dma source(%arg9 : memref<80x32xf32, #tpu.memory_space<vmem>>) target(%dma_start3A_334 : memref<80x32xf32, #tpu.memory_space<vmem_shared>>) target_semaphore(%run_scoped3A : memref<!tpu.dma_semaphore, #tpu.memory_space<semaphore_mem>>)
        %dma_wait3A_335 = arith.constant 0 : i32
        %dma_wait3A_336 = tpu.memref_slice %arg10[%add3A_187, %dma_wait3A_335] : memref<10240x32xf32, #tpu.memory_space<vmem_shared>> -> memref<80x32xf32, #tpu.memory_space<vmem_shared>>
        %dma_wait3A_337 = arith.constant 0 : i32
        %dma_wait3A_338 = tpu.memref_slice %arg10[%add3A_187, %dma_wait3A_337] : memref<10240x32xf32, #tpu.memory_space<vmem_shared>> -> memref<80x32xf32, #tpu.memory_space<vmem_shared>>
        tpu.wait_dma2 semaphore(%run_scoped3A : memref<!tpu.dma_semaphore, #tpu.memory_space<semaphore_mem>>) src(%arg9 : memref<80x32xf32, #tpu.memory_space<vmem>>) dst(%dma_wait3A_338 : memref<80x32xf32, #tpu.memory_space<vmem_shared>>)
        tpu.yield
      }) : () -> ()
      %add3A_188 = arith.constant 80 : i32
      %add3A_189 = arith.addi %mul3A_185, %add3A_188 : i32
      "tpu.region"() ({
        %run_scoped3A = tpu.sem_alloc : memref<!tpu.dma_semaphore, #tpu.memory_space<semaphore_mem>>
        %dma_start3A_331 = arith.constant 0 : i32
        %dma_start3A_332 = tpu.memref_slice %arg10[%add3A_189, %dma_start3A_331] : memref<10240x32xf32, #tpu.memory_space<vmem_shared>> -> memref<80x32xf32, #tpu.memory_space<vmem_shared>>
        %dma_start3A_333 = arith.constant 0 : i32
        %dma_start3A_334 = tpu.memref_slice %arg10[%add3A_189, %dma_start3A_333] : memref<10240x32xf32, #tpu.memory_space<vmem_shared>> -> memref<80x32xf32, #tpu.memory_space<vmem_shared>>
        tpu.enqueue_dma source(%arg9 : memref<80x32xf32, #tpu.memory_space<vmem>>) target(%dma_start3A_334 : memref<80x32xf32, #tpu.memory_space<vmem_shared>>) target_semaphore(%run_scoped3A : memref<!tpu.dma_semaphore, #tpu.memory_space<semaphore_mem>>)
        %dma_wait3A_335 = arith.constant 0 : i32
        %dma_wait3A_336 = tpu.memref_slice %arg10[%add3A_189, %dma_wait3A_335] : memref<10240x32xf32, #tpu.memory_space<vmem_shared>> -> memref<80x32xf32, #tpu.memory_space<vmem_shared>>
        %dma_wait3A_337 = arith.constant 0 : i32
        %dma_wait3A_338 = tpu.memref_slice %arg10[%add3A_189, %dma_wait3A_337] : memref<10240x32xf32, #tpu.memory_space<vmem_shared>> -> memref<80x32xf32, #tpu.memory_space<vmem_shared>>
        tpu.wait_dma2 semaphore(%run_scoped3A : memref<!tpu.dma_semaphore, #tpu.memory_space<semaphore_mem>>) src(%arg9 : memref<80x32xf32, #tpu.memory_space<vmem>>) dst(%dma_wait3A_338 : memref<80x32xf32, #tpu.memory_space<vmem_shared>>)
        tpu.yield
      }) : () -> ()
      %add3A_190 = arith.constant 160 : i32
      %add3A_191 = arith.addi %mul3A_185, %add3A_190 : i32
      "tpu.region"() ({
        %run_scoped3A = tpu.sem_alloc : memref<!tpu.dma_semaphore, #tpu.memory_space<semaphore_mem>>
        %dma_start3A_331 = arith.constant 0 : i32
        %dma_start3A_332 = tpu.memref_slice %arg10[%add3A_191, %dma_start3A_331] : memref<10240x32xf32, #tpu.memory_space<vmem_shared>> -> memref<80x32xf32, #tpu.memory_space<vmem_shared>>
        %dma_start3A_333 = arith.constant 0 : i32
        %dma_start3A_334 = tpu.memref_slice %arg10[%add3A_191, %dma_start3A_333] : memref<10240x32xf32, #tpu.memory_space<vmem_shared>> -> memref<80x32xf32, #tpu.memory_space<vmem_shared>>
        tpu.enqueue_dma source(%arg9 : memref<80x32xf32, #tpu.memory_space<vmem>>) target(%dma_start3A_334 : memref<80x32xf32, #tpu.memory_space<vmem_shared>>) target_semaphore(%run_scoped3A : memref<!tpu.dma_semaphore, #tpu.memory_space<semaphore_mem>>)
        %dma_wait3A_335 = arith.constant 0 : i32
        %dma_wait3A_336 = tpu.memref_slice %arg10[%add3A_191, %dma_wait3A_335] : memref<10240x32xf32, #tpu.memory_space<vmem_shared>> -> memref<80x32xf32, #tpu.memory_space<vmem_shared>>
        %dma_wait3A_337 = arith.constant 0 : i32
        %dma_wait3A_338 = tpu.memref_slice %arg10[%add3A_191, %dma_wait3A_337] : memref<10240x32xf32, #tpu.memory_space<vmem_shared>> -> memref<80x32xf32, #tpu.memory_space<vmem_shared>>
        tpu.wait_dma2 semaphore(%run_scoped3A : memref<!tpu.dma_semaphore, #tpu.memory_space<semaphore_mem>>) src(%arg9 : memref<80x32xf32, #tpu.memory_space<vmem>>) dst(%dma_wait3A_338 : memref<80x32xf32, #tpu.memory_space<vmem_shared>>)
        tpu.yield
      }) : () -> ()
      %add3A_192 = arith.constant 240 : i32
      %add3A_193 = arith.addi %mul3A_185, %add3A_192 : i32
      "tpu.region"() ({
        %run_scoped3A = tpu.sem_alloc : memref<!tpu.dma_semaphore, #tpu.memory_space<semaphore_mem>>
        %dma_start3A_331 = arith.constant 0 : i32
        %dma_start3A_332 = tpu.memref_slice %arg10[%add3A_193, %dma_start3A_331] : memref<10240x32xf32, #tpu.memory_space<vmem_shared>> -> memref<80x32xf32, #tpu.memory_space<vmem_shared>>
        %dma_start3A_333 = arith.constant 0 : i32
        %dma_start3A_334 = tpu.memref_slice %arg10[%add3A_193, %dma_start3A_333] : memref<10240x32xf32, #tpu.memory_space<vmem_shared>> -> memref<80x32xf32, #tpu.memory_space<vmem_shared>>
        tpu.enqueue_dma source(%arg9 : memref<80x32xf32, #tpu.memory_space<vmem>>) target(%dma_start3A_334 : memref<80x32xf32, #tpu.memory_space<vmem_shared>>) target_semaphore(%run_scoped3A : memref<!tpu.dma_semaphore, #tpu.memory_space<semaphore_mem>>)
        %dma_wait3A_335 = arith.constant 0 : i32
        %dma_wait3A_336 = tpu.memref_slice %arg10[%add3A_193, %dma_wait3A_335] : memref<10240x32xf32, #tpu.memory_space<vmem_shared>> -> memref<80x32xf32, #tpu.memory_space<vmem_shared>>
        %dma_wait3A_337 = arith.constant 0 : i32
        %dma_wait3A_338 = tpu.memref_slice %arg10[%add3A_193, %dma_wait3A_337] : memref<10240x32xf32, #tpu.memory_space<vmem_shared>> -> memref<80x32xf32, #tpu.memory_space<vmem_shared>>
        tpu.wait_dma2 semaphore(%run_scoped3A : memref<!tpu.dma_semaphore, #tpu.memory_space<semaphore_mem>>) src(%arg9 : memref<80x32xf32, #tpu.memory_space<vmem>>) dst(%dma_wait3A_338 : memref<80x32xf32, #tpu.memory_space<vmem_shared>>)
        tpu.yield
      }) : () -> ()
      %add3A_194 = arith.constant 320 : i32
      %add3A_195 = arith.addi %mul3A_185, %add3A_194 : i32
      "tpu.region"() ({
        %run_scoped3A = tpu.sem_alloc : memref<!tpu.dma_semaphore, #tpu.memory_space<semaphore_mem>>
        %dma_start3A_331 = arith.constant 0 : i32
        %dma_start3A_332 = tpu.memref_slice %arg10[%add3A_195, %dma_start3A_331] : memref<10240x32xf32, #tpu.memory_space<vmem_shared>> -> memref<80x32xf32, #tpu.memory_space<vmem_shared>>
        %dma_start3A_333 = arith.constant 0 : i32
        %dma_start3A_334 = tpu.memref_slice %arg10[%add3A_195, %dma_start3A_333] : memref<10240x32xf32, #tpu.memory_space<vmem_shared>> -> memref<80x32xf32, #tpu.memory_space<vmem_shared>>
        tpu.enqueue_dma source(%arg9 : memref<80x32xf32, #tpu.memory_space<vmem>>) target(%dma_start3A_334 : memref<80x32xf32, #tpu.memory_space<vmem_shared>>) target_semaphore(%run_scoped3A : memref<!tpu.dma_semaphore, #tpu.memory_space<semaphore_mem>>)
        %dma_wait3A_335 = arith.constant 0 : i32
        %dma_wait3A_336 = tpu.memref_slice %arg10[%add3A_195, %dma_wait3A_335] : memref<10240x32xf32, #tpu.memory_space<vmem_shared>> -> memref<80x32xf32, #tpu.memory_space<vmem_shared>>
        %dma_wait3A_337 = arith.constant 0 : i32
        %dma_wait3A_338 = tpu.memref_slice %arg10[%add3A_195, %dma_wait3A_337] : memref<10240x32xf32, #tpu.memory_space<vmem_shared>> -> memref<80x32xf32, #tpu.memory_space<vmem_shared>>
        tpu.wait_dma2 semaphore(%run_scoped3A : memref<!tpu.dma_semaphore, #tpu.memory_space<semaphore_mem>>) src(%arg9 : memref<80x32xf32, #tpu.memory_space<vmem>>) dst(%dma_wait3A_338 : memref<80x32xf32, #tpu.memory_space<vmem_shared>>)
        tpu.yield
      }) : () -> ()
      %add3A_196 = arith.constant 400 : i32
      %add3A_197 = arith.addi %mul3A_185, %add3A_196 : i32
      "tpu.region"() ({
        %run_scoped3A = tpu.sem_alloc : memref<!tpu.dma_semaphore, #tpu.memory_space<semaphore_mem>>
        %dma_start3A_331 = arith.constant 0 : i32
        %dma_start3A_332 = tpu.memref_slice %arg10[%add3A_197, %dma_start3A_331] : memref<10240x32xf32, #tpu.memory_space<vmem_shared>> -> memref<80x32xf32, #tpu.memory_space<vmem_shared>>
        %dma_start3A_333 = arith.constant 0 : i32
        %dma_start3A_334 = tpu.memref_slice %arg10[%add3A_197, %dma_start3A_333] : memref<10240x32xf32, #tpu.memory_space<vmem_shared>> -> memref<80x32xf32, #tpu.memory_space<vmem_shared>>
        tpu.enqueue_dma source(%arg9 : memref<80x32xf32, #tpu.memory_space<vmem>>) target(%dma_start3A_334 : memref<80x32xf32, #tpu.memory_space<vmem_shared>>) target_semaphore(%run_scoped3A : memref<!tpu.dma_semaphore, #tpu.memory_space<semaphore_mem>>)
        %dma_wait3A_335 = arith.constant 0 : i32
        %dma_wait3A_336 = tpu.memref_slice %arg10[%add3A_197, %dma_wait3A_335] : memref<10240x32xf32, #tpu.memory_space<vmem_shared>> -> memref<80x32xf32, #tpu.memory_space<vmem_shared>>
        %dma_wait3A_337 = arith.constant 0 : i32
        %dma_wait3A_338 = tpu.memref_slice %arg10[%add3A_197, %dma_wait3A_337] : memref<10240x32xf32, #tpu.memory_space<vmem_shared>> -> memref<80x32xf32, #tpu.memory_space<vmem_shared>>
        tpu.wait_dma2 semaphore(%run_scoped3A : memref<!tpu.dma_semaphore, #tpu.memory_space<semaphore_mem>>) src(%arg9 : memref<80x32xf32, #tpu.memory_space<vmem>>) dst(%dma_wait3A_338 : memref<80x32xf32, #tpu.memory_space<vmem_shared>>)
        tpu.yield
      }) : () -> ()
      %add3A_198 = arith.constant 480 : i32
      %add3A_199 = arith.addi %mul3A_185, %add3A_198 : i32
      "tpu.region"() ({
        %run_scoped3A = tpu.sem_alloc : memref<!tpu.dma_semaphore, #tpu.memory_space<semaphore_mem>>
        %dma_start3A_331 = arith.constant 0 : i32
        %dma_start3A_332 = tpu.memref_slice %arg10[%add3A_199, %dma_start3A_331] : memref<10240x32xf32, #tpu.memory_space<vmem_shared>> -> memref<80x32xf32, #tpu.memory_space<vmem_shared>>
        %dma_start3A_333 = arith.constant 0 : i32
        %dma_start3A_334 = tpu.memref_slice %arg10[%add3A_199, %dma_start3A_333] : memref<10240x32xf32, #tpu.memory_space<vmem_shared>> -> memref<80x32xf32, #tpu.memory_space<vmem_shared>>
        tpu.enqueue_dma source(%arg9 : memref<80x32xf32, #tpu.memory_space<vmem>>) target(%dma_start3A_334 : memref<80x32xf32, #tpu.memory_space<vmem_shared>>) target_semaphore(%run_scoped3A : memref<!tpu.dma_semaphore, #tpu.memory_space<semaphore_mem>>)
        %dma_wait3A_335 = arith.constant 0 : i32
        %dma_wait3A_336 = tpu.memref_slice %arg10[%add3A_199, %dma_wait3A_335] : memref<10240x32xf32, #tpu.memory_space<vmem_shared>> -> memref<80x32xf32, #tpu.memory_space<vmem_shared>>
        %dma_wait3A_337 = arith.constant 0 : i32
        %dma_wait3A_338 = tpu.memref_slice %arg10[%add3A_199, %dma_wait3A_337] : memref<10240x32xf32, #tpu.memory_space<vmem_shared>> -> memref<80x32xf32, #tpu.memory_space<vmem_shared>>
        tpu.wait_dma2 semaphore(%run_scoped3A : memref<!tpu.dma_semaphore, #tpu.memory_space<semaphore_mem>>) src(%arg9 : memref<80x32xf32, #tpu.memory_space<vmem>>) dst(%dma_wait3A_338 : memref<80x32xf32, #tpu.memory_space<vmem_shared>>)
        tpu.yield
      }) : () -> ()
      %add3A_200 = arith.constant 560 : i32
      %add3A_201 = arith.addi %mul3A_185, %add3A_200 : i32
      "tpu.region"() ({
        %run_scoped3A = tpu.sem_alloc : memref<!tpu.dma_semaphore, #tpu.memory_space<semaphore_mem>>
        %dma_start3A_331 = arith.constant 0 : i32
        %dma_start3A_332 = tpu.memref_slice %arg10[%add3A_201, %dma_start3A_331] : memref<10240x32xf32, #tpu.memory_space<vmem_shared>> -> memref<80x32xf32, #tpu.memory_space<vmem_shared>>
        %dma_start3A_333 = arith.constant 0 : i32
        %dma_start3A_334 = tpu.memref_slice %arg10[%add3A_201, %dma_start3A_333] : memref<10240x32xf32, #tpu.memory_space<vmem_shared>> -> memref<80x32xf32, #tpu.memory_space<vmem_shared>>
        tpu.enqueue_dma source(%arg9 : memref<80x32xf32, #tpu.memory_space<vmem>>) target(%dma_start3A_334 : memref<80x32xf32, #tpu.memory_space<vmem_shared>>) target_semaphore(%run_scoped3A : memref<!tpu.dma_semaphore, #tpu.memory_space<semaphore_mem>>)
        %dma_wait3A_335 = arith.constant 0 : i32
        %dma_wait3A_336 = tpu.memref_slice %arg10[%add3A_201, %dma_wait3A_335] : memref<10240x32xf32, #tpu.memory_space<vmem_shared>> -> memref<80x32xf32, #tpu.memory_space<vmem_shared>>
        %dma_wait3A_337 = arith.constant 0 : i32
        %dma_wait3A_338 = tpu.memref_slice %arg10[%add3A_201, %dma_wait3A_337] : memref<10240x32xf32, #tpu.memory_space<vmem_shared>> -> memref<80x32xf32, #tpu.memory_space<vmem_shared>>
        tpu.wait_dma2 semaphore(%run_scoped3A : memref<!tpu.dma_semaphore, #tpu.memory_space<semaphore_mem>>) src(%arg9 : memref<80x32xf32, #tpu.memory_space<vmem>>) dst(%dma_wait3A_338 : memref<80x32xf32, #tpu.memory_space<vmem_shared>>)
        tpu.yield
      }) : () -> ()
      %barrier3A = arith.constant 0 : index
      tpu.barrier barrier_id(%barrier3A)
      %scan3A_202 = arith.constant 0 : i32
      %scan3A_203 = arith.constant 0 : i32
      %scan3A_204 = arith.constant 3 : i32
      %scan3A_205 = arith.addi %scan3A_203, %scan3A_204 : i32
      %scan3A_206 = arith.constant 1 : i32
      scf.for %scan3A_331 = %scan3A_203 to %scan3A_205 step %scan3A_206  : i32 {
        %jit3A = arith.constant 2 : i32
        %eq3A_332 = arith.constant 0 : i32
        %eq3A_333 = arith.cmpi eq, %jit3A, %eq3A_332 : i32
        %jit3A_334 = arith.constant 1 : i32
        %select_n3A = arith.select %eq3A_333, %jit3A_334, %jit3A : i32
        %rem3A = arith.remsi %scan3A_331, %select_n3A : i32
        %ne3A = arith.constant 0 : i32
        %ne3A_335 = arith.cmpi ne, %rem3A, %ne3A : i32
        %lt3A = arith.constant 0 : i32
        %lt3A_336 = arith.cmpi slt, %rem3A, %lt3A : i32
        %lt3A_337 = arith.constant 0 : i32
        %lt3A_338 = arith.cmpi slt, %select_n3A, %lt3A_337 : i32
        %ne3A_339 = arith.xori %lt3A_336, %lt3A_338 : i1
        %and3A = arith.andi %ne3A_339, %ne3A_335 : i1
        %add3A_340 = arith.addi %rem3A, %select_n3A : i32
        %select_n3A_341 = arith.select %and3A, %add3A_340, %rem3A : i32
        %mul3A_342 = arith.constant 8 : i32
        %mul3A_343 = arith.muli %scan3A_331, %mul3A_342 : i32
        %add3A_344 = arith.constant 0 : i32
        %add3A_345 = arith.addi %mul3A_343, %add3A_344 : i32
        %mul3A_346 = arith.constant 8 : i32
        %mul3A_347 = arith.muli %select_n3A_341, %mul3A_346 : i32
        %add3A_348 = arith.constant 0 : i32
        %add3A_349 = arith.addi %mul3A_347, %add3A_348 : i32
        %dma_wait3A_350 = arith.constant 0 : i32
        %dma_wait3A_351 = arith.constant 0 : i32
        %dma_wait3A_352 = tpu.memref_slice %arg8[%add3A_349, %dma_wait3A_350, %dma_wait3A_351] : memref<16x128x32xf32, #tpu.memory_space<vmem>> -> memref<1x128x32xf32, #tpu.memory_space<vmem>>
        %dma_wait3A_353 = tpu.memref_squeeze %dma_wait3A_352 : memref<1x128x32xf32, #tpu.memory_space<vmem>> -> memref<128x32xf32, #tpu.memory_space<vmem>>
        %dma_wait3A_354 = arith.constant 0 : i32
        %dma_wait3A_355 = tpu.memref_slice %arg6[%add3A_345, %dma_wait3A_354] : memref<56x128xi32, #tpu.memory_space<vmem>> -> memref<1x128xi32, #tpu.memory_space<vmem>>
        %dma_wait3A_356 = tpu.memref_squeeze %dma_wait3A_355 : memref<1x128xi32, #tpu.memory_space<vmem>> -> memref<128xi32, #tpu.memory_space<vmem>>
        %dma_wait3A_357 = arith.constant 0 : i32
        %dma_wait3A_358 = arith.constant 0 : i32
        %dma_wait3A_359 = tpu.memref_slice %arg2[%dma_wait3A_357, %dma_wait3A_358] : memref<52000x32xf32, #tpu.memory_space<hbm>> -> memref<52000x32xf32, #tpu.memory_space<hbm>>
        %dma_wait3A_360 = tpu.memref_slice %arg11[%select_n3A_341] : memref<2x!tpu.dma_semaphore, #tpu.memory_space<semaphore_mem>> -> memref<1x!tpu.dma_semaphore, #tpu.memory_space<semaphore_mem>>
        %dma_wait3A_361 = tpu.memref_squeeze %dma_wait3A_360 : memref<1x!tpu.dma_semaphore, #tpu.memory_space<semaphore_mem>> -> memref<!tpu.dma_semaphore, #tpu.memory_space<semaphore_mem>>
        tpu.wait_indirect_dma semaphore(%dma_wait3A_361 : memref<!tpu.dma_semaphore, #tpu.memory_space<semaphore_mem>>) src(%dma_wait3A_359 : memref<52000x32xf32, #tpu.memory_space<hbm>>) dst(%dma_wait3A_353 : memref<128x32xf32, #tpu.memory_space<vmem>>)
        %mul3A_362 = arith.constant 8 : i32
        %mul3A_363 = arith.muli %scan3A_331, %mul3A_362 : i32
        %add3A_364 = arith.constant 1 : i32
        %add3A_365 = arith.addi %mul3A_363, %add3A_364 : i32
        %mul3A_366 = arith.constant 8 : i32
        %mul3A_367 = arith.muli %select_n3A_341, %mul3A_366 : i32
        %add3A_368 = arith.constant 1 : i32
        %add3A_369 = arith.addi %mul3A_367, %add3A_368 : i32
        %dma_wait3A_370 = arith.constant 0 : i32
        %dma_wait3A_371 = arith.constant 0 : i32
        %dma_wait3A_372 = tpu.memref_slice %arg8[%add3A_369, %dma_wait3A_370, %dma_wait3A_371] : memref<16x128x32xf32, #tpu.memory_space<vmem>> -> memref<1x128x32xf32, #tpu.memory_space<vmem>>
        %dma_wait3A_373 = tpu.memref_squeeze %dma_wait3A_372 : memref<1x128x32xf32, #tpu.memory_space<vmem>> -> memref<128x32xf32, #tpu.memory_space<vmem>>
        %dma_wait3A_374 = arith.constant 0 : i32
        %dma_wait3A_375 = tpu.memref_slice %arg6[%add3A_365, %dma_wait3A_374] : memref<56x128xi32, #tpu.memory_space<vmem>> -> memref<1x128xi32, #tpu.memory_space<vmem>>
        %dma_wait3A_376 = tpu.memref_squeeze %dma_wait3A_375 : memref<1x128xi32, #tpu.memory_space<vmem>> -> memref<128xi32, #tpu.memory_space<vmem>>
        %dma_wait3A_377 = arith.constant 0 : i32
        %dma_wait3A_378 = arith.constant 0 : i32
        %dma_wait3A_379 = tpu.memref_slice %arg2[%dma_wait3A_377, %dma_wait3A_378] : memref<52000x32xf32, #tpu.memory_space<hbm>> -> memref<52000x32xf32, #tpu.memory_space<hbm>>
        %dma_wait3A_380 = tpu.memref_slice %arg11[%select_n3A_341] : memref<2x!tpu.dma_semaphore, #tpu.memory_space<semaphore_mem>> -> memref<1x!tpu.dma_semaphore, #tpu.memory_space<semaphore_mem>>
        %dma_wait3A_381 = tpu.memref_squeeze %dma_wait3A_380 : memref<1x!tpu.dma_semaphore, #tpu.memory_space<semaphore_mem>> -> memref<!tpu.dma_semaphore, #tpu.memory_space<semaphore_mem>>
        tpu.wait_indirect_dma semaphore(%dma_wait3A_381 : memref<!tpu.dma_semaphore, #tpu.memory_space<semaphore_mem>>) src(%dma_wait3A_379 : memref<52000x32xf32, #tpu.memory_space<hbm>>) dst(%dma_wait3A_373 : memref<128x32xf32, #tpu.memory_space<vmem>>)
        %mul3A_382 = arith.constant 8 : i32
        %mul3A_383 = arith.muli %scan3A_331, %mul3A_382 : i32
        %add3A_384 = arith.constant 2 : i32
        %add3A_385 = arith.addi %mul3A_383, %add3A_384 : i32
        %mul3A_386 = arith.constant 8 : i32
        %mul3A_387 = arith.muli %select_n3A_341, %mul3A_386 : i32
        %add3A_388 = arith.constant 2 : i32
        %add3A_389 = arith.addi %mul3A_387, %add3A_388 : i32
        %dma_wait3A_390 = arith.constant 0 : i32
        %dma_wait3A_391 = arith.constant 0 : i32
        %dma_wait3A_392 = tpu.memref_slice %arg8[%add3A_389, %dma_wait3A_390, %dma_wait3A_391] : memref<16x128x32xf32, #tpu.memory_space<vmem>> -> memref<1x128x32xf32, #tpu.memory_space<vmem>>
        %dma_wait3A_393 = tpu.memref_squeeze %dma_wait3A_392 : memref<1x128x32xf32, #tpu.memory_space<vmem>> -> memref<128x32xf32, #tpu.memory_space<vmem>>
        %dma_wait3A_394 = arith.constant 0 : i32
        %dma_wait3A_395 = tpu.memref_slice %arg6[%add3A_385, %dma_wait3A_394] : memref<56x128xi32, #tpu.memory_space<vmem>> -> memref<1x128xi32, #tpu.memory_space<vmem>>
        %dma_wait3A_396 = tpu.memref_squeeze %dma_wait3A_395 : memref<1x128xi32, #tpu.memory_space<vmem>> -> memref<128xi32, #tpu.memory_space<vmem>>
        %dma_wait3A_397 = arith.constant 0 : i32
        %dma_wait3A_398 = arith.constant 0 : i32
        %dma_wait3A_399 = tpu.memref_slice %arg2[%dma_wait3A_397, %dma_wait3A_398] : memref<52000x32xf32, #tpu.memory_space<hbm>> -> memref<52000x32xf32, #tpu.memory_space<hbm>>
        %dma_wait3A_400 = tpu.memref_slice %arg11[%select_n3A_341] : memref<2x!tpu.dma_semaphore, #tpu.memory_space<semaphore_mem>> -> memref<1x!tpu.dma_semaphore, #tpu.memory_space<semaphore_mem>>
        %dma_wait3A_401 = tpu.memref_squeeze %dma_wait3A_400 : memref<1x!tpu.dma_semaphore, #tpu.memory_space<semaphore_mem>> -> memref<!tpu.dma_semaphore, #tpu.memory_space<semaphore_mem>>
        tpu.wait_indirect_dma semaphore(%dma_wait3A_401 : memref<!tpu.dma_semaphore, #tpu.memory_space<semaphore_mem>>) src(%dma_wait3A_399 : memref<52000x32xf32, #tpu.memory_space<hbm>>) dst(%dma_wait3A_393 : memref<128x32xf32, #tpu.memory_space<vmem>>)
        %mul3A_402 = arith.constant 8 : i32
        %mul3A_403 = arith.muli %scan3A_331, %mul3A_402 : i32
        %add3A_404 = arith.constant 3 : i32
        %add3A_405 = arith.addi %mul3A_403, %add3A_404 : i32
        %mul3A_406 = arith.constant 8 : i32
        %mul3A_407 = arith.muli %select_n3A_341, %mul3A_406 : i32
        %add3A_408 = arith.constant 3 : i32
        %add3A_409 = arith.addi %mul3A_407, %add3A_408 : i32
        %dma_wait3A_410 = arith.constant 0 : i32
        %dma_wait3A_411 = arith.constant 0 : i32
        %dma_wait3A_412 = tpu.memref_slice %arg8[%add3A_409, %dma_wait3A_410, %dma_wait3A_411] : memref<16x128x32xf32, #tpu.memory_space<vmem>> -> memref<1x128x32xf32, #tpu.memory_space<vmem>>
        %dma_wait3A_413 = tpu.memref_squeeze %dma_wait3A_412 : memref<1x128x32xf32, #tpu.memory_space<vmem>> -> memref<128x32xf32, #tpu.memory_space<vmem>>
        %dma_wait3A_414 = arith.constant 0 : i32
        %dma_wait3A_415 = tpu.memref_slice %arg6[%add3A_405, %dma_wait3A_414] : memref<56x128xi32, #tpu.memory_space<vmem>> -> memref<1x128xi32, #tpu.memory_space<vmem>>
        %dma_wait3A_416 = tpu.memref_squeeze %dma_wait3A_415 : memref<1x128xi32, #tpu.memory_space<vmem>> -> memref<128xi32, #tpu.memory_space<vmem>>
        %dma_wait3A_417 = arith.constant 0 : i32
        %dma_wait3A_418 = arith.constant 0 : i32
        %dma_wait3A_419 = tpu.memref_slice %arg2[%dma_wait3A_417, %dma_wait3A_418] : memref<52000x32xf32, #tpu.memory_space<hbm>> -> memref<52000x32xf32, #tpu.memory_space<hbm>>
        %dma_wait3A_420 = tpu.memref_slice %arg11[%select_n3A_341] : memref<2x!tpu.dma_semaphore, #tpu.memory_space<semaphore_mem>> -> memref<1x!tpu.dma_semaphore, #tpu.memory_space<semaphore_mem>>
        %dma_wait3A_421 = tpu.memref_squeeze %dma_wait3A_420 : memref<1x!tpu.dma_semaphore, #tpu.memory_space<semaphore_mem>> -> memref<!tpu.dma_semaphore, #tpu.memory_space<semaphore_mem>>
        tpu.wait_indirect_dma semaphore(%dma_wait3A_421 : memref<!tpu.dma_semaphore, #tpu.memory_space<semaphore_mem>>) src(%dma_wait3A_419 : memref<52000x32xf32, #tpu.memory_space<hbm>>) dst(%dma_wait3A_413 : memref<128x32xf32, #tpu.memory_space<vmem>>)
        %mul3A_422 = arith.constant 8 : i32
        %mul3A_423 = arith.muli %scan3A_331, %mul3A_422 : i32
        %add3A_424 = arith.constant 4 : i32
        %add3A_425 = arith.addi %mul3A_423, %add3A_424 : i32
        %mul3A_426 = arith.constant 8 : i32
        %mul3A_427 = arith.muli %select_n3A_341, %mul3A_426 : i32
        %add3A_428 = arith.constant 4 : i32
        %add3A_429 = arith.addi %mul3A_427, %add3A_428 : i32
        %dma_wait3A_430 = arith.constant 0 : i32
        %dma_wait3A_431 = arith.constant 0 : i32
        %dma_wait3A_432 = tpu.memref_slice %arg8[%add3A_429, %dma_wait3A_430, %dma_wait3A_431] : memref<16x128x32xf32, #tpu.memory_space<vmem>> -> memref<1x128x32xf32, #tpu.memory_space<vmem>>
        %dma_wait3A_433 = tpu.memref_squeeze %dma_wait3A_432 : memref<1x128x32xf32, #tpu.memory_space<vmem>> -> memref<128x32xf32, #tpu.memory_space<vmem>>
        %dma_wait3A_434 = arith.constant 0 : i32
        %dma_wait3A_435 = tpu.memref_slice %arg6[%add3A_425, %dma_wait3A_434] : memref<56x128xi32, #tpu.memory_space<vmem>> -> memref<1x128xi32, #tpu.memory_space<vmem>>
        %dma_wait3A_436 = tpu.memref_squeeze %dma_wait3A_435 : memref<1x128xi32, #tpu.memory_space<vmem>> -> memref<128xi32, #tpu.memory_space<vmem>>
        %dma_wait3A_437 = arith.constant 0 : i32
        %dma_wait3A_438 = arith.constant 0 : i32
        %dma_wait3A_439 = tpu.memref_slice %arg2[%dma_wait3A_437, %dma_wait3A_438] : memref<52000x32xf32, #tpu.memory_space<hbm>> -> memref<52000x32xf32, #tpu.memory_space<hbm>>
        %dma_wait3A_440 = tpu.memref_slice %arg11[%select_n3A_341] : memref<2x!tpu.dma_semaphore, #tpu.memory_space<semaphore_mem>> -> memref<1x!tpu.dma_semaphore, #tpu.memory_space<semaphore_mem>>
        %dma_wait3A_441 = tpu.memref_squeeze %dma_wait3A_440 : memref<1x!tpu.dma_semaphore, #tpu.memory_space<semaphore_mem>> -> memref<!tpu.dma_semaphore, #tpu.memory_space<semaphore_mem>>
        tpu.wait_indirect_dma semaphore(%dma_wait3A_441 : memref<!tpu.dma_semaphore, #tpu.memory_space<semaphore_mem>>) src(%dma_wait3A_439 : memref<52000x32xf32, #tpu.memory_space<hbm>>) dst(%dma_wait3A_433 : memref<128x32xf32, #tpu.memory_space<vmem>>)
        %mul3A_442 = arith.constant 8 : i32
        %mul3A_443 = arith.muli %scan3A_331, %mul3A_442 : i32
        %add3A_444 = arith.constant 5 : i32
        %add3A_445 = arith.addi %mul3A_443, %add3A_444 : i32
        %mul3A_446 = arith.constant 8 : i32
        %mul3A_447 = arith.muli %select_n3A_341, %mul3A_446 : i32
        %add3A_448 = arith.constant 5 : i32
        %add3A_449 = arith.addi %mul3A_447, %add3A_448 : i32
        %dma_wait3A_450 = arith.constant 0 : i32
        %dma_wait3A_451 = arith.constant 0 : i32
        %dma_wait3A_452 = tpu.memref_slice %arg8[%add3A_449, %dma_wait3A_450, %dma_wait3A_451] : memref<16x128x32xf32, #tpu.memory_space<vmem>> -> memref<1x128x32xf32, #tpu.memory_space<vmem>>
        %dma_wait3A_453 = tpu.memref_squeeze %dma_wait3A_452 : memref<1x128x32xf32, #tpu.memory_space<vmem>> -> memref<128x32xf32, #tpu.memory_space<vmem>>
        %dma_wait3A_454 = arith.constant 0 : i32
        %dma_wait3A_455 = tpu.memref_slice %arg6[%add3A_445, %dma_wait3A_454] : memref<56x128xi32, #tpu.memory_space<vmem>> -> memref<1x128xi32, #tpu.memory_space<vmem>>
        %dma_wait3A_456 = tpu.memref_squeeze %dma_wait3A_455 : memref<1x128xi32, #tpu.memory_space<vmem>> -> memref<128xi32, #tpu.memory_space<vmem>>
        %dma_wait3A_457 = arith.constant 0 : i32
        %dma_wait3A_458 = arith.constant 0 : i32
        %dma_wait3A_459 = tpu.memref_slice %arg2[%dma_wait3A_457, %dma_wait3A_458] : memref<52000x32xf32, #tpu.memory_space<hbm>> -> memref<52000x32xf32, #tpu.memory_space<hbm>>
        %dma_wait3A_460 = tpu.memref_slice %arg11[%select_n3A_341] : memref<2x!tpu.dma_semaphore, #tpu.memory_space<semaphore_mem>> -> memref<1x!tpu.dma_semaphore, #tpu.memory_space<semaphore_mem>>
        %dma_wait3A_461 = tpu.memref_squeeze %dma_wait3A_460 : memref<1x!tpu.dma_semaphore, #tpu.memory_space<semaphore_mem>> -> memref<!tpu.dma_semaphore, #tpu.memory_space<semaphore_mem>>
        tpu.wait_indirect_dma semaphore(%dma_wait3A_461 : memref<!tpu.dma_semaphore, #tpu.memory_space<semaphore_mem>>) src(%dma_wait3A_459 : memref<52000x32xf32, #tpu.memory_space<hbm>>) dst(%dma_wait3A_453 : memref<128x32xf32, #tpu.memory_space<vmem>>)
        %mul3A_462 = arith.constant 8 : i32
        %mul3A_463 = arith.muli %scan3A_331, %mul3A_462 : i32
        %add3A_464 = arith.constant 6 : i32
        %add3A_465 = arith.addi %mul3A_463, %add3A_464 : i32
        %mul3A_466 = arith.constant 8 : i32
        %mul3A_467 = arith.muli %select_n3A_341, %mul3A_466 : i32
        %add3A_468 = arith.constant 6 : i32
        %add3A_469 = arith.addi %mul3A_467, %add3A_468 : i32
        %dma_wait3A_470 = arith.constant 0 : i32
        %dma_wait3A_471 = arith.constant 0 : i32
        %dma_wait3A_472 = tpu.memref_slice %arg8[%add3A_469, %dma_wait3A_470, %dma_wait3A_471] : memref<16x128x32xf32, #tpu.memory_space<vmem>> -> memref<1x128x32xf32, #tpu.memory_space<vmem>>
        %dma_wait3A_473 = tpu.memref_squeeze %dma_wait3A_472 : memref<1x128x32xf32, #tpu.memory_space<vmem>> -> memref<128x32xf32, #tpu.memory_space<vmem>>
        %dma_wait3A_474 = arith.constant 0 : i32
        %dma_wait3A_475 = tpu.memref_slice %arg6[%add3A_465, %dma_wait3A_474] : memref<56x128xi32, #tpu.memory_space<vmem>> -> memref<1x128xi32, #tpu.memory_space<vmem>>
        %dma_wait3A_476 = tpu.memref_squeeze %dma_wait3A_475 : memref<1x128xi32, #tpu.memory_space<vmem>> -> memref<128xi32, #tpu.memory_space<vmem>>
        %dma_wait3A_477 = arith.constant 0 : i32
        %dma_wait3A_478 = arith.constant 0 : i32
        %dma_wait3A_479 = tpu.memref_slice %arg2[%dma_wait3A_477, %dma_wait3A_478] : memref<52000x32xf32, #tpu.memory_space<hbm>> -> memref<52000x32xf32, #tpu.memory_space<hbm>>
        %dma_wait3A_480 = tpu.memref_slice %arg11[%select_n3A_341] : memref<2x!tpu.dma_semaphore, #tpu.memory_space<semaphore_mem>> -> memref<1x!tpu.dma_semaphore, #tpu.memory_space<semaphore_mem>>
        %dma_wait3A_481 = tpu.memref_squeeze %dma_wait3A_480 : memref<1x!tpu.dma_semaphore, #tpu.memory_space<semaphore_mem>> -> memref<!tpu.dma_semaphore, #tpu.memory_space<semaphore_mem>>
        tpu.wait_indirect_dma semaphore(%dma_wait3A_481 : memref<!tpu.dma_semaphore, #tpu.memory_space<semaphore_mem>>) src(%dma_wait3A_479 : memref<52000x32xf32, #tpu.memory_space<hbm>>) dst(%dma_wait3A_473 : memref<128x32xf32, #tpu.memory_space<vmem>>)
        %mul3A_482 = arith.constant 8 : i32
        %mul3A_483 = arith.muli %scan3A_331, %mul3A_482 : i32
        %add3A_484 = arith.constant 7 : i32
        %add3A_485 = arith.addi %mul3A_483, %add3A_484 : i32
        %mul3A_486 = arith.constant 8 : i32
        %mul3A_487 = arith.muli %select_n3A_341, %mul3A_486 : i32
        %add3A_488 = arith.constant 7 : i32
        %add3A_489 = arith.addi %mul3A_487, %add3A_488 : i32
        %dma_wait3A_490 = arith.constant 0 : i32
        %dma_wait3A_491 = arith.constant 0 : i32
        %dma_wait3A_492 = tpu.memref_slice %arg8[%add3A_489, %dma_wait3A_490, %dma_wait3A_491] : memref<16x128x32xf32, #tpu.memory_space<vmem>> -> memref<1x128x32xf32, #tpu.memory_space<vmem>>
        %dma_wait3A_493 = tpu.memref_squeeze %dma_wait3A_492 : memref<1x128x32xf32, #tpu.memory_space<vmem>> -> memref<128x32xf32, #tpu.memory_space<vmem>>
        %dma_wait3A_494 = arith.constant 0 : i32
        %dma_wait3A_495 = tpu.memref_slice %arg6[%add3A_485, %dma_wait3A_494] : memref<56x128xi32, #tpu.memory_space<vmem>> -> memref<1x128xi32, #tpu.memory_space<vmem>>
        %dma_wait3A_496 = tpu.memref_squeeze %dma_wait3A_495 : memref<1x128xi32, #tpu.memory_space<vmem>> -> memref<128xi32, #tpu.memory_space<vmem>>
        %dma_wait3A_497 = arith.constant 0 : i32
        %dma_wait3A_498 = arith.constant 0 : i32
        %dma_wait3A_499 = tpu.memref_slice %arg2[%dma_wait3A_497, %dma_wait3A_498] : memref<52000x32xf32, #tpu.memory_space<hbm>> -> memref<52000x32xf32, #tpu.memory_space<hbm>>
        %dma_wait3A_500 = tpu.memref_slice %arg11[%select_n3A_341] : memref<2x!tpu.dma_semaphore, #tpu.memory_space<semaphore_mem>> -> memref<1x!tpu.dma_semaphore, #tpu.memory_space<semaphore_mem>>
        %dma_wait3A_501 = tpu.memref_squeeze %dma_wait3A_500 : memref<1x!tpu.dma_semaphore, #tpu.memory_space<semaphore_mem>> -> memref<!tpu.dma_semaphore, #tpu.memory_space<semaphore_mem>>
        tpu.wait_indirect_dma semaphore(%dma_wait3A_501 : memref<!tpu.dma_semaphore, #tpu.memory_space<semaphore_mem>>) src(%dma_wait3A_499 : memref<52000x32xf32, #tpu.memory_space<hbm>>) dst(%dma_wait3A_493 : memref<128x32xf32, #tpu.memory_space<vmem>>)
        %mul3A_502 = arith.constant 8 : i32
        %mul3A_503 = arith.muli %select_n3A_341, %mul3A_502 : i32
        %add3A_504 = arith.constant 0 : i32
        %add3A_505 = arith.addi %mul3A_503, %add3A_504 : i32
        %mul3A_506 = arith.constant 8 : i32
        %mul3A_507 = arith.muli %scan3A_331, %mul3A_506 : i32
        %add3A_508 = arith.constant 0 : i32
        %add3A_509 = arith.addi %mul3A_507, %add3A_508 : i32
        %dma_start3A_510 = arith.constant 0 : i32
        %dma_start3A_511 = arith.constant 0 : i32
        %dma_start3A_512 = tpu.memref_slice %arg8[%add3A_505, %dma_start3A_510, %dma_start3A_511] : memref<16x128x32xf32, #tpu.memory_space<vmem>> -> memref<1x128x32xf32, #tpu.memory_space<vmem>>
        %dma_start3A_513 = tpu.memref_squeeze %dma_start3A_512 : memref<1x128x32xf32, #tpu.memory_space<vmem>> -> memref<128x32xf32, #tpu.memory_space<vmem>>
        %dma_start3A_514 = arith.constant 0 : i32
        %dma_start3A_515 = tpu.memref_slice %arg7[%add3A_509, %dma_start3A_514] : memref<56x128xi32, #tpu.memory_space<vmem>> -> memref<1x128xi32, #tpu.memory_space<vmem>>
        %dma_start3A_516 = tpu.memref_squeeze %dma_start3A_515 : memref<1x128xi32, #tpu.memory_space<vmem>> -> memref<128xi32, #tpu.memory_space<vmem>>
        %dma_start3A_517 = arith.constant 0 : i32
        %dma_start3A_518 = arith.constant 0 : i32
        %dma_start3A_519 = tpu.memref_slice %arg10[%dma_start3A_517, %dma_start3A_518] : memref<10240x32xf32, #tpu.memory_space<vmem_shared>> -> memref<10240x32xf32, #tpu.memory_space<vmem_shared>>
        %dma_start3A_520 = tpu.memref_slice %arg12[%select_n3A_341] : memref<2x!tpu.dma_semaphore, #tpu.memory_space<semaphore_mem>> -> memref<1x!tpu.dma_semaphore, #tpu.memory_space<semaphore_mem>>
        %dma_start3A_521 = tpu.memref_squeeze %dma_start3A_520 : memref<1x!tpu.dma_semaphore, #tpu.memory_space<semaphore_mem>> -> memref<!tpu.dma_semaphore, #tpu.memory_space<semaphore_mem>>
        tpu.enqueue_indirect_dma source(%dma_start3A_513 : memref<128x32xf32, #tpu.memory_space<vmem>>) target(%dma_start3A_519 : memref<10240x32xf32, #tpu.memory_space<vmem_shared>>) offsets(%dma_start3A_516 : memref<128xi32, #tpu.memory_space<vmem>>) semaphore(%dma_start3A_521 : memref<!tpu.dma_semaphore, #tpu.memory_space<semaphore_mem>>) {add = true}
        %mul3A_522 = arith.constant 8 : i32
        %mul3A_523 = arith.muli %select_n3A_341, %mul3A_522 : i32
        %add3A_524 = arith.constant 1 : i32
        %add3A_525 = arith.addi %mul3A_523, %add3A_524 : i32
        %mul3A_526 = arith.constant 8 : i32
        %mul3A_527 = arith.muli %scan3A_331, %mul3A_526 : i32
        %add3A_528 = arith.constant 1 : i32
        %add3A_529 = arith.addi %mul3A_527, %add3A_528 : i32
        %dma_start3A_530 = arith.constant 0 : i32
        %dma_start3A_531 = arith.constant 0 : i32
        %dma_start3A_532 = tpu.memref_slice %arg8[%add3A_525, %dma_start3A_530, %dma_start3A_531] : memref<16x128x32xf32, #tpu.memory_space<vmem>> -> memref<1x128x32xf32, #tpu.memory_space<vmem>>
        %dma_start3A_533 = tpu.memref_squeeze %dma_start3A_532 : memref<1x128x32xf32, #tpu.memory_space<vmem>> -> memref<128x32xf32, #tpu.memory_space<vmem>>
        %dma_start3A_534 = arith.constant 0 : i32
        %dma_start3A_535 = tpu.memref_slice %arg7[%add3A_529, %dma_start3A_534] : memref<56x128xi32, #tpu.memory_space<vmem>> -> memref<1x128xi32, #tpu.memory_space<vmem>>
        %dma_start3A_536 = tpu.memref_squeeze %dma_start3A_535 : memref<1x128xi32, #tpu.memory_space<vmem>> -> memref<128xi32, #tpu.memory_space<vmem>>
        %dma_start3A_537 = arith.constant 0 : i32
        %dma_start3A_538 = arith.constant 0 : i32
        %dma_start3A_539 = tpu.memref_slice %arg10[%dma_start3A_537, %dma_start3A_538] : memref<10240x32xf32, #tpu.memory_space<vmem_shared>> -> memref<10240x32xf32, #tpu.memory_space<vmem_shared>>
        %dma_start3A_540 = tpu.memref_slice %arg12[%select_n3A_341] : memref<2x!tpu.dma_semaphore, #tpu.memory_space<semaphore_mem>> -> memref<1x!tpu.dma_semaphore, #tpu.memory_space<semaphore_mem>>
        %dma_start3A_541 = tpu.memref_squeeze %dma_start3A_540 : memref<1x!tpu.dma_semaphore, #tpu.memory_space<semaphore_mem>> -> memref<!tpu.dma_semaphore, #tpu.memory_space<semaphore_mem>>
        tpu.enqueue_indirect_dma source(%dma_start3A_533 : memref<128x32xf32, #tpu.memory_space<vmem>>) target(%dma_start3A_539 : memref<10240x32xf32, #tpu.memory_space<vmem_shared>>) offsets(%dma_start3A_536 : memref<128xi32, #tpu.memory_space<vmem>>) semaphore(%dma_start3A_541 : memref<!tpu.dma_semaphore, #tpu.memory_space<semaphore_mem>>) {add = true}
        %mul3A_542 = arith.constant 8 : i32
        %mul3A_543 = arith.muli %select_n3A_341, %mul3A_542 : i32
        %add3A_544 = arith.constant 2 : i32
        %add3A_545 = arith.addi %mul3A_543, %add3A_544 : i32
        %mul3A_546 = arith.constant 8 : i32
        %mul3A_547 = arith.muli %scan3A_331, %mul3A_546 : i32
        %add3A_548 = arith.constant 2 : i32
        %add3A_549 = arith.addi %mul3A_547, %add3A_548 : i32
        %dma_start3A_550 = arith.constant 0 : i32
        %dma_start3A_551 = arith.constant 0 : i32
        %dma_start3A_552 = tpu.memref_slice %arg8[%add3A_545, %dma_start3A_550, %dma_start3A_551] : memref<16x128x32xf32, #tpu.memory_space<vmem>> -> memref<1x128x32xf32, #tpu.memory_space<vmem>>
        %dma_start3A_553 = tpu.memref_squeeze %dma_start3A_552 : memref<1x128x32xf32, #tpu.memory_space<vmem>> -> memref<128x32xf32, #tpu.memory_space<vmem>>
        %dma_start3A_554 = arith.constant 0 : i32
        %dma_start3A_555 = tpu.memref_slice %arg7[%add3A_549, %dma_start3A_554] : memref<56x128xi32, #tpu.memory_space<vmem>> -> memref<1x128xi32, #tpu.memory_space<vmem>>
        %dma_start3A_556 = tpu.memref_squeeze %dma_start3A_555 : memref<1x128xi32, #tpu.memory_space<vmem>> -> memref<128xi32, #tpu.memory_space<vmem>>
        %dma_start3A_557 = arith.constant 0 : i32
        %dma_start3A_558 = arith.constant 0 : i32
        %dma_start3A_559 = tpu.memref_slice %arg10[%dma_start3A_557, %dma_start3A_558] : memref<10240x32xf32, #tpu.memory_space<vmem_shared>> -> memref<10240x32xf32, #tpu.memory_space<vmem_shared>>
        %dma_start3A_560 = tpu.memref_slice %arg12[%select_n3A_341] : memref<2x!tpu.dma_semaphore, #tpu.memory_space<semaphore_mem>> -> memref<1x!tpu.dma_semaphore, #tpu.memory_space<semaphore_mem>>
        %dma_start3A_561 = tpu.memref_squeeze %dma_start3A_560 : memref<1x!tpu.dma_semaphore, #tpu.memory_space<semaphore_mem>> -> memref<!tpu.dma_semaphore, #tpu.memory_space<semaphore_mem>>
        tpu.enqueue_indirect_dma source(%dma_start3A_553 : memref<128x32xf32, #tpu.memory_space<vmem>>) target(%dma_start3A_559 : memref<10240x32xf32, #tpu.memory_space<vmem_shared>>) offsets(%dma_start3A_556 : memref<128xi32, #tpu.memory_space<vmem>>) semaphore(%dma_start3A_561 : memref<!tpu.dma_semaphore, #tpu.memory_space<semaphore_mem>>) {add = true}
        %mul3A_562 = arith.constant 8 : i32
        %mul3A_563 = arith.muli %select_n3A_341, %mul3A_562 : i32
        %add3A_564 = arith.constant 3 : i32
        %add3A_565 = arith.addi %mul3A_563, %add3A_564 : i32
        %mul3A_566 = arith.constant 8 : i32
        %mul3A_567 = arith.muli %scan3A_331, %mul3A_566 : i32
        %add3A_568 = arith.constant 3 : i32
        %add3A_569 = arith.addi %mul3A_567, %add3A_568 : i32
        %dma_start3A_570 = arith.constant 0 : i32
        %dma_start3A_571 = arith.constant 0 : i32
        %dma_start3A_572 = tpu.memref_slice %arg8[%add3A_565, %dma_start3A_570, %dma_start3A_571] : memref<16x128x32xf32, #tpu.memory_space<vmem>> -> memref<1x128x32xf32, #tpu.memory_space<vmem>>
        %dma_start3A_573 = tpu.memref_squeeze %dma_start3A_572 : memref<1x128x32xf32, #tpu.memory_space<vmem>> -> memref<128x32xf32, #tpu.memory_space<vmem>>
        %dma_start3A_574 = arith.constant 0 : i32
        %dma_start3A_575 = tpu.memref_slice %arg7[%add3A_569, %dma_start3A_574] : memref<56x128xi32, #tpu.memory_space<vmem>> -> memref<1x128xi32, #tpu.memory_space<vmem>>
        %dma_start3A_576 = tpu.memref_squeeze %dma_start3A_575 : memref<1x128xi32, #tpu.memory_space<vmem>> -> memref<128xi32, #tpu.memory_space<vmem>>
        %dma_start3A_577 = arith.constant 0 : i32
        %dma_start3A_578 = arith.constant 0 : i32
        %dma_start3A_579 = tpu.memref_slice %arg10[%dma_start3A_577, %dma_start3A_578] : memref<10240x32xf32, #tpu.memory_space<vmem_shared>> -> memref<10240x32xf32, #tpu.memory_space<vmem_shared>>
        %dma_start3A_580 = tpu.memref_slice %arg12[%select_n3A_341] : memref<2x!tpu.dma_semaphore, #tpu.memory_space<semaphore_mem>> -> memref<1x!tpu.dma_semaphore, #tpu.memory_space<semaphore_mem>>
        %dma_start3A_581 = tpu.memref_squeeze %dma_start3A_580 : memref<1x!tpu.dma_semaphore, #tpu.memory_space<semaphore_mem>> -> memref<!tpu.dma_semaphore, #tpu.memory_space<semaphore_mem>>
        tpu.enqueue_indirect_dma source(%dma_start3A_573 : memref<128x32xf32, #tpu.memory_space<vmem>>) target(%dma_start3A_579 : memref<10240x32xf32, #tpu.memory_space<vmem_shared>>) offsets(%dma_start3A_576 : memref<128xi32, #tpu.memory_space<vmem>>) semaphore(%dma_start3A_581 : memref<!tpu.dma_semaphore, #tpu.memory_space<semaphore_mem>>) {add = true}
        %mul3A_582 = arith.constant 8 : i32
        %mul3A_583 = arith.muli %select_n3A_341, %mul3A_582 : i32
        %add3A_584 = arith.constant 4 : i32
        %add3A_585 = arith.addi %mul3A_583, %add3A_584 : i32
        %mul3A_586 = arith.constant 8 : i32
        %mul3A_587 = arith.muli %scan3A_331, %mul3A_586 : i32
        %add3A_588 = arith.constant 4 : i32
        %add3A_589 = arith.addi %mul3A_587, %add3A_588 : i32
        %dma_start3A_590 = arith.constant 0 : i32
        %dma_start3A_591 = arith.constant 0 : i32
        %dma_start3A_592 = tpu.memref_slice %arg8[%add3A_585, %dma_start3A_590, %dma_start3A_591] : memref<16x128x32xf32, #tpu.memory_space<vmem>> -> memref<1x128x32xf32, #tpu.memory_space<vmem>>
        %dma_start3A_593 = tpu.memref_squeeze %dma_start3A_592 : memref<1x128x32xf32, #tpu.memory_space<vmem>> -> memref<128x32xf32, #tpu.memory_space<vmem>>
        %dma_start3A_594 = arith.constant 0 : i32
        %dma_start3A_595 = tpu.memref_slice %arg7[%add3A_589, %dma_start3A_594] : memref<56x128xi32, #tpu.memory_space<vmem>> -> memref<1x128xi32, #tpu.memory_space<vmem>>
        %dma_start3A_596 = tpu.memref_squeeze %dma_start3A_595 : memref<1x128xi32, #tpu.memory_space<vmem>> -> memref<128xi32, #tpu.memory_space<vmem>>
        %dma_start3A_597 = arith.constant 0 : i32
        %dma_start3A_598 = arith.constant 0 : i32
        %dma_start3A_599 = tpu.memref_slice %arg10[%dma_start3A_597, %dma_start3A_598] : memref<10240x32xf32, #tpu.memory_space<vmem_shared>> -> memref<10240x32xf32, #tpu.memory_space<vmem_shared>>
        %dma_start3A_600 = tpu.memref_slice %arg12[%select_n3A_341] : memref<2x!tpu.dma_semaphore, #tpu.memory_space<semaphore_mem>> -> memref<1x!tpu.dma_semaphore, #tpu.memory_space<semaphore_mem>>
        %dma_start3A_601 = tpu.memref_squeeze %dma_start3A_600 : memref<1x!tpu.dma_semaphore, #tpu.memory_space<semaphore_mem>> -> memref<!tpu.dma_semaphore, #tpu.memory_space<semaphore_mem>>
        tpu.enqueue_indirect_dma source(%dma_start3A_593 : memref<128x32xf32, #tpu.memory_space<vmem>>) target(%dma_start3A_599 : memref<10240x32xf32, #tpu.memory_space<vmem_shared>>) offsets(%dma_start3A_596 : memref<128xi32, #tpu.memory_space<vmem>>) semaphore(%dma_start3A_601 : memref<!tpu.dma_semaphore, #tpu.memory_space<semaphore_mem>>) {add = true}
        %mul3A_602 = arith.constant 8 : i32
        %mul3A_603 = arith.muli %select_n3A_341, %mul3A_602 : i32
        %add3A_604 = arith.constant 5 : i32
        %add3A_605 = arith.addi %mul3A_603, %add3A_604 : i32
        %mul3A_606 = arith.constant 8 : i32
        %mul3A_607 = arith.muli %scan3A_331, %mul3A_606 : i32
        %add3A_608 = arith.constant 5 : i32
        %add3A_609 = arith.addi %mul3A_607, %add3A_608 : i32
        %dma_start3A_610 = arith.constant 0 : i32
        %dma_start3A_611 = arith.constant 0 : i32
        %dma_start3A_612 = tpu.memref_slice %arg8[%add3A_605, %dma_start3A_610, %dma_start3A_611] : memref<16x128x32xf32, #tpu.memory_space<vmem>> -> memref<1x128x32xf32, #tpu.memory_space<vmem>>
        %dma_start3A_613 = tpu.memref_squeeze %dma_start3A_612 : memref<1x128x32xf32, #tpu.memory_space<vmem>> -> memref<128x32xf32, #tpu.memory_space<vmem>>
        %dma_start3A_614 = arith.constant 0 : i32
        %dma_start3A_615 = tpu.memref_slice %arg7[%add3A_609, %dma_start3A_614] : memref<56x128xi32, #tpu.memory_space<vmem>> -> memref<1x128xi32, #tpu.memory_space<vmem>>
        %dma_start3A_616 = tpu.memref_squeeze %dma_start3A_615 : memref<1x128xi32, #tpu.memory_space<vmem>> -> memref<128xi32, #tpu.memory_space<vmem>>
        %dma_start3A_617 = arith.constant 0 : i32
        %dma_start3A_618 = arith.constant 0 : i32
        %dma_start3A_619 = tpu.memref_slice %arg10[%dma_start3A_617, %dma_start3A_618] : memref<10240x32xf32, #tpu.memory_space<vmem_shared>> -> memref<10240x32xf32, #tpu.memory_space<vmem_shared>>
        %dma_start3A_620 = tpu.memref_slice %arg12[%select_n3A_341] : memref<2x!tpu.dma_semaphore, #tpu.memory_space<semaphore_mem>> -> memref<1x!tpu.dma_semaphore, #tpu.memory_space<semaphore_mem>>
        %dma_start3A_621 = tpu.memref_squeeze %dma_start3A_620 : memref<1x!tpu.dma_semaphore, #tpu.memory_space<semaphore_mem>> -> memref<!tpu.dma_semaphore, #tpu.memory_space<semaphore_mem>>
        tpu.enqueue_indirect_dma source(%dma_start3A_613 : memref<128x32xf32, #tpu.memory_space<vmem>>) target(%dma_start3A_619 : memref<10240x32xf32, #tpu.memory_space<vmem_shared>>) offsets(%dma_start3A_616 : memref<128xi32, #tpu.memory_space<vmem>>) semaphore(%dma_start3A_621 : memref<!tpu.dma_semaphore, #tpu.memory_space<semaphore_mem>>) {add = true}
        %mul3A_622 = arith.constant 8 : i32
        %mul3A_623 = arith.muli %select_n3A_341, %mul3A_622 : i32
        %add3A_624 = arith.constant 6 : i32
        %add3A_625 = arith.addi %mul3A_623, %add3A_624 : i32
        %mul3A_626 = arith.constant 8 : i32
        %mul3A_627 = arith.muli %scan3A_331, %mul3A_626 : i32
        %add3A_628 = arith.constant 6 : i32
        %add3A_629 = arith.addi %mul3A_627, %add3A_628 : i32
        %dma_start3A_630 = arith.constant 0 : i32
        %dma_start3A_631 = arith.constant 0 : i32
        %dma_start3A_632 = tpu.memref_slice %arg8[%add3A_625, %dma_start3A_630, %dma_start3A_631] : memref<16x128x32xf32, #tpu.memory_space<vmem>> -> memref<1x128x32xf32, #tpu.memory_space<vmem>>
        %dma_start3A_633 = tpu.memref_squeeze %dma_start3A_632 : memref<1x128x32xf32, #tpu.memory_space<vmem>> -> memref<128x32xf32, #tpu.memory_space<vmem>>
        %dma_start3A_634 = arith.constant 0 : i32
        %dma_start3A_635 = tpu.memref_slice %arg7[%add3A_629, %dma_start3A_634] : memref<56x128xi32, #tpu.memory_space<vmem>> -> memref<1x128xi32, #tpu.memory_space<vmem>>
        %dma_start3A_636 = tpu.memref_squeeze %dma_start3A_635 : memref<1x128xi32, #tpu.memory_space<vmem>> -> memref<128xi32, #tpu.memory_space<vmem>>
        %dma_start3A_637 = arith.constant 0 : i32
        %dma_start3A_638 = arith.constant 0 : i32
        %dma_start3A_639 = tpu.memref_slice %arg10[%dma_start3A_637, %dma_start3A_638] : memref<10240x32xf32, #tpu.memory_space<vmem_shared>> -> memref<10240x32xf32, #tpu.memory_space<vmem_shared>>
        %dma_start3A_640 = tpu.memref_slice %arg12[%select_n3A_341] : memref<2x!tpu.dma_semaphore, #tpu.memory_space<semaphore_mem>> -> memref<1x!tpu.dma_semaphore, #tpu.memory_space<semaphore_mem>>
        %dma_start3A_641 = tpu.memref_squeeze %dma_start3A_640 : memref<1x!tpu.dma_semaphore, #tpu.memory_space<semaphore_mem>> -> memref<!tpu.dma_semaphore, #tpu.memory_space<semaphore_mem>>
        tpu.enqueue_indirect_dma source(%dma_start3A_633 : memref<128x32xf32, #tpu.memory_space<vmem>>) target(%dma_start3A_639 : memref<10240x32xf32, #tpu.memory_space<vmem_shared>>) offsets(%dma_start3A_636 : memref<128xi32, #tpu.memory_space<vmem>>) semaphore(%dma_start3A_641 : memref<!tpu.dma_semaphore, #tpu.memory_space<semaphore_mem>>) {add = true}
        %mul3A_642 = arith.constant 8 : i32
        %mul3A_643 = arith.muli %select_n3A_341, %mul3A_642 : i32
        %add3A_644 = arith.constant 7 : i32
        %add3A_645 = arith.addi %mul3A_643, %add3A_644 : i32
        %mul3A_646 = arith.constant 8 : i32
        %mul3A_647 = arith.muli %scan3A_331, %mul3A_646 : i32
        %add3A_648 = arith.constant 7 : i32
        %add3A_649 = arith.addi %mul3A_647, %add3A_648 : i32
        %dma_start3A_650 = arith.constant 0 : i32
        %dma_start3A_651 = arith.constant 0 : i32
        %dma_start3A_652 = tpu.memref_slice %arg8[%add3A_645, %dma_start3A_650, %dma_start3A_651] : memref<16x128x32xf32, #tpu.memory_space<vmem>> -> memref<1x128x32xf32, #tpu.memory_space<vmem>>
        %dma_start3A_653 = tpu.memref_squeeze %dma_start3A_652 : memref<1x128x32xf32, #tpu.memory_space<vmem>> -> memref<128x32xf32, #tpu.memory_space<vmem>>
        %dma_start3A_654 = arith.constant 0 : i32
        %dma_start3A_655 = tpu.memref_slice %arg7[%add3A_649, %dma_start3A_654] : memref<56x128xi32, #tpu.memory_space<vmem>> -> memref<1x128xi32, #tpu.memory_space<vmem>>
        %dma_start3A_656 = tpu.memref_squeeze %dma_start3A_655 : memref<1x128xi32, #tpu.memory_space<vmem>> -> memref<128xi32, #tpu.memory_space<vmem>>
        %dma_start3A_657 = arith.constant 0 : i32
        %dma_start3A_658 = arith.constant 0 : i32
        %dma_start3A_659 = tpu.memref_slice %arg10[%dma_start3A_657, %dma_start3A_658] : memref<10240x32xf32, #tpu.memory_space<vmem_shared>> -> memref<10240x32xf32, #tpu.memory_space<vmem_shared>>
        %dma_start3A_660 = tpu.memref_slice %arg12[%select_n3A_341] : memref<2x!tpu.dma_semaphore, #tpu.memory_space<semaphore_mem>> -> memref<1x!tpu.dma_semaphore, #tpu.memory_space<semaphore_mem>>
        %dma_start3A_661 = tpu.memref_squeeze %dma_start3A_660 : memref<1x!tpu.dma_semaphore, #tpu.memory_space<semaphore_mem>> -> memref<!tpu.dma_semaphore, #tpu.memory_space<semaphore_mem>>
        tpu.enqueue_indirect_dma source(%dma_start3A_653 : memref<128x32xf32, #tpu.memory_space<vmem>>) target(%dma_start3A_659 : memref<10240x32xf32, #tpu.memory_space<vmem_shared>>) offsets(%dma_start3A_656 : memref<128xi32, #tpu.memory_space<vmem>>) semaphore(%dma_start3A_661 : memref<!tpu.dma_semaphore, #tpu.memory_space<semaphore_mem>>) {add = true}
        %ge3A = arith.constant 1 : i32
        %ge3A_662 = arith.cmpi sge, %scan3A_331, %ge3A : i32
        %convert_element_type3A_663 = arith.extui %ge3A_662 : i1 to i32
        %cond3A_664 = arith.constant 0 : i32
        %cond3A_665 = arith.cmpi ne, %convert_element_type3A_663, %cond3A_664 : i32
        scf.if %cond3A_665 {
          %sub3A = arith.constant 1 : i32
          %sub3A_673 = arith.subi %scan3A_331, %sub3A : i32
          %sub3A_674 = arith.constant 1 : i32
          %sub3A_675 = arith.subi %sub3A_674, %select_n3A_341 : i32
          %mul3A_676 = arith.constant 8 : i32
          %mul3A_677 = arith.muli %sub3A_675, %mul3A_676 : i32
          %add3A_678 = arith.constant 0 : i32
          %add3A_679 = arith.addi %mul3A_677, %add3A_678 : i32
          %mul3A_680 = arith.constant 8 : i32
          %mul3A_681 = arith.muli %sub3A_673, %mul3A_680 : i32
          %add3A_682 = arith.constant 0 : i32
          %add3A_683 = arith.addi %mul3A_681, %add3A_682 : i32
          %dma_wait3A_684 = arith.constant 0 : i32
          %dma_wait3A_685 = arith.constant 0 : i32
          %dma_wait3A_686 = tpu.memref_slice %arg8[%add3A_679, %dma_wait3A_684, %dma_wait3A_685] : memref<16x128x32xf32, #tpu.memory_space<vmem>> -> memref<1x128x32xf32, #tpu.memory_space<vmem>>
          %dma_wait3A_687 = tpu.memref_squeeze %dma_wait3A_686 : memref<1x128x32xf32, #tpu.memory_space<vmem>> -> memref<128x32xf32, #tpu.memory_space<vmem>>
          %dma_wait3A_688 = arith.constant 0 : i32
          %dma_wait3A_689 = tpu.memref_slice %arg7[%add3A_683, %dma_wait3A_688] : memref<56x128xi32, #tpu.memory_space<vmem>> -> memref<1x128xi32, #tpu.memory_space<vmem>>
          %dma_wait3A_690 = tpu.memref_squeeze %dma_wait3A_689 : memref<1x128xi32, #tpu.memory_space<vmem>> -> memref<128xi32, #tpu.memory_space<vmem>>
          %dma_wait3A_691 = arith.constant 0 : i32
          %dma_wait3A_692 = arith.constant 0 : i32
          %dma_wait3A_693 = tpu.memref_slice %arg10[%dma_wait3A_691, %dma_wait3A_692] : memref<10240x32xf32, #tpu.memory_space<vmem_shared>> -> memref<10240x32xf32, #tpu.memory_space<vmem_shared>>
          %dma_wait3A_694 = tpu.memref_slice %arg12[%sub3A_675] : memref<2x!tpu.dma_semaphore, #tpu.memory_space<semaphore_mem>> -> memref<1x!tpu.dma_semaphore, #tpu.memory_space<semaphore_mem>>
          %dma_wait3A_695 = tpu.memref_squeeze %dma_wait3A_694 : memref<1x!tpu.dma_semaphore, #tpu.memory_space<semaphore_mem>> -> memref<!tpu.dma_semaphore, #tpu.memory_space<semaphore_mem>>
          tpu.wait_indirect_dma semaphore(%dma_wait3A_695 : memref<!tpu.dma_semaphore, #tpu.memory_space<semaphore_mem>>) src(%dma_wait3A_687 : memref<128x32xf32, #tpu.memory_space<vmem>>) dst(%dma_wait3A_693 : memref<10240x32xf32, #tpu.memory_space<vmem_shared>>)
          %sub3A_696 = arith.constant 1 : i32
          %sub3A_697 = arith.subi %scan3A_331, %sub3A_696 : i32
          %sub3A_698 = arith.constant 1 : i32
          %sub3A_699 = arith.subi %sub3A_698, %select_n3A_341 : i32
          %mul3A_700 = arith.constant 8 : i32
          %mul3A_701 = arith.muli %sub3A_699, %mul3A_700 : i32
          %add3A_702 = arith.constant 1 : i32
          %add3A_703 = arith.addi %mul3A_701, %add3A_702 : i32
          %mul3A_704 = arith.constant 8 : i32
          %mul3A_705 = arith.muli %sub3A_697, %mul3A_704 : i32
          %add3A_706 = arith.constant 1 : i32
          %add3A_707 = arith.addi %mul3A_705, %add3A_706 : i32
          %dma_wait3A_708 = arith.constant 0 : i32
          %dma_wait3A_709 = arith.constant 0 : i32
          %dma_wait3A_710 = tpu.memref_slice %arg8[%add3A_703, %dma_wait3A_708, %dma_wait3A_709] : memref<16x128x32xf32, #tpu.memory_space<vmem>> -> memref<1x128x32xf32, #tpu.memory_space<vmem>>
          %dma_wait3A_711 = tpu.memref_squeeze %dma_wait3A_710 : memref<1x128x32xf32, #tpu.memory_space<vmem>> -> memref<128x32xf32, #tpu.memory_space<vmem>>
          %dma_wait3A_712 = arith.constant 0 : i32
          %dma_wait3A_713 = tpu.memref_slice %arg7[%add3A_707, %dma_wait3A_712] : memref<56x128xi32, #tpu.memory_space<vmem>> -> memref<1x128xi32, #tpu.memory_space<vmem>>
          %dma_wait3A_714 = tpu.memref_squeeze %dma_wait3A_713 : memref<1x128xi32, #tpu.memory_space<vmem>> -> memref<128xi32, #tpu.memory_space<vmem>>
          %dma_wait3A_715 = arith.constant 0 : i32
          %dma_wait3A_716 = arith.constant 0 : i32
          %dma_wait3A_717 = tpu.memref_slice %arg10[%dma_wait3A_715, %dma_wait3A_716] : memref<10240x32xf32, #tpu.memory_space<vmem_shared>> -> memref<10240x32xf32, #tpu.memory_space<vmem_shared>>
          %dma_wait3A_718 = tpu.memref_slice %arg12[%sub3A_699] : memref<2x!tpu.dma_semaphore, #tpu.memory_space<semaphore_mem>> -> memref<1x!tpu.dma_semaphore, #tpu.memory_space<semaphore_mem>>
          %dma_wait3A_719 = tpu.memref_squeeze %dma_wait3A_718 : memref<1x!tpu.dma_semaphore, #tpu.memory_space<semaphore_mem>> -> memref<!tpu.dma_semaphore, #tpu.memory_space<semaphore_mem>>
          tpu.wait_indirect_dma semaphore(%dma_wait3A_719 : memref<!tpu.dma_semaphore, #tpu.memory_space<semaphore_mem>>) src(%dma_wait3A_711 : memref<128x32xf32, #tpu.memory_space<vmem>>) dst(%dma_wait3A_717 : memref<10240x32xf32, #tpu.memory_space<vmem_shared>>)
          %sub3A_720 = arith.constant 1 : i32
          %sub3A_721 = arith.subi %scan3A_331, %sub3A_720 : i32
          %sub3A_722 = arith.constant 1 : i32
          %sub3A_723 = arith.subi %sub3A_722, %select_n3A_341 : i32
          %mul3A_724 = arith.constant 8 : i32
          %mul3A_725 = arith.muli %sub3A_723, %mul3A_724 : i32
          %add3A_726 = arith.constant 2 : i32
          %add3A_727 = arith.addi %mul3A_725, %add3A_726 : i32
          %mul3A_728 = arith.constant 8 : i32
          %mul3A_729 = arith.muli %sub3A_721, %mul3A_728 : i32
          %add3A_730 = arith.constant 2 : i32
          %add3A_731 = arith.addi %mul3A_729, %add3A_730 : i32
          %dma_wait3A_732 = arith.constant 0 : i32
          %dma_wait3A_733 = arith.constant 0 : i32
          %dma_wait3A_734 = tpu.memref_slice %arg8[%add3A_727, %dma_wait3A_732, %dma_wait3A_733] : memref<16x128x32xf32, #tpu.memory_space<vmem>> -> memref<1x128x32xf32, #tpu.memory_space<vmem>>
          %dma_wait3A_735 = tpu.memref_squeeze %dma_wait3A_734 : memref<1x128x32xf32, #tpu.memory_space<vmem>> -> memref<128x32xf32, #tpu.memory_space<vmem>>
          %dma_wait3A_736 = arith.constant 0 : i32
          %dma_wait3A_737 = tpu.memref_slice %arg7[%add3A_731, %dma_wait3A_736] : memref<56x128xi32, #tpu.memory_space<vmem>> -> memref<1x128xi32, #tpu.memory_space<vmem>>
          %dma_wait3A_738 = tpu.memref_squeeze %dma_wait3A_737 : memref<1x128xi32, #tpu.memory_space<vmem>> -> memref<128xi32, #tpu.memory_space<vmem>>
          %dma_wait3A_739 = arith.constant 0 : i32
          %dma_wait3A_740 = arith.constant 0 : i32
          %dma_wait3A_741 = tpu.memref_slice %arg10[%dma_wait3A_739, %dma_wait3A_740] : memref<10240x32xf32, #tpu.memory_space<vmem_shared>> -> memref<10240x32xf32, #tpu.memory_space<vmem_shared>>
          %dma_wait3A_742 = tpu.memref_slice %arg12[%sub3A_723] : memref<2x!tpu.dma_semaphore, #tpu.memory_space<semaphore_mem>> -> memref<1x!tpu.dma_semaphore, #tpu.memory_space<semaphore_mem>>
          %dma_wait3A_743 = tpu.memref_squeeze %dma_wait3A_742 : memref<1x!tpu.dma_semaphore, #tpu.memory_space<semaphore_mem>> -> memref<!tpu.dma_semaphore, #tpu.memory_space<semaphore_mem>>
          tpu.wait_indirect_dma semaphore(%dma_wait3A_743 : memref<!tpu.dma_semaphore, #tpu.memory_space<semaphore_mem>>) src(%dma_wait3A_735 : memref<128x32xf32, #tpu.memory_space<vmem>>) dst(%dma_wait3A_741 : memref<10240x32xf32, #tpu.memory_space<vmem_shared>>)
          %sub3A_744 = arith.constant 1 : i32
          %sub3A_745 = arith.subi %scan3A_331, %sub3A_744 : i32
          %sub3A_746 = arith.constant 1 : i32
          %sub3A_747 = arith.subi %sub3A_746, %select_n3A_341 : i32
          %mul3A_748 = arith.constant 8 : i32
          %mul3A_749 = arith.muli %sub3A_747, %mul3A_748 : i32
          %add3A_750 = arith.constant 3 : i32
          %add3A_751 = arith.addi %mul3A_749, %add3A_750 : i32
          %mul3A_752 = arith.constant 8 : i32
          %mul3A_753 = arith.muli %sub3A_745, %mul3A_752 : i32
          %add3A_754 = arith.constant 3 : i32
          %add3A_755 = arith.addi %mul3A_753, %add3A_754 : i32
          %dma_wait3A_756 = arith.constant 0 : i32
          %dma_wait3A_757 = arith.constant 0 : i32
          %dma_wait3A_758 = tpu.memref_slice %arg8[%add3A_751, %dma_wait3A_756, %dma_wait3A_757] : memref<16x128x32xf32, #tpu.memory_space<vmem>> -> memref<1x128x32xf32, #tpu.memory_space<vmem>>
          %dma_wait3A_759 = tpu.memref_squeeze %dma_wait3A_758 : memref<1x128x32xf32, #tpu.memory_space<vmem>> -> memref<128x32xf32, #tpu.memory_space<vmem>>
          %dma_wait3A_760 = arith.constant 0 : i32
          %dma_wait3A_761 = tpu.memref_slice %arg7[%add3A_755, %dma_wait3A_760] : memref<56x128xi32, #tpu.memory_space<vmem>> -> memref<1x128xi32, #tpu.memory_space<vmem>>
          %dma_wait3A_762 = tpu.memref_squeeze %dma_wait3A_761 : memref<1x128xi32, #tpu.memory_space<vmem>> -> memref<128xi32, #tpu.memory_space<vmem>>
          %dma_wait3A_763 = arith.constant 0 : i32
          %dma_wait3A_764 = arith.constant 0 : i32
          %dma_wait3A_765 = tpu.memref_slice %arg10[%dma_wait3A_763, %dma_wait3A_764] : memref<10240x32xf32, #tpu.memory_space<vmem_shared>> -> memref<10240x32xf32, #tpu.memory_space<vmem_shared>>
          %dma_wait3A_766 = tpu.memref_slice %arg12[%sub3A_747] : memref<2x!tpu.dma_semaphore, #tpu.memory_space<semaphore_mem>> -> memref<1x!tpu.dma_semaphore, #tpu.memory_space<semaphore_mem>>
          %dma_wait3A_767 = tpu.memref_squeeze %dma_wait3A_766 : memref<1x!tpu.dma_semaphore, #tpu.memory_space<semaphore_mem>> -> memref<!tpu.dma_semaphore, #tpu.memory_space<semaphore_mem>>
          tpu.wait_indirect_dma semaphore(%dma_wait3A_767 : memref<!tpu.dma_semaphore, #tpu.memory_space<semaphore_mem>>) src(%dma_wait3A_759 : memref<128x32xf32, #tpu.memory_space<vmem>>) dst(%dma_wait3A_765 : memref<10240x32xf32, #tpu.memory_space<vmem_shared>>)
          %sub3A_768 = arith.constant 1 : i32
          %sub3A_769 = arith.subi %scan3A_331, %sub3A_768 : i32
          %sub3A_770 = arith.constant 1 : i32
          %sub3A_771 = arith.subi %sub3A_770, %select_n3A_341 : i32
          %mul3A_772 = arith.constant 8 : i32
          %mul3A_773 = arith.muli %sub3A_771, %mul3A_772 : i32
          %add3A_774 = arith.constant 4 : i32
          %add3A_775 = arith.addi %mul3A_773, %add3A_774 : i32
          %mul3A_776 = arith.constant 8 : i32
          %mul3A_777 = arith.muli %sub3A_769, %mul3A_776 : i32
          %add3A_778 = arith.constant 4 : i32
          %add3A_779 = arith.addi %mul3A_777, %add3A_778 : i32
          %dma_wait3A_780 = arith.constant 0 : i32
          %dma_wait3A_781 = arith.constant 0 : i32
          %dma_wait3A_782 = tpu.memref_slice %arg8[%add3A_775, %dma_wait3A_780, %dma_wait3A_781] : memref<16x128x32xf32, #tpu.memory_space<vmem>> -> memref<1x128x32xf32, #tpu.memory_space<vmem>>
          %dma_wait3A_783 = tpu.memref_squeeze %dma_wait3A_782 : memref<1x128x32xf32, #tpu.memory_space<vmem>> -> memref<128x32xf32, #tpu.memory_space<vmem>>
          %dma_wait3A_784 = arith.constant 0 : i32
          %dma_wait3A_785 = tpu.memref_slice %arg7[%add3A_779, %dma_wait3A_784] : memref<56x128xi32, #tpu.memory_space<vmem>> -> memref<1x128xi32, #tpu.memory_space<vmem>>
          %dma_wait3A_786 = tpu.memref_squeeze %dma_wait3A_785 : memref<1x128xi32, #tpu.memory_space<vmem>> -> memref<128xi32, #tpu.memory_space<vmem>>
          %dma_wait3A_787 = arith.constant 0 : i32
          %dma_wait3A_788 = arith.constant 0 : i32
          %dma_wait3A_789 = tpu.memref_slice %arg10[%dma_wait3A_787, %dma_wait3A_788] : memref<10240x32xf32, #tpu.memory_space<vmem_shared>> -> memref<10240x32xf32, #tpu.memory_space<vmem_shared>>
          %dma_wait3A_790 = tpu.memref_slice %arg12[%sub3A_771] : memref<2x!tpu.dma_semaphore, #tpu.memory_space<semaphore_mem>> -> memref<1x!tpu.dma_semaphore, #tpu.memory_space<semaphore_mem>>
          %dma_wait3A_791 = tpu.memref_squeeze %dma_wait3A_790 : memref<1x!tpu.dma_semaphore, #tpu.memory_space<semaphore_mem>> -> memref<!tpu.dma_semaphore, #tpu.memory_space<semaphore_mem>>
          tpu.wait_indirect_dma semaphore(%dma_wait3A_791 : memref<!tpu.dma_semaphore, #tpu.memory_space<semaphore_mem>>) src(%dma_wait3A_783 : memref<128x32xf32, #tpu.memory_space<vmem>>) dst(%dma_wait3A_789 : memref<10240x32xf32, #tpu.memory_space<vmem_shared>>)
          %sub3A_792 = arith.constant 1 : i32
          %sub3A_793 = arith.subi %scan3A_331, %sub3A_792 : i32
          %sub3A_794 = arith.constant 1 : i32
          %sub3A_795 = arith.subi %sub3A_794, %select_n3A_341 : i32
          %mul3A_796 = arith.constant 8 : i32
          %mul3A_797 = arith.muli %sub3A_795, %mul3A_796 : i32
          %add3A_798 = arith.constant 5 : i32
          %add3A_799 = arith.addi %mul3A_797, %add3A_798 : i32
          %mul3A_800 = arith.constant 8 : i32
          %mul3A_801 = arith.muli %sub3A_793, %mul3A_800 : i32
          %add3A_802 = arith.constant 5 : i32
          %add3A_803 = arith.addi %mul3A_801, %add3A_802 : i32
          %dma_wait3A_804 = arith.constant 0 : i32
          %dma_wait3A_805 = arith.constant 0 : i32
          %dma_wait3A_806 = tpu.memref_slice %arg8[%add3A_799, %dma_wait3A_804, %dma_wait3A_805] : memref<16x128x32xf32, #tpu.memory_space<vmem>> -> memref<1x128x32xf32, #tpu.memory_space<vmem>>
          %dma_wait3A_807 = tpu.memref_squeeze %dma_wait3A_806 : memref<1x128x32xf32, #tpu.memory_space<vmem>> -> memref<128x32xf32, #tpu.memory_space<vmem>>
          %dma_wait3A_808 = arith.constant 0 : i32
          %dma_wait3A_809 = tpu.memref_slice %arg7[%add3A_803, %dma_wait3A_808] : memref<56x128xi32, #tpu.memory_space<vmem>> -> memref<1x128xi32, #tpu.memory_space<vmem>>
          %dma_wait3A_810 = tpu.memref_squeeze %dma_wait3A_809 : memref<1x128xi32, #tpu.memory_space<vmem>> -> memref<128xi32, #tpu.memory_space<vmem>>
          %dma_wait3A_811 = arith.constant 0 : i32
          %dma_wait3A_812 = arith.constant 0 : i32
          %dma_wait3A_813 = tpu.memref_slice %arg10[%dma_wait3A_811, %dma_wait3A_812] : memref<10240x32xf32, #tpu.memory_space<vmem_shared>> -> memref<10240x32xf32, #tpu.memory_space<vmem_shared>>
          %dma_wait3A_814 = tpu.memref_slice %arg12[%sub3A_795] : memref<2x!tpu.dma_semaphore, #tpu.memory_space<semaphore_mem>> -> memref<1x!tpu.dma_semaphore, #tpu.memory_space<semaphore_mem>>
          %dma_wait3A_815 = tpu.memref_squeeze %dma_wait3A_814 : memref<1x!tpu.dma_semaphore, #tpu.memory_space<semaphore_mem>> -> memref<!tpu.dma_semaphore, #tpu.memory_space<semaphore_mem>>
          tpu.wait_indirect_dma semaphore(%dma_wait3A_815 : memref<!tpu.dma_semaphore, #tpu.memory_space<semaphore_mem>>) src(%dma_wait3A_807 : memref<128x32xf32, #tpu.memory_space<vmem>>) dst(%dma_wait3A_813 : memref<10240x32xf32, #tpu.memory_space<vmem_shared>>)
          %sub3A_816 = arith.constant 1 : i32
          %sub3A_817 = arith.subi %scan3A_331, %sub3A_816 : i32
          %sub3A_818 = arith.constant 1 : i32
          %sub3A_819 = arith.subi %sub3A_818, %select_n3A_341 : i32
          %mul3A_820 = arith.constant 8 : i32
          %mul3A_821 = arith.muli %sub3A_819, %mul3A_820 : i32
          %add3A_822 = arith.constant 6 : i32
          %add3A_823 = arith.addi %mul3A_821, %add3A_822 : i32
          %mul3A_824 = arith.constant 8 : i32
          %mul3A_825 = arith.muli %sub3A_817, %mul3A_824 : i32
          %add3A_826 = arith.constant 6 : i32
          %add3A_827 = arith.addi %mul3A_825, %add3A_826 : i32
          %dma_wait3A_828 = arith.constant 0 : i32
          %dma_wait3A_829 = arith.constant 0 : i32
          %dma_wait3A_830 = tpu.memref_slice %arg8[%add3A_823, %dma_wait3A_828, %dma_wait3A_829] : memref<16x128x32xf32, #tpu.memory_space<vmem>> -> memref<1x128x32xf32, #tpu.memory_space<vmem>>
          %dma_wait3A_831 = tpu.memref_squeeze %dma_wait3A_830 : memref<1x128x32xf32, #tpu.memory_space<vmem>> -> memref<128x32xf32, #tpu.memory_space<vmem>>
          %dma_wait3A_832 = arith.constant 0 : i32
          %dma_wait3A_833 = tpu.memref_slice %arg7[%add3A_827, %dma_wait3A_832] : memref<56x128xi32, #tpu.memory_space<vmem>> -> memref<1x128xi32, #tpu.memory_space<vmem>>
          %dma_wait3A_834 = tpu.memref_squeeze %dma_wait3A_833 : memref<1x128xi32, #tpu.memory_space<vmem>> -> memref<128xi32, #tpu.memory_space<vmem>>
          %dma_wait3A_835 = arith.constant 0 : i32
          %dma_wait3A_836 = arith.constant 0 : i32
          %dma_wait3A_837 = tpu.memref_slice %arg10[%dma_wait3A_835, %dma_wait3A_836] : memref<10240x32xf32, #tpu.memory_space<vmem_shared>> -> memref<10240x32xf32, #tpu.memory_space<vmem_shared>>
          %dma_wait3A_838 = tpu.memref_slice %arg12[%sub3A_819] : memref<2x!tpu.dma_semaphore, #tpu.memory_space<semaphore_mem>> -> memref<1x!tpu.dma_semaphore, #tpu.memory_space<semaphore_mem>>
          %dma_wait3A_839 = tpu.memref_squeeze %dma_wait3A_838 : memref<1x!tpu.dma_semaphore, #tpu.memory_space<semaphore_mem>> -> memref<!tpu.dma_semaphore, #tpu.memory_space<semaphore_mem>>
          tpu.wait_indirect_dma semaphore(%dma_wait3A_839 : memref<!tpu.dma_semaphore, #tpu.memory_space<semaphore_mem>>) src(%dma_wait3A_831 : memref<128x32xf32, #tpu.memory_space<vmem>>) dst(%dma_wait3A_837 : memref<10240x32xf32, #tpu.memory_space<vmem_shared>>)
          %sub3A_840 = arith.constant 1 : i32
          %sub3A_841 = arith.subi %scan3A_331, %sub3A_840 : i32
          %sub3A_842 = arith.constant 1 : i32
          %sub3A_843 = arith.subi %sub3A_842, %select_n3A_341 : i32
          %mul3A_844 = arith.constant 8 : i32
          %mul3A_845 = arith.muli %sub3A_843, %mul3A_844 : i32
          %add3A_846 = arith.constant 7 : i32
          %add3A_847 = arith.addi %mul3A_845, %add3A_846 : i32
          %mul3A_848 = arith.constant 8 : i32
          %mul3A_849 = arith.muli %sub3A_841, %mul3A_848 : i32
          %add3A_850 = arith.constant 7 : i32
          %add3A_851 = arith.addi %mul3A_849, %add3A_850 : i32
          %dma_wait3A_852 = arith.constant 0 : i32
          %dma_wait3A_853 = arith.constant 0 : i32
          %dma_wait3A_854 = tpu.memref_slice %arg8[%add3A_847, %dma_wait3A_852, %dma_wait3A_853] : memref<16x128x32xf32, #tpu.memory_space<vmem>> -> memref<1x128x32xf32, #tpu.memory_space<vmem>>
          %dma_wait3A_855 = tpu.memref_squeeze %dma_wait3A_854 : memref<1x128x32xf32, #tpu.memory_space<vmem>> -> memref<128x32xf32, #tpu.memory_space<vmem>>
          %dma_wait3A_856 = arith.constant 0 : i32
          %dma_wait3A_857 = tpu.memref_slice %arg7[%add3A_851, %dma_wait3A_856] : memref<56x128xi32, #tpu.memory_space<vmem>> -> memref<1x128xi32, #tpu.memory_space<vmem>>
          %dma_wait3A_858 = tpu.memref_squeeze %dma_wait3A_857 : memref<1x128xi32, #tpu.memory_space<vmem>> -> memref<128xi32, #tpu.memory_space<vmem>>
          %dma_wait3A_859 = arith.constant 0 : i32
          %dma_wait3A_860 = arith.constant 0 : i32
          %dma_wait3A_861 = tpu.memref_slice %arg10[%dma_wait3A_859, %dma_wait3A_860] : memref<10240x32xf32, #tpu.memory_space<vmem_shared>> -> memref<10240x32xf32, #tpu.memory_space<vmem_shared>>
          %dma_wait3A_862 = tpu.memref_slice %arg12[%sub3A_843] : memref<2x!tpu.dma_semaphore, #tpu.memory_space<semaphore_mem>> -> memref<1x!tpu.dma_semaphore, #tpu.memory_space<semaphore_mem>>
          %dma_wait3A_863 = tpu.memref_squeeze %dma_wait3A_862 : memref<1x!tpu.dma_semaphore, #tpu.memory_space<semaphore_mem>> -> memref<!tpu.dma_semaphore, #tpu.memory_space<semaphore_mem>>
          tpu.wait_indirect_dma semaphore(%dma_wait3A_863 : memref<!tpu.dma_semaphore, #tpu.memory_space<semaphore_mem>>) src(%dma_wait3A_855 : memref<128x32xf32, #tpu.memory_space<vmem>>) dst(%dma_wait3A_861 : memref<10240x32xf32, #tpu.memory_space<vmem_shared>>)
        } else {
        }
        %add3A_666 = arith.constant 1 : i32
        %add3A_667 = arith.addi %scan3A_331, %add3A_666 : i32
        %lt3A_668 = arith.constant 3 : i32
        %lt3A_669 = arith.cmpi slt, %add3A_667, %lt3A_668 : i32
        %convert_element_type3A_670 = arith.extui %lt3A_669 : i1 to i32
        %cond3A_671 = arith.constant 0 : i32
        %cond3A_672 = arith.cmpi ne, %convert_element_type3A_670, %cond3A_671 : i32
        scf.if %cond3A_672 {
          %add3A_673 = arith.constant 1 : i32
          %add3A_674 = arith.addi %scan3A_331, %add3A_673 : i32
          %sub3A = arith.constant 1 : i32
          %sub3A_675 = arith.subi %sub3A, %select_n3A_341 : i32
          %mul3A_676 = arith.constant 8 : i32
          %mul3A_677 = arith.muli %add3A_674, %mul3A_676 : i32
          %add3A_678 = arith.constant 0 : i32
          %add3A_679 = arith.addi %mul3A_677, %add3A_678 : i32
          %mul3A_680 = arith.constant 8 : i32
          %mul3A_681 = arith.muli %sub3A_675, %mul3A_680 : i32
          %add3A_682 = arith.constant 0 : i32
          %add3A_683 = arith.addi %mul3A_681, %add3A_682 : i32
          %dma_start3A_684 = arith.constant 0 : i32
          %dma_start3A_685 = arith.constant 0 : i32
          %dma_start3A_686 = tpu.memref_slice %arg8[%add3A_683, %dma_start3A_684, %dma_start3A_685] : memref<16x128x32xf32, #tpu.memory_space<vmem>> -> memref<1x128x32xf32, #tpu.memory_space<vmem>>
          %dma_start3A_687 = tpu.memref_squeeze %dma_start3A_686 : memref<1x128x32xf32, #tpu.memory_space<vmem>> -> memref<128x32xf32, #tpu.memory_space<vmem>>
          %dma_start3A_688 = arith.constant 0 : i32
          %dma_start3A_689 = tpu.memref_slice %arg6[%add3A_679, %dma_start3A_688] : memref<56x128xi32, #tpu.memory_space<vmem>> -> memref<1x128xi32, #tpu.memory_space<vmem>>
          %dma_start3A_690 = tpu.memref_squeeze %dma_start3A_689 : memref<1x128xi32, #tpu.memory_space<vmem>> -> memref<128xi32, #tpu.memory_space<vmem>>
          %dma_start3A_691 = arith.constant 0 : i32
          %dma_start3A_692 = arith.constant 0 : i32
          %dma_start3A_693 = tpu.memref_slice %arg2[%dma_start3A_691, %dma_start3A_692] : memref<52000x32xf32, #tpu.memory_space<hbm>> -> memref<52000x32xf32, #tpu.memory_space<hbm>>
          %dma_start3A_694 = tpu.memref_slice %arg11[%sub3A_675] : memref<2x!tpu.dma_semaphore, #tpu.memory_space<semaphore_mem>> -> memref<1x!tpu.dma_semaphore, #tpu.memory_space<semaphore_mem>>
          %dma_start3A_695 = tpu.memref_squeeze %dma_start3A_694 : memref<1x!tpu.dma_semaphore, #tpu.memory_space<semaphore_mem>> -> memref<!tpu.dma_semaphore, #tpu.memory_space<semaphore_mem>>
          tpu.enqueue_indirect_dma source(%dma_start3A_693 : memref<52000x32xf32, #tpu.memory_space<hbm>>) target(%dma_start3A_687 : memref<128x32xf32, #tpu.memory_space<vmem>>) offsets(%dma_start3A_690 : memref<128xi32, #tpu.memory_space<vmem>>) semaphore(%dma_start3A_695 : memref<!tpu.dma_semaphore, #tpu.memory_space<semaphore_mem>>)
          %add3A_696 = arith.constant 1 : i32
          %add3A_697 = arith.addi %scan3A_331, %add3A_696 : i32
          %sub3A_698 = arith.constant 1 : i32
          %sub3A_699 = arith.subi %sub3A_698, %select_n3A_341 : i32
          %mul3A_700 = arith.constant 8 : i32
          %mul3A_701 = arith.muli %add3A_697, %mul3A_700 : i32
          %add3A_702 = arith.constant 1 : i32
          %add3A_703 = arith.addi %mul3A_701, %add3A_702 : i32
          %mul3A_704 = arith.constant 8 : i32
          %mul3A_705 = arith.muli %sub3A_699, %mul3A_704 : i32
          %add3A_706 = arith.constant 1 : i32
          %add3A_707 = arith.addi %mul3A_705, %add3A_706 : i32
          %dma_start3A_708 = arith.constant 0 : i32
          %dma_start3A_709 = arith.constant 0 : i32
          %dma_start3A_710 = tpu.memref_slice %arg8[%add3A_707, %dma_start3A_708, %dma_start3A_709] : memref<16x128x32xf32, #tpu.memory_space<vmem>> -> memref<1x128x32xf32, #tpu.memory_space<vmem>>
          %dma_start3A_711 = tpu.memref_squeeze %dma_start3A_710 : memref<1x128x32xf32, #tpu.memory_space<vmem>> -> memref<128x32xf32, #tpu.memory_space<vmem>>
          %dma_start3A_712 = arith.constant 0 : i32
          %dma_start3A_713 = tpu.memref_slice %arg6[%add3A_703, %dma_start3A_712] : memref<56x128xi32, #tpu.memory_space<vmem>> -> memref<1x128xi32, #tpu.memory_space<vmem>>
          %dma_start3A_714 = tpu.memref_squeeze %dma_start3A_713 : memref<1x128xi32, #tpu.memory_space<vmem>> -> memref<128xi32, #tpu.memory_space<vmem>>
          %dma_start3A_715 = arith.constant 0 : i32
          %dma_start3A_716 = arith.constant 0 : i32
          %dma_start3A_717 = tpu.memref_slice %arg2[%dma_start3A_715, %dma_start3A_716] : memref<52000x32xf32, #tpu.memory_space<hbm>> -> memref<52000x32xf32, #tpu.memory_space<hbm>>
          %dma_start3A_718 = tpu.memref_slice %arg11[%sub3A_699] : memref<2x!tpu.dma_semaphore, #tpu.memory_space<semaphore_mem>> -> memref<1x!tpu.dma_semaphore, #tpu.memory_space<semaphore_mem>>
          %dma_start3A_719 = tpu.memref_squeeze %dma_start3A_718 : memref<1x!tpu.dma_semaphore, #tpu.memory_space<semaphore_mem>> -> memref<!tpu.dma_semaphore, #tpu.memory_space<semaphore_mem>>
          tpu.enqueue_indirect_dma source(%dma_start3A_717 : memref<52000x32xf32, #tpu.memory_space<hbm>>) target(%dma_start3A_711 : memref<128x32xf32, #tpu.memory_space<vmem>>) offsets(%dma_start3A_714 : memref<128xi32, #tpu.memory_space<vmem>>) semaphore(%dma_start3A_719 : memref<!tpu.dma_semaphore, #tpu.memory_space<semaphore_mem>>)
          %add3A_720 = arith.constant 1 : i32
          %add3A_721 = arith.addi %scan3A_331, %add3A_720 : i32
          %sub3A_722 = arith.constant 1 : i32
          %sub3A_723 = arith.subi %sub3A_722, %select_n3A_341 : i32
          %mul3A_724 = arith.constant 8 : i32
          %mul3A_725 = arith.muli %add3A_721, %mul3A_724 : i32
          %add3A_726 = arith.constant 2 : i32
          %add3A_727 = arith.addi %mul3A_725, %add3A_726 : i32
          %mul3A_728 = arith.constant 8 : i32
          %mul3A_729 = arith.muli %sub3A_723, %mul3A_728 : i32
          %add3A_730 = arith.constant 2 : i32
          %add3A_731 = arith.addi %mul3A_729, %add3A_730 : i32
          %dma_start3A_732 = arith.constant 0 : i32
          %dma_start3A_733 = arith.constant 0 : i32
          %dma_start3A_734 = tpu.memref_slice %arg8[%add3A_731, %dma_start3A_732, %dma_start3A_733] : memref<16x128x32xf32, #tpu.memory_space<vmem>> -> memref<1x128x32xf32, #tpu.memory_space<vmem>>
          %dma_start3A_735 = tpu.memref_squeeze %dma_start3A_734 : memref<1x128x32xf32, #tpu.memory_space<vmem>> -> memref<128x32xf32, #tpu.memory_space<vmem>>
          %dma_start3A_736 = arith.constant 0 : i32
          %dma_start3A_737 = tpu.memref_slice %arg6[%add3A_727, %dma_start3A_736] : memref<56x128xi32, #tpu.memory_space<vmem>> -> memref<1x128xi32, #tpu.memory_space<vmem>>
          %dma_start3A_738 = tpu.memref_squeeze %dma_start3A_737 : memref<1x128xi32, #tpu.memory_space<vmem>> -> memref<128xi32, #tpu.memory_space<vmem>>
          %dma_start3A_739 = arith.constant 0 : i32
          %dma_start3A_740 = arith.constant 0 : i32
          %dma_start3A_741 = tpu.memref_slice %arg2[%dma_start3A_739, %dma_start3A_740] : memref<52000x32xf32, #tpu.memory_space<hbm>> -> memref<52000x32xf32, #tpu.memory_space<hbm>>
          %dma_start3A_742 = tpu.memref_slice %arg11[%sub3A_723] : memref<2x!tpu.dma_semaphore, #tpu.memory_space<semaphore_mem>> -> memref<1x!tpu.dma_semaphore, #tpu.memory_space<semaphore_mem>>
          %dma_start3A_743 = tpu.memref_squeeze %dma_start3A_742 : memref<1x!tpu.dma_semaphore, #tpu.memory_space<semaphore_mem>> -> memref<!tpu.dma_semaphore, #tpu.memory_space<semaphore_mem>>
          tpu.enqueue_indirect_dma source(%dma_start3A_741 : memref<52000x32xf32, #tpu.memory_space<hbm>>) target(%dma_start3A_735 : memref<128x32xf32, #tpu.memory_space<vmem>>) offsets(%dma_start3A_738 : memref<128xi32, #tpu.memory_space<vmem>>) semaphore(%dma_start3A_743 : memref<!tpu.dma_semaphore, #tpu.memory_space<semaphore_mem>>)
          %add3A_744 = arith.constant 1 : i32
          %add3A_745 = arith.addi %scan3A_331, %add3A_744 : i32
          %sub3A_746 = arith.constant 1 : i32
          %sub3A_747 = arith.subi %sub3A_746, %select_n3A_341 : i32
          %mul3A_748 = arith.constant 8 : i32
          %mul3A_749 = arith.muli %add3A_745, %mul3A_748 : i32
          %add3A_750 = arith.constant 3 : i32
          %add3A_751 = arith.addi %mul3A_749, %add3A_750 : i32
          %mul3A_752 = arith.constant 8 : i32
          %mul3A_753 = arith.muli %sub3A_747, %mul3A_752 : i32
          %add3A_754 = arith.constant 3 : i32
          %add3A_755 = arith.addi %mul3A_753, %add3A_754 : i32
          %dma_start3A_756 = arith.constant 0 : i32
          %dma_start3A_757 = arith.constant 0 : i32
          %dma_start3A_758 = tpu.memref_slice %arg8[%add3A_755, %dma_start3A_756, %dma_start3A_757] : memref<16x128x32xf32, #tpu.memory_space<vmem>> -> memref<1x128x32xf32, #tpu.memory_space<vmem>>
          %dma_start3A_759 = tpu.memref_squeeze %dma_start3A_758 : memref<1x128x32xf32, #tpu.memory_space<vmem>> -> memref<128x32xf32, #tpu.memory_space<vmem>>
          %dma_start3A_760 = arith.constant 0 : i32
          %dma_start3A_761 = tpu.memref_slice %arg6[%add3A_751, %dma_start3A_760] : memref<56x128xi32, #tpu.memory_space<vmem>> -> memref<1x128xi32, #tpu.memory_space<vmem>>
          %dma_start3A_762 = tpu.memref_squeeze %dma_start3A_761 : memref<1x128xi32, #tpu.memory_space<vmem>> -> memref<128xi32, #tpu.memory_space<vmem>>
          %dma_start3A_763 = arith.constant 0 : i32
          %dma_start3A_764 = arith.constant 0 : i32
          %dma_start3A_765 = tpu.memref_slice %arg2[%dma_start3A_763, %dma_start3A_764] : memref<52000x32xf32, #tpu.memory_space<hbm>> -> memref<52000x32xf32, #tpu.memory_space<hbm>>
          %dma_start3A_766 = tpu.memref_slice %arg11[%sub3A_747] : memref<2x!tpu.dma_semaphore, #tpu.memory_space<semaphore_mem>> -> memref<1x!tpu.dma_semaphore, #tpu.memory_space<semaphore_mem>>
          %dma_start3A_767 = tpu.memref_squeeze %dma_start3A_766 : memref<1x!tpu.dma_semaphore, #tpu.memory_space<semaphore_mem>> -> memref<!tpu.dma_semaphore, #tpu.memory_space<semaphore_mem>>
          tpu.enqueue_indirect_dma source(%dma_start3A_765 : memref<52000x32xf32, #tpu.memory_space<hbm>>) target(%dma_start3A_759 : memref<128x32xf32, #tpu.memory_space<vmem>>) offsets(%dma_start3A_762 : memref<128xi32, #tpu.memory_space<vmem>>) semaphore(%dma_start3A_767 : memref<!tpu.dma_semaphore, #tpu.memory_space<semaphore_mem>>)
          %add3A_768 = arith.constant 1 : i32
          %add3A_769 = arith.addi %scan3A_331, %add3A_768 : i32
          %sub3A_770 = arith.constant 1 : i32
          %sub3A_771 = arith.subi %sub3A_770, %select_n3A_341 : i32
          %mul3A_772 = arith.constant 8 : i32
          %mul3A_773 = arith.muli %add3A_769, %mul3A_772 : i32
          %add3A_774 = arith.constant 4 : i32
          %add3A_775 = arith.addi %mul3A_773, %add3A_774 : i32
          %mul3A_776 = arith.constant 8 : i32
          %mul3A_777 = arith.muli %sub3A_771, %mul3A_776 : i32
          %add3A_778 = arith.constant 4 : i32
          %add3A_779 = arith.addi %mul3A_777, %add3A_778 : i32
          %dma_start3A_780 = arith.constant 0 : i32
          %dma_start3A_781 = arith.constant 0 : i32
          %dma_start3A_782 = tpu.memref_slice %arg8[%add3A_779, %dma_start3A_780, %dma_start3A_781] : memref<16x128x32xf32, #tpu.memory_space<vmem>> -> memref<1x128x32xf32, #tpu.memory_space<vmem>>
          %dma_start3A_783 = tpu.memref_squeeze %dma_start3A_782 : memref<1x128x32xf32, #tpu.memory_space<vmem>> -> memref<128x32xf32, #tpu.memory_space<vmem>>
          %dma_start3A_784 = arith.constant 0 : i32
          %dma_start3A_785 = tpu.memref_slice %arg6[%add3A_775, %dma_start3A_784] : memref<56x128xi32, #tpu.memory_space<vmem>> -> memref<1x128xi32, #tpu.memory_space<vmem>>
          %dma_start3A_786 = tpu.memref_squeeze %dma_start3A_785 : memref<1x128xi32, #tpu.memory_space<vmem>> -> memref<128xi32, #tpu.memory_space<vmem>>
          %dma_start3A_787 = arith.constant 0 : i32
          %dma_start3A_788 = arith.constant 0 : i32
          %dma_start3A_789 = tpu.memref_slice %arg2[%dma_start3A_787, %dma_start3A_788] : memref<52000x32xf32, #tpu.memory_space<hbm>> -> memref<52000x32xf32, #tpu.memory_space<hbm>>
          %dma_start3A_790 = tpu.memref_slice %arg11[%sub3A_771] : memref<2x!tpu.dma_semaphore, #tpu.memory_space<semaphore_mem>> -> memref<1x!tpu.dma_semaphore, #tpu.memory_space<semaphore_mem>>
          %dma_start3A_791 = tpu.memref_squeeze %dma_start3A_790 : memref<1x!tpu.dma_semaphore, #tpu.memory_space<semaphore_mem>> -> memref<!tpu.dma_semaphore, #tpu.memory_space<semaphore_mem>>
          tpu.enqueue_indirect_dma source(%dma_start3A_789 : memref<52000x32xf32, #tpu.memory_space<hbm>>) target(%dma_start3A_783 : memref<128x32xf32, #tpu.memory_space<vmem>>) offsets(%dma_start3A_786 : memref<128xi32, #tpu.memory_space<vmem>>) semaphore(%dma_start3A_791 : memref<!tpu.dma_semaphore, #tpu.memory_space<semaphore_mem>>)
          %add3A_792 = arith.constant 1 : i32
          %add3A_793 = arith.addi %scan3A_331, %add3A_792 : i32
          %sub3A_794 = arith.constant 1 : i32
          %sub3A_795 = arith.subi %sub3A_794, %select_n3A_341 : i32
          %mul3A_796 = arith.constant 8 : i32
          %mul3A_797 = arith.muli %add3A_793, %mul3A_796 : i32
          %add3A_798 = arith.constant 5 : i32
          %add3A_799 = arith.addi %mul3A_797, %add3A_798 : i32
          %mul3A_800 = arith.constant 8 : i32
          %mul3A_801 = arith.muli %sub3A_795, %mul3A_800 : i32
          %add3A_802 = arith.constant 5 : i32
          %add3A_803 = arith.addi %mul3A_801, %add3A_802 : i32
          %dma_start3A_804 = arith.constant 0 : i32
          %dma_start3A_805 = arith.constant 0 : i32
          %dma_start3A_806 = tpu.memref_slice %arg8[%add3A_803, %dma_start3A_804, %dma_start3A_805] : memref<16x128x32xf32, #tpu.memory_space<vmem>> -> memref<1x128x32xf32, #tpu.memory_space<vmem>>
          %dma_start3A_807 = tpu.memref_squeeze %dma_start3A_806 : memref<1x128x32xf32, #tpu.memory_space<vmem>> -> memref<128x32xf32, #tpu.memory_space<vmem>>
          %dma_start3A_808 = arith.constant 0 : i32
          %dma_start3A_809 = tpu.memref_slice %arg6[%add3A_799, %dma_start3A_808] : memref<56x128xi32, #tpu.memory_space<vmem>> -> memref<1x128xi32, #tpu.memory_space<vmem>>
          %dma_start3A_810 = tpu.memref_squeeze %dma_start3A_809 : memref<1x128xi32, #tpu.memory_space<vmem>> -> memref<128xi32, #tpu.memory_space<vmem>>
          %dma_start3A_811 = arith.constant 0 : i32
          %dma_start3A_812 = arith.constant 0 : i32
          %dma_start3A_813 = tpu.memref_slice %arg2[%dma_start3A_811, %dma_start3A_812] : memref<52000x32xf32, #tpu.memory_space<hbm>> -> memref<52000x32xf32, #tpu.memory_space<hbm>>
          %dma_start3A_814 = tpu.memref_slice %arg11[%sub3A_795] : memref<2x!tpu.dma_semaphore, #tpu.memory_space<semaphore_mem>> -> memref<1x!tpu.dma_semaphore, #tpu.memory_space<semaphore_mem>>
          %dma_start3A_815 = tpu.memref_squeeze %dma_start3A_814 : memref<1x!tpu.dma_semaphore, #tpu.memory_space<semaphore_mem>> -> memref<!tpu.dma_semaphore, #tpu.memory_space<semaphore_mem>>
          tpu.enqueue_indirect_dma source(%dma_start3A_813 : memref<52000x32xf32, #tpu.memory_space<hbm>>) target(%dma_start3A_807 : memref<128x32xf32, #tpu.memory_space<vmem>>) offsets(%dma_start3A_810 : memref<128xi32, #tpu.memory_space<vmem>>) semaphore(%dma_start3A_815 : memref<!tpu.dma_semaphore, #tpu.memory_space<semaphore_mem>>)
          %add3A_816 = arith.constant 1 : i32
          %add3A_817 = arith.addi %scan3A_331, %add3A_816 : i32
          %sub3A_818 = arith.constant 1 : i32
          %sub3A_819 = arith.subi %sub3A_818, %select_n3A_341 : i32
          %mul3A_820 = arith.constant 8 : i32
          %mul3A_821 = arith.muli %add3A_817, %mul3A_820 : i32
          %add3A_822 = arith.constant 6 : i32
          %add3A_823 = arith.addi %mul3A_821, %add3A_822 : i32
          %mul3A_824 = arith.constant 8 : i32
          %mul3A_825 = arith.muli %sub3A_819, %mul3A_824 : i32
          %add3A_826 = arith.constant 6 : i32
          %add3A_827 = arith.addi %mul3A_825, %add3A_826 : i32
          %dma_start3A_828 = arith.constant 0 : i32
          %dma_start3A_829 = arith.constant 0 : i32
          %dma_start3A_830 = tpu.memref_slice %arg8[%add3A_827, %dma_start3A_828, %dma_start3A_829] : memref<16x128x32xf32, #tpu.memory_space<vmem>> -> memref<1x128x32xf32, #tpu.memory_space<vmem>>
          %dma_start3A_831 = tpu.memref_squeeze %dma_start3A_830 : memref<1x128x32xf32, #tpu.memory_space<vmem>> -> memref<128x32xf32, #tpu.memory_space<vmem>>
          %dma_start3A_832 = arith.constant 0 : i32
          %dma_start3A_833 = tpu.memref_slice %arg6[%add3A_823, %dma_start3A_832] : memref<56x128xi32, #tpu.memory_space<vmem>> -> memref<1x128xi32, #tpu.memory_space<vmem>>
          %dma_start3A_834 = tpu.memref_squeeze %dma_start3A_833 : memref<1x128xi32, #tpu.memory_space<vmem>> -> memref<128xi32, #tpu.memory_space<vmem>>
          %dma_start3A_835 = arith.constant 0 : i32
          %dma_start3A_836 = arith.constant 0 : i32
          %dma_start3A_837 = tpu.memref_slice %arg2[%dma_start3A_835, %dma_start3A_836] : memref<52000x32xf32, #tpu.memory_space<hbm>> -> memref<52000x32xf32, #tpu.memory_space<hbm>>
          %dma_start3A_838 = tpu.memref_slice %arg11[%sub3A_819] : memref<2x!tpu.dma_semaphore, #tpu.memory_space<semaphore_mem>> -> memref<1x!tpu.dma_semaphore, #tpu.memory_space<semaphore_mem>>
          %dma_start3A_839 = tpu.memref_squeeze %dma_start3A_838 : memref<1x!tpu.dma_semaphore, #tpu.memory_space<semaphore_mem>> -> memref<!tpu.dma_semaphore, #tpu.memory_space<semaphore_mem>>
          tpu.enqueue_indirect_dma source(%dma_start3A_837 : memref<52000x32xf32, #tpu.memory_space<hbm>>) target(%dma_start3A_831 : memref<128x32xf32, #tpu.memory_space<vmem>>) offsets(%dma_start3A_834 : memref<128xi32, #tpu.memory_space<vmem>>) semaphore(%dma_start3A_839 : memref<!tpu.dma_semaphore, #tpu.memory_space<semaphore_mem>>)
          %add3A_840 = arith.constant 1 : i32
          %add3A_841 = arith.addi %scan3A_331, %add3A_840 : i32
          %sub3A_842 = arith.constant 1 : i32
          %sub3A_843 = arith.subi %sub3A_842, %select_n3A_341 : i32
          %mul3A_844 = arith.constant 8 : i32
          %mul3A_845 = arith.muli %add3A_841, %mul3A_844 : i32
          %add3A_846 = arith.constant 7 : i32
          %add3A_847 = arith.addi %mul3A_845, %add3A_846 : i32
          %mul3A_848 = arith.constant 8 : i32
          %mul3A_849 = arith.muli %sub3A_843, %mul3A_848 : i32
          %add3A_850 = arith.constant 7 : i32
          %add3A_851 = arith.addi %mul3A_849, %add3A_850 : i32
          %dma_start3A_852 = arith.constant 0 : i32
          %dma_start3A_853 = arith.constant 0 : i32
          %dma_start3A_854 = tpu.memref_slice %arg8[%add3A_851, %dma_start3A_852, %dma_start3A_853] : memref<16x128x32xf32, #tpu.memory_space<vmem>> -> memref<1x128x32xf32, #tpu.memory_space<vmem>>
          %dma_start3A_855 = tpu.memref_squeeze %dma_start3A_854 : memref<1x128x32xf32, #tpu.memory_space<vmem>> -> memref<128x32xf32, #tpu.memory_space<vmem>>
          %dma_start3A_856 = arith.constant 0 : i32
          %dma_start3A_857 = tpu.memref_slice %arg6[%add3A_847, %dma_start3A_856] : memref<56x128xi32, #tpu.memory_space<vmem>> -> memref<1x128xi32, #tpu.memory_space<vmem>>
          %dma_start3A_858 = tpu.memref_squeeze %dma_start3A_857 : memref<1x128xi32, #tpu.memory_space<vmem>> -> memref<128xi32, #tpu.memory_space<vmem>>
          %dma_start3A_859 = arith.constant 0 : i32
          %dma_start3A_860 = arith.constant 0 : i32
          %dma_start3A_861 = tpu.memref_slice %arg2[%dma_start3A_859, %dma_start3A_860] : memref<52000x32xf32, #tpu.memory_space<hbm>> -> memref<52000x32xf32, #tpu.memory_space<hbm>>
          %dma_start3A_862 = tpu.memref_slice %arg11[%sub3A_843] : memref<2x!tpu.dma_semaphore, #tpu.memory_space<semaphore_mem>> -> memref<1x!tpu.dma_semaphore, #tpu.memory_space<semaphore_mem>>
          %dma_start3A_863 = tpu.memref_squeeze %dma_start3A_862 : memref<1x!tpu.dma_semaphore, #tpu.memory_space<semaphore_mem>> -> memref<!tpu.dma_semaphore, #tpu.memory_space<semaphore_mem>>
          tpu.enqueue_indirect_dma source(%dma_start3A_861 : memref<52000x32xf32, #tpu.memory_space<hbm>>) target(%dma_start3A_855 : memref<128x32xf32, #tpu.memory_space<vmem>>) offsets(%dma_start3A_858 : memref<128xi32, #tpu.memory_space<vmem>>) semaphore(%dma_start3A_863 : memref<!tpu.dma_semaphore, #tpu.memory_space<semaphore_mem>>)
        } else {
        }
      }
      %scan3A_207 = arith.constant 3 : i32
      %dma_wait3A_208 = arith.constant 0 : i32
      %dma_wait3A_209 = arith.constant 16 : i32
      %dma_wait3A_210 = arith.constant 0 : i32
      %dma_wait3A_211 = arith.constant 0 : i32
      %dma_wait3A_212 = arith.constant 0 : i32
      %dma_wait3A_213 = tpu.memref_slice %arg8[%dma_wait3A_208, %dma_wait3A_211, %dma_wait3A_212] : memref<16x128x32xf32, #tpu.memory_space<vmem>> -> memref<1x128x32xf32, #tpu.memory_space<vmem>>
      %dma_wait3A_214 = tpu.memref_squeeze %dma_wait3A_213 : memref<1x128x32xf32, #tpu.memory_space<vmem>> -> memref<128x32xf32, #tpu.memory_space<vmem>>
      %dma_wait3A_215 = arith.constant 0 : i32
      %dma_wait3A_216 = tpu.memref_slice %arg7[%dma_wait3A_209, %dma_wait3A_215] : memref<56x128xi32, #tpu.memory_space<vmem>> -> memref<1x128xi32, #tpu.memory_space<vmem>>
      %dma_wait3A_217 = tpu.memref_squeeze %dma_wait3A_216 : memref<1x128xi32, #tpu.memory_space<vmem>> -> memref<128xi32, #tpu.memory_space<vmem>>
      %dma_wait3A_218 = arith.constant 0 : i32
      %dma_wait3A_219 = arith.constant 0 : i32
      %dma_wait3A_220 = tpu.memref_slice %arg10[%dma_wait3A_218, %dma_wait3A_219] : memref<10240x32xf32, #tpu.memory_space<vmem_shared>> -> memref<10240x32xf32, #tpu.memory_space<vmem_shared>>
      %dma_wait3A_221 = tpu.memref_slice %arg12[%dma_wait3A_210] : memref<2x!tpu.dma_semaphore, #tpu.memory_space<semaphore_mem>> -> memref<1x!tpu.dma_semaphore, #tpu.memory_space<semaphore_mem>>
      %dma_wait3A_222 = tpu.memref_squeeze %dma_wait3A_221 : memref<1x!tpu.dma_semaphore, #tpu.memory_space<semaphore_mem>> -> memref<!tpu.dma_semaphore, #tpu.memory_space<semaphore_mem>>
      tpu.wait_indirect_dma semaphore(%dma_wait3A_222 : memref<!tpu.dma_semaphore, #tpu.memory_space<semaphore_mem>>) src(%dma_wait3A_214 : memref<128x32xf32, #tpu.memory_space<vmem>>) dst(%dma_wait3A_220 : memref<10240x32xf32, #tpu.memory_space<vmem_shared>>)
      %dma_wait3A_223 = arith.constant 1 : i32
      %dma_wait3A_224 = arith.constant 17 : i32
      %dma_wait3A_225 = arith.constant 0 : i32
      %dma_wait3A_226 = arith.constant 0 : i32
      %dma_wait3A_227 = arith.constant 0 : i32
      %dma_wait3A_228 = tpu.memref_slice %arg8[%dma_wait3A_223, %dma_wait3A_226, %dma_wait3A_227] : memref<16x128x32xf32, #tpu.memory_space<vmem>> -> memref<1x128x32xf32, #tpu.memory_space<vmem>>
      %dma_wait3A_229 = tpu.memref_squeeze %dma_wait3A_228 : memref<1x128x32xf32, #tpu.memory_space<vmem>> -> memref<128x32xf32, #tpu.memory_space<vmem>>
      %dma_wait3A_230 = arith.constant 0 : i32
      %dma_wait3A_231 = tpu.memref_slice %arg7[%dma_wait3A_224, %dma_wait3A_230] : memref<56x128xi32, #tpu.memory_space<vmem>> -> memref<1x128xi32, #tpu.memory_space<vmem>>
      %dma_wait3A_232 = tpu.memref_squeeze %dma_wait3A_231 : memref<1x128xi32, #tpu.memory_space<vmem>> -> memref<128xi32, #tpu.memory_space<vmem>>
      %dma_wait3A_233 = arith.constant 0 : i32
      %dma_wait3A_234 = arith.constant 0 : i32
      %dma_wait3A_235 = tpu.memref_slice %arg10[%dma_wait3A_233, %dma_wait3A_234] : memref<10240x32xf32, #tpu.memory_space<vmem_shared>> -> memref<10240x32xf32, #tpu.memory_space<vmem_shared>>
      %dma_wait3A_236 = tpu.memref_slice %arg12[%dma_wait3A_225] : memref<2x!tpu.dma_semaphore, #tpu.memory_space<semaphore_mem>> -> memref<1x!tpu.dma_semaphore, #tpu.memory_space<semaphore_mem>>
      %dma_wait3A_237 = tpu.memref_squeeze %dma_wait3A_236 : memref<1x!tpu.dma_semaphore, #tpu.memory_space<semaphore_mem>> -> memref<!tpu.dma_semaphore, #tpu.memory_space<semaphore_mem>>
      tpu.wait_indirect_dma semaphore(%dma_wait3A_237 : memref<!tpu.dma_semaphore, #tpu.memory_space<semaphore_mem>>) src(%dma_wait3A_229 : memref<128x32xf32, #tpu.memory_space<vmem>>) dst(%dma_wait3A_235 : memref<10240x32xf32, #tpu.memory_space<vmem_shared>>)
      %dma_wait3A_238 = arith.constant 2 : i32
      %dma_wait3A_239 = arith.constant 18 : i32
      %dma_wait3A_240 = arith.constant 0 : i32
      %dma_wait3A_241 = arith.constant 0 : i32
      %dma_wait3A_242 = arith.constant 0 : i32
      %dma_wait3A_243 = tpu.memref_slice %arg8[%dma_wait3A_238, %dma_wait3A_241, %dma_wait3A_242] : memref<16x128x32xf32, #tpu.memory_space<vmem>> -> memref<1x128x32xf32, #tpu.memory_space<vmem>>
      %dma_wait3A_244 = tpu.memref_squeeze %dma_wait3A_243 : memref<1x128x32xf32, #tpu.memory_space<vmem>> -> memref<128x32xf32, #tpu.memory_space<vmem>>
      %dma_wait3A_245 = arith.constant 0 : i32
      %dma_wait3A_246 = tpu.memref_slice %arg7[%dma_wait3A_239, %dma_wait3A_245] : memref<56x128xi32, #tpu.memory_space<vmem>> -> memref<1x128xi32, #tpu.memory_space<vmem>>
      %dma_wait3A_247 = tpu.memref_squeeze %dma_wait3A_246 : memref<1x128xi32, #tpu.memory_space<vmem>> -> memref<128xi32, #tpu.memory_space<vmem>>
      %dma_wait3A_248 = arith.constant 0 : i32
      %dma_wait3A_249 = arith.constant 0 : i32
      %dma_wait3A_250 = tpu.memref_slice %arg10[%dma_wait3A_248, %dma_wait3A_249] : memref<10240x32xf32, #tpu.memory_space<vmem_shared>> -> memref<10240x32xf32, #tpu.memory_space<vmem_shared>>
      %dma_wait3A_251 = tpu.memref_slice %arg12[%dma_wait3A_240] : memref<2x!tpu.dma_semaphore, #tpu.memory_space<semaphore_mem>> -> memref<1x!tpu.dma_semaphore, #tpu.memory_space<semaphore_mem>>
      %dma_wait3A_252 = tpu.memref_squeeze %dma_wait3A_251 : memref<1x!tpu.dma_semaphore, #tpu.memory_space<semaphore_mem>> -> memref<!tpu.dma_semaphore, #tpu.memory_space<semaphore_mem>>
      tpu.wait_indirect_dma semaphore(%dma_wait3A_252 : memref<!tpu.dma_semaphore, #tpu.memory_space<semaphore_mem>>) src(%dma_wait3A_244 : memref<128x32xf32, #tpu.memory_space<vmem>>) dst(%dma_wait3A_250 : memref<10240x32xf32, #tpu.memory_space<vmem_shared>>)
      %dma_wait3A_253 = arith.constant 3 : i32
      %dma_wait3A_254 = arith.constant 19 : i32
      %dma_wait3A_255 = arith.constant 0 : i32
      %dma_wait3A_256 = arith.constant 0 : i32
      %dma_wait3A_257 = arith.constant 0 : i32
      %dma_wait3A_258 = tpu.memref_slice %arg8[%dma_wait3A_253, %dma_wait3A_256, %dma_wait3A_257] : memref<16x128x32xf32, #tpu.memory_space<vmem>> -> memref<1x128x32xf32, #tpu.memory_space<vmem>>
      %dma_wait3A_259 = tpu.memref_squeeze %dma_wait3A_258 : memref<1x128x32xf32, #tpu.memory_space<vmem>> -> memref<128x32xf32, #tpu.memory_space<vmem>>
      %dma_wait3A_260 = arith.constant 0 : i32
      %dma_wait3A_261 = tpu.memref_slice %arg7[%dma_wait3A_254, %dma_wait3A_260] : memref<56x128xi32, #tpu.memory_space<vmem>> -> memref<1x128xi32, #tpu.memory_space<vmem>>
      %dma_wait3A_262 = tpu.memref_squeeze %dma_wait3A_261 : memref<1x128xi32, #tpu.memory_space<vmem>> -> memref<128xi32, #tpu.memory_space<vmem>>
      %dma_wait3A_263 = arith.constant 0 : i32
      %dma_wait3A_264 = arith.constant 0 : i32
      %dma_wait3A_265 = tpu.memref_slice %arg10[%dma_wait3A_263, %dma_wait3A_264] : memref<10240x32xf32, #tpu.memory_space<vmem_shared>> -> memref<10240x32xf32, #tpu.memory_space<vmem_shared>>
      %dma_wait3A_266 = tpu.memref_slice %arg12[%dma_wait3A_255] : memref<2x!tpu.dma_semaphore, #tpu.memory_space<semaphore_mem>> -> memref<1x!tpu.dma_semaphore, #tpu.memory_space<semaphore_mem>>
      %dma_wait3A_267 = tpu.memref_squeeze %dma_wait3A_266 : memref<1x!tpu.dma_semaphore, #tpu.memory_space<semaphore_mem>> -> memref<!tpu.dma_semaphore, #tpu.memory_space<semaphore_mem>>
      tpu.wait_indirect_dma semaphore(%dma_wait3A_267 : memref<!tpu.dma_semaphore, #tpu.memory_space<semaphore_mem>>) src(%dma_wait3A_259 : memref<128x32xf32, #tpu.memory_space<vmem>>) dst(%dma_wait3A_265 : memref<10240x32xf32, #tpu.memory_space<vmem_shared>>)
      %dma_wait3A_268 = arith.constant 4 : i32
      %dma_wait3A_269 = arith.constant 20 : i32
      %dma_wait3A_270 = arith.constant 0 : i32
      %dma_wait3A_271 = arith.constant 0 : i32
      %dma_wait3A_272 = arith.constant 0 : i32
      %dma_wait3A_273 = tpu.memref_slice %arg8[%dma_wait3A_268, %dma_wait3A_271, %dma_wait3A_272] : memref<16x128x32xf32, #tpu.memory_space<vmem>> -> memref<1x128x32xf32, #tpu.memory_space<vmem>>
      %dma_wait3A_274 = tpu.memref_squeeze %dma_wait3A_273 : memref<1x128x32xf32, #tpu.memory_space<vmem>> -> memref<128x32xf32, #tpu.memory_space<vmem>>
      %dma_wait3A_275 = arith.constant 0 : i32
      %dma_wait3A_276 = tpu.memref_slice %arg7[%dma_wait3A_269, %dma_wait3A_275] : memref<56x128xi32, #tpu.memory_space<vmem>> -> memref<1x128xi32, #tpu.memory_space<vmem>>
      %dma_wait3A_277 = tpu.memref_squeeze %dma_wait3A_276 : memref<1x128xi32, #tpu.memory_space<vmem>> -> memref<128xi32, #tpu.memory_space<vmem>>
      %dma_wait3A_278 = arith.constant 0 : i32
      %dma_wait3A_279 = arith.constant 0 : i32
      %dma_wait3A_280 = tpu.memref_slice %arg10[%dma_wait3A_278, %dma_wait3A_279] : memref<10240x32xf32, #tpu.memory_space<vmem_shared>> -> memref<10240x32xf32, #tpu.memory_space<vmem_shared>>
      %dma_wait3A_281 = tpu.memref_slice %arg12[%dma_wait3A_270] : memref<2x!tpu.dma_semaphore, #tpu.memory_space<semaphore_mem>> -> memref<1x!tpu.dma_semaphore, #tpu.memory_space<semaphore_mem>>
      %dma_wait3A_282 = tpu.memref_squeeze %dma_wait3A_281 : memref<1x!tpu.dma_semaphore, #tpu.memory_space<semaphore_mem>> -> memref<!tpu.dma_semaphore, #tpu.memory_space<semaphore_mem>>
      tpu.wait_indirect_dma semaphore(%dma_wait3A_282 : memref<!tpu.dma_semaphore, #tpu.memory_space<semaphore_mem>>) src(%dma_wait3A_274 : memref<128x32xf32, #tpu.memory_space<vmem>>) dst(%dma_wait3A_280 : memref<10240x32xf32, #tpu.memory_space<vmem_shared>>)
      %dma_wait3A_283 = arith.constant 5 : i32
      %dma_wait3A_284 = arith.constant 21 : i32
      %dma_wait3A_285 = arith.constant 0 : i32
      %dma_wait3A_286 = arith.constant 0 : i32
      %dma_wait3A_287 = arith.constant 0 : i32
      %dma_wait3A_288 = tpu.memref_slice %arg8[%dma_wait3A_283, %dma_wait3A_286, %dma_wait3A_287] : memref<16x128x32xf32, #tpu.memory_space<vmem>> -> memref<1x128x32xf32, #tpu.memory_space<vmem>>
      %dma_wait3A_289 = tpu.memref_squeeze %dma_wait3A_288 : memref<1x128x32xf32, #tpu.memory_space<vmem>> -> memref<128x32xf32, #tpu.memory_space<vmem>>
      %dma_wait3A_290 = arith.constant 0 : i32
      %dma_wait3A_291 = tpu.memref_slice %arg7[%dma_wait3A_284, %dma_wait3A_290] : memref<56x128xi32, #tpu.memory_space<vmem>> -> memref<1x128xi32, #tpu.memory_space<vmem>>
      %dma_wait3A_292 = tpu.memref_squeeze %dma_wait3A_291 : memref<1x128xi32, #tpu.memory_space<vmem>> -> memref<128xi32, #tpu.memory_space<vmem>>
      %dma_wait3A_293 = arith.constant 0 : i32
      %dma_wait3A_294 = arith.constant 0 : i32
      %dma_wait3A_295 = tpu.memref_slice %arg10[%dma_wait3A_293, %dma_wait3A_294] : memref<10240x32xf32, #tpu.memory_space<vmem_shared>> -> memref<10240x32xf32, #tpu.memory_space<vmem_shared>>
      %dma_wait3A_296 = tpu.memref_slice %arg12[%dma_wait3A_285] : memref<2x!tpu.dma_semaphore, #tpu.memory_space<semaphore_mem>> -> memref<1x!tpu.dma_semaphore, #tpu.memory_space<semaphore_mem>>
      %dma_wait3A_297 = tpu.memref_squeeze %dma_wait3A_296 : memref<1x!tpu.dma_semaphore, #tpu.memory_space<semaphore_mem>> -> memref<!tpu.dma_semaphore, #tpu.memory_space<semaphore_mem>>
      tpu.wait_indirect_dma semaphore(%dma_wait3A_297 : memref<!tpu.dma_semaphore, #tpu.memory_space<semaphore_mem>>) src(%dma_wait3A_289 : memref<128x32xf32, #tpu.memory_space<vmem>>) dst(%dma_wait3A_295 : memref<10240x32xf32, #tpu.memory_space<vmem_shared>>)
      %dma_wait3A_298 = arith.constant 6 : i32
      %dma_wait3A_299 = arith.constant 22 : i32
      %dma_wait3A_300 = arith.constant 0 : i32
      %dma_wait3A_301 = arith.constant 0 : i32
      %dma_wait3A_302 = arith.constant 0 : i32
      %dma_wait3A_303 = tpu.memref_slice %arg8[%dma_wait3A_298, %dma_wait3A_301, %dma_wait3A_302] : memref<16x128x32xf32, #tpu.memory_space<vmem>> -> memref<1x128x32xf32, #tpu.memory_space<vmem>>
      %dma_wait3A_304 = tpu.memref_squeeze %dma_wait3A_303 : memref<1x128x32xf32, #tpu.memory_space<vmem>> -> memref<128x32xf32, #tpu.memory_space<vmem>>
      %dma_wait3A_305 = arith.constant 0 : i32
      %dma_wait3A_306 = tpu.memref_slice %arg7[%dma_wait3A_299, %dma_wait3A_305] : memref<56x128xi32, #tpu.memory_space<vmem>> -> memref<1x128xi32, #tpu.memory_space<vmem>>
      %dma_wait3A_307 = tpu.memref_squeeze %dma_wait3A_306 : memref<1x128xi32, #tpu.memory_space<vmem>> -> memref<128xi32, #tpu.memory_space<vmem>>
      %dma_wait3A_308 = arith.constant 0 : i32
      %dma_wait3A_309 = arith.constant 0 : i32
      %dma_wait3A_310 = tpu.memref_slice %arg10[%dma_wait3A_308, %dma_wait3A_309] : memref<10240x32xf32, #tpu.memory_space<vmem_shared>> -> memref<10240x32xf32, #tpu.memory_space<vmem_shared>>
      %dma_wait3A_311 = tpu.memref_slice %arg12[%dma_wait3A_300] : memref<2x!tpu.dma_semaphore, #tpu.memory_space<semaphore_mem>> -> memref<1x!tpu.dma_semaphore, #tpu.memory_space<semaphore_mem>>
      %dma_wait3A_312 = tpu.memref_squeeze %dma_wait3A_311 : memref<1x!tpu.dma_semaphore, #tpu.memory_space<semaphore_mem>> -> memref<!tpu.dma_semaphore, #tpu.memory_space<semaphore_mem>>
      tpu.wait_indirect_dma semaphore(%dma_wait3A_312 : memref<!tpu.dma_semaphore, #tpu.memory_space<semaphore_mem>>) src(%dma_wait3A_304 : memref<128x32xf32, #tpu.memory_space<vmem>>) dst(%dma_wait3A_310 : memref<10240x32xf32, #tpu.memory_space<vmem_shared>>)
      %dma_wait3A_313 = arith.constant 7 : i32
      %dma_wait3A_314 = arith.constant 23 : i32
      %dma_wait3A_315 = arith.constant 0 : i32
      %dma_wait3A_316 = arith.constant 0 : i32
      %dma_wait3A_317 = arith.constant 0 : i32
      %dma_wait3A_318 = tpu.memref_slice %arg8[%dma_wait3A_313, %dma_wait3A_316, %dma_wait3A_317] : memref<16x128x32xf32, #tpu.memory_space<vmem>> -> memref<1x128x32xf32, #tpu.memory_space<vmem>>
      %dma_wait3A_319 = tpu.memref_squeeze %dma_wait3A_318 : memref<1x128x32xf32, #tpu.memory_space<vmem>> -> memref<128x32xf32, #tpu.memory_space<vmem>>
      %dma_wait3A_320 = arith.constant 0 : i32
      %dma_wait3A_321 = tpu.memref_slice %arg7[%dma_wait3A_314, %dma_wait3A_320] : memref<56x128xi32, #tpu.memory_space<vmem>> -> memref<1x128xi32, #tpu.memory_space<vmem>>
      %dma_wait3A_322 = tpu.memref_squeeze %dma_wait3A_321 : memref<1x128xi32, #tpu.memory_space<vmem>> -> memref<128xi32, #tpu.memory_space<vmem>>
      %dma_wait3A_323 = arith.constant 0 : i32
      %dma_wait3A_324 = arith.constant 0 : i32
      %dma_wait3A_325 = tpu.memref_slice %arg10[%dma_wait3A_323, %dma_wait3A_324] : memref<10240x32xf32, #tpu.memory_space<vmem_shared>> -> memref<10240x32xf32, #tpu.memory_space<vmem_shared>>
      %dma_wait3A_326 = tpu.memref_slice %arg12[%dma_wait3A_315] : memref<2x!tpu.dma_semaphore, #tpu.memory_space<semaphore_mem>> -> memref<1x!tpu.dma_semaphore, #tpu.memory_space<semaphore_mem>>
      %dma_wait3A_327 = tpu.memref_squeeze %dma_wait3A_326 : memref<1x!tpu.dma_semaphore, #tpu.memory_space<semaphore_mem>> -> memref<!tpu.dma_semaphore, #tpu.memory_space<semaphore_mem>>
      tpu.wait_indirect_dma semaphore(%dma_wait3A_327 : memref<!tpu.dma_semaphore, #tpu.memory_space<semaphore_mem>>) src(%dma_wait3A_319 : memref<128x32xf32, #tpu.memory_space<vmem>>) dst(%dma_wait3A_325 : memref<10240x32xf32, #tpu.memory_space<vmem_shared>>)
      %barrier3A_328 = arith.constant 0 : index
      tpu.barrier barrier_id(%barrier3A_328)
      %add3A_329 = arith.constant 10240 : i32
      %add3A_330 = arith.addi %add3A_329, %mul3A_185 : i32
      "tpu.region"() ({
        %run_scoped3A = tpu.sem_alloc : memref<!tpu.dma_semaphore, #tpu.memory_space<semaphore_mem>>
        %dma_start3A_331 = arith.constant 0 : i32
        %dma_start3A_332 = tpu.memref_slice %arg5[%add3A_330, %dma_start3A_331] : memref<20480x32xf32, #tpu.memory_space<hbm>> -> memref<640x32xf32, #tpu.memory_space<hbm>>
        %dma_start3A_333 = arith.constant 0 : i32
        %dma_start3A_334 = tpu.memref_slice %arg10[%mul3A_185, %dma_start3A_333] : memref<10240x32xf32, #tpu.memory_space<vmem_shared>> -> memref<640x32xf32, #tpu.memory_space<vmem_shared>>
        tpu.enqueue_dma source(%dma_start3A_334 : memref<640x32xf32, #tpu.memory_space<vmem_shared>>) target(%dma_start3A_332 : memref<640x32xf32, #tpu.memory_space<hbm>>) target_semaphore(%run_scoped3A : memref<!tpu.dma_semaphore, #tpu.memory_space<semaphore_mem>>)
        %dma_wait3A_335 = arith.constant 0 : i32
        %dma_wait3A_336 = tpu.memref_slice %arg5[%add3A_330, %dma_wait3A_335] : memref<20480x32xf32, #tpu.memory_space<hbm>> -> memref<640x32xf32, #tpu.memory_space<hbm>>
        %dma_wait3A_337 = arith.constant 0 : i32
        %dma_wait3A_338 = tpu.memref_slice %arg10[%mul3A_185, %dma_wait3A_337] : memref<10240x32xf32, #tpu.memory_space<vmem_shared>> -> memref<640x32xf32, #tpu.memory_space<vmem_shared>>
        tpu.wait_dma2 semaphore(%run_scoped3A : memref<!tpu.dma_semaphore, #tpu.memory_space<semaphore_mem>>) src(%dma_wait3A_338 : memref<640x32xf32, #tpu.memory_space<vmem_shared>>) dst(%dma_wait3A_336 : memref<640x32xf32, #tpu.memory_space<hbm>>)
        tpu.yield
      }) : () -> ()
    } else {
    }
    return
  }
}

module attributes {stable_mosaic.version = 14 : i64} {
  func.func @_prep_body(%arg0: memref<32x50000xf32, #tpu.memory_space<vmem>>, %arg1: memref<8x50000xf32, #tpu.memory_space<vmem>>, %arg2: memref<52000x32xf32, #tpu.memory_space<vmem>>) attributes {dimension_semantics = [], scalar_prefetch = 0 : i64, scratch_operands = 0 : i64, tpu.core_type = #tpu.core_type<tc>} {
    %get3A = arith.constant 0 : index
    %get3A_0 = arith.constant 0 : index
    %get3A_1 = vector.load %arg1[%get3A, %get3A_0] : memref<8x50000xf32, #tpu.memory_space<vmem>>, vector<8x50000xf32>
    %reduce_sum3A = arith.constant dense<0.000000e+00> : vector<50000xf32>
    %reduce_sum3A_2 = vector.multi_reduction <add>, %get3A_1, %reduce_sum3A [0] : vector<8x50000xf32> to vector<50000xf32>
    %broadcast_in_dim3A = vector.shape_cast %reduce_sum3A_2 : vector<50000xf32> to vector<1x50000xf32>
    %div3A = arith.constant 8.000000e+00 : f32
    %div3A_3 = vector.broadcast %div3A : f32 to vector<1x50000xf32>
    %div3A_4 = arith.divf %broadcast_in_dim3A, %div3A_3 : vector<1x50000xf32>
    %get3A_5 = arith.constant 0 : index
    %get3A_6 = arith.constant 0 : index
    %get3A_7 = vector.load %arg0[%get3A_5, %get3A_6] : memref<32x50000xf32, #tpu.memory_space<vmem>>, vector<32x50000xf32>
    %mul3A = vector.broadcast %div3A_4 : vector<1x50000xf32> to vector<32x50000xf32>
    %mul3A_8 = arith.mulf %get3A_7, %mul3A : vector<32x50000xf32>
    %transpose3A = tpu.transpose %mul3A_8, [1, 0] : vector<32x50000xf32> -> vector<50000x32xf32>
    %swap3A = arith.constant 0 : index
    %swap3A_9 = arith.constant 0 : index
    %swap3A_10 = vector.load %arg2[%swap3A, %swap3A_9] : memref<52000x32xf32, #tpu.memory_space<vmem>>, vector<50000x32xf32>
    tpu.vector_store %arg2[%swap3A, %swap3A_9], %transpose3A {strides = array<i32>} : memref<52000x32xf32, #tpu.memory_space<vmem>>, vector<50000x32xf32>,
    %broadcast_in_dim3A_11 = arith.constant 0.000000e+00 : f32
    %broadcast_in_dim3A_12 = vector.broadcast %broadcast_in_dim3A_11 : f32 to vector<2000x32xf32>
    %swap3A_13 = arith.constant 50000 : index
    %swap3A_14 = arith.constant 0 : index
    %swap3A_15 = vector.load %arg2[%swap3A_13, %swap3A_14] : memref<52000x32xf32, #tpu.memory_space<vmem>>, vector<2000x32xf32>
    tpu.vector_store %arg2[%swap3A_13, %swap3A_14], %broadcast_in_dim3A_12 {strides = array<i32>} : memref<52000x32xf32, #tpu.memory_space<vmem>>, vector<2000x32xf32>,
    return
  }
}

module attributes {stable_mosaic.version = 14 : i64} {
  func.func @_mlp_body(%arg0: i32, %arg1: memref<2x1000x32xf32, #tpu.memory_space<vmem>>, %arg2: memref<1000x1024xf32, #tpu.memory_space<vmem>>, %arg3: memref<1x1024xf32, #tpu.memory_space<vmem>>, %arg4: memref<1x1024xf32, #tpu.memory_space<vmem>>, %arg5: memref<1x1024xf32, #tpu.memory_space<vmem>>, %arg6: memref<1024x256xf32, #tpu.memory_space<vmem>>, %arg7: memref<1x256xf32, #tpu.memory_space<vmem>>, %arg8: memref<1x256xf32, #tpu.memory_space<vmem>>, %arg9: memref<1x256xf32, #tpu.memory_space<vmem>>, %arg10: memref<1x256xf32, #tpu.memory_space<vmem>>, %arg11: memref<1x128xf32, #tpu.memory_space<vmem>>, %arg12: memref<32x128xf32, #tpu.memory_space<vmem>>, %arg13: memref<32x1024xf32, #tpu.memory_space<vmem>>) attributes {dimension_semantics = [#tpu.dimension_semantics<arbitrary>], iteration_bounds = array<i64: 10>, scalar_prefetch = 0 : i64, scratch_operands = 1 : i64, tpu.core_type = #tpu.core_type<tc>, window_params = [{transform_indices = @transform_0, window_bounds = array<i64: 2, 1000, 32>}, {transform_indices = @transform_1, window_bounds = array<i64: 1000, 1024>}, {pipeline_mode = #tpu.pipeline_mode<synchronous>, transform_indices = @transform_2, window_bounds = array<i64: 1, 1024>}, {pipeline_mode = #tpu.pipeline_mode<synchronous>, transform_indices = @transform_3, window_bounds = array<i64: 1, 1024>}, {pipeline_mode = #tpu.pipeline_mode<synchronous>, transform_indices = @transform_4, window_bounds = array<i64: 1, 1024>}, {pipeline_mode = #tpu.pipeline_mode<synchronous>, transform_indices = @transform_5, window_bounds = array<i64: 1024, 256>}, {pipeline_mode = #tpu.pipeline_mode<synchronous>, transform_indices = @transform_6, window_bounds = array<i64: 1, 256>}, {pipeline_mode = #tpu.pipeline_mode<synchronous>, transform_indices = @transform_7, window_bounds = array<i64: 1, 256>}, {pipeline_mode = #tpu.pipeline_mode<synchronous>, transform_indices = @transform_8, window_bounds = array<i64: 1, 256>}, {pipeline_mode = #tpu.pipeline_mode<synchronous>, transform_indices = @transform_9, window_bounds = array<i64: 1, 256>}, {pipeline_mode = #tpu.pipeline_mode<synchronous>, transform_indices = @transform_10, window_bounds = array<i64: 1, 128>}, {pipeline_mode = #tpu.pipeline_mode<synchronous>, transform_indices = @transform_11, window_bounds = array<i64: 32, 128>}]} {
    %eq3A = arith.constant 0 : i32
    %eq3A_0 = arith.cmpi eq, %arg0, %eq3A : i32
    %convert_element_type3A = arith.extui %eq3A_0 : i1 to i32
    %cond3A = arith.constant 0 : i32
    %cond3A_1 = arith.cmpi ne, %convert_element_type3A, %cond3A : i32
    scf.if %cond3A_1 {
      %broadcast_in_dim3A = arith.constant 0.000000e+00 : f32
      %broadcast_in_dim3A_26 = vector.broadcast %broadcast_in_dim3A : f32 to vector<32x1024xf32>
      %swap3A_27 = arith.constant 0 : index
      %swap3A_28 = arith.constant 0 : index
      %swap3A_29 = vector.load %arg13[%swap3A_27, %swap3A_28] : memref<32x1024xf32, #tpu.memory_space<vmem>>, vector<32x1024xf32>
      tpu.vector_store %arg13[%swap3A_27, %swap3A_28], %broadcast_in_dim3A_26 {strides = array<i32>} : memref<32x1024xf32, #tpu.memory_space<vmem>>, vector<32x1024xf32>,
    } else {
    }
    %get3A = arith.constant 0 : index
    %get3A_2 = arith.constant 0 : index
    %get3A_3 = arith.constant 0 : index
    %get3A_4 = vector.load %arg1[%get3A, %get3A_2, %get3A_3] : memref<2x1000x32xf32, #tpu.memory_space<vmem>>, vector<1x1000x32xf32>
    %get3A_5 = vector.shape_cast %get3A_4 : vector<1x1000x32xf32> to vector<1000x32xf32>
    %get3A_6 = arith.constant 1 : index
    %get3A_7 = arith.constant 0 : index
    %get3A_8 = arith.constant 0 : index
    %get3A_9 = vector.load %arg1[%get3A_6, %get3A_7, %get3A_8] : memref<2x1000x32xf32, #tpu.memory_space<vmem>>, vector<1x1000x32xf32>
    %get3A_10 = vector.shape_cast %get3A_9 : vector<1x1000x32xf32> to vector<1000x32xf32>
    %add3A = arith.addf %get3A_5, %get3A_10 : vector<1000x32xf32>
    %get3A_11 = arith.constant 0 : index
    %get3A_12 = arith.constant 0 : index
    %get3A_13 = vector.load %arg13[%get3A_11, %get3A_12] : memref<32x1024xf32, #tpu.memory_space<vmem>>, vector<32x1024xf32>
    %get3A_14 = arith.constant 0 : index
    %get3A_15 = arith.constant 0 : index
    %get3A_16 = vector.load %arg2[%get3A_14, %get3A_15] : memref<1000x1024xf32, #tpu.memory_space<vmem>>, vector<1000x1024xf32>
    %dot_general3A = arith.constant dense<0.000000e+00> : vector<32x1024xf32>
    %dot_general3A_17 = tpu.matmul %add3A, %get3A_16, %dot_general3A {dimension_numbers = #tpu.dot_dimension_numbers<[0], [0], [1], [1], [0, 1, 1, 1], [], []>, transpose_lhs_hint = false} : vector<1000x32xf32>, vector<1000x1024xf32>, vector<32x1024xf32> -> vector<32x1024xf32>
    %add3A_18 = arith.addf %get3A_13, %dot_general3A_17 : vector<32x1024xf32>
    %swap3A = arith.constant 0 : index
    %swap3A_19 = arith.constant 0 : index
    %swap3A_20 = vector.load %arg13[%swap3A, %swap3A_19] : memref<32x1024xf32, #tpu.memory_space<vmem>>, vector<32x1024xf32>
    tpu.vector_store %arg13[%swap3A, %swap3A_19], %add3A_18 {strides = array<i32>} : memref<32x1024xf32, #tpu.memory_space<vmem>>, vector<32x1024xf32>,
    %eq3A_21 = arith.constant 9 : i32
    %eq3A_22 = arith.cmpi eq, %arg0, %eq3A_21 : i32
    %convert_element_type3A_23 = arith.extui %eq3A_22 : i1 to i32
    %cond3A_24 = arith.constant 0 : i32
    %cond3A_25 = arith.cmpi ne, %convert_element_type3A_23, %cond3A_24 : i32
    scf.if %cond3A_25 {
      %get3A_26 = arith.constant 0 : index
      %get3A_27 = arith.constant 0 : index
      %get3A_28 = vector.load %arg13[%get3A_26, %get3A_27] : memref<32x1024xf32, #tpu.memory_space<vmem>>, vector<32x1024xf32>
      %get3A_29 = arith.constant 0 : index
      %get3A_30 = arith.constant 0 : index
      %get3A_31 = vector.load %arg3[%get3A_29, %get3A_30] : memref<1x1024xf32, #tpu.memory_space<vmem>>, vector<1x1024xf32>
      %add3A_32 = vector.broadcast %get3A_31 : vector<1x1024xf32> to vector<32x1024xf32>
      %add3A_33 = arith.addf %get3A_28, %add3A_32 : vector<32x1024xf32>
      %reduce_sum3A = arith.constant dense<0.000000e+00> : vector<1024xf32>
      %reduce_sum3A_34 = vector.multi_reduction <add>, %add3A_33, %reduce_sum3A [0] : vector<32x1024xf32> to vector<1024xf32>
      %broadcast_in_dim3A = vector.shape_cast %reduce_sum3A_34 : vector<1024xf32> to vector<1x1024xf32>
      %div3A = arith.constant 3.200000e+01 : f32
      %div3A_35 = vector.broadcast %div3A : f32 to vector<1x1024xf32>
      %div3A_36 = arith.divf %broadcast_in_dim3A, %div3A_35 : vector<1x1024xf32>
      %sub3A = vector.broadcast %div3A_36 : vector<1x1024xf32> to vector<32x1024xf32>
      %sub3A_37 = arith.subf %add3A_33, %sub3A : vector<32x1024xf32>
      %integer_pow3A = arith.mulf %sub3A_37, %sub3A_37 : vector<32x1024xf32>
      %reduce_sum3A_38 = arith.constant dense<0.000000e+00> : vector<1024xf32>
      %reduce_sum3A_39 = vector.multi_reduction <add>, %integer_pow3A, %reduce_sum3A_38 [0] : vector<32x1024xf32> to vector<1024xf32>
      %broadcast_in_dim3A_40 = vector.shape_cast %reduce_sum3A_39 : vector<1024xf32> to vector<1x1024xf32>
      %div3A_41 = arith.constant 3.200000e+01 : f32
      %div3A_42 = vector.broadcast %div3A_41 : f32 to vector<1x1024xf32>
      %div3A_43 = arith.divf %broadcast_in_dim3A_40, %div3A_42 : vector<1x1024xf32>
      %get3A_44 = arith.constant 0 : index
      %get3A_45 = arith.constant 0 : index
      %get3A_46 = vector.load %arg4[%get3A_44, %get3A_45] : memref<1x1024xf32, #tpu.memory_space<vmem>>, vector<1x1024xf32>
      %sub3A_47 = vector.broadcast %div3A_36 : vector<1x1024xf32> to vector<32x1024xf32>
      %sub3A_48 = arith.subf %add3A_33, %sub3A_47 : vector<32x1024xf32>
      %mul3A = vector.broadcast %get3A_46 : vector<1x1024xf32> to vector<32x1024xf32>
      %mul3A_49 = arith.mulf %mul3A, %sub3A_48 : vector<32x1024xf32>
      %add3A_50 = arith.constant 9.99999974E-6 : f32
      %add3A_51 = vector.broadcast %add3A_50 : f32 to vector<1x1024xf32>
      %add3A_52 = arith.addf %div3A_43, %add3A_51 : vector<1x1024xf32>
      %rsqrt3A = math.rsqrt %add3A_52 : vector<1x1024xf32>
      %mul3A_53 = vector.broadcast %rsqrt3A : vector<1x1024xf32> to vector<32x1024xf32>
      %mul3A_54 = arith.mulf %mul3A_49, %mul3A_53 : vector<32x1024xf32>
      %get3A_55 = arith.constant 0 : index
      %get3A_56 = arith.constant 0 : index
      %get3A_57 = vector.load %arg5[%get3A_55, %get3A_56] : memref<1x1024xf32, #tpu.memory_space<vmem>>, vector<1x1024xf32>
      %add3A_58 = vector.broadcast %get3A_57 : vector<1x1024xf32> to vector<32x1024xf32>
      %add3A_59 = arith.addf %mul3A_54, %add3A_58 : vector<32x1024xf32>
      %max3A = arith.constant 0.000000e+00 : f32
      %max3A_60 = vector.broadcast %max3A : f32 to vector<32x1024xf32>
      %max3A_61 = arith.maximumf %add3A_59, %max3A_60 : vector<32x1024xf32>
      %get3A_62 = arith.constant 0 : index
      %get3A_63 = arith.constant 0 : index
      %get3A_64 = vector.load %arg6[%get3A_62, %get3A_63] : memref<1024x256xf32, #tpu.memory_space<vmem>>, vector<1024x256xf32>
      %dot_general3A_65 = arith.constant dense<0.000000e+00> : vector<32x256xf32>
      %dot_general3A_66 = tpu.matmul %max3A_61, %get3A_64, %dot_general3A_65 {dimension_numbers = #tpu.dot_dimension_numbers<[1], [0], [0], [1], [0, 0, 1, 1], [], []>, transpose_lhs_hint = false} : vector<32x1024xf32>, vector<1024x256xf32>, vector<32x256xf32> -> vector<32x256xf32>
      %get3A_67 = arith.constant 0 : index
      %get3A_68 = arith.constant 0 : index
      %get3A_69 = vector.load %arg7[%get3A_67, %get3A_68] : memref<1x256xf32, #tpu.memory_space<vmem>>, vector<1x256xf32>
      %add3A_70 = vector.broadcast %get3A_69 : vector<1x256xf32> to vector<32x256xf32>
      %add3A_71 = arith.addf %dot_general3A_66, %add3A_70 : vector<32x256xf32>
      %reduce_sum3A_72 = arith.constant dense<0.000000e+00> : vector<256xf32>
      %reduce_sum3A_73 = vector.multi_reduction <add>, %add3A_71, %reduce_sum3A_72 [0] : vector<32x256xf32> to vector<256xf32>
      %broadcast_in_dim3A_74 = vector.shape_cast %reduce_sum3A_73 : vector<256xf32> to vector<1x256xf32>
      %div3A_75 = arith.constant 3.200000e+01 : f32
      %div3A_76 = vector.broadcast %div3A_75 : f32 to vector<1x256xf32>
      %div3A_77 = arith.divf %broadcast_in_dim3A_74, %div3A_76 : vector<1x256xf32>
      %sub3A_78 = vector.broadcast %div3A_77 : vector<1x256xf32> to vector<32x256xf32>
      %sub3A_79 = arith.subf %add3A_71, %sub3A_78 : vector<32x256xf32>
      %integer_pow3A_80 = arith.mulf %sub3A_79, %sub3A_79 : vector<32x256xf32>
      %reduce_sum3A_81 = arith.constant dense<0.000000e+00> : vector<256xf32>
      %reduce_sum3A_82 = vector.multi_reduction <add>, %integer_pow3A_80, %reduce_sum3A_81 [0] : vector<32x256xf32> to vector<256xf32>
      %broadcast_in_dim3A_83 = vector.shape_cast %reduce_sum3A_82 : vector<256xf32> to vector<1x256xf32>
      %div3A_84 = arith.constant 3.200000e+01 : f32
      %div3A_85 = vector.broadcast %div3A_84 : f32 to vector<1x256xf32>
      %div3A_86 = arith.divf %broadcast_in_dim3A_83, %div3A_85 : vector<1x256xf32>
      %get3A_87 = arith.constant 0 : index
      %get3A_88 = arith.constant 0 : index
      %get3A_89 = vector.load %arg8[%get3A_87, %get3A_88] : memref<1x256xf32, #tpu.memory_space<vmem>>, vector<1x256xf32>
      %sub3A_90 = vector.broadcast %div3A_77 : vector<1x256xf32> to vector<32x256xf32>
      %sub3A_91 = arith.subf %add3A_71, %sub3A_90 : vector<32x256xf32>
      %mul3A_92 = vector.broadcast %get3A_89 : vector<1x256xf32> to vector<32x256xf32>
      %mul3A_93 = arith.mulf %mul3A_92, %sub3A_91 : vector<32x256xf32>
      %add3A_94 = arith.constant 9.99999974E-6 : f32
      %add3A_95 = vector.broadcast %add3A_94 : f32 to vector<1x256xf32>
      %add3A_96 = arith.addf %div3A_86, %add3A_95 : vector<1x256xf32>
      %rsqrt3A_97 = math.rsqrt %add3A_96 : vector<1x256xf32>
      %mul3A_98 = vector.broadcast %rsqrt3A_97 : vector<1x256xf32> to vector<32x256xf32>
      %mul3A_99 = arith.mulf %mul3A_93, %mul3A_98 : vector<32x256xf32>
      %get3A_100 = arith.constant 0 : index
      %get3A_101 = arith.constant 0 : index
      %get3A_102 = vector.load %arg9[%get3A_100, %get3A_101] : memref<1x256xf32, #tpu.memory_space<vmem>>, vector<1x256xf32>
      %add3A_103 = vector.broadcast %get3A_102 : vector<1x256xf32> to vector<32x256xf32>
      %add3A_104 = arith.addf %mul3A_99, %add3A_103 : vector<32x256xf32>
      %max3A_105 = arith.constant 0.000000e+00 : f32
      %max3A_106 = vector.broadcast %max3A_105 : f32 to vector<32x256xf32>
      %max3A_107 = arith.maximumf %add3A_104, %max3A_106 : vector<32x256xf32>
      %get3A_108 = arith.constant 0 : index
      %get3A_109 = arith.constant 0 : index
      %get3A_110 = vector.load %arg10[%get3A_108, %get3A_109] : memref<1x256xf32, #tpu.memory_space<vmem>>, vector<1x256xf32>
      %mul3A_111 = vector.broadcast %get3A_110 : vector<1x256xf32> to vector<32x256xf32>
      %mul3A_112 = arith.mulf %max3A_107, %mul3A_111 : vector<32x256xf32>
      %reduce_sum3A_113 = arith.constant dense<0.000000e+00> : vector<32xf32>
      %reduce_sum3A_114 = vector.multi_reduction <add>, %mul3A_112, %reduce_sum3A_113 [1] : vector<32x256xf32> to vector<32xf32>
      %broadcast_in_dim3A_115 = vector.shape_cast %reduce_sum3A_114 : vector<32xf32> to vector<32x1xf32>
      %get3A_116 = arith.constant 0 : index
      %get3A_117 = arith.constant 0 : index
      %get3A_118 = vector.load %arg11[%get3A_116, %get3A_117] : memref<1x128xf32, #tpu.memory_space<vmem>>, vector<1x128xf32>
      %add3A_119 = vector.broadcast %broadcast_in_dim3A_115 : vector<32x1xf32> to vector<32x128xf32>
      %add3A_120 = vector.broadcast %get3A_118 : vector<1x128xf32> to vector<32x128xf32>
      %add3A_121 = arith.addf %add3A_119, %add3A_120 : vector<32x128xf32>
      %swap3A_122 = arith.constant 0 : index
      %swap3A_123 = arith.constant 0 : index
      %swap3A_124 = vector.load %arg12[%swap3A_122, %swap3A_123] : memref<32x128xf32, #tpu.memory_space<vmem>>, vector<32x128xf32>
      tpu.vector_store %arg12[%swap3A_122, %swap3A_123], %add3A_121 {strides = array<i32>} : memref<32x128xf32, #tpu.memory_space<vmem>>, vector<32x128xf32>,
    } else {
    }
    return
  }
  func.func @transform_0(%arg0: i32) -> (i32, i32, i32) {
    %c0_i32 = arith.constant 0 : i32
    %c0_i32_0 = arith.constant 0 : i32
    %c0_i32_1 = arith.constant 0 : i32
    return %c0_i32, %arg0, %c0_i32_0 : i32, i32, i32
  }
  func.func @transform_1(%arg0: i32) -> (i32, i32) {
    %c0_i32 = arith.constant 0 : i32
    %c0_i32_0 = arith.constant 0 : i32
    return %arg0, %c0_i32 : i32, i32
  }
  func.func @transform_2(%arg0: i32) -> (i32, i32) {
    %c0_i32 = arith.constant 0 : i32
    %c0_i32_0 = arith.constant 0 : i32
    %c0_i32_1 = arith.constant 0 : i32
    return %c0_i32, %c0_i32_0 : i32, i32
  }
  func.func @transform_3(%arg0: i32) -> (i32, i32) {
    %c0_i32 = arith.constant 0 : i32
    %c0_i32_0 = arith.constant 0 : i32
    %c0_i32_1 = arith.constant 0 : i32
    return %c0_i32, %c0_i32_0 : i32, i32
  }
  func.func @transform_4(%arg0: i32) -> (i32, i32) {
    %c0_i32 = arith.constant 0 : i32
    %c0_i32_0 = arith.constant 0 : i32
    %c0_i32_1 = arith.constant 0 : i32
    return %c0_i32, %c0_i32_0 : i32, i32
  }
  func.func @transform_5(%arg0: i32) -> (i32, i32) {
    %c0_i32 = arith.constant 0 : i32
    %c0_i32_0 = arith.constant 0 : i32
    %c0_i32_1 = arith.constant 0 : i32
    return %c0_i32, %c0_i32_0 : i32, i32
  }
  func.func @transform_6(%arg0: i32) -> (i32, i32) {
    %c0_i32 = arith.constant 0 : i32
    %c0_i32_0 = arith.constant 0 : i32
    %c0_i32_1 = arith.constant 0 : i32
    return %c0_i32, %c0_i32_0 : i32, i32
  }
  func.func @transform_7(%arg0: i32) -> (i32, i32) {
    %c0_i32 = arith.constant 0 : i32
    %c0_i32_0 = arith.constant 0 : i32
    %c0_i32_1 = arith.constant 0 : i32
    return %c0_i32, %c0_i32_0 : i32, i32
  }
  func.func @transform_8(%arg0: i32) -> (i32, i32) {
    %c0_i32 = arith.constant 0 : i32
    %c0_i32_0 = arith.constant 0 : i32
    %c0_i32_1 = arith.constant 0 : i32
    return %c0_i32, %c0_i32_0 : i32, i32
  }
  func.func @transform_9(%arg0: i32) -> (i32, i32) {
    %c0_i32 = arith.constant 0 : i32
    %c0_i32_0 = arith.constant 0 : i32
    %c0_i32_1 = arith.constant 0 : i32
    return %c0_i32, %c0_i32_0 : i32, i32
  }
  func.func @transform_10(%arg0: i32) -> (i32, i32) {
    %c0_i32 = arith.constant 0 : i32
    %c0_i32_0 = arith.constant 0 : i32
    %c0_i32_1 = arith.constant 0 : i32
    return %c0_i32, %c0_i32_0 : i32, i32
  }
  func.func @transform_11(%arg0: i32) -> (i32, i32) {
    %c0_i32 = arith.constant 0 : i32
    %c0_i32_0 = arith.constant 0 : i32
    %c0_i32_1 = arith.constant 0 : i32
    return %c0_i32, %c0_i32_0 : i32, i32
  }
}

</mosaic_0001>

<sc_bundles>
// kernel: kernel.5.cloned.1.call-start
scs
__scs_entry_jumppad:
0x0: {  	(pc) =	sbr.rel $0x88, $3  }
0x1: {  	(tag) =	ssettag $0x0;
	lr =	simm.s32 $0x1  }
0x2: {  	[smem:$0x3F93] =	sst lr;
	_ =	strace $0xD0000000  }
0x3: {  	_ = 	snop  }
0x4: {  	_ = 	snop  }
0x5: {  	_ = 	snop  }
0x6: {  	_ = 	snop  }
0x7: {  	_ = 	snop  }
__scs_overlays_trampoline_lowered:
0x8: {  	[smem:$0x3FA2] =	sst s0  }
0x9: {  	[smem:$0x3FA3] =	sst s1  }
0xa: {  	[smem:$0x3FA4] =	sst s2  }
0xb: {  	[smem:$0x3FA5] =	sst s3  }
0xc: {  	[smem:$0x3FA6] =	sst s4  }
0xd: {  	[smem:$0x3FA7] =	sst s5  }
0xe: {  	[smem:$0x3FA8] =	sst s6  }
0xf: {  	[smem:$0x3FA9] =	sst s7  }
0x10: {  	[smem:$0x3FAA] =	sst s8  }
0x11: {  	[smem:$0x3FAB] =	sst s9;
	s0 =	simm.s32 @!p0 $0x0  }
0x12: {  	s1 =	sld [smem:$0x3F91];
	s0 =	simm.s32 @p0 $0x1  }
0x13: {  	[smem:$0x3FAC] =	sst s0;
	s0 =	simm.s32 @!p1 $0x0  }
0x14: {  	s2 =	sld [smem:$0x3F90];
	s0 =	simm.s32 @p1 $0x1  }
0x15: {  	[smem:$0x3FAD] =	sst s0;
	s0 =	simm.s32 @!p2 $0x0  }
0x16: {  	s3 =	sld [smem:$0x3FDB];
	s0 =	simm.s32 @p2 $0x1  }
0x17: {  	s4 =	simm.s32 $0x1BF5;
	[smem:$0x3FAF] =	sst s0  }
0x18: {  	s0 =	sld [smem:$0x3F92];
	_ =	swait.ge [sflag:s4], $0x0  }
0x19: {  	s7 =	sld [smem:$0x3F93]  }
0x1a: {  	s8 =	sadd.s32 $0xFFFFE003, lr  }
0x1b: {  	s9 =	sadd.s32 $0xFFFFFEF7, lr;
	s5 =	simm.s32 $0xFFFFFFFF;
	p2 =	slt.u32 s8, $0xFFFFF086  }
0x1c: {  	p1 =	slt.u32 s9, $0xF7A;
	s5 =	simm.s32 @!p2 $0x0  }
0x1d: {  	s5 =	simm.s32 @p1 $0x1;
	p0 =	seq.s32 s7, s2  }
0x1e: {  	s7 =	smul.u32 @!p0 $0xF7A, s2;
	p2 =	seq.s32 @!p0 s5, $0x0  }
0x1f: {  	s9 =	smul.u32 $0xF7A, s1;
	s8 =	simm.s32 @!p0 $0x1BF5;
	p2 =	por !p2, p0  }
0x20: {  	[sflag:s8] =	ssyncset.s32 @!p0 $0xFFFFF086;
	s6 =	sadd.s32 @!p0 s3, s7;
	s7 =	simm.s32 @!p0 $0x108  }
0x21: {  	s3 =	sadd.s32 s3, s9;
	s6 =	sadd.s32 @!p0 $0x88, s6;
	s7 =	simm.s32 @p2 $0x1082  }
0x22: {  	[simem:s7], [sflag:s8] =	dma.local @!p0 [hbm:s6], $0xF7A  }
0x23: {  	s9 =	sor.u32 $0xD0000000, s2;
	s6 =	simm.s32 $0x108;
	_ =	swait.ge @!p0 [sflag:s8], $0x0  }
0x24: {  	s3 =	sadd.s32 $0x88, s3;
	s6 =	simm.s32 @!p1 $0x1082;
	[sflag:s4] =	ssyncset.s32 $0xFFFFF086  }
0x25: {  	[simem:s6], [sflag:s4] =	dma.local [hbm:s3], $0xF7A  }
0x26: {  	[smem:$0x3F93] =	sst s1;
	(tag) =	ssettag s2;
	_ =	strace s9  }
0x27: {  	s1 =	sld [smem:$0x3FA3]  }
0x28: {  	s2 =	sld [smem:$0x3FA4]  }
0x29: {  	s4 =	sld [smem:$0x3FA6]  }
0x2a: {  	p0 =	seq.s32 s5, $0x0;
	s5 =	sld [smem:$0x3FA7]  }
0x2b: {  	s6 =	sld [smem:$0x3FA8]  }
0x2c: {  	s7 =	sld [smem:$0x3FA9]  }
0x2d: {  	s3 =	simm.s32 $0x108;
	s8 =	sld [smem:$0x3FAA]  }
0x2e: {  	s3 =	simm.s32 @!p0 $0x1082;
	s9 =	sld [smem:$0x3FAB]  }
0x2f: {  	lr =	sadd.s32 s0, s3;
	s0 =	sld [smem:$0x3FA2]  }
0x30: {  	s3 =	sld [smem:$0x3FA5]  }
0x31: {  	[smem:$0x3FAE] =	sst s10  }
0x32: {  	s10 =	sld [smem:$0x3FAC];
	_ =	sdelay $0x3  }
0x33: {  	p0 =	seq.s32 s10, $0x1;
	s10 =	sld [smem:$0x3FAE];
	_ =	sdelay $0x3  }
0x34: {  	[smem:$0x3FAE] =	sst s10  }
0x35: {  	s10 =	sld [smem:$0x3FAD];
	_ =	sdelay $0x3  }
0x36: {  	p1 =	seq.s32 s10, $0x1;
	s10 =	sld [smem:$0x3FAE];
	_ =	sdelay $0x3  }
0x37: {  	[smem:$0x3FAE] =	sst s10  }
0x38: {  	s10 =	sld [smem:$0x3FAF]  }
0x39: {  	_ = 	snop;
	(pc) =	sbr.ind lr, $3  }
0x3a: {  	_ = 	snop  }
0x3b: {  	_ = 	snop  }
0x3c: {  	p2 =	seq.s32 s10, $0x1;
	s10 =	sld [smem:$0x3FAE]  }
0x3d: {  	_ =	shalt  }
0x3e: {  	_ =	shalt  }
0x3f: {  	_ =	shalt  }
0x40: {  	_ =	shalt  }
0x41: {  	_ =	shalt  }
0x42: {  	_ =	shalt  }
0x43: {  	_ =	shalt  }
0x44: {  	_ =	shalt  }
0x45: {  	_ =	shalt  }
0x46: {  	_ =	shalt  }
0x47: {  	_ =	shalt  }
0x48: {  	_ =	shalt  }
0x49: {  	_ =	shalt  }
0x4a: {  	_ =	shalt  }
0x4b: {  	_ =	shalt  }
0x4c: {  	_ =	shalt  }
0x4d: {  	_ =	shalt  }
0x4e: {  	_ =	shalt  }
0x4f: {  	_ =	shalt  }
0x50: {  	_ =	shalt  }
0x51: {  	_ =	shalt  }
0x52: {  	_ =	shalt  }
0x53: {  	_ =	shalt  }
0x54: {  	_ =	shalt  }
0x55: {  	_ =	shalt  }
0x56: {  	_ =	shalt  }
0x57: {  	_ =	shalt  }
0x58: {  	_ =	shalt  }
0x59: {  	_ =	shalt  }
0x5a: {  	_ =	shalt  }
0x5b: {  	_ =	shalt  }
0x5c: {  	_ =	shalt  }
0x5d: {  	_ =	shalt  }
0x5e: {  	_ =	shalt  }
0x5f: {  	_ =	shalt  }
0x60: {  	_ =	shalt  }
0x61: {  	_ =	shalt  }
0x62: {  	_ =	shalt  }
0x63: {  	_ =	shalt  }
0x64: {  	_ =	shalt  }
0x65: {  	_ =	shalt  }
0x66: {  	_ =	shalt  }
0x67: {  	_ =	shalt  }
0x68: {  	_ =	shalt  }
0x69: {  	_ =	shalt  }
0x6a: {  	_ =	shalt  }
0x6b: {  	_ =	shalt  }
0x6c: {  	_ =	shalt  }
0x6d: {  	_ =	shalt  }
0x6e: {  	_ =	shalt  }
0x6f: {  	_ =	shalt  }
0x70: {  	_ =	shalt  }
0x71: {  	_ =	shalt  }
0x72: {  	_ =	shalt  }
0x73: {  	_ =	shalt  }
0x74: {  	_ =	shalt  }
0x75: {  	_ =	shalt  }
0x76: {  	_ =	shalt  }
0x77: {  	_ =	shalt  }
0x78: {  	_ =	shalt  }
0x79: {  	_ =	shalt  }
0x7a: {  	_ =	shalt  }
0x7b: {  	_ =	shalt  }
0x7c: {  	_ =	shalt  }
0x7d: {  	_ =	shalt  }
0x7e: {  	_ =	shalt  }
0x7f: {  	_ =	shalt  }
0x80: {  	_ =	shalt  }
0x81: {  	_ =	shalt  }
0x82: {  	_ =	shalt  }
0x83: {  	_ =	shalt  }
0x84: {  	_ =	shalt  }
0x85: {  	_ =	shalt  }
0x86: {  	_ =	shalt  }
0x87: {  	_ =	shalt  }
.Lfunc_end0:
.L_simem_size_0:
called_computation_lowered:
.L_overlay_start_0:
0x88: {  	s2 =	sld [smem:$0x3FD9]  }
0x89: {  	s3 =	sld [smem:$0x3FFE];
	_ =	sdelay $0x1  }
0x8a: {  	s1 =	srdreg.scid  }
0x8b: {  	s0 =	sand.u32 $0x1, s1  }
0x8c: {  	s14 =	sshll.u32 s0, $0xA;
	s2 =	sadd.s32 s3, s2  }
0x8d: {  	s2 =	sadd.s32 s2, s14  }
0x8e: {  	[smem:$0x3FBA] =	sst s2  }
0x8f: {  	_ = 	snop  }
0x90: {  	s2 =	sld [smem:$0x3FD0];
	_ =	sdelay $0x2  }
0x91: {  	s15 =	simm.s32 $0xA;
	s4 =	simm.s32 $0x10  }
0x92: {  	[smem:s4], [sflag:s15] =	dma.local [hbm:s2], $0x1  }
0x93: {  	_ =	swait.eq [sflag:s15], $0x1  }
0x94: {  	[sflag:s15] =	ssyncset.done $0x0  }
0x95: {  	[sflag:s15] =	ssyncadd.s32 $0xFFFFFFFF  }
0x96: {  	s16 =	sld [smem:$0x11];
	(tm) =	ssettm $0x1  }
0x97: {  	s17 =	sld [smem:$0x3FFB];
	_ =	sdelay $0x3  }
0x98: {  	_ =	strace s17  }
0x99: {  	s3 =	sld [smem:$0x3FFC];
	_ =	sdelay $0x3  }
0x9a: {  	_ =	strace s3  }
0x9b: {  	s3 =	sld [smem:$0x3FFD];
	_ =	sdelay $0x3  }
0x9c: {  	_ =	strace s3  }
0x9d: {  	_ =	strace $0x8FFFFFFF  }
0x9e: {  	s18 =	sld [smem:$0x3FDB];
	_ =	sdelay $0x1  }
0x9f: {  	s19 =	simm.s32 $_scs_section_size  }
0xa0: {  	s5 =	simm.s32 $_size__tile_overlayer_lowered;
	s6 =	simm.s32 $_tile_overlayer_lowered  }
0xa1: {  	s22 =	simm.s32 $0x1BFF;
	s21 =	sshll.u32 s6, $0x1;
	s3 =	sadd.s32 s19, s18  }
0xa2: {  	s7 =	simm.s32 $0x0;
	s20 =	sshll.u32 s5, $0x1;
	s5 =	sadd.s32 s21, s3  }
0xa3: {  	[timem:s7], [sflag:s22] =	dma.local [hbm:s5], s20  }
0xa4: {  	_ =	swait.ge [sflag:s22], s20  }
0xa5: {  	s4 =	ssub.s32 $0x0, s20;
	[sflag:s22] =	ssyncset.done $0x0  }
0xa6: {  	[sflag:s22] =	ssyncadd.s32 s4;
	_ =	sdelay $0x1  }
0xa7: {  	s23 =	simm.s32 $0x1B8B  }
0xa8: {  	_ =	swait.ge [sflag:s23], $0x1  }
0xa9: {  	[sflag:s23] =	ssyncset.done $0x0  }
0xaa: {  	s25 =	simm.s32 $0x1B8E;
	s24 =	sld [smem:$0x3FFE];
	[sflag:s23] =	ssyncadd.s32 $0xFFFFFFFF  }
0xab: {  	s26 =	simm.s32 $execute0_lowered;
	[smem:$0x3FD2] =	sst s25  }
0xac: {  	s5 =	sshll.u32 s26, $0x1;
	_ =	strace $0x80000046;
	[dreg:$0x1] =	wrdreg $0xFFFFFFFF  }
0xad: {  	s28 =	simm.s32 $_size_execute0_lowered;
	s3 =	sadd.s32 s3, s5;
	[dreg:$0x0] =	wrdreg $0x0  }
0xae: {  	s5 =	sshll.u32 s28, $0x1;
	[dreg:$0x2] =	wrdreg s3  }
0xaf: {  	[dreg:$0x3] =	wrdreg s5  }
0xb0: {  	[dreg:$0x4] =	wrdreg $0xC0  }
0xb1: {  	_ =	task [dreg:s7], $0x5FFFF  }
0xb2: {  	[dreg:$0x1] =	wrdreg $0xFFFFFFFF  }
0xb3: {  	[dreg:$0x0] =	wrdreg $0x60  }
0xb4: {  	[dreg:$0x2] =	wrdreg s24  }
0xb5: {  	[dreg:$0x3] =	wrdreg s16  }
0xb6: {  	[dreg:$0x4] =	wrdreg $0x142000  }
0xb7: {  	[dreg:$0x5] =	wrdreg $0x9  }
0xb8: {  	_ =	task.clear_ibuf [dreg:s7], $0x6FFFF;
	_ =	strace $0x90000046  }
0xb9: {  	s29 =	simm.s32 $0x9;
	_ =	strace $0x80000048  }
0xba: {  	_ =	swait.ge [sflag:s29], $0x1  }
0xbb: {  	[sflag:s29] =	ssyncadd.s32 $0xFFFFFFFF  }
0xbc: {  	_ =	strace $0x90000048  }
0xbd: {  	_ =	sfence  }
0xbe: {  	s30 =	sld [smem:$0x0];
	_ =	sdelay $0x2  }
0xbf: {  	s31 =	sshll.u32 s1, $0xD;
	s1 =	sshrl.u32 s1, $0x2  }
0xc0: {  	s3 =	sand.u32 $0x4000, s31;
	s1 =	sadd.s32 s1, s30  }
0xc1: {  	s0 =	sor.u32 s3, s0;
	s1 =	sshll.u32 s1, $0x11  }
0xc2: {  	s0 =	sor.u32 s1, s0  }
0xc3: {  	s0 =	sadd.s32 $0x8F2B, s0  }
0xc4: {  	[sflag:s0] =	ssyncadd.remote.s32 $0x1  }
0xc5: {  	_ =	sfence.sel $0xFFFF  }
0xc6: {  	[dreg:$0x0] =	wrdreg $0xFFFFFFFF;
	(pc) =	sbr.abs _section_cstart, $3  }
0xc7: {  	[dreg:$0x1] =	wrdreg $0xFFFFFFFF  }
0xc8: {  	_ =	task.clear_ibuf [dreg:s7], $0x2FFFF;
	_ =	strace $0x9FFFFFFF  }
0xc9: {  	(tm) =	ssettm $0x7FFFFFFF  }
tec
execute0_lowered:
.L_overlay_start_1:
0x0: {  	(tag) =	ssettag $0x1  }
0x1: {  	s0 =	rddreg [dreg:$0x0]  }
0x2: {  	s6 =	rddreg [dreg:$0x1]  }
0x3: {  	s1 =	rddreg [dreg:$0x2];
	s3 =	simm.s32 $0x0  }
0x4: {  	s5 =	srdreg.scid;
	s2 =	stileid.u32;
	s30 =	simm.s32 $0x1C00  }
0x5: {  	s23 =	simm.s32 $0x5;
	s24 =	simm.s32 $0x6;
	s8 =	smul.u32 $0xC00, s2  }
0x6: {  	s31 =	simm.s32 $0xA800;
	[smem:$0x7FF] =	sst s3;
	s10 =	smul.u32 $0x14000, s2  }
0x7: {  	s4 =	sadd.s32 $0xCD000, s0;
	s7 =	sand.u32 $0x1, s5;
	s11 =	smul.u32 $0x5000, s2  }
0x8: {  	s17 =	sadd.s32 $0x1E00, s0;
	s5 =	sadd.s32 $0x6E00, s0;
	s18 =	smul.u32 $0x380, s2  }
0x9: {  	_ =	strace $0x80000047;
	s9 =	ssub.s32 $0x2, s7;
	p0 =	sne.s32 s7, $0x0  }
0xa: {  	s25 =	sshrl.u32 s9, $0x1;
	s8 =	sshrl.u32 s8, $0x3;
	s26 =	sshrl.u32 s10, $0x2  }
0xb: {  	s19 =	sadd.s32 $0x50000, s11;
	s29 =	sadd.s32 s17, s18;
	s20 =	sadd.s32 s11, s1  }
0xc: {  	s0 =	ssub.s32 s9, s25;
	s8 =	sadd.s32 $0x3800, s8;
	[dreg:$0x6] =	wrdreg s19  }
0xd: {  	[dreg:$0x8] =	wrdreg s29;
	s25 =	simm.s32 $0x80;
	s28 =	sadd.s32 s6, s8  }
0xe: {  	s8 =	sadd.s32 s17, s8;
	s6 =	sadd.s32 s6, s18;
	s21 =	smax.u32 s0, $0x1  }
.Ltmp0:
0xf: {  	s0 =	simm.s32 $0x13800;
	[dreg:$0x4] =	wrdreg s28;
	(pc) =	sbr.rel .LBB2_1-.Ltmp0, $4  }
0x10: {  	s18 =	simm.s32 $0x8;
	[dreg:$0x5] =	wrdreg s8;
	s8 =	sadd.s32 s26, s1  }
0x11: {  	[dreg:$0x7] =	wrdreg s6;
	s6 =	simm.s32 $0x3;
	s9 =	sadd.s32 $0xA00, s8  }
0x12: {  	s10 =	sadd.s32 $0x1400, s8;
	s12 =	sadd.s32 $0x1E00, s8;
	s13 =	sadd.s32 $0x2800, s8  }
0x13: {  	v0 =	vimm.f32 $0.0e+00;
	s14 =	sadd.s32 $0x3200, s8;
	s15 =	sadd.s32 $0x3C00, s8;
	s16 =	sadd.s32 $0x4600, s8  }
.LBB2_12:
0x14: {  	s17 =	rddreg [dreg:$0x6];
	s7 =	smov.u32 s8  }
.LBB2_13:
0x15: {  	_ =	swait.ge [sflag:s6], $0x1000  }
0x16: {  	[sflag:s6] =	ssyncset.done $0x0  }
0x17: {  	[sflag:s6] =	ssyncadd.s32 $0xFFFFF000  }
0x18: {  	_ =	swait.ge [sflag:s6], $0x1000  }
0x19: {  	[sflag:s6] =	ssyncset.done $0x0  }
0x1a: {  	[sflag:s6] =	ssyncadd.s32 $0xFFFFF000  }
0x1b: {  	_ =	swait.ge [sflag:s6], $0x1000  }
0x1c: {  	[sflag:s6] =	ssyncset.done $0x0  }
0x1d: {  	[sflag:s6] =	ssyncadd.s32 $0xFFFFF000  }
0x1e: {  	_ =	swait.ge [sflag:s6], $0x1000  }
0x1f: {  	[sflag:s6] =	ssyncset.done $0x0  }
0x20: {  	[sflag:s6] =	ssyncadd.s32 $0xFFFFF000  }
0x21: {  	_ =	swait.ge [sflag:s6], $0x1000  }
0x22: {  	[sflag:s6] =	ssyncset.done $0x0  }
0x23: {  	[sflag:s6] =	ssyncadd.s32 $0xFFFFF000  }
0x24: {  	_ =	swait.ge [sflag:s6], $0x1000  }
0x25: {  	[sflag:s6] =	ssyncset.done $0x0  }
0x26: {  	[sflag:s6] =	ssyncadd.s32 $0xFFFFF000  }
0x27: {  	_ =	swait.ge [sflag:s6], $0x1000  }
0x28: {  	[sflag:s6] =	ssyncset.done $0x0  }
0x29: {  	[sflag:s6] =	ssyncadd.s32 $0xFFFFF000  }
0x2a: {  	s17 =	sshrl.u32 s17, $0x3;
	s19 =	sshll.u32 s2, $0x6;
	_ =	swait.ge [sflag:s6], $0x1000  }
0x2b: {  	s7 =	sshrl.u32 s7, $0x3;
	s3 =	sadd.s32 $0x1, s3;
	[sflag:s6] =	ssyncset.done $0x0  }
0x2c: {  	s17 =	sadd.s32 s5, s17;
	p1 =	sne.s32 s3, s21;
	[sflag:s6] =	ssyncadd.s32 $0xFFFFF000  }
.Ltmp1:
0x2d: {  	s19 =	sor.u32 $0x1C08, s19;
	[bflag:$0x0] =	sbarrier.arrive $0xFFFF;
	(pc) =	sbr.rel @!p1 .LBB2_14-.Ltmp1, $4  }
0x2e: {  	[hbm:s17], [sflag:s19] =	dma.local [spmem:s7], $0xA00  }
0x2f: {  	_ =	swait.ge [sflag:s18], $0xA00  }
0x30: {  	[sflag:s18] =	ssyncset.done $0x0  }
0x31: {  	[sflag:s18] =	ssyncadd.s32 $0xFFFFF600  }
.LBB2_1:
.Ltmp2:
0x32: {  	(pc) =	sbr.rel @p0 .LBB2_8-.Ltmp2, $2  }
0x33: {  	_ =	sdelay $0x2  }
0x34: {  	s7 =	simm.s32 $0x0  }
0x35: {  	s17 =	rddreg [dreg:$0x7]  }
0x36: {  	[tilespmem:s7], [sflag:$0x5] =	stream.linear.gather [hbm4b:s17+s7], $0x1C00, $0x38;
	[tilespmem:$0x19200] =	vst v63  }
0x37: {  	s29 =	rddreg [dreg:$0x8]  }
0x38: {  	[tilespmem:s30], [sflag:$0x6] =	stream.linear.gather [hbm4b:s29+s7], $0x1C00, $0x38;
	[tilespmem:$0x19200] =	vst v63  }
0x39: {  	_ =	swait.ge [sflag:s23], $0x1C00  }
0x3a: {  	[sflag:s23] =	ssyncset.done $0x0  }
0x3b: {  	[sflag:s23] =	ssyncadd.s32 $0xFFFFE400  }
0x3c: {  	_ =	swait.ge [sflag:s24], $0x1C00  }
0x3d: {  	[sflag:s24] =	ssyncset.done $0x0  }
0x3e: {  	s19 =	simm.s32 $0x3800;
	[sflag:s24] =	ssyncadd.s32 $0xFFFFE400  }
0x3f: {  	[tilespmem:s19], [sflag:$0x1] =	stream.indirect.gather [hbm4b:s4+s25], $0x20, s7, s25, $0xb8;
	[tilespmem:$0x19200] =	vst v63  }
0x40: {  	s22 =	simm.s32 $0x4800  }
0x41: {  	[tilespmem:s22], [sflag:$0x1] =	stream.indirect.gather [hbm4b:s4+s25], $0x20, s25, s25, $0xb8;
	[tilespmem:$0x19200] =	vst v63  }
0x42: {  	s26 =	simm.s32 $0x100;
	s28 =	simm.s32 $0x5800  }
0x43: {  	[tilespmem:s28], [sflag:$0x1] =	stream.indirect.gather [hbm4b:s4+s25], $0x20, s26, s25, $0xb8;
	[tilespmem:$0x19200] =	vst v63  }
0x44: {  	s29 =	simm.s32 $0x180;
	s30 =	simm.s32 $0x6800  }
0x45: {  	[tilespmem:s30], [sflag:$0x1] =	stream.indirect.gather [hbm4b:s4+s25], $0x20, s29, s25, $0xb8;
	[tilespmem:$0x19200] =	vst v63  }
0x46: {  	s17 =	simm.s32 $0x200;
	s19 =	simm.s32 $0x7800  }
0x47: {  	[tilespmem:s19], [sflag:$0x1] =	stream.indirect.gather [hbm4b:s4+s25], $0x20, s17, s25, $0xb8;
	[tilespmem:$0x19200] =	vst v63  }
0x48: {  	s22 =	simm.s32 $0x280;
	s26 =	simm.s32 $0x8800  }
0x49: {  	[tilespmem:s26], [sflag:$0x1] =	stream.indirect.gather [hbm4b:s4+s25], $0x20, s22, s25, $0xb8;
	[tilespmem:$0x19200] =	vst v63  }
0x4a: {  	s28 =	simm.s32 $0x300;
	s29 =	simm.s32 $0x9800  }
0x4b: {  	[tilespmem:s29], [sflag:$0x1] =	stream.indirect.gather [hbm4b:s4+s25], $0x20, s28, s25, $0xb8;
	[tilespmem:$0x19200] =	vst v63  }
0x4c: {  	s7 =	simm.s32 $0x80;
	s30 =	simm.s32 $0x380;
	s17 =	simm.s32 $0x0  }
0x4d: {  	[tilespmem:s31], [sflag:$0x1] =	stream.indirect.gather [hbm4b:s4+s25], $0x20, s30, s25, $0xb8;
	[tilespmem:$0x19200] =	vst v63  }
.LBB2_3:
0x4e: {  	p1 =	sne.s32 s7, $0x2780;
	[tilespmem:s17+$0x13800] =	vst v0;
	s19 =	smov.u32 s7;
	s7 =	sadd.s32 $0x80, s7  }
.Ltmp3:
0x4f: {  	[tilespmem:s17+$0x13810] =	vst v0;
	(pc) =	sbr.rel @p1 .LBB2_3-.Ltmp3, $2  }
0x50: {  	_ =	sdelay $0x2  }
0x51: {  	s17 =	sshra.s32 s19, $0x2  }
0x52: {  	[tilespmem:s17+$0x13800] =	vst v0  }
0x53: {  	[tilespmem:s17+$0x13810] =	vst v0  }
0x54: {  	[spmem:s20] =	stream.linear.scatter [tilespmem:s0], [sflag:$0x8], $0xA00, $0x38;
	[tilespmem:$0x19200] =	vst v63  }
0x55: {  	_ =	swait.ge [sflag:s18], $0xA00  }
0x56: {  	[sflag:s18] =	ssyncset.done $0x0  }
0x57: {  	[sflag:s18] =	ssyncadd.s32 $0xFFFFF600  }
0x58: {  	[spmem:s9] =	stream.linear.scatter [tilespmem:s0], [sflag:$0x8], $0xA00, $0x38;
	[tilespmem:$0x19200] =	vst v63  }
0x59: {  	_ =	swait.ge [sflag:s18], $0xA00  }
0x5a: {  	[sflag:s18] =	ssyncset.done $0x0  }
0x5b: {  	[sflag:s18] =	ssyncadd.s32 $0xFFFFF600  }
0x5c: {  	[spmem:s10] =	stream.linear.scatter [tilespmem:s0], [sflag:$0x8], $0xA00, $0x38;
	[tilespmem:$0x19200] =	vst v63  }
0x5d: {  	_ =	swait.ge [sflag:s18], $0xA00  }
0x5e: {  	[sflag:s18] =	ssyncset.done $0x0  }
0x5f: {  	[sflag:s18] =	ssyncadd.s32 $0xFFFFF600  }
0x60: {  	[spmem:s12] =	stream.linear.scatter [tilespmem:s0], [sflag:$0x8], $0xA00, $0x38;
	[tilespmem:$0x19200] =	vst v63  }
0x61: {  	_ =	swait.ge [sflag:s18], $0xA00  }
0x62: {  	[sflag:s18] =	ssyncset.done $0x0  }
0x63: {  	[sflag:s18] =	ssyncadd.s32 $0xFFFFF600  }
0x64: {  	[spmem:s13] =	stream.linear.scatter [tilespmem:s0], [sflag:$0x8], $0xA00, $0x38;
	[tilespmem:$0x19200] =	vst v63  }
0x65: {  	_ =	swait.ge [sflag:s18], $0xA00  }
0x66: {  	[sflag:s18] =	ssyncset.done $0x0  }
0x67: {  	[sflag:s18] =	ssyncadd.s32 $0xFFFFF600  }
0x68: {  	[spmem:s14] =	stream.linear.scatter [tilespmem:s0], [sflag:$0x8], $0xA00, $0x38;
	[tilespmem:$0x19200] =	vst v63  }
0x69: {  	_ =	swait.ge [sflag:s18], $0xA00  }
0x6a: {  	[sflag:s18] =	ssyncset.done $0x0  }
0x6b: {  	[sflag:s18] =	ssyncadd.s32 $0xFFFFF600  }
0x6c: {  	[spmem:s15] =	stream.linear.scatter [tilespmem:s0], [sflag:$0x8], $0xA00, $0x38;
	[tilespmem:$0x19200] =	vst v63  }
0x6d: {  	_ =	swait.ge [sflag:s18], $0xA00  }
0x6e: {  	[sflag:s18] =	ssyncset.done $0x0  }
0x6f: {  	[sflag:s18] =	ssyncadd.s32 $0xFFFFF600  }
0x70: {  	[spmem:s16] =	stream.linear.scatter [tilespmem:s0], [sflag:$0x8], $0xA00, $0x38;
	[tilespmem:$0x19200] =	vst v63  }
0x71: {  	_ =	swait.ge [sflag:s18], $0xA00  }
0x72: {  	[sflag:s18] =	ssyncset.done $0x0  }
0x73: {  	[sflag:s18] =	ssyncadd.s32 $0xFFFFF600  }
0x74: {  	s19 =	simm.s32 $0x0;
	s7 =	simm.s32 $0x0;
	[bflag:$0x0] =	sbarrier.arrive $0xFFFF  }
.LBB2_5:
0x75: {  	s17 =	sand.u32 $0x1, s19  }
0x76: {  	s26 =	sadd.s32 $0x1, s17  }
0x77: {  	_ =	swait.ge [sflag:s26], $0x1000  }
0x78: {  	[sflag:s26] =	ssyncset.done $0x0  }
0x79: {  	[sflag:s26] =	ssyncadd.s32 $0xFFFFF000  }
0x7a: {  	_ =	swait.ge [sflag:s26], $0x1000  }
0x7b: {  	[sflag:s26] =	ssyncset.done $0x0  }
0x7c: {  	[sflag:s26] =	ssyncadd.s32 $0xFFFFF000  }
0x7d: {  	_ =	swait.ge [sflag:s26], $0x1000  }
0x7e: {  	[sflag:s26] =	ssyncset.done $0x0  }
0x7f: {  	[sflag:s26] =	ssyncadd.s32 $0xFFFFF000  }
0x80: {  	_ =	swait.ge [sflag:s26], $0x1000  }
0x81: {  	[sflag:s26] =	ssyncset.done $0x0  }
0x82: {  	[sflag:s26] =	ssyncadd.s32 $0xFFFFF000  }
0x83: {  	_ =	swait.ge [sflag:s26], $0x1000  }
0x84: {  	[sflag:s26] =	ssyncset.done $0x0  }
0x85: {  	[sflag:s26] =	ssyncadd.s32 $0xFFFFF000  }
0x86: {  	_ =	swait.ge [sflag:s26], $0x1000  }
0x87: {  	[sflag:s26] =	ssyncset.done $0x0  }
0x88: {  	[sflag:s26] =	ssyncadd.s32 $0xFFFFF000  }
0x89: {  	_ =	swait.ge [sflag:s26], $0x1000  }
0x8a: {  	[sflag:s26] =	ssyncset.done $0x0  }
0x8b: {  	[sflag:s26] =	ssyncadd.s32 $0xFFFFF000  }
0x8c: {  	s22 =	sshra.s32 s7, $0x2;
	_ =	swait.ge [sflag:s26], $0x1000  }
0x8d: {  	s28 =	sshll.u32 s17, $0xF;
	s30 =	sadd.s32 $0x3, s17;
	[sflag:s26] =	ssyncset.done $0x0  }
0x8e: {  	s29 =	sor.u32 $0x3800, s28;
	[sflag:s26] =	ssyncadd.s32 $0xFFFFF000;
	s26 =	sadd.s32 $0x1C00, s22  }
0x8f: {  	[spmem:s1] =	stream.indirect.scatter.add.f32 [tilespmem:s29], [sflag:s30], $0x20, s26, s25, $0xb8;
	[tilespmem:$0x19200] =	vst v63  }
0x90: {  	s26 =	sor.u32 $0x4800, s28;
	s29 =	sadd.s32 $0x1C80, s22  }
0x91: {  	[spmem:s1] =	stream.indirect.scatter.add.f32 [tilespmem:s26], [sflag:s30], $0x20, s29, s25, $0xb8;
	[tilespmem:$0x19200] =	vst v63  }
0x92: {  	s26 =	sor.u32 $0x5800, s28;
	s29 =	sadd.s32 $0x1D00, s22  }
0x93: {  	[spmem:s1] =	stream.indirect.scatter.add.f32 [tilespmem:s26], [sflag:s30], $0x20, s29, s25, $0xb8;
	[tilespmem:$0x19200] =	vst v63  }
0x94: {  	s26 =	sor.u32 $0x6800, s28;
	s29 =	sadd.s32 $0x1D80, s22  }
0x95: {  	[spmem:s1] =	stream.indirect.scatter.add.f32 [tilespmem:s26], [sflag:s30], $0x20, s29, s25, $0xb8;
	[tilespmem:$0x19200] =	vst v63  }
0x96: {  	s26 =	sor.u32 $0x7800, s28;
	s29 =	sadd.s32 $0x1E00, s22  }
0x97: {  	[spmem:s1] =	stream.indirect.scatter.add.f32 [tilespmem:s26], [sflag:s30], $0x20, s29, s25, $0xb8;
	[tilespmem:$0x19200] =	vst v63  }
0x98: {  	s26 =	sadd.s32 $0x8800, s28;
	s29 =	sadd.s32 $0x1E80, s22  }
0x99: {  	[spmem:s1] =	stream.indirect.scatter.add.f32 [tilespmem:s26], [sflag:s30], $0x20, s29, s25, $0xb8;
	[tilespmem:$0x19200] =	vst v63  }
0x9a: {  	p1 =	seq.s32 s19, $0x0;
	s26 =	sadd.s32 $0x9800, s28;
	s29 =	sadd.s32 $0x1F00, s22  }
0x9b: {  	[spmem:s1] =	stream.indirect.scatter.add.f32 [tilespmem:s26], [sflag:s30], $0x20, s29, s25, $0xb8;
	[tilespmem:$0x19200] =	vst v63  }
0x9c: {  	s17 =	sxor.u32 @!p1 $0x1, s17;
	s26 =	sadd.s32 $0xA800, s28;
	s29 =	sadd.s32 $0x1F80, s22  }
0x9d: {  	[spmem:s1] =	stream.indirect.scatter.add.f32 [tilespmem:s26], [sflag:s30], $0x20, s29, s25, $0xb8;
	[tilespmem:$0x19200] =	vst v63  }
0x9e: {  	s26 =	sadd.s32 @!p1 $0x3, s17  }
0x9f: {  	_ =	swait.ge @!p1 [sflag:s26], $0x1000  }
0xa0: {  	[sflag:s26] =	ssyncset.done @!p1 $0x0  }
0xa1: {  	[sflag:s26] =	ssyncadd.s32 @!p1 $0xFFFFF000  }
0xa2: {  	_ =	swait.ge @!p1 [sflag:s26], $0x1000  }
0xa3: {  	[sflag:s26] =	ssyncset.done @!p1 $0x0  }
0xa4: {  	[sflag:s26] =	ssyncadd.s32 @!p1 $0xFFFFF000  }
0xa5: {  	_ =	swait.ge @!p1 [sflag:s26], $0x1000  }
0xa6: {  	[sflag:s26] =	ssyncset.done @!p1 $0x0  }
0xa7: {  	[sflag:s26] =	ssyncadd.s32 @!p1 $0xFFFFF000  }
0xa8: {  	_ =	swait.ge @!p1 [sflag:s26], $0x1000  }
0xa9: {  	[sflag:s26] =	ssyncset.done @!p1 $0x0  }
0xaa: {  	[sflag:s26] =	ssyncadd.s32 @!p1 $0xFFFFF000  }
0xab: {  	_ =	swait.ge @!p1 [sflag:s26], $0x1000  }
0xac: {  	[sflag:s26] =	ssyncset.done @!p1 $0x0  }
0xad: {  	[sflag:s26] =	ssyncadd.s32 @!p1 $0xFFFFF000  }
0xae: {  	_ =	swait.ge @!p1 [sflag:s26], $0x1000  }
0xaf: {  	[sflag:s26] =	ssyncset.done @!p1 $0x0  }
0xb0: {  	p2 =	seq.s32 @!p1 s19, $0x6;
	[sflag:s26] =	ssyncadd.s32 @!p1 $0xFFFFF000  }
0xb1: {  	p2 =	por p1, !p2;
	_ =	swait.ge @!p1 [sflag:s26], $0x1000  }
.Ltmp4:
0xb2: {  	[sflag:s26] =	ssyncset.done @!p1 $0x0;
	(pc) =	sbr.rel @!p2 .LBB2_6-.Ltmp4, $4  }
0xb3: {  	[sflag:s26] =	ssyncadd.s32 @!p1 $0xFFFFF000  }
0xb4: {  	_ =	swait.ge @!p1 [sflag:s26], $0x1000  }
0xb5: {  	[sflag:s26] =	ssyncset.done @!p1 $0x0  }
0xb6: {  	[sflag:s26] =	ssyncadd.s32 @!p1 $0xFFFFF000  }
0xb7: {  	s17 =	simm.s32 @p1 $0x1  }
0xb8: {  	s26 =	sshll.u32 s17, $0xF  }
0xb9: {  	s29 =	sadd.s32 $0x400, s22;
	s17 =	sadd.s32 $0x1, s17;
	s28 =	sor.u32 $0x3800, s26  }
0xba: {  	[tilespmem:s28], [sflag:s17] =	stream.indirect.gather [hbm4b:s4+s25], $0x20, s29, s25, $0xb8;
	[tilespmem:$0x19200] =	vst v63  }
0xbb: {  	s30 =	sadd.s32 $0x480, s22;
	s28 =	sor.u32 $0x4800, s26  }
0xbc: {  	[tilespmem:s28], [sflag:s17] =	stream.indirect.gather [hbm4b:s4+s25], $0x20, s30, s25, $0xb8;
	[tilespmem:$0x19200] =	vst v63  }
0xbd: {  	s28 =	sor.u32 $0x5800, s26;
	s30 =	sadd.s32 $0x500, s22  }
0xbe: {  	[tilespmem:s28], [sflag:s17] =	stream.indirect.gather [hbm4b:s4+s25], $0x20, s30, s25, $0xb8;
	[tilespmem:$0x19200] =	vst v63  }
0xbf: {  	s28 =	sor.u32 $0x6800, s26;
	s30 =	sadd.s32 $0x580, s22  }
0xc0: {  	[tilespmem:s28], [sflag:s17] =	stream.indirect.gather [hbm4b:s4+s25], $0x20, s30, s25, $0xb8;
	[tilespmem:$0x19200] =	vst v63  }
0xc1: {  	s28 =	sor.u32 $0x7800, s26;
	s30 =	sadd.s32 $0x600, s22  }
0xc2: {  	[tilespmem:s28], [sflag:s17] =	stream.indirect.gather [hbm4b:s4+s25], $0x20, s30, s25, $0xb8;
	[tilespmem:$0x19200] =	vst v63  }
0xc3: {  	s28 =	sadd.s32 $0x8800, s26;
	s30 =	sadd.s32 $0x680, s22  }
0xc4: {  	[tilespmem:s28], [sflag:s17] =	stream.indirect.gather [hbm4b:s4+s25], $0x20, s30, s25, $0xb8;
	[tilespmem:$0x19200] =	vst v63  }
.Ltmp5:
0xc5: {  	_ = 	snop;
	(pc) =	sbr.rel .LBB2_5-.Ltmp5, $4  }
0xc6: {  	s7 =	sadd.s32 $0x1000, s7;
	s28 =	sadd.s32 $0x9800, s26;
	s30 =	sadd.s32 $0x700, s22  }
0xc7: {  	[tilespmem:s28], [sflag:s17] =	stream.indirect.gather [hbm4b:s4+s25], $0x20, s30, s25, $0xb8;
	[tilespmem:$0x19200] =	vst v63  }
0xc8: {  	s19 =	sadd.s32 $0x1, s19;
	s26 =	sadd.s32 $0xA800, s26;
	s30 =	sadd.s32 $0x780, s22  }
0xc9: {  	[tilespmem:s26], [sflag:s17] =	stream.indirect.gather [hbm4b:s4+s25], $0x20, s30, s25, $0xb8;
	[tilespmem:$0x19200] =	vst v63  }
.LBB2_8:
0xca: {  	s17 =	rddreg [dreg:$0x4]  }
0xcb: {  	[tilespmem:s7], [sflag:$0x5] =	stream.linear.gather [hbm4b:s17+s7], $0xC00, $0x38;
	[tilespmem:$0x19200] =	vst v63  }
0xcc: {  	s26 =	rddreg [dreg:$0x5]  }
0xcd: {  	[tilespmem:s30], [sflag:$0x6] =	stream.linear.gather [hbm4b:s26+s7], $0xC00, $0x38;
	[tilespmem:$0x19200] =	vst v63  }
0xce: {  	_ =	swait.ge [sflag:s23], $0xC00  }
0xcf: {  	[sflag:s23] =	ssyncset.done $0x0  }
0xd0: {  	[sflag:s23] =	ssyncadd.s32 $0xFFFFF400  }
0xd1: {  	_ =	swait.ge [sflag:s24], $0xC00  }
0xd2: {  	[sflag:s24] =	ssyncset.done $0x0  }
0xd3: {  	s28 =	simm.s32 $0x3800;
	[sflag:s24] =	ssyncadd.s32 $0xFFFFF400  }
0xd4: {  	[tilespmem:s28], [sflag:$0x1] =	stream.indirect.gather [hbm4b:s4+s25], $0x20, s7, s25, $0xb8;
	[tilespmem:$0x19200] =	vst v63  }
0xd5: {  	s29 =	simm.s32 $0x4800  }
0xd6: {  	[tilespmem:s29], [sflag:$0x1] =	stream.indirect.gather [hbm4b:s4+s25], $0x20, s25, s25, $0xb8;
	[tilespmem:$0x19200] =	vst v63  }
0xd7: {  	s19 =	simm.s32 $0x5800;
	s17 =	simm.s32 $0x100  }
0xd8: {  	[tilespmem:s19], [sflag:$0x1] =	stream.indirect.gather [hbm4b:s4+s25], $0x20, s17, s25, $0xb8;
	[tilespmem:$0x19200] =	vst v63  }
0xd9: {  	s22 =	simm.s32 $0x180;
	s26 =	simm.s32 $0x6800  }
0xda: {  	[tilespmem:s26], [sflag:$0x1] =	stream.indirect.gather [hbm4b:s4+s25], $0x20, s22, s25, $0xb8;
	[tilespmem:$0x19200] =	vst v63  }
0xdb: {  	s28 =	simm.s32 $0x200;
	s29 =	simm.s32 $0x7800  }
0xdc: {  	[tilespmem:s29], [sflag:$0x1] =	stream.indirect.gather [hbm4b:s4+s25], $0x20, s28, s25, $0xb8;
	[tilespmem:$0x19200] =	vst v63  }
0xdd: {  	s19 =	simm.s32 $0x280;
	s22 =	simm.s32 $0x8800  }
0xde: {  	[tilespmem:s22], [sflag:$0x1] =	stream.indirect.gather [hbm4b:s4+s25], $0x20, s19, s25, $0xb8;
	[tilespmem:$0x19200] =	vst v63  }
0xdf: {  	s26 =	simm.s32 $0x300;
	s28 =	simm.s32 $0x9800  }
0xe0: {  	[tilespmem:s28], [sflag:$0x1] =	stream.indirect.gather [hbm4b:s4+s25], $0x20, s26, s25, $0xb8;
	[tilespmem:$0x19200] =	vst v63  }
0xe1: {  	s7 =	simm.s32 $0x80;
	s17 =	simm.s32 $0x0;
	s29 =	simm.s32 $0x380  }
0xe2: {  	[tilespmem:s31], [sflag:$0x1] =	stream.indirect.gather [hbm4b:s4+s25], $0x20, s29, s25, $0xb8;
	[tilespmem:$0x19200] =	vst v63  }
.LBB2_9:
0xe3: {  	p1 =	sne.s32 s7, $0x2780;
	[tilespmem:s17+$0x13800] =	vst v0;
	s19 =	smov.u32 s7;
	s7 =	sadd.s32 $0x80, s7  }
.Ltmp6:
0xe4: {  	[tilespmem:s17+$0x13810] =	vst v0;
	(pc) =	sbr.rel @p1 .LBB2_9-.Ltmp6, $2  }
0xe5: {  	_ =	sdelay $0x2  }
0xe6: {  	s17 =	sshra.s32 s19, $0x2  }
0xe7: {  	[tilespmem:s17+$0x13800] =	vst v0  }
0xe8: {  	[tilespmem:s17+$0x13810] =	vst v0  }
0xe9: {  	[spmem:s8] =	stream.linear.scatter [tilespmem:s0], [sflag:$0x8], $0xA00, $0x38;
	[tilespmem:$0x19200] =	vst v63  }
0xea: {  	_ =	swait.ge [sflag:s18], $0xA00  }
0xeb: {  	[sflag:s18] =	ssyncset.done $0x0  }
0xec: {  	[sflag:s18] =	ssyncadd.s32 $0xFFFFF600  }
0xed: {  	[spmem:s9] =	stream.linear.scatter [tilespmem:s0], [sflag:$0x8], $0xA00, $0x38;
	[tilespmem:$0x19200] =	vst v63  }
0xee: {  	_ =	swait.ge [sflag:s18], $0xA00  }
0xef: {  	[sflag:s18] =	ssyncset.done $0x0  }
0xf0: {  	[sflag:s18] =	ssyncadd.s32 $0xFFFFF600  }
0xf1: {  	[spmem:s10] =	stream.linear.scatter [tilespmem:s0], [sflag:$0x8], $0xA00, $0x38;
	[tilespmem:$0x19200] =	vst v63  }
0xf2: {  	_ =	swait.ge [sflag:s18], $0xA00  }
0xf3: {  	[sflag:s18] =	ssyncset.done $0x0  }
0xf4: {  	[sflag:s18] =	ssyncadd.s32 $0xFFFFF600  }
0xf5: {  	[spmem:s12] =	stream.linear.scatter [tilespmem:s0], [sflag:$0x8], $0xA00, $0x38;
	[tilespmem:$0x19200] =	vst v63  }
0xf6: {  	_ =	swait.ge [sflag:s18], $0xA00  }
0xf7: {  	[sflag:s18] =	ssyncset.done $0x0  }
0xf8: {  	[sflag:s18] =	ssyncadd.s32 $0xFFFFF600  }
0xf9: {  	[spmem:s13] =	stream.linear.scatter [tilespmem:s0], [sflag:$0x8], $0xA00, $0x38;
	[tilespmem:$0x19200] =	vst v63  }
0xfa: {  	_ =	swait.ge [sflag:s18], $0xA00  }
0xfb: {  	[sflag:s18] =	ssyncset.done $0x0  }
0xfc: {  	[sflag:s18] =	ssyncadd.s32 $0xFFFFF600  }
0xfd: {  	[spmem:s14] =	stream.linear.scatter [tilespmem:s0], [sflag:$0x8], $0xA00, $0x38;
	[tilespmem:$0x19200] =	vst v63  }
0xfe: {  	_ =	swait.ge [sflag:s18], $0xA00  }
0xff: {  	[sflag:s18] =	ssyncset.done $0x0  }
0x100: {  	[sflag:s18] =	ssyncadd.s32 $0xFFFFF600  }
0x101: {  	[spmem:s15] =	stream.linear.scatter [tilespmem:s0], [sflag:$0x8], $0xA00, $0x38;
	[tilespmem:$0x19200] =	vst v63  }
0x102: {  	_ =	swait.ge [sflag:s18], $0xA00  }
0x103: {  	[sflag:s18] =	ssyncset.done $0x0  }
0x104: {  	[sflag:s18] =	ssyncadd.s32 $0xFFFFF600  }
0x105: {  	[spmem:s16] =	stream.linear.scatter [tilespmem:s0], [sflag:$0x8], $0xA00, $0x38;
	[tilespmem:$0x19200] =	vst v63  }
0x106: {  	_ =	swait.ge [sflag:s18], $0xA00  }
0x107: {  	[sflag:s18] =	ssyncset.done $0x0  }
0x108: {  	[sflag:s18] =	ssyncadd.s32 $0xFFFFF600  }
0x109: {  	s7 =	simm.s32 $0x0;
	[bflag:$0x0] =	sbarrier.arrive $0xFFFF  }
.LBB2_11:
0x10a: {  	s17 =	sand.u32 $0x1, s7  }
0x10b: {  	s19 =	sadd.s32 $0x1, s17  }
0x10c: {  	_ =	swait.ge [sflag:s19], $0x1000  }
0x10d: {  	[sflag:s19] =	ssyncset.done $0x0  }
0x10e: {  	[sflag:s19] =	ssyncadd.s32 $0xFFFFF000  }
0x10f: {  	_ =	swait.ge [sflag:s19], $0x1000  }
0x110: {  	[sflag:s19] =	ssyncset.done $0x0  }
0x111: {  	[sflag:s19] =	ssyncadd.s32 $0xFFFFF000  }
0x112: {  	_ =	swait.ge [sflag:s19], $0x1000  }
0x113: {  	[sflag:s19] =	ssyncset.done $0x0  }
0x114: {  	[sflag:s19] =	ssyncadd.s32 $0xFFFFF000  }
0x115: {  	_ =	swait.ge [sflag:s19], $0x1000  }
0x116: {  	[sflag:s19] =	ssyncset.done $0x0  }
0x117: {  	[sflag:s19] =	ssyncadd.s32 $0xFFFFF000  }
0x118: {  	_ =	swait.ge [sflag:s19], $0x1000  }
0x119: {  	[sflag:s19] =	ssyncset.done $0x0  }
0x11a: {  	[sflag:s19] =	ssyncadd.s32 $0xFFFFF000  }
0x11b: {  	_ =	swait.ge [sflag:s19], $0x1000  }
0x11c: {  	[sflag:s19] =	ssyncset.done $0x0  }
0x11d: {  	[sflag:s19] =	ssyncadd.s32 $0xFFFFF000  }
0x11e: {  	_ =	swait.ge [sflag:s19], $0x1000  }
0x11f: {  	[sflag:s19] =	ssyncset.done $0x0  }
0x120: {  	[sflag:s19] =	ssyncadd.s32 $0xFFFFF000  }
0x121: {  	s26 =	sshll.u32 s7, $0xA;
	s22 =	sshll.u32 s17, $0xF;
	_ =	swait.ge [sflag:s19], $0x1000  }
0x122: {  	s26 =	sand.u32 $0x3FFFFC00, s26;
	s29 =	sadd.s32 $0x3, s17;
	[sflag:s19] =	ssyncset.done $0x0  }
0x123: {  	s28 =	sor.u32 $0x3800, s22;
	[sflag:s19] =	ssyncadd.s32 $0xFFFFF000;
	s19 =	sadd.s32 $0x1C00, s26  }
0x124: {  	[spmem:s1] =	stream.indirect.scatter.add.f32 [tilespmem:s28], [sflag:s29], $0x20, s19, s25, $0xb8;
	[tilespmem:$0x19200] =	vst v63  }
0x125: {  	s19 =	sor.u32 $0x4800, s22;
	s28 =	sadd.s32 $0x1C80, s26  }
0x126: {  	[spmem:s1] =	stream.indirect.scatter.add.f32 [tilespmem:s19], [sflag:s29], $0x20, s28, s25, $0xb8;
	[tilespmem:$0x19200] =	vst v63  }
0x127: {  	s19 =	sor.u32 $0x5800, s22;
	s28 =	sadd.s32 $0x1D00, s26  }
0x128: {  	[spmem:s1] =	stream.indirect.scatter.add.f32 [tilespmem:s19], [sflag:s29], $0x20, s28, s25, $0xb8;
	[tilespmem:$0x19200] =	vst v63  }
0x129: {  	s19 =	sor.u32 $0x6800, s22;
	s28 =	sadd.s32 $0x1D80, s26  }
0x12a: {  	[spmem:s1] =	stream.indirect.scatter.add.f32 [tilespmem:s19], [sflag:s29], $0x20, s28, s25, $0xb8;
	[tilespmem:$0x19200] =	vst v63  }
0x12b: {  	s19 =	sor.u32 $0x7800, s22;
	s28 =	sadd.s32 $0x1E00, s26  }
0x12c: {  	[spmem:s1] =	stream.indirect.scatter.add.f32 [tilespmem:s19], [sflag:s29], $0x20, s28, s25, $0xb8;
	[tilespmem:$0x19200] =	vst v63  }
0x12d: {  	s19 =	sadd.s32 $0x8800, s22;
	s28 =	sadd.s32 $0x1E80, s26  }
0x12e: {  	[spmem:s1] =	stream.indirect.scatter.add.f32 [tilespmem:s19], [sflag:s29], $0x20, s28, s25, $0xb8;
	[tilespmem:$0x19200] =	vst v63  }
0x12f: {  	p1 =	seq.s32 s7, $0x0;
	s19 =	sadd.s32 $0x9800, s22;
	s28 =	sadd.s32 $0x1F00, s26  }
0x130: {  	[spmem:s1] =	stream.indirect.scatter.add.f32 [tilespmem:s19], [sflag:s29], $0x20, s28, s25, $0xb8;
	[tilespmem:$0x19200] =	vst v63  }
0x131: {  	s19 =	sxor.u32 @!p1 $0x1, s17  }
0x132: {  	s22 =	sadd.s32 $0xA800, s22;
	s28 =	sadd.s32 $0x1F80, s26;
	s17 =	sadd.s32 @!p1 $0x3, s19  }
0x133: {  	[spmem:s1] =	stream.indirect.scatter.add.f32 [tilespmem:s22], [sflag:s29], $0x20, s28, s25, $0xb8;
	[tilespmem:$0x19200] =	vst v63  }
0x134: {  	_ =	swait.ge @!p1 [sflag:s17], $0x1000  }
0x135: {  	[sflag:s17] =	ssyncset.done @!p1 $0x0  }
0x136: {  	[sflag:s17] =	ssyncadd.s32 @!p1 $0xFFFFF000  }
0x137: {  	_ =	swait.ge @!p1 [sflag:s17], $0x1000  }
0x138: {  	[sflag:s17] =	ssyncset.done @!p1 $0x0  }
0x139: {  	[sflag:s17] =	ssyncadd.s32 @!p1 $0xFFFFF000  }
0x13a: {  	_ =	swait.ge @!p1 [sflag:s17], $0x1000  }
0x13b: {  	[sflag:s17] =	ssyncset.done @!p1 $0x0  }
0x13c: {  	[sflag:s17] =	ssyncadd.s32 @!p1 $0xFFFFF000  }
0x13d: {  	_ =	swait.ge @!p1 [sflag:s17], $0x1000  }
0x13e: {  	[sflag:s17] =	ssyncset.done @!p1 $0x0  }
0x13f: {  	[sflag:s17] =	ssyncadd.s32 @!p1 $0xFFFFF000  }
0x140: {  	_ =	swait.ge @!p1 [sflag:s17], $0x1000  }
0x141: {  	[sflag:s17] =	ssyncset.done @!p1 $0x0  }
0x142: {  	[sflag:s17] =	ssyncadd.s32 @!p1 $0xFFFFF000  }
0x143: {  	_ =	swait.ge @!p1 [sflag:s17], $0x1000  }
0x144: {  	[sflag:s17] =	ssyncset.done @!p1 $0x0  }
0x145: {  	p2 =	seq.s32 @!p1 s7, $0x2;
	[sflag:s17] =	ssyncadd.s32 @!p1 $0xFFFFF000  }
0x146: {  	p2 =	por p1, !p2;
	_ =	swait.ge @!p1 [sflag:s17], $0x1000  }
.Ltmp7:
0x147: {  	[sflag:s17] =	ssyncset.done @!p1 $0x0;
	(pc) =	sbr.rel @!p2 .LBB2_12-.Ltmp7, $4  }
0x148: {  	[sflag:s17] =	ssyncadd.s32 @!p1 $0xFFFFF000  }
0x149: {  	_ =	swait.ge @!p1 [sflag:s17], $0x1000  }
0x14a: {  	[sflag:s17] =	ssyncset.done @!p1 $0x0  }
0x14b: {  	[sflag:s17] =	ssyncadd.s32 @!p1 $0xFFFFF000  }
0x14c: {  	s7 =	simm.s32 @!p1 $0x2;
	s19 =	simm.s32 @p1 $0x1  }
0x14d: {  	s7 =	simm.s32 @p1 $0x1;
	s17 =	sshll.u32 s19, $0xF  }
0x14e: {  	s19 =	sadd.s32 $0x1, s19;
	s22 =	sor.u32 $0x3800, s17;
	s26 =	sshll.u32 s7, $0xA  }
0x14f: {  	[tilespmem:s22], [sflag:s19] =	stream.indirect.gather [hbm4b:s4+s25], $0x20, s26, s25, $0xb8;
	[tilespmem:$0x19200] =	vst v63  }
0x150: {  	s29 =	sor.u32 $0x4800, s17;
	s28 =	sor.u32 $0x80, s26  }
0x151: {  	[tilespmem:s29], [sflag:s19] =	stream.indirect.gather [hbm4b:s4+s25], $0x20, s28, s25, $0xb8;
	[tilespmem:$0x19200] =	vst v63  }
0x152: {  	s22 =	sor.u32 $0x5800, s17;
	s29 =	sor.u32 $0x100, s26  }
0x153: {  	[tilespmem:s22], [sflag:s19] =	stream.indirect.gather [hbm4b:s4+s25], $0x20, s29, s25, $0xb8;
	[tilespmem:$0x19200] =	vst v63  }
0x154: {  	s22 =	sor.u32 $0x6800, s17;
	s29 =	sor.u32 $0x180, s26  }
0x155: {  	[tilespmem:s22], [sflag:s19] =	stream.indirect.gather [hbm4b:s4+s25], $0x20, s29, s25, $0xb8;
	[tilespmem:$0x19200] =	vst v63  }
0x156: {  	s22 =	sor.u32 $0x7800, s17;
	s29 =	sor.u32 $0x200, s26  }
0x157: {  	[tilespmem:s22], [sflag:s19] =	stream.indirect.gather [hbm4b:s4+s25], $0x20, s29, s25, $0xb8;
	[tilespmem:$0x19200] =	vst v63  }
0x158: {  	s22 =	sadd.s32 $0x8800, s17;
	s29 =	sor.u32 $0x280, s26  }
0x159: {  	[tilespmem:s22], [sflag:s19] =	stream.indirect.gather [hbm4b:s4+s25], $0x20, s29, s25, $0xb8;
	[tilespmem:$0x19200] =	vst v63  }
.Ltmp8:
0x15a: {  	_ = 	snop;
	(pc) =	sbr.rel .LBB2_11-.Ltmp8, $4  }
0x15b: {  	s22 =	sadd.s32 $0x9800, s17;
	s29 =	sor.u32 $0x300, s26  }
0x15c: {  	[tilespmem:s22], [sflag:s19] =	stream.indirect.gather [hbm4b:s4+s25], $0x20, s29, s25, $0xb8;
	[tilespmem:$0x19200] =	vst v63  }
0x15d: {  	s17 =	sadd.s32 $0xA800, s17;
	s29 =	sor.u32 $0x380, s26  }
0x15e: {  	[tilespmem:s17], [sflag:s19] =	stream.indirect.gather [hbm4b:s4+s25], $0x20, s29, s25, $0xb8;
	[tilespmem:$0x19200] =	vst v63  }
.LBB2_6:
.Ltmp9:
0x15f: {  	(pc) =	sbr.rel .LBB2_13-.Ltmp9, $2  }
0x160: {  	_ =	sdelay $0x2  }
0x161: {  	s17 =	smov.u32 s11;
	s7 =	smov.u32 s20;
	s30 =	simm.s32 $0x1C00  }
.LBB2_14:
0x162: {  	_ =	sfence.sel $0x180000  }
0x163: {  	[bflag:$0x0] =	sbarrier.arrive $0xFFFF  }
0x164: {  	_ =	strace $0x90000047  }
0x165: {  	[bflag:$0x2] =	sbarrier.arrive $0xFFFF  }
0x166: {  	p0 =	sne.s32 s2, $0x0;
	s0 =	rddreg [dreg:$0x3]  }
0x167: {  	s0 =	sadd.s32 @!p0 $0x100000, s0  }
0x168: {  	[sflag:s0] =	ssyncadd.tile.s32 @!p0 $0x1;
	_ =	shalt  }
.Lfunc_end2:
_tile_overlayer_lowered:
.L_overlay_start_2:
0x169: {  	(tag) =	ssettag $0x2  }
0x16a: {  	s0 =	rddreg [dreg:$0x0];
	s2 =	stileid.u32  }
0x16b: {  	s1 =	rddreg [dreg:$0x1];
	p0 =	sne.s32 s2, $0x0  }
0x16c: {  	s3 =	rddreg [dreg:$0x2];
	[bflag:$0x3] =	sbarrier.arrive $0xFFFF;
	s2 =	simm.s32 @!p0 $0x1C08  }
0x16d: {  	[timem:s3], [sflag:s2] =	dma.local @!p0 [hbm:s0], s1  }
0x16e: {  	s0 =	simm.s32 @!p0 $0x8  }
0x16f: {  	_ =	swait.ge @!p0 [sflag:s0], s1  }
0x170: {  	s1 =	ssub.s32 @!p0 $0x0, s1;
	[sflag:s0] =	ssyncset.done @!p0 $0x0  }
0x171: {  	[sflag:s0] =	ssyncadd.s32 @!p0 s1  }
0x172: {  	[bflag:$0x3] =	sbarrier.arrive $0xFFFF  }
0x173: {  	_ =	shalt  }

</sc_bundles>
